<compile_context>
chip_gen: v7x
topology: tpu7x:2x2x1
jax: 0.10.2.dev20260603
libtpu: 0.0.44.dev20260713+nightly
codegen_flags: <defaults>
</compile_context>

<pallas_src>
import functools

import jax
import jax.numpy as jnp
from jax import lax
from jax.experimental import pallas as pl
from jax.experimental.pallas import tpu as pltpu
from jax.experimental.pallas import tpu_sc as plsc

N = 10000
E = 320000
DIN = 128
DH = 64
NC = 2
NS = 16
NW = NC * NS
ROWS128 = 128
K = 80
EP = NW * K * ROWS128
PAD = EP - E
NACC = 10112
ZR = NACC // NS
OUTR = NACC // NS
NOUT = NACC
NBUF = 10
NJUNK = NACC - N
RB = 2000
GRID = N // RB
DEGW = 8


def _mesh():
    return plsc.VectorSubcoreMesh(
        core_axis_name="c", subcore_axis_name="s", num_cores=NC, num_subcores=NS
    )


def _sc_degree(dst2d, ones16, zeros16):

    @functools.partial(
        pl.kernel,
        out_type=jax.ShapeDtypeStruct((NC, NOUT, DEGW), jnp.float32),
        mesh=_mesh(),
        scratch_types=[
            pltpu.VMEM((K, ROWS128), jnp.int32),
            pltpu.VMEM((ROWS128, DEGW), jnp.float32),
            pltpu.VMEM_SHARED((NACC, DEGW), jnp.float32),
        ],
        compiler_params=pltpu.CompilerParams(use_tc_tiling_on_sc=False),
    )
    def k(dst_hbm, ones_hbm, z_hbm, out_hbm, dst_v, ones_v, acc):
        c = lax.axis_index("c")
        s = lax.axis_index("s")
        wid = c * NS + s
        pltpu.sync_copy(z_hbm, acc.at[pl.ds(s * ZR, ZR)])
        pltpu.sync_copy(dst_hbm.at[pl.ds(wid * K, K)], dst_v)
        pltpu.sync_copy(ones_hbm, ones_v)
        plsc.subcore_barrier()

        def body(j, carry):
            pltpu.sync_copy(ones_v, acc.at[dst_v.at[j]], add=True)
            return carry

        lax.fori_loop(0, K, body, 0)
        plsc.subcore_barrier()
        pltpu.sync_copy(
            acc.at[pl.ds(s * OUTR, OUTR)], out_hbm.at[c, pl.ds(s * OUTR, OUTR), :]
        )

    return k(dst2d, ones16, zeros16)


def _sc_aggregate(g, src2d, dst2d, zeros64):

    @functools.partial(
        pl.kernel,
        out_type=jax.ShapeDtypeStruct((NC, NOUT, DH), jnp.float32),
        mesh=_mesh(),
        scratch_types=[
            pltpu.VMEM((2, NBUF, ROWS128), jnp.int32),
            pltpu.VMEM((2, NBUF, ROWS128), jnp.int32),
            pltpu.VMEM((NBUF, ROWS128, DH), jnp.float32),
            pltpu.VMEM_SHARED((NACC, DH), jnp.float32),
            pltpu.SemaphoreType.DMA((NBUF,)),
            pltpu.SemaphoreType.DMA((NBUF,)),
            pltpu.SemaphoreType.DMA((2,)),
        ],
        compiler_params=pltpu.CompilerParams(use_tc_tiling_on_sc=False),
    )
    def k(g_hbm, src_hbm, dst_hbm, z_hbm, out_hbm, src_v, dst_v,
          rows_v, acc, gsem, ssem, isem):
        c = lax.axis_index("c")
        s = lax.axis_index("s")
        pltpu.sync_copy(z_hbm, acc.at[pl.ds(s * ZR, ZR)])
        plsc.subcore_barrier()

        def gather_start(bank, b):
            pltpu.async_copy(
                g_hbm.at[src_v.at[bank, b]], rows_v.at[b], gsem.at[b]
            )

        def gather_wait(bank, b):
            pltpu.make_async_copy(
                g_hbm.at[src_v.at[bank, b]], rows_v.at[b], gsem.at[b]
            ).wait()

        def scatter_start(bank, b):
            pltpu.async_copy(
                rows_v.at[b], acc.at[dst_v.at[bank, b]], ssem.at[b], add=True
            )

        def scatter_wait(bank, b):
            pltpu.make_async_copy(
                rows_v.at[b], acc.at[dst_v.at[bank, b]], ssem.at[b]
            ).wait()

        def idx_fetch_start(row0, bank):
            pltpu.async_copy(
                src_hbm.at[pl.ds(row0, NBUF)], src_v.at[bank], isem.at[0]
            )
            pltpu.async_copy(
                dst_hbm.at[pl.ds(row0, NBUF)], dst_v.at[bank], isem.at[1]
            )

        def idx_fetch_wait(row0, bank):
            pltpu.make_async_copy(
                src_hbm.at[pl.ds(row0, NBUF)], src_v.at[bank], isem.at[0]
            ).wait()
            pltpu.make_async_copy(
                dst_hbm.at[pl.ds(row0, NBUF)], dst_v.at[bank], isem.at[1]
            ).wait()

        def run(kc, base):
            nsc = kc // NBUF
            idx_fetch_start(base, 0)
            idx_fetch_wait(base, 0)
            for b in range(NBUF):
                gather_start(0, b)

            def body(sc_i, carry):
                row_next = base + (sc_i + 1) * NBUF
                bank = lax.rem(sc_i, 2)
                nbank = lax.rem(sc_i + 1, 2)
                more = sc_i + 1 < nsc

                @pl.when(more)
                def _():
                    idx_fetch_start(row_next, nbank)

                for b in range(NBUF):
                    gather_wait(bank, b)
                    scatter_start(bank, b)

                @pl.when(more)
                def _():
                    idx_fetch_wait(row_next, nbank)

                for b in range(NBUF):
                    scatter_wait(bank, b)

                    @pl.when(more)
                    def _():
                        gather_start(nbank, b)

                return carry

            lax.fori_loop(0, nsc, body, 0)

        run(K, (c * NS + s) * K)

        plsc.subcore_barrier()
        pltpu.sync_copy(
            acc.at[pl.ds(s * OUTR, OUTR)], out_hbm.at[c, pl.ds(s * OUTR, OUTR), :]
        )

    return k(g, src2d, dst2d, zeros64)


def _dinv_block(degp_ref):
    deg = 1.0 + degp_ref[0, :, 0:1] + degp_ref[1, :, 0:1]
    return lax.rsqrt(deg)


def _tc_matmul1(x, W1):

    def body(x_ref, w_ref, h_ref):
        h_ref[...] = jnp.dot(
            x_ref[...], w_ref[...], preferred_element_type=jnp.float32
        )

    return pl.pallas_call(
        body,
        grid=(GRID,),
        in_specs=[
            pl.BlockSpec((RB, DIN), lambda i: (i, 0)),
            pl.BlockSpec((DIN, DH), lambda i: (0, 0)),
        ],
        out_specs=pl.BlockSpec((RB, DH), lambda i: (i, 0)),
        out_shape=jax.ShapeDtypeStruct((N, DH), jnp.float32),
    )(x, W1)


def _tc_stage1(h1pre, degp):

    def body(h_ref, degp_ref, g_ref):
        g_ref[...] = _dinv_block(degp_ref) * h_ref[...]

    return pl.pallas_call(
        body,
        grid=(GRID,),
        in_specs=[
            pl.BlockSpec((RB, DH), lambda i: (i, 0)),
            pl.BlockSpec((NC, RB, DEGW), lambda i: (0, i, 0)),
        ],
        out_specs=pl.BlockSpec((RB, DH), lambda i: (i, 0)),
        out_shape=jax.ShapeDtypeStruct((N, DH), jnp.float32),
    )(h1pre, degp)


def _tc_stage2(aggp, h1pre, degp, b1, W2):

    def body(aggp_ref, hpre_ref, degp_ref, b_ref, w_ref, h_ref, g_ref):
        dinv = _dinv_block(degp_ref)
        agg = aggp_ref[0] + aggp_ref[1]
        h1 = jnp.maximum(
            dinv * agg + (dinv * dinv) * hpre_ref[...] + b_ref[...], 0.0
        )
        h2 = jnp.dot(h1, w_ref[...], preferred_element_type=jnp.float32)
        h_ref[...] = h2
        g_ref[...] = dinv * h2

    return pl.pallas_call(
        body,
        grid=(GRID,),
        in_specs=[
            pl.BlockSpec((NC, RB, DH), lambda i: (0, i, 0)),
            pl.BlockSpec((RB, DH), lambda i: (i, 0)),
            pl.BlockSpec((NC, RB, DEGW), lambda i: (0, i, 0)),
            pl.BlockSpec((1, DH), lambda i: (0, 0)),
            pl.BlockSpec((DH, DH), lambda i: (0, 0)),
        ],
        out_specs=[
            pl.BlockSpec((RB, DH), lambda i: (i, 0)),
            pl.BlockSpec((RB, DH), lambda i: (i, 0)),
        ],
        out_shape=[
            jax.ShapeDtypeStruct((N, DH), jnp.float32),
            jax.ShapeDtypeStruct((N, DH), jnp.float32),
        ],
    )(aggp, h1pre, degp, b1, W2)


def _tc_stage3(aggp, h2pre, degp, b2, Wout, bout):

    def body(aggp_ref, hpre_ref, degp_ref, b_ref, w_ref, bo_ref, o_ref):
        dinv = _dinv_block(degp_ref)
        agg = aggp_ref[0] + aggp_ref[1]
        h2 = jnp.maximum(
            dinv * agg + (dinv * dinv) * hpre_ref[...] + b_ref[...], 0.0
        )
        o_ref[...] = (
            jnp.dot(h2, w_ref[...], preferred_element_type=jnp.float32)
            + bo_ref[...]
        )

    return pl.pallas_call(
        body,
        grid=(GRID,),
        in_specs=[
            pl.BlockSpec((NC, RB, DH), lambda i: (0, i, 0)),
            pl.BlockSpec((RB, DH), lambda i: (i, 0)),
            pl.BlockSpec((NC, RB, DEGW), lambda i: (0, i, 0)),
            pl.BlockSpec((1, DH), lambda i: (0, 0)),
            pl.BlockSpec((DH, 1), lambda i: (0, 0)),
            pl.BlockSpec((1, 1), lambda i: (0, 0)),
        ],
        out_specs=pl.BlockSpec((RB, 1), lambda i: (i, 0)),
        out_shape=jax.ShapeDtypeStruct((N, 1), jnp.float32),
    )(aggp, h2pre, degp, b2, Wout, bout)


def kernel(x, edge_index, edge_attr, W1, b1, W2, b2, Wout, bout):
    del edge_attr
    src = edge_index[0]
    dst = edge_index[1]
    pad_iota = jnp.arange(PAD, dtype=jnp.int32)
    src_p = jnp.concatenate([src, pad_iota % N])
    dst_p = jnp.concatenate([dst, N + pad_iota % NJUNK])
    src2d = src_p.reshape(NW * K, ROWS128)
    dst2d = dst_p.reshape(NW * K, ROWS128)
    ones16 = jnp.ones((ROWS128, DEGW), jnp.float32)
    zeros16 = jnp.zeros((ZR, DEGW), jnp.float32)
    zeros64 = jnp.zeros((ZR, DH), jnp.float32)

    h1pre = _tc_matmul1(x, W1)
    degp = _sc_degree(dst2d, ones16, zeros16)
    g1 = _tc_stage1(h1pre, degp)
    agg1 = _sc_aggregate(g1, src2d, dst2d, zeros64)
    h2pre, g2 = _tc_stage2(agg1, h1pre, degp, b1.reshape(1, DH), W2)
    agg2 = _sc_aggregate(g2, src2d, dst2d, zeros64)
    out = _tc_stage3(
        agg2, h2pre, degp, b2.reshape(1, DH), Wout, bout.reshape(1, 1)
    )
    return out

# --- scband reference (transcript-rebuilt; emitter-appended) ---
"""Pipeline reference for scband-supply-chain-gnn-7301444403417 (READ-ONLY COPY).

The authoritative reference and input builder live on the scoring server;
editing this copy changes nothing except your own understanding.
"""

import jax, jax.numpy as jnp
import numpy as np

N = 10000
E = 320000
D_IN = 128
D_HID = 64
D_OUT = 1


def setup_inputs(seed: int = 0) -> dict:
    key = jax.random.key(seed)
    ks = jax.random.split(key, 10)
    x = jax.random.normal(ks[0], (N, D_IN), dtype=jnp.float32)
    edge_index = jax.random.randint(ks[1], (2, E), 0, N, dtype=jnp.int32)
    edge_attr = jax.random.normal(ks[2], (E, 4), dtype=jnp.float32)
    W1 = jax.random.normal(ks[3], (D_IN, D_HID), dtype=jnp.float32) * (1.0 / np.sqrt(D_IN))
    b1 = jnp.zeros((D_HID,), dtype=jnp.float32)
    W2 = jax.random.normal(ks[4], (D_HID, D_HID), dtype=jnp.float32) * (1.0 / np.sqrt(D_HID))
    b2 = jnp.zeros((D_HID,), dtype=jnp.float32)
    Wout = jax.random.normal(ks[5], (D_HID, D_OUT), dtype=jnp.float32) * (1.0 / np.sqrt(D_HID))
    bout = jnp.zeros((D_OUT,), dtype=jnp.float32)
    return {"x": x, "edge_index": edge_index, "edge_attr": edge_attr,
            "W1": W1, "b1": b1, "W2": W2, "b2": b2, "Wout": Wout, "bout": bout}


def _gcn_norm(edge_index, n_nodes):
    # add self loops + symmetric normalization (PyG GCNConv default)
    loops = jnp.arange(n_nodes, dtype=edge_index.dtype)
    src = jnp.concatenate([edge_index[0], loops])
    dst = jnp.concatenate([edge_index[1], loops])
    deg = jnp.zeros((n_nodes,), dtype=jnp.float32).at[dst].add(1.0)
    dinv = jnp.where(deg > 0, deg ** -0.5, 0.0)
    norm = dinv[src] * dinv[dst]
    return src, dst, norm


def _gcn_layer(x, src, dst, norm, W, b, n_nodes):
    h = x @ W
    msg = h[src] * norm[:, None]
    out = jax.ops.segment_sum(msg, dst, num_segments=n_nodes)
    return out + b


def reference(x, edge_index, edge_attr, W1, b1, W2, b2, Wout, bout):
    n_nodes = x.shape[0]
    src, dst, norm = _gcn_norm(edge_index, n_nodes)
    # edge_attr is unpacked from the Data object but unused by GCNConv layers
    h = jax.nn.relu(_gcn_layer(x, src, dst, norm, W1, b1, n_nodes))
    h = jax.nn.relu(_gcn_layer(h, src, dst, norm, W2, b2, n_nodes))
    out = h @ Wout + bout
    return out

if __name__ == "__main__":
    import jax
    _d = setup_inputs()
    print(jax.jit(kernel)(*tuple(_d.values())))

</pallas_src>

<mosaic_0001>
#map = affine_map<(d0, d1) -> (0, 0)>
#map1 = affine_map<(d0, d1) -> (0, 0, 0)>
module attributes {stable_mosaic.version = 14 : i64} {
  func.func @k(%arg0: i32, %arg1: i32, %arg2: memref<2560x128xi32, #tpu.memory_space<hbm>>, %arg3: memref<128x8xf32, #tpu.memory_space<hbm>>, %arg4: memref<632x8xf32, #tpu.memory_space<hbm>>, %arg5: memref<2x10112x8xf32, #tpu.memory_space<hbm>>, %arg6: memref<80x128xi32, #tpu.memory_space<vmem>>, %arg7: memref<128x8xf32, #tpu.memory_space<vmem>>, %arg8: memref<10112x8xf32, #tpu.memory_space<vmem_shared>>) attributes {dimension_semantics = [#tpu.dimension_semantics<core_parallel>, #tpu.dimension_semantics<subcore_parallel>], iteration_bounds = array<i64: 2, 16>, scalar_prefetch = 0 : i64, scratch_operands = 3 : i64, tpu.core_type = #tpu.core_type<sc_vector_subcore>, window_params = [{transform_indices = #map}, {transform_indices = #map}, {transform_indices = #map}, {transform_indices = #map1}]} {
    %mul3A = arith.constant 16 : i32
    %mul3A_0 = arith.muli %arg0, %mul3A : i32
    %add3A = arith.addi %mul3A_0, %arg1 : i32
    %mul3A_1 = arith.constant 632 : i32
    %mul3A_2 = arith.muli %arg1, %mul3A_1 : i32
    "tpu.region"() ({
      %run_scoped3A = tpu.sem_alloc : memref<!tpu.dma_semaphore, #tpu.memory_space<semaphore_mem>>
      %dma_start3A = arith.constant 0 : i32
      %dma_start3A_15 = tpu.memref_slice %arg8[%mul3A_2, %dma_start3A] : memref<10112x8xf32, #tpu.memory_space<vmem_shared>> -> memref<632x8xf32, #tpu.memory_space<vmem_shared>>
      tpu.enqueue_dma source(%arg4 : memref<632x8xf32, #tpu.memory_space<hbm>>) target(%dma_start3A_15 : memref<632x8xf32, #tpu.memory_space<vmem_shared>>) target_semaphore(%run_scoped3A : memref<!tpu.dma_semaphore, #tpu.memory_space<semaphore_mem>>)
      %dma_wait3A = arith.constant 0 : i32
      %dma_wait3A_16 = tpu.memref_slice %arg8[%mul3A_2, %dma_wait3A] : memref<10112x8xf32, #tpu.memory_space<vmem_shared>> -> memref<632x8xf32, #tpu.memory_space<vmem_shared>>
      tpu.wait_dma2 semaphore(%run_scoped3A : memref<!tpu.dma_semaphore, #tpu.memory_space<semaphore_mem>>) src(%arg4 : memref<632x8xf32, #tpu.memory_space<hbm>>) dst(%dma_wait3A_16 : memref<632x8xf32, #tpu.memory_space<vmem_shared>>)
      tpu.yield
    }) : () -> ()
    %mul3A_3 = arith.constant 80 : i32
    %mul3A_4 = arith.muli %add3A, %mul3A_3 : i32
    "tpu.region"() ({
      %run_scoped3A = tpu.sem_alloc : memref<!tpu.dma_semaphore, #tpu.memory_space<semaphore_mem>>
      %dma_start3A = arith.constant 0 : i32
      %dma_start3A_15 = tpu.memref_slice %arg2[%mul3A_4, %dma_start3A] : memref<2560x128xi32, #tpu.memory_space<hbm>> -> memref<80x128xi32, #tpu.memory_space<hbm>>
      %dma_start3A_16 = arith.constant 0 : i32
      %dma_start3A_17 = tpu.memref_slice %arg2[%mul3A_4, %dma_start3A_16] : memref<2560x128xi32, #tpu.memory_space<hbm>> -> memref<80x128xi32, #tpu.memory_space<hbm>>
      tpu.enqueue_dma source(%dma_start3A_17 : memref<80x128xi32, #tpu.memory_space<hbm>>) target(%arg6 : memref<80x128xi32, #tpu.memory_space<vmem>>) target_semaphore(%run_scoped3A : memref<!tpu.dma_semaphore, #tpu.memory_space<semaphore_mem>>)
      %dma_wait3A = arith.constant 0 : i32
      %dma_wait3A_18 = tpu.memref_slice %arg2[%mul3A_4, %dma_wait3A] : memref<2560x128xi32, #tpu.memory_space<hbm>> -> memref<80x128xi32, #tpu.memory_space<hbm>>
      %dma_wait3A_19 = arith.constant 0 : i32
      %dma_wait3A_20 = tpu.memref_slice %arg2[%mul3A_4, %dma_wait3A_19] : memref<2560x128xi32, #tpu.memory_space<hbm>> -> memref<80x128xi32, #tpu.memory_space<hbm>>
      tpu.wait_dma2 semaphore(%run_scoped3A : memref<!tpu.dma_semaphore, #tpu.memory_space<semaphore_mem>>) src(%dma_wait3A_20 : memref<80x128xi32, #tpu.memory_space<hbm>>) dst(%arg6 : memref<80x128xi32, #tpu.memory_space<vmem>>)
      tpu.yield
    }) : () -> ()
    "tpu.region"() ({
      %run_scoped3A = tpu.sem_alloc : memref<!tpu.dma_semaphore, #tpu.memory_space<semaphore_mem>>
      tpu.enqueue_dma source(%arg3 : memref<128x8xf32, #tpu.memory_space<hbm>>) target(%arg7 : memref<128x8xf32, #tpu.memory_space<vmem>>) target_semaphore(%run_scoped3A : memref<!tpu.dma_semaphore, #tpu.memory_space<semaphore_mem>>)
      tpu.wait_dma2 semaphore(%run_scoped3A : memref<!tpu.dma_semaphore, #tpu.memory_space<semaphore_mem>>) src(%arg3 : memref<128x8xf32, #tpu.memory_space<hbm>>) dst(%arg7 : memref<128x8xf32, #tpu.memory_space<vmem>>)
      tpu.yield
    }) : () -> ()
    %barrier3A = arith.constant 0 : index
    tpu.barrier barrier_id(%barrier3A)
    %scan3A = arith.constant 0 : i32
    %scan3A_5 = arith.constant 0 : i32
    %scan3A_6 = arith.constant 80 : i32
    %scan3A_7 = arith.addi %scan3A_5, %scan3A_6 : i32
    %scan3A_8 = arith.constant 1 : i32
    scf.for %scan3A_15 = %scan3A_5 to %scan3A_7 step %scan3A_8  : i32 {
      "tpu.region"() ({
        %run_scoped3A = tpu.sem_alloc : memref<!tpu.dma_semaphore, #tpu.memory_space<semaphore_mem>>
        %dma_start3A = arith.constant 0 : i32
        %dma_start3A_16 = tpu.memref_slice %arg6[%scan3A_15, %dma_start3A] : memref<80x128xi32, #tpu.memory_space<vmem>> -> memref<1x128xi32, #tpu.memory_space<vmem>>
        %dma_start3A_17 = tpu.memref_squeeze %dma_start3A_16 : memref<1x128xi32, #tpu.memory_space<vmem>> -> memref<128xi32, #tpu.memory_space<vmem>>
        %dma_start3A_18 = arith.constant 0 : i32
        %dma_start3A_19 = arith.constant 0 : i32
        %dma_start3A_20 = tpu.memref_slice %arg8[%dma_start3A_18, %dma_start3A_19] : memref<10112x8xf32, #tpu.memory_space<vmem_shared>> -> memref<10112x8xf32, #tpu.memory_space<vmem_shared>>
        tpu.enqueue_indirect_dma source(%arg7 : memref<128x8xf32, #tpu.memory_space<vmem>>) target(%dma_start3A_20 : memref<10112x8xf32, #tpu.memory_space<vmem_shared>>) offsets(%dma_start3A_17 : memref<128xi32, #tpu.memory_space<vmem>>) semaphore(%run_scoped3A : memref<!tpu.dma_semaphore, #tpu.memory_space<semaphore_mem>>) {add = true}
        %dma_wait3A = arith.constant 0 : i32
        %dma_wait3A_21 = tpu.memref_slice %arg6[%scan3A_15, %dma_wait3A] : memref<80x128xi32, #tpu.memory_space<vmem>> -> memref<1x128xi32, #tpu.memory_space<vmem>>
        %dma_wait3A_22 = tpu.memref_squeeze %dma_wait3A_21 : memref<1x128xi32, #tpu.memory_space<vmem>> -> memref<128xi32, #tpu.memory_space<vmem>>
        %dma_wait3A_23 = arith.constant 0 : i32
        %dma_wait3A_24 = arith.constant 0 : i32
        %dma_wait3A_25 = tpu.memref_slice %arg8[%dma_wait3A_23, %dma_wait3A_24] : memref<10112x8xf32, #tpu.memory_space<vmem_shared>> -> memref<10112x8xf32, #tpu.memory_space<vmem_shared>>
        tpu.wait_indirect_dma semaphore(%run_scoped3A : memref<!tpu.dma_semaphore, #tpu.memory_space<semaphore_mem>>) src(%arg7 : memref<128x8xf32, #tpu.memory_space<vmem>>) dst(%dma_wait3A_25 : memref<10112x8xf32, #tpu.memory_space<vmem_shared>>)
        tpu.yield
      }) : () -> ()
    }
    %scan3A_9 = arith.constant 80 : i32
    %barrier3A_10 = arith.constant 0 : index
    tpu.barrier barrier_id(%barrier3A_10)
    %mul3A_11 = arith.constant 632 : i32
    %mul3A_12 = arith.muli %arg1, %mul3A_11 : i32
    %mul3A_13 = arith.constant 632 : i32
    %mul3A_14 = arith.muli %arg1, %mul3A_13 : i32
    "tpu.region"() ({
      %run_scoped3A = tpu.sem_alloc : memref<!tpu.dma_semaphore, #tpu.memory_space<semaphore_mem>>
      %dma_start3A = arith.constant 0 : i32
      %dma_start3A_15 = tpu.memref_slice %arg5[%arg0, %mul3A_14, %dma_start3A] : memref<2x10112x8xf32, #tpu.memory_space<hbm>> -> memref<1x632x8xf32, #tpu.memory_space<hbm>>
      %dma_start3A_16 = tpu.memref_squeeze %dma_start3A_15 : memref<1x632x8xf32, #tpu.memory_space<hbm>> -> memref<632x8xf32, #tpu.memory_space<hbm>>
      %dma_start3A_17 = arith.constant 0 : i32
      %dma_start3A_18 = tpu.memref_slice %arg8[%mul3A_12, %dma_start3A_17] : memref<10112x8xf32, #tpu.memory_space<vmem_shared>> -> memref<632x8xf32, #tpu.memory_space<vmem_shared>>
      tpu.enqueue_dma source(%dma_start3A_18 : memref<632x8xf32, #tpu.memory_space<vmem_shared>>) target(%dma_start3A_16 : memref<632x8xf32, #tpu.memory_space<hbm>>) target_semaphore(%run_scoped3A : memref<!tpu.dma_semaphore, #tpu.memory_space<semaphore_mem>>)
      %dma_wait3A = arith.constant 0 : i32
      %dma_wait3A_19 = tpu.memref_slice %arg5[%arg0, %mul3A_14, %dma_wait3A] : memref<2x10112x8xf32, #tpu.memory_space<hbm>> -> memref<1x632x8xf32, #tpu.memory_space<hbm>>
      %dma_wait3A_20 = tpu.memref_squeeze %dma_wait3A_19 : memref<1x632x8xf32, #tpu.memory_space<hbm>> -> memref<632x8xf32, #tpu.memory_space<hbm>>
      %dma_wait3A_21 = arith.constant 0 : i32
      %dma_wait3A_22 = tpu.memref_slice %arg8[%mul3A_12, %dma_wait3A_21] : memref<10112x8xf32, #tpu.memory_space<vmem_shared>> -> memref<632x8xf32, #tpu.memory_space<vmem_shared>>
      tpu.wait_dma2 semaphore(%run_scoped3A : memref<!tpu.dma_semaphore, #tpu.memory_space<semaphore_mem>>) src(%dma_wait3A_22 : memref<632x8xf32, #tpu.memory_space<vmem_shared>>) dst(%dma_wait3A_20 : memref<632x8xf32, #tpu.memory_space<hbm>>)
      tpu.yield
    }) : () -> ()
    return
  }
}

#map = affine_map<(d0, d1) -> (0, 0)>
#map1 = affine_map<(d0, d1) -> (0, 0, 0)>
module attributes {stable_mosaic.version = 14 : i64} {
  func.func @k(%arg0: i32, %arg1: i32, %arg2: memref<10000x64xf32, #tpu.memory_space<hbm>>, %arg3: memref<2560x128xi32, #tpu.memory_space<hbm>>, %arg4: memref<2560x128xi32, #tpu.memory_space<hbm>>, %arg5: memref<632x64xf32, #tpu.memory_space<hbm>>, %arg6: memref<2x10112x64xf32, #tpu.memory_space<hbm>>, %arg7: memref<2x10x128xi32, #tpu.memory_space<vmem>>, %arg8: memref<2x10x128xi32, #tpu.memory_space<vmem>>, %arg9: memref<10x128x64xf32, #tpu.memory_space<vmem>>, %arg10: memref<10112x64xf32, #tpu.memory_space<vmem_shared>>, %arg11: memref<10x!tpu.dma_semaphore, #tpu.memory_space<semaphore_mem>>, %arg12: memref<10x!tpu.dma_semaphore, #tpu.memory_space<semaphore_mem>>, %arg13: memref<2x!tpu.dma_semaphore, #tpu.memory_space<semaphore_mem>>) attributes {dimension_semantics = [#tpu.dimension_semantics<core_parallel>, #tpu.dimension_semantics<subcore_parallel>], iteration_bounds = array<i64: 2, 16>, scalar_prefetch = 0 : i64, scratch_operands = 7 : i64, tpu.core_type = #tpu.core_type<sc_vector_subcore>, window_params = [{transform_indices = #map}, {transform_indices = #map}, {transform_indices = #map}, {transform_indices = #map}, {transform_indices = #map1}]} {
    %mul3A = arith.constant 632 : i32
    %mul3A_0 = arith.muli %arg1, %mul3A : i32
    "tpu.region"() ({
      %run_scoped3A = tpu.sem_alloc : memref<!tpu.dma_semaphore, #tpu.memory_space<semaphore_mem>>
      %dma_start3A_237 = arith.constant 0 : i32
      %dma_start3A_238 = tpu.memref_slice %arg10[%mul3A_0, %dma_start3A_237] : memref<10112x64xf32, #tpu.memory_space<vmem_shared>> -> memref<632x64xf32, #tpu.memory_space<vmem_shared>>
      tpu.enqueue_dma source(%arg5 : memref<632x64xf32, #tpu.memory_space<hbm>>) target(%dma_start3A_238 : memref<632x64xf32, #tpu.memory_space<vmem_shared>>) target_semaphore(%run_scoped3A : memref<!tpu.dma_semaphore, #tpu.memory_space<semaphore_mem>>)
      %dma_wait3A_239 = arith.constant 0 : i32
      %dma_wait3A_240 = tpu.memref_slice %arg10[%mul3A_0, %dma_wait3A_239] : memref<10112x64xf32, #tpu.memory_space<vmem_shared>> -> memref<632x64xf32, #tpu.memory_space<vmem_shared>>
      tpu.wait_dma2 semaphore(%run_scoped3A : memref<!tpu.dma_semaphore, #tpu.memory_space<semaphore_mem>>) src(%arg5 : memref<632x64xf32, #tpu.memory_space<hbm>>) dst(%dma_wait3A_240 : memref<632x64xf32, #tpu.memory_space<vmem_shared>>)
      tpu.yield
    }) : () -> ()
    %barrier3A = arith.constant 0 : index
    tpu.barrier barrier_id(%barrier3A)
    %mul3A_1 = arith.constant 16 : i32
    %mul3A_2 = arith.muli %arg0, %mul3A_1 : i32
    %add3A = arith.addi %mul3A_2, %arg1 : i32
    %mul3A_3 = arith.constant 80 : i32
    %mul3A_4 = arith.muli %add3A, %mul3A_3 : i32
    %dma_start3A = arith.constant 0 : i32
    %dma_start3A_5 = arith.constant 0 : i32
    %dma_start3A_6 = arith.constant 0 : i32
    %dma_start3A_7 = arith.constant 0 : i32
    %dma_start3A_8 = tpu.memref_slice %arg7[%dma_start3A, %dma_start3A_6, %dma_start3A_7] : memref<2x10x128xi32, #tpu.memory_space<vmem>> -> memref<1x10x128xi32, #tpu.memory_space<vmem>>
    %dma_start3A_9 = tpu.memref_squeeze %dma_start3A_8 : memref<1x10x128xi32, #tpu.memory_space<vmem>> -> memref<10x128xi32, #tpu.memory_space<vmem>>
    %dma_start3A_10 = arith.constant 0 : i32
    %dma_start3A_11 = tpu.memref_slice %arg3[%mul3A_4, %dma_start3A_10] : memref<2560x128xi32, #tpu.memory_space<hbm>> -> memref<10x128xi32, #tpu.memory_space<hbm>>
    %dma_start3A_12 = tpu.memref_slice %arg13[%dma_start3A_5] : memref<2x!tpu.dma_semaphore, #tpu.memory_space<semaphore_mem>> -> memref<1x!tpu.dma_semaphore, #tpu.memory_space<semaphore_mem>>
    %dma_start3A_13 = tpu.memref_squeeze %dma_start3A_12 : memref<1x!tpu.dma_semaphore, #tpu.memory_space<semaphore_mem>> -> memref<!tpu.dma_semaphore, #tpu.memory_space<semaphore_mem>>
    %dma_start3A_14 = arith.constant 0 : i32
    %dma_start3A_15 = arith.constant 0 : i32
    %dma_start3A_16 = tpu.memref_slice %arg7[%dma_start3A, %dma_start3A_14, %dma_start3A_15] : memref<2x10x128xi32, #tpu.memory_space<vmem>> -> memref<1x10x128xi32, #tpu.memory_space<vmem>>
    %dma_start3A_17 = tpu.memref_squeeze %dma_start3A_16 : memref<1x10x128xi32, #tpu.memory_space<vmem>> -> memref<10x128xi32, #tpu.memory_space<vmem>>
    %dma_start3A_18 = arith.constant 0 : i32
    %dma_start3A_19 = tpu.memref_slice %arg3[%mul3A_4, %dma_start3A_18] : memref<2560x128xi32, #tpu.memory_space<hbm>> -> memref<10x128xi32, #tpu.memory_space<hbm>>
    tpu.enqueue_dma source(%dma_start3A_19 : memref<10x128xi32, #tpu.memory_space<hbm>>) target(%dma_start3A_17 : memref<10x128xi32, #tpu.memory_space<vmem>>) target_semaphore(%dma_start3A_13 : memref<!tpu.dma_semaphore, #tpu.memory_space<semaphore_mem>>)
    %dma_start3A_20 = arith.constant 0 : i32
    %dma_start3A_21 = arith.constant 1 : i32
    %dma_start3A_22 = arith.constant 0 : i32
    %dma_start3A_23 = arith.constant 0 : i32
    %dma_start3A_24 = tpu.memref_slice %arg8[%dma_start3A_20, %dma_start3A_22, %dma_start3A_23] : memref<2x10x128xi32, #tpu.memory_space<vmem>> -> memref<1x10x128xi32, #tpu.memory_space<vmem>>
    %dma_start3A_25 = tpu.memref_squeeze %dma_start3A_24 : memref<1x10x128xi32, #tpu.memory_space<vmem>> -> memref<10x128xi32, #tpu.memory_space<vmem>>
    %dma_start3A_26 = arith.constant 0 : i32
    %dma_start3A_27 = tpu.memref_slice %arg4[%mul3A_4, %dma_start3A_26] : memref<2560x128xi32, #tpu.memory_space<hbm>> -> memref<10x128xi32, #tpu.memory_space<hbm>>
    %dma_start3A_28 = tpu.memref_slice %arg13[%dma_start3A_21] : memref<2x!tpu.dma_semaphore, #tpu.memory_space<semaphore_mem>> -> memref<1x!tpu.dma_semaphore, #tpu.memory_space<semaphore_mem>>
    %dma_start3A_29 = tpu.memref_squeeze %dma_start3A_28 : memref<1x!tpu.dma_semaphore, #tpu.memory_space<semaphore_mem>> -> memref<!tpu.dma_semaphore, #tpu.memory_space<semaphore_mem>>
    %dma_start3A_30 = arith.constant 0 : i32
    %dma_start3A_31 = arith.constant 0 : i32
    %dma_start3A_32 = tpu.memref_slice %arg8[%dma_start3A_20, %dma_start3A_30, %dma_start3A_31] : memref<2x10x128xi32, #tpu.memory_space<vmem>> -> memref<1x10x128xi32, #tpu.memory_space<vmem>>
    %dma_start3A_33 = tpu.memref_squeeze %dma_start3A_32 : memref<1x10x128xi32, #tpu.memory_space<vmem>> -> memref<10x128xi32, #tpu.memory_space<vmem>>
    %dma_start3A_34 = arith.constant 0 : i32
    %dma_start3A_35 = tpu.memref_slice %arg4[%mul3A_4, %dma_start3A_34] : memref<2560x128xi32, #tpu.memory_space<hbm>> -> memref<10x128xi32, #tpu.memory_space<hbm>>
    tpu.enqueue_dma source(%dma_start3A_35 : memref<10x128xi32, #tpu.memory_space<hbm>>) target(%dma_start3A_33 : memref<10x128xi32, #tpu.memory_space<vmem>>) target_semaphore(%dma_start3A_29 : memref<!tpu.dma_semaphore, #tpu.memory_space<semaphore_mem>>)
    %dma_wait3A = arith.constant 0 : i32
    %dma_wait3A_36 = arith.constant 0 : i32
    %dma_wait3A_37 = arith.constant 0 : i32
    %dma_wait3A_38 = arith.constant 0 : i32
    %dma_wait3A_39 = tpu.memref_slice %arg7[%dma_wait3A, %dma_wait3A_37, %dma_wait3A_38] : memref<2x10x128xi32, #tpu.memory_space<vmem>> -> memref<1x10x128xi32, #tpu.memory_space<vmem>>
    %dma_wait3A_40 = tpu.memref_squeeze %dma_wait3A_39 : memref<1x10x128xi32, #tpu.memory_space<vmem>> -> memref<10x128xi32, #tpu.memory_space<vmem>>
    %dma_wait3A_41 = arith.constant 0 : i32
    %dma_wait3A_42 = tpu.memref_slice %arg3[%mul3A_4, %dma_wait3A_41] : memref<2560x128xi32, #tpu.memory_space<hbm>> -> memref<10x128xi32, #tpu.memory_space<hbm>>
    %dma_wait3A_43 = tpu.memref_slice %arg13[%dma_wait3A_36] : memref<2x!tpu.dma_semaphore, #tpu.memory_space<semaphore_mem>> -> memref<1x!tpu.dma_semaphore, #tpu.memory_space<semaphore_mem>>
    %dma_wait3A_44 = tpu.memref_squeeze %dma_wait3A_43 : memref<1x!tpu.dma_semaphore, #tpu.memory_space<semaphore_mem>> -> memref<!tpu.dma_semaphore, #tpu.memory_space<semaphore_mem>>
    %dma_wait3A_45 = arith.constant 0 : i32
    %dma_wait3A_46 = arith.constant 0 : i32
    %dma_wait3A_47 = tpu.memref_slice %arg7[%dma_wait3A, %dma_wait3A_45, %dma_wait3A_46] : memref<2x10x128xi32, #tpu.memory_space<vmem>> -> memref<1x10x128xi32, #tpu.memory_space<vmem>>
    %dma_wait3A_48 = tpu.memref_squeeze %dma_wait3A_47 : memref<1x10x128xi32, #tpu.memory_space<vmem>> -> memref<10x128xi32, #tpu.memory_space<vmem>>
    %dma_wait3A_49 = arith.constant 0 : i32
    %dma_wait3A_50 = tpu.memref_slice %arg3[%mul3A_4, %dma_wait3A_49] : memref<2560x128xi32, #tpu.memory_space<hbm>> -> memref<10x128xi32, #tpu.memory_space<hbm>>
    tpu.wait_dma2 semaphore(%dma_wait3A_44 : memref<!tpu.dma_semaphore, #tpu.memory_space<semaphore_mem>>) src(%dma_wait3A_50 : memref<10x128xi32, #tpu.memory_space<hbm>>) dst(%dma_wait3A_48 : memref<10x128xi32, #tpu.memory_space<vmem>>)
    %dma_wait3A_51 = arith.constant 0 : i32
    %dma_wait3A_52 = arith.constant 1 : i32
    %dma_wait3A_53 = arith.constant 0 : i32
    %dma_wait3A_54 = arith.constant 0 : i32
    %dma_wait3A_55 = tpu.memref_slice %arg8[%dma_wait3A_51, %dma_wait3A_53, %dma_wait3A_54] : memref<2x10x128xi32, #tpu.memory_space<vmem>> -> memref<1x10x128xi32, #tpu.memory_space<vmem>>
    %dma_wait3A_56 = tpu.memref_squeeze %dma_wait3A_55 : memref<1x10x128xi32, #tpu.memory_space<vmem>> -> memref<10x128xi32, #tpu.memory_space<vmem>>
    %dma_wait3A_57 = arith.constant 0 : i32
    %dma_wait3A_58 = tpu.memref_slice %arg4[%mul3A_4, %dma_wait3A_57] : memref<2560x128xi32, #tpu.memory_space<hbm>> -> memref<10x128xi32, #tpu.memory_space<hbm>>
    %dma_wait3A_59 = tpu.memref_slice %arg13[%dma_wait3A_52] : memref<2x!tpu.dma_semaphore, #tpu.memory_space<semaphore_mem>> -> memref<1x!tpu.dma_semaphore, #tpu.memory_space<semaphore_mem>>
    %dma_wait3A_60 = tpu.memref_squeeze %dma_wait3A_59 : memref<1x!tpu.dma_semaphore, #tpu.memory_space<semaphore_mem>> -> memref<!tpu.dma_semaphore, #tpu.memory_space<semaphore_mem>>
    %dma_wait3A_61 = arith.constant 0 : i32
    %dma_wait3A_62 = arith.constant 0 : i32
    %dma_wait3A_63 = tpu.memref_slice %arg8[%dma_wait3A_51, %dma_wait3A_61, %dma_wait3A_62] : memref<2x10x128xi32, #tpu.memory_space<vmem>> -> memref<1x10x128xi32, #tpu.memory_space<vmem>>
    %dma_wait3A_64 = tpu.memref_squeeze %dma_wait3A_63 : memref<1x10x128xi32, #tpu.memory_space<vmem>> -> memref<10x128xi32, #tpu.memory_space<vmem>>
    %dma_wait3A_65 = arith.constant 0 : i32
    %dma_wait3A_66 = tpu.memref_slice %arg4[%mul3A_4, %dma_wait3A_65] : memref<2560x128xi32, #tpu.memory_space<hbm>> -> memref<10x128xi32, #tpu.memory_space<hbm>>
    tpu.wait_dma2 semaphore(%dma_wait3A_60 : memref<!tpu.dma_semaphore, #tpu.memory_space<semaphore_mem>>) src(%dma_wait3A_66 : memref<10x128xi32, #tpu.memory_space<hbm>>) dst(%dma_wait3A_64 : memref<10x128xi32, #tpu.memory_space<vmem>>)
    %dma_start3A_67 = arith.constant 0 : i32
    %dma_start3A_68 = arith.constant 0 : i32
    %dma_start3A_69 = arith.constant 0 : i32
    %dma_start3A_70 = arith.constant 0 : i32
    %dma_start3A_71 = arith.constant 0 : i32
    %dma_start3A_72 = arith.constant 0 : i32
    %dma_start3A_73 = tpu.memref_slice %arg9[%dma_start3A_69, %dma_start3A_71, %dma_start3A_72] : memref<10x128x64xf32, #tpu.memory_space<vmem>> -> memref<1x128x64xf32, #tpu.memory_space<vmem>>
    %dma_start3A_74 = tpu.memref_squeeze %dma_start3A_73 : memref<1x128x64xf32, #tpu.memory_space<vmem>> -> memref<128x64xf32, #tpu.memory_space<vmem>>
    %dma_start3A_75 = arith.constant 0 : i32
    %dma_start3A_76 = tpu.memref_slice %arg7[%dma_start3A_67, %dma_start3A_68, %dma_start3A_75] : memref<2x10x128xi32, #tpu.memory_space<vmem>> -> memref<1x1x128xi32, #tpu.memory_space<vmem>>
    %dma_start3A_77 = tpu.memref_squeeze %dma_start3A_76 : memref<1x1x128xi32, #tpu.memory_space<vmem>> -> memref<128xi32, #tpu.memory_space<vmem>>
    %dma_start3A_78 = arith.constant 0 : i32
    %dma_start3A_79 = arith.constant 0 : i32
    %dma_start3A_80 = tpu.memref_slice %arg2[%dma_start3A_78, %dma_start3A_79] : memref<10000x64xf32, #tpu.memory_space<hbm>> -> memref<10000x64xf32, #tpu.memory_space<hbm>>
    %dma_start3A_81 = tpu.memref_slice %arg11[%dma_start3A_70] : memref<10x!tpu.dma_semaphore, #tpu.memory_space<semaphore_mem>> -> memref<1x!tpu.dma_semaphore, #tpu.memory_space<semaphore_mem>>
    %dma_start3A_82 = tpu.memref_squeeze %dma_start3A_81 : memref<1x!tpu.dma_semaphore, #tpu.memory_space<semaphore_mem>> -> memref<!tpu.dma_semaphore, #tpu.memory_space<semaphore_mem>>
    tpu.enqueue_indirect_dma source(%dma_start3A_80 : memref<10000x64xf32, #tpu.memory_space<hbm>>) target(%dma_start3A_74 : memref<128x64xf32, #tpu.memory_space<vmem>>) offsets(%dma_start3A_77 : memref<128xi32, #tpu.memory_space<vmem>>) semaphore(%dma_start3A_82 : memref<!tpu.dma_semaphore, #tpu.memory_space<semaphore_mem>>)
    %dma_start3A_83 = arith.constant 0 : i32
    %dma_start3A_84 = arith.constant 1 : i32
    %dma_start3A_85 = arith.constant 1 : i32
    %dma_start3A_86 = arith.constant 1 : i32
    %dma_start3A_87 = arith.constant 0 : i32
    %dma_start3A_88 = arith.constant 0 : i32
    %dma_start3A_89 = tpu.memref_slice %arg9[%dma_start3A_85, %dma_start3A_87, %dma_start3A_88] : memref<10x128x64xf32, #tpu.memory_space<vmem>> -> memref<1x128x64xf32, #tpu.memory_space<vmem>>
    %dma_start3A_90 = tpu.memref_squeeze %dma_start3A_89 : memref<1x128x64xf32, #tpu.memory_space<vmem>> -> memref<128x64xf32, #tpu.memory_space<vmem>>
    %dma_start3A_91 = arith.constant 0 : i32
    %dma_start3A_92 = tpu.memref_slice %arg7[%dma_start3A_83, %dma_start3A_84, %dma_start3A_91] : memref<2x10x128xi32, #tpu.memory_space<vmem>> -> memref<1x1x128xi32, #tpu.memory_space<vmem>>
    %dma_start3A_93 = tpu.memref_squeeze %dma_start3A_92 : memref<1x1x128xi32, #tpu.memory_space<vmem>> -> memref<128xi32, #tpu.memory_space<vmem>>
    %dma_start3A_94 = arith.constant 0 : i32
    %dma_start3A_95 = arith.constant 0 : i32
    %dma_start3A_96 = tpu.memref_slice %arg2[%dma_start3A_94, %dma_start3A_95] : memref<10000x64xf32, #tpu.memory_space<hbm>> -> memref<10000x64xf32, #tpu.memory_space<hbm>>
    %dma_start3A_97 = tpu.memref_slice %arg11[%dma_start3A_86] : memref<10x!tpu.dma_semaphore, #tpu.memory_space<semaphore_mem>> -> memref<1x!tpu.dma_semaphore, #tpu.memory_space<semaphore_mem>>
    %dma_start3A_98 = tpu.memref_squeeze %dma_start3A_97 : memref<1x!tpu.dma_semaphore, #tpu.memory_space<semaphore_mem>> -> memref<!tpu.dma_semaphore, #tpu.memory_space<semaphore_mem>>
    tpu.enqueue_indirect_dma source(%dma_start3A_96 : memref<10000x64xf32, #tpu.memory_space<hbm>>) target(%dma_start3A_90 : memref<128x64xf32, #tpu.memory_space<vmem>>) offsets(%dma_start3A_93 : memref<128xi32, #tpu.memory_space<vmem>>) semaphore(%dma_start3A_98 : memref<!tpu.dma_semaphore, #tpu.memory_space<semaphore_mem>>)
    %dma_start3A_99 = arith.constant 0 : i32
    %dma_start3A_100 = arith.constant 2 : i32
    %dma_start3A_101 = arith.constant 2 : i32
    %dma_start3A_102 = arith.constant 2 : i32
    %dma_start3A_103 = arith.constant 0 : i32
    %dma_start3A_104 = arith.constant 0 : i32
    %dma_start3A_105 = tpu.memref_slice %arg9[%dma_start3A_101, %dma_start3A_103, %dma_start3A_104] : memref<10x128x64xf32, #tpu.memory_space<vmem>> -> memref<1x128x64xf32, #tpu.memory_space<vmem>>
    %dma_start3A_106 = tpu.memref_squeeze %dma_start3A_105 : memref<1x128x64xf32, #tpu.memory_space<vmem>> -> memref<128x64xf32, #tpu.memory_space<vmem>>
    %dma_start3A_107 = arith.constant 0 : i32
    %dma_start3A_108 = tpu.memref_slice %arg7[%dma_start3A_99, %dma_start3A_100, %dma_start3A_107] : memref<2x10x128xi32, #tpu.memory_space<vmem>> -> memref<1x1x128xi32, #tpu.memory_space<vmem>>
    %dma_start3A_109 = tpu.memref_squeeze %dma_start3A_108 : memref<1x1x128xi32, #tpu.memory_space<vmem>> -> memref<128xi32, #tpu.memory_space<vmem>>
    %dma_start3A_110 = arith.constant 0 : i32
    %dma_start3A_111 = arith.constant 0 : i32
    %dma_start3A_112 = tpu.memref_slice %arg2[%dma_start3A_110, %dma_start3A_111] : memref<10000x64xf32, #tpu.memory_space<hbm>> -> memref<10000x64xf32, #tpu.memory_space<hbm>>
    %dma_start3A_113 = tpu.memref_slice %arg11[%dma_start3A_102] : memref<10x!tpu.dma_semaphore, #tpu.memory_space<semaphore_mem>> -> memref<1x!tpu.dma_semaphore, #tpu.memory_space<semaphore_mem>>
    %dma_start3A_114 = tpu.memref_squeeze %dma_start3A_113 : memref<1x!tpu.dma_semaphore, #tpu.memory_space<semaphore_mem>> -> memref<!tpu.dma_semaphore, #tpu.memory_space<semaphore_mem>>
    tpu.enqueue_indirect_dma source(%dma_start3A_112 : memref<10000x64xf32, #tpu.memory_space<hbm>>) target(%dma_start3A_106 : memref<128x64xf32, #tpu.memory_space<vmem>>) offsets(%dma_start3A_109 : memref<128xi32, #tpu.memory_space<vmem>>) semaphore(%dma_start3A_114 : memref<!tpu.dma_semaphore, #tpu.memory_space<semaphore_mem>>)
    %dma_start3A_115 = arith.constant 0 : i32
    %dma_start3A_116 = arith.constant 3 : i32
    %dma_start3A_117 = arith.constant 3 : i32
    %dma_start3A_118 = arith.constant 3 : i32
    %dma_start3A_119 = arith.constant 0 : i32
    %dma_start3A_120 = arith.constant 0 : i32
    %dma_start3A_121 = tpu.memref_slice %arg9[%dma_start3A_117, %dma_start3A_119, %dma_start3A_120] : memref<10x128x64xf32, #tpu.memory_space<vmem>> -> memref<1x128x64xf32, #tpu.memory_space<vmem>>
    %dma_start3A_122 = tpu.memref_squeeze %dma_start3A_121 : memref<1x128x64xf32, #tpu.memory_space<vmem>> -> memref<128x64xf32, #tpu.memory_space<vmem>>
    %dma_start3A_123 = arith.constant 0 : i32
    %dma_start3A_124 = tpu.memref_slice %arg7[%dma_start3A_115, %dma_start3A_116, %dma_start3A_123] : memref<2x10x128xi32, #tpu.memory_space<vmem>> -> memref<1x1x128xi32, #tpu.memory_space<vmem>>
    %dma_start3A_125 = tpu.memref_squeeze %dma_start3A_124 : memref<1x1x128xi32, #tpu.memory_space<vmem>> -> memref<128xi32, #tpu.memory_space<vmem>>
    %dma_start3A_126 = arith.constant 0 : i32
    %dma_start3A_127 = arith.constant 0 : i32
    %dma_start3A_128 = tpu.memref_slice %arg2[%dma_start3A_126, %dma_start3A_127] : memref<10000x64xf32, #tpu.memory_space<hbm>> -> memref<10000x64xf32, #tpu.memory_space<hbm>>
    %dma_start3A_129 = tpu.memref_slice %arg11[%dma_start3A_118] : memref<10x!tpu.dma_semaphore, #tpu.memory_space<semaphore_mem>> -> memref<1x!tpu.dma_semaphore, #tpu.memory_space<semaphore_mem>>
    %dma_start3A_130 = tpu.memref_squeeze %dma_start3A_129 : memref<1x!tpu.dma_semaphore, #tpu.memory_space<semaphore_mem>> -> memref<!tpu.dma_semaphore, #tpu.memory_space<semaphore_mem>>
    tpu.enqueue_indirect_dma source(%dma_start3A_128 : memref<10000x64xf32, #tpu.memory_space<hbm>>) target(%dma_start3A_122 : memref<128x64xf32, #tpu.memory_space<vmem>>) offsets(%dma_start3A_125 : memref<128xi32, #tpu.memory_space<vmem>>) semaphore(%dma_start3A_130 : memref<!tpu.dma_semaphore, #tpu.memory_space<semaphore_mem>>)
    %dma_start3A_131 = arith.constant 0 : i32
    %dma_start3A_132 = arith.constant 4 : i32
    %dma_start3A_133 = arith.constant 4 : i32
    %dma_start3A_134 = arith.constant 4 : i32
    %dma_start3A_135 = arith.constant 0 : i32
    %dma_start3A_136 = arith.constant 0 : i32
    %dma_start3A_137 = tpu.memref_slice %arg9[%dma_start3A_133, %dma_start3A_135, %dma_start3A_136] : memref<10x128x64xf32, #tpu.memory_space<vmem>> -> memref<1x128x64xf32, #tpu.memory_space<vmem>>
    %dma_start3A_138 = tpu.memref_squeeze %dma_start3A_137 : memref<1x128x64xf32, #tpu.memory_space<vmem>> -> memref<128x64xf32, #tpu.memory_space<vmem>>
    %dma_start3A_139 = arith.constant 0 : i32
    %dma_start3A_140 = tpu.memref_slice %arg7[%dma_start3A_131, %dma_start3A_132, %dma_start3A_139] : memref<2x10x128xi32, #tpu.memory_space<vmem>> -> memref<1x1x128xi32, #tpu.memory_space<vmem>>
    %dma_start3A_141 = tpu.memref_squeeze %dma_start3A_140 : memref<1x1x128xi32, #tpu.memory_space<vmem>> -> memref<128xi32, #tpu.memory_space<vmem>>
    %dma_start3A_142 = arith.constant 0 : i32
    %dma_start3A_143 = arith.constant 0 : i32
    %dma_start3A_144 = tpu.memref_slice %arg2[%dma_start3A_142, %dma_start3A_143] : memref<10000x64xf32, #tpu.memory_space<hbm>> -> memref<10000x64xf32, #tpu.memory_space<hbm>>
    %dma_start3A_145 = tpu.memref_slice %arg11[%dma_start3A_134] : memref<10x!tpu.dma_semaphore, #tpu.memory_space<semaphore_mem>> -> memref<1x!tpu.dma_semaphore, #tpu.memory_space<semaphore_mem>>
    %dma_start3A_146 = tpu.memref_squeeze %dma_start3A_145 : memref<1x!tpu.dma_semaphore, #tpu.memory_space<semaphore_mem>> -> memref<!tpu.dma_semaphore, #tpu.memory_space<semaphore_mem>>
    tpu.enqueue_indirect_dma source(%dma_start3A_144 : memref<10000x64xf32, #tpu.memory_space<hbm>>) target(%dma_start3A_138 : memref<128x64xf32, #tpu.memory_space<vmem>>) offsets(%dma_start3A_141 : memref<128xi32, #tpu.memory_space<vmem>>) semaphore(%dma_start3A_146 : memref<!tpu.dma_semaphore, #tpu.memory_space<semaphore_mem>>)
    %dma_start3A_147 = arith.constant 0 : i32
    %dma_start3A_148 = arith.constant 5 : i32
    %dma_start3A_149 = arith.constant 5 : i32
    %dma_start3A_150 = arith.constant 5 : i32
    %dma_start3A_151 = arith.constant 0 : i32
    %dma_start3A_152 = arith.constant 0 : i32
    %dma_start3A_153 = tpu.memref_slice %arg9[%dma_start3A_149, %dma_start3A_151, %dma_start3A_152] : memref<10x128x64xf32, #tpu.memory_space<vmem>> -> memref<1x128x64xf32, #tpu.memory_space<vmem>>
    %dma_start3A_154 = tpu.memref_squeeze %dma_start3A_153 : memref<1x128x64xf32, #tpu.memory_space<vmem>> -> memref<128x64xf32, #tpu.memory_space<vmem>>
    %dma_start3A_155 = arith.constant 0 : i32
    %dma_start3A_156 = tpu.memref_slice %arg7[%dma_start3A_147, %dma_start3A_148, %dma_start3A_155] : memref<2x10x128xi32, #tpu.memory_space<vmem>> -> memref<1x1x128xi32, #tpu.memory_space<vmem>>
    %dma_start3A_157 = tpu.memref_squeeze %dma_start3A_156 : memref<1x1x128xi32, #tpu.memory_space<vmem>> -> memref<128xi32, #tpu.memory_space<vmem>>
    %dma_start3A_158 = arith.constant 0 : i32
    %dma_start3A_159 = arith.constant 0 : i32
    %dma_start3A_160 = tpu.memref_slice %arg2[%dma_start3A_158, %dma_start3A_159] : memref<10000x64xf32, #tpu.memory_space<hbm>> -> memref<10000x64xf32, #tpu.memory_space<hbm>>
    %dma_start3A_161 = tpu.memref_slice %arg11[%dma_start3A_150] : memref<10x!tpu.dma_semaphore, #tpu.memory_space<semaphore_mem>> -> memref<1x!tpu.dma_semaphore, #tpu.memory_space<semaphore_mem>>
    %dma_start3A_162 = tpu.memref_squeeze %dma_start3A_161 : memref<1x!tpu.dma_semaphore, #tpu.memory_space<semaphore_mem>> -> memref<!tpu.dma_semaphore, #tpu.memory_space<semaphore_mem>>
    tpu.enqueue_indirect_dma source(%dma_start3A_160 : memref<10000x64xf32, #tpu.memory_space<hbm>>) target(%dma_start3A_154 : memref<128x64xf32, #tpu.memory_space<vmem>>) offsets(%dma_start3A_157 : memref<128xi32, #tpu.memory_space<vmem>>) semaphore(%dma_start3A_162 : memref<!tpu.dma_semaphore, #tpu.memory_space<semaphore_mem>>)
    %dma_start3A_163 = arith.constant 0 : i32
    %dma_start3A_164 = arith.constant 6 : i32
    %dma_start3A_165 = arith.constant 6 : i32
    %dma_start3A_166 = arith.constant 6 : i32
    %dma_start3A_167 = arith.constant 0 : i32
    %dma_start3A_168 = arith.constant 0 : i32
    %dma_start3A_169 = tpu.memref_slice %arg9[%dma_start3A_165, %dma_start3A_167, %dma_start3A_168] : memref<10x128x64xf32, #tpu.memory_space<vmem>> -> memref<1x128x64xf32, #tpu.memory_space<vmem>>
    %dma_start3A_170 = tpu.memref_squeeze %dma_start3A_169 : memref<1x128x64xf32, #tpu.memory_space<vmem>> -> memref<128x64xf32, #tpu.memory_space<vmem>>
    %dma_start3A_171 = arith.constant 0 : i32
    %dma_start3A_172 = tpu.memref_slice %arg7[%dma_start3A_163, %dma_start3A_164, %dma_start3A_171] : memref<2x10x128xi32, #tpu.memory_space<vmem>> -> memref<1x1x128xi32, #tpu.memory_space<vmem>>
    %dma_start3A_173 = tpu.memref_squeeze %dma_start3A_172 : memref<1x1x128xi32, #tpu.memory_space<vmem>> -> memref<128xi32, #tpu.memory_space<vmem>>
    %dma_start3A_174 = arith.constant 0 : i32
    %dma_start3A_175 = arith.constant 0 : i32
    %dma_start3A_176 = tpu.memref_slice %arg2[%dma_start3A_174, %dma_start3A_175] : memref<10000x64xf32, #tpu.memory_space<hbm>> -> memref<10000x64xf32, #tpu.memory_space<hbm>>
    %dma_start3A_177 = tpu.memref_slice %arg11[%dma_start3A_166] : memref<10x!tpu.dma_semaphore, #tpu.memory_space<semaphore_mem>> -> memref<1x!tpu.dma_semaphore, #tpu.memory_space<semaphore_mem>>
    %dma_start3A_178 = tpu.memref_squeeze %dma_start3A_177 : memref<1x!tpu.dma_semaphore, #tpu.memory_space<semaphore_mem>> -> memref<!tpu.dma_semaphore, #tpu.memory_space<semaphore_mem>>
    tpu.enqueue_indirect_dma source(%dma_start3A_176 : memref<10000x64xf32, #tpu.memory_space<hbm>>) target(%dma_start3A_170 : memref<128x64xf32, #tpu.memory_space<vmem>>) offsets(%dma_start3A_173 : memref<128xi32, #tpu.memory_space<vmem>>) semaphore(%dma_start3A_178 : memref<!tpu.dma_semaphore, #tpu.memory_space<semaphore_mem>>)
    %dma_start3A_179 = arith.constant 0 : i32
    %dma_start3A_180 = arith.constant 7 : i32
    %dma_start3A_181 = arith.constant 7 : i32
    %dma_start3A_182 = arith.constant 7 : i32
    %dma_start3A_183 = arith.constant 0 : i32
    %dma_start3A_184 = arith.constant 0 : i32
    %dma_start3A_185 = tpu.memref_slice %arg9[%dma_start3A_181, %dma_start3A_183, %dma_start3A_184] : memref<10x128x64xf32, #tpu.memory_space<vmem>> -> memref<1x128x64xf32, #tpu.memory_space<vmem>>
    %dma_start3A_186 = tpu.memref_squeeze %dma_start3A_185 : memref<1x128x64xf32, #tpu.memory_space<vmem>> -> memref<128x64xf32, #tpu.memory_space<vmem>>
    %dma_start3A_187 = arith.constant 0 : i32
    %dma_start3A_188 = tpu.memref_slice %arg7[%dma_start3A_179, %dma_start3A_180, %dma_start3A_187] : memref<2x10x128xi32, #tpu.memory_space<vmem>> -> memref<1x1x128xi32, #tpu.memory_space<vmem>>
    %dma_start3A_189 = tpu.memref_squeeze %dma_start3A_188 : memref<1x1x128xi32, #tpu.memory_space<vmem>> -> memref<128xi32, #tpu.memory_space<vmem>>
    %dma_start3A_190 = arith.constant 0 : i32
    %dma_start3A_191 = arith.constant 0 : i32
    %dma_start3A_192 = tpu.memref_slice %arg2[%dma_start3A_190, %dma_start3A_191] : memref<10000x64xf32, #tpu.memory_space<hbm>> -> memref<10000x64xf32, #tpu.memory_space<hbm>>
    %dma_start3A_193 = tpu.memref_slice %arg11[%dma_start3A_182] : memref<10x!tpu.dma_semaphore, #tpu.memory_space<semaphore_mem>> -> memref<1x!tpu.dma_semaphore, #tpu.memory_space<semaphore_mem>>
    %dma_start3A_194 = tpu.memref_squeeze %dma_start3A_193 : memref<1x!tpu.dma_semaphore, #tpu.memory_space<semaphore_mem>> -> memref<!tpu.dma_semaphore, #tpu.memory_space<semaphore_mem>>
    tpu.enqueue_indirect_dma source(%dma_start3A_192 : memref<10000x64xf32, #tpu.memory_space<hbm>>) target(%dma_start3A_186 : memref<128x64xf32, #tpu.memory_space<vmem>>) offsets(%dma_start3A_189 : memref<128xi32, #tpu.memory_space<vmem>>) semaphore(%dma_start3A_194 : memref<!tpu.dma_semaphore, #tpu.memory_space<semaphore_mem>>)
    %dma_start3A_195 = arith.constant 0 : i32
    %dma_start3A_196 = arith.constant 8 : i32
    %dma_start3A_197 = arith.constant 8 : i32
    %dma_start3A_198 = arith.constant 8 : i32
    %dma_start3A_199 = arith.constant 0 : i32
    %dma_start3A_200 = arith.constant 0 : i32
    %dma_start3A_201 = tpu.memref_slice %arg9[%dma_start3A_197, %dma_start3A_199, %dma_start3A_200] : memref<10x128x64xf32, #tpu.memory_space<vmem>> -> memref<1x128x64xf32, #tpu.memory_space<vmem>>
    %dma_start3A_202 = tpu.memref_squeeze %dma_start3A_201 : memref<1x128x64xf32, #tpu.memory_space<vmem>> -> memref<128x64xf32, #tpu.memory_space<vmem>>
    %dma_start3A_203 = arith.constant 0 : i32
    %dma_start3A_204 = tpu.memref_slice %arg7[%dma_start3A_195, %dma_start3A_196, %dma_start3A_203] : memref<2x10x128xi32, #tpu.memory_space<vmem>> -> memref<1x1x128xi32, #tpu.memory_space<vmem>>
    %dma_start3A_205 = tpu.memref_squeeze %dma_start3A_204 : memref<1x1x128xi32, #tpu.memory_space<vmem>> -> memref<128xi32, #tpu.memory_space<vmem>>
    %dma_start3A_206 = arith.constant 0 : i32
    %dma_start3A_207 = arith.constant 0 : i32
    %dma_start3A_208 = tpu.memref_slice %arg2[%dma_start3A_206, %dma_start3A_207] : memref<10000x64xf32, #tpu.memory_space<hbm>> -> memref<10000x64xf32, #tpu.memory_space<hbm>>
    %dma_start3A_209 = tpu.memref_slice %arg11[%dma_start3A_198] : memref<10x!tpu.dma_semaphore, #tpu.memory_space<semaphore_mem>> -> memref<1x!tpu.dma_semaphore, #tpu.memory_space<semaphore_mem>>
    %dma_start3A_210 = tpu.memref_squeeze %dma_start3A_209 : memref<1x!tpu.dma_semaphore, #tpu.memory_space<semaphore_mem>> -> memref<!tpu.dma_semaphore, #tpu.memory_space<semaphore_mem>>
    tpu.enqueue_indirect_dma source(%dma_start3A_208 : memref<10000x64xf32, #tpu.memory_space<hbm>>) target(%dma_start3A_202 : memref<128x64xf32, #tpu.memory_space<vmem>>) offsets(%dma_start3A_205 : memref<128xi32, #tpu.memory_space<vmem>>) semaphore(%dma_start3A_210 : memref<!tpu.dma_semaphore, #tpu.memory_space<semaphore_mem>>)
    %dma_start3A_211 = arith.constant 0 : i32
    %dma_start3A_212 = arith.constant 9 : i32
    %dma_start3A_213 = arith.constant 9 : i32
    %dma_start3A_214 = arith.constant 9 : i32
    %dma_start3A_215 = arith.constant 0 : i32
    %dma_start3A_216 = arith.constant 0 : i32
    %dma_start3A_217 = tpu.memref_slice %arg9[%dma_start3A_213, %dma_start3A_215, %dma_start3A_216] : memref<10x128x64xf32, #tpu.memory_space<vmem>> -> memref<1x128x64xf32, #tpu.memory_space<vmem>>
    %dma_start3A_218 = tpu.memref_squeeze %dma_start3A_217 : memref<1x128x64xf32, #tpu.memory_space<vmem>> -> memref<128x64xf32, #tpu.memory_space<vmem>>
    %dma_start3A_219 = arith.constant 0 : i32
    %dma_start3A_220 = tpu.memref_slice %arg7[%dma_start3A_211, %dma_start3A_212, %dma_start3A_219] : memref<2x10x128xi32, #tpu.memory_space<vmem>> -> memref<1x1x128xi32, #tpu.memory_space<vmem>>
    %dma_start3A_221 = tpu.memref_squeeze %dma_start3A_220 : memref<1x1x128xi32, #tpu.memory_space<vmem>> -> memref<128xi32, #tpu.memory_space<vmem>>
    %dma_start3A_222 = arith.constant 0 : i32
    %dma_start3A_223 = arith.constant 0 : i32
    %dma_start3A_224 = tpu.memref_slice %arg2[%dma_start3A_222, %dma_start3A_223] : memref<10000x64xf32, #tpu.memory_space<hbm>> -> memref<10000x64xf32, #tpu.memory_space<hbm>>
    %dma_start3A_225 = tpu.memref_slice %arg11[%dma_start3A_214] : memref<10x!tpu.dma_semaphore, #tpu.memory_space<semaphore_mem>> -> memref<1x!tpu.dma_semaphore, #tpu.memory_space<semaphore_mem>>
    %dma_start3A_226 = tpu.memref_squeeze %dma_start3A_225 : memref<1x!tpu.dma_semaphore, #tpu.memory_space<semaphore_mem>> -> memref<!tpu.dma_semaphore, #tpu.memory_space<semaphore_mem>>
    tpu.enqueue_indirect_dma source(%dma_start3A_224 : memref<10000x64xf32, #tpu.memory_space<hbm>>) target(%dma_start3A_218 : memref<128x64xf32, #tpu.memory_space<vmem>>) offsets(%dma_start3A_221 : memref<128xi32, #tpu.memory_space<vmem>>) semaphore(%dma_start3A_226 : memref<!tpu.dma_semaphore, #tpu.memory_space<semaphore_mem>>)
    %scan3A = arith.constant 0 : i32
    %scan3A_227 = arith.constant 0 : i32
    %scan3A_228 = arith.constant 8 : i32
    %scan3A_229 = arith.addi %scan3A_227, %scan3A_228 : i32
    %scan3A_230 = arith.constant 1 : i32
    scf.for %scan3A_237 = %scan3A_227 to %scan3A_229 step %scan3A_230  : i32 {
      %add3A_238 = arith.constant 1 : i32
      %add3A_239 = arith.addi %scan3A_237, %add3A_238 : i32
      %mul3A_240 = arith.constant 10 : i32
      %mul3A_241 = arith.muli %add3A_239, %mul3A_240 : i32
      %add3A_242 = arith.addi %mul3A_4, %mul3A_241 : i32
      %rem3A = arith.constant 2 : i32
      %rem3A_243 = arith.remsi %scan3A_237, %rem3A : i32
      %add3A_244 = arith.constant 1 : i32
      %add3A_245 = arith.addi %scan3A_237, %add3A_244 : i32
      %rem3A_246 = arith.constant 2 : i32
      %rem3A_247 = arith.remsi %add3A_245, %rem3A_246 : i32
      %add3A_248 = arith.constant 1 : i32
      %add3A_249 = arith.addi %scan3A_237, %add3A_248 : i32
      %lt3A = arith.constant 8 : i32
      %lt3A_250 = arith.cmpi slt, %add3A_249, %lt3A : i32
      %convert_element_type3A = arith.extui %lt3A_250 : i1 to i32
      %cond3A = arith.constant 0 : i32
      %cond3A_251 = arith.cmpi ne, %convert_element_type3A, %cond3A : i32
      scf.if %cond3A_251 {
        %dma_start3A_735 = arith.constant 0 : i32
        %dma_start3A_736 = arith.constant 0 : i32
        %dma_start3A_737 = arith.constant 0 : i32
        %dma_start3A_738 = tpu.memref_slice %arg7[%rem3A_247, %dma_start3A_736, %dma_start3A_737] : memref<2x10x128xi32, #tpu.memory_space<vmem>> -> memref<1x10x128xi32, #tpu.memory_space<vmem>>
        %dma_start3A_739 = tpu.memref_squeeze %dma_start3A_738 : memref<1x10x128xi32, #tpu.memory_space<vmem>> -> memref<10x128xi32, #tpu.memory_space<vmem>>
        %dma_start3A_740 = arith.constant 0 : i32
        %dma_start3A_741 = tpu.memref_slice %arg3[%add3A_242, %dma_start3A_740] : memref<2560x128xi32, #tpu.memory_space<hbm>> -> memref<10x128xi32, #tpu.memory_space<hbm>>
        %dma_start3A_742 = tpu.memref_slice %arg13[%dma_start3A_735] : memref<2x!tpu.dma_semaphore, #tpu.memory_space<semaphore_mem>> -> memref<1x!tpu.dma_semaphore, #tpu.memory_space<semaphore_mem>>
        %dma_start3A_743 = tpu.memref_squeeze %dma_start3A_742 : memref<1x!tpu.dma_semaphore, #tpu.memory_space<semaphore_mem>> -> memref<!tpu.dma_semaphore, #tpu.memory_space<semaphore_mem>>
        %dma_start3A_744 = arith.constant 0 : i32
        %dma_start3A_745 = arith.constant 0 : i32
        %dma_start3A_746 = tpu.memref_slice %arg7[%rem3A_247, %dma_start3A_744, %dma_start3A_745] : memref<2x10x128xi32, #tpu.memory_space<vmem>> -> memref<1x10x128xi32, #tpu.memory_space<vmem>>
        %dma_start3A_747 = tpu.memref_squeeze %dma_start3A_746 : memref<1x10x128xi32, #tpu.memory_space<vmem>> -> memref<10x128xi32, #tpu.memory_space<vmem>>
        %dma_start3A_748 = arith.constant 0 : i32
        %dma_start3A_749 = tpu.memref_slice %arg3[%add3A_242, %dma_start3A_748] : memref<2560x128xi32, #tpu.memory_space<hbm>> -> memref<10x128xi32, #tpu.memory_space<hbm>>
        tpu.enqueue_dma source(%dma_start3A_749 : memref<10x128xi32, #tpu.memory_space<hbm>>) target(%dma_start3A_747 : memref<10x128xi32, #tpu.memory_space<vmem>>) target_semaphore(%dma_start3A_743 : memref<!tpu.dma_semaphore, #tpu.memory_space<semaphore_mem>>)
        %dma_start3A_750 = arith.constant 1 : i32
        %dma_start3A_751 = arith.constant 0 : i32
        %dma_start3A_752 = arith.constant 0 : i32
        %dma_start3A_753 = tpu.memref_slice %arg8[%rem3A_247, %dma_start3A_751, %dma_start3A_752] : memref<2x10x128xi32, #tpu.memory_space<vmem>> -> memref<1x10x128xi32, #tpu.memory_space<vmem>>
        %dma_start3A_754 = tpu.memref_squeeze %dma_start3A_753 : memref<1x10x128xi32, #tpu.memory_space<vmem>> -> memref<10x128xi32, #tpu.memory_space<vmem>>
        %dma_start3A_755 = arith.constant 0 : i32
        %dma_start3A_756 = tpu.memref_slice %arg4[%add3A_242, %dma_start3A_755] : memref<2560x128xi32, #tpu.memory_space<hbm>> -> memref<10x128xi32, #tpu.memory_space<hbm>>
        %dma_start3A_757 = tpu.memref_slice %arg13[%dma_start3A_750] : memref<2x!tpu.dma_semaphore, #tpu.memory_space<semaphore_mem>> -> memref<1x!tpu.dma_semaphore, #tpu.memory_space<semaphore_mem>>
        %dma_start3A_758 = tpu.memref_squeeze %dma_start3A_757 : memref<1x!tpu.dma_semaphore, #tpu.memory_space<semaphore_mem>> -> memref<!tpu.dma_semaphore, #tpu.memory_space<semaphore_mem>>
        %dma_start3A_759 = arith.constant 0 : i32
        %dma_start3A_760 = arith.constant 0 : i32
        %dma_start3A_761 = tpu.memref_slice %arg8[%rem3A_247, %dma_start3A_759, %dma_start3A_760] : memref<2x10x128xi32, #tpu.memory_space<vmem>> -> memref<1x10x128xi32, #tpu.memory_space<vmem>>
        %dma_start3A_762 = tpu.memref_squeeze %dma_start3A_761 : memref<1x10x128xi32, #tpu.memory_space<vmem>> -> memref<10x128xi32, #tpu.memory_space<vmem>>
        %dma_start3A_763 = arith.constant 0 : i32
        %dma_start3A_764 = tpu.memref_slice %arg4[%add3A_242, %dma_start3A_763] : memref<2560x128xi32, #tpu.memory_space<hbm>> -> memref<10x128xi32, #tpu.memory_space<hbm>>
        tpu.enqueue_dma source(%dma_start3A_764 : memref<10x128xi32, #tpu.memory_space<hbm>>) target(%dma_start3A_762 : memref<10x128xi32, #tpu.memory_space<vmem>>) target_semaphore(%dma_start3A_758 : memref<!tpu.dma_semaphore, #tpu.memory_space<semaphore_mem>>)
      } else {
      }
      %dma_wait3A_252 = arith.constant 0 : i32
      %dma_wait3A_253 = arith.constant 0 : i32
      %dma_wait3A_254 = arith.constant 0 : i32
      %dma_wait3A_255 = arith.constant 0 : i32
      %dma_wait3A_256 = arith.constant 0 : i32
      %dma_wait3A_257 = tpu.memref_slice %arg9[%dma_wait3A_253, %dma_wait3A_255, %dma_wait3A_256] : memref<10x128x64xf32, #tpu.memory_space<vmem>> -> memref<1x128x64xf32, #tpu.memory_space<vmem>>
      %dma_wait3A_258 = tpu.memref_squeeze %dma_wait3A_257 : memref<1x128x64xf32, #tpu.memory_space<vmem>> -> memref<128x64xf32, #tpu.memory_space<vmem>>
      %dma_wait3A_259 = arith.constant 0 : i32
      %dma_wait3A_260 = tpu.memref_slice %arg7[%rem3A_243, %dma_wait3A_252, %dma_wait3A_259] : memref<2x10x128xi32, #tpu.memory_space<vmem>> -> memref<1x1x128xi32, #tpu.memory_space<vmem>>
      %dma_wait3A_261 = tpu.memref_squeeze %dma_wait3A_260 : memref<1x1x128xi32, #tpu.memory_space<vmem>> -> memref<128xi32, #tpu.memory_space<vmem>>
      %dma_wait3A_262 = arith.constant 0 : i32
      %dma_wait3A_263 = arith.constant 0 : i32
      %dma_wait3A_264 = tpu.memref_slice %arg2[%dma_wait3A_262, %dma_wait3A_263] : memref<10000x64xf32, #tpu.memory_space<hbm>> -> memref<10000x64xf32, #tpu.memory_space<hbm>>
      %dma_wait3A_265 = tpu.memref_slice %arg11[%dma_wait3A_254] : memref<10x!tpu.dma_semaphore, #tpu.memory_space<semaphore_mem>> -> memref<1x!tpu.dma_semaphore, #tpu.memory_space<semaphore_mem>>
      %dma_wait3A_266 = tpu.memref_squeeze %dma_wait3A_265 : memref<1x!tpu.dma_semaphore, #tpu.memory_space<semaphore_mem>> -> memref<!tpu.dma_semaphore, #tpu.memory_space<semaphore_mem>>
      tpu.wait_indirect_dma semaphore(%dma_wait3A_266 : memref<!tpu.dma_semaphore, #tpu.memory_space<semaphore_mem>>) src(%dma_wait3A_264 : memref<10000x64xf32, #tpu.memory_space<hbm>>) dst(%dma_wait3A_258 : memref<128x64xf32, #tpu.memory_space<vmem>>)
      %dma_start3A_267 = arith.constant 0 : i32
      %dma_start3A_268 = arith.constant 0 : i32
      %dma_start3A_269 = arith.constant 0 : i32
      %dma_start3A_270 = arith.constant 0 : i32
      %dma_start3A_271 = arith.constant 0 : i32
      %dma_start3A_272 = tpu.memref_slice %arg9[%dma_start3A_267, %dma_start3A_270, %dma_start3A_271] : memref<10x128x64xf32, #tpu.memory_space<vmem>> -> memref<1x128x64xf32, #tpu.memory_space<vmem>>
      %dma_start3A_273 = tpu.memref_squeeze %dma_start3A_272 : memref<1x128x64xf32, #tpu.memory_space<vmem>> -> memref<128x64xf32, #tpu.memory_space<vmem>>
      %dma_start3A_274 = arith.constant 0 : i32
      %dma_start3A_275 = tpu.memref_slice %arg8[%rem3A_243, %dma_start3A_268, %dma_start3A_274] : memref<2x10x128xi32, #tpu.memory_space<vmem>> -> memref<1x1x128xi32, #tpu.memory_space<vmem>>
      %dma_start3A_276 = tpu.memref_squeeze %dma_start3A_275 : memref<1x1x128xi32, #tpu.memory_space<vmem>> -> memref<128xi32, #tpu.memory_space<vmem>>
      %dma_start3A_277 = arith.constant 0 : i32
      %dma_start3A_278 = arith.constant 0 : i32
      %dma_start3A_279 = tpu.memref_slice %arg10[%dma_start3A_277, %dma_start3A_278] : memref<10112x64xf32, #tpu.memory_space<vmem_shared>> -> memref<10112x64xf32, #tpu.memory_space<vmem_shared>>
      %dma_start3A_280 = tpu.memref_slice %arg12[%dma_start3A_269] : memref<10x!tpu.dma_semaphore, #tpu.memory_space<semaphore_mem>> -> memref<1x!tpu.dma_semaphore, #tpu.memory_space<semaphore_mem>>
      %dma_start3A_281 = tpu.memref_squeeze %dma_start3A_280 : memref<1x!tpu.dma_semaphore, #tpu.memory_space<semaphore_mem>> -> memref<!tpu.dma_semaphore, #tpu.memory_space<semaphore_mem>>
      tpu.enqueue_indirect_dma source(%dma_start3A_273 : memref<128x64xf32, #tpu.memory_space<vmem>>) target(%dma_start3A_279 : memref<10112x64xf32, #tpu.memory_space<vmem_shared>>) offsets(%dma_start3A_276 : memref<128xi32, #tpu.memory_space<vmem>>) semaphore(%dma_start3A_281 : memref<!tpu.dma_semaphore, #tpu.memory_space<semaphore_mem>>) {add = true}
      %dma_wait3A_282 = arith.constant 1 : i32
      %dma_wait3A_283 = arith.constant 1 : i32
      %dma_wait3A_284 = arith.constant 1 : i32
      %dma_wait3A_285 = arith.constant 0 : i32
      %dma_wait3A_286 = arith.constant 0 : i32
      %dma_wait3A_287 = tpu.memref_slice %arg9[%dma_wait3A_283, %dma_wait3A_285, %dma_wait3A_286] : memref<10x128x64xf32, #tpu.memory_space<vmem>> -> memref<1x128x64xf32, #tpu.memory_space<vmem>>
      %dma_wait3A_288 = tpu.memref_squeeze %dma_wait3A_287 : memref<1x128x64xf32, #tpu.memory_space<vmem>> -> memref<128x64xf32, #tpu.memory_space<vmem>>
      %dma_wait3A_289 = arith.constant 0 : i32
      %dma_wait3A_290 = tpu.memref_slice %arg7[%rem3A_243, %dma_wait3A_282, %dma_wait3A_289] : memref<2x10x128xi32, #tpu.memory_space<vmem>> -> memref<1x1x128xi32, #tpu.memory_space<vmem>>
      %dma_wait3A_291 = tpu.memref_squeeze %dma_wait3A_290 : memref<1x1x128xi32, #tpu.memory_space<vmem>> -> memref<128xi32, #tpu.memory_space<vmem>>
      %dma_wait3A_292 = arith.constant 0 : i32
      %dma_wait3A_293 = arith.constant 0 : i32
      %dma_wait3A_294 = tpu.memref_slice %arg2[%dma_wait3A_292, %dma_wait3A_293] : memref<10000x64xf32, #tpu.memory_space<hbm>> -> memref<10000x64xf32, #tpu.memory_space<hbm>>
      %dma_wait3A_295 = tpu.memref_slice %arg11[%dma_wait3A_284] : memref<10x!tpu.dma_semaphore, #tpu.memory_space<semaphore_mem>> -> memref<1x!tpu.dma_semaphore, #tpu.memory_space<semaphore_mem>>
      %dma_wait3A_296 = tpu.memref_squeeze %dma_wait3A_295 : memref<1x!tpu.dma_semaphore, #tpu.memory_space<semaphore_mem>> -> memref<!tpu.dma_semaphore, #tpu.memory_space<semaphore_mem>>
      tpu.wait_indirect_dma semaphore(%dma_wait3A_296 : memref<!tpu.dma_semaphore, #tpu.memory_space<semaphore_mem>>) src(%dma_wait3A_294 : memref<10000x64xf32, #tpu.memory_space<hbm>>) dst(%dma_wait3A_288 : memref<128x64xf32, #tpu.memory_space<vmem>>)
      %dma_start3A_297 = arith.constant 1 : i32
      %dma_start3A_298 = arith.constant 1 : i32
      %dma_start3A_299 = arith.constant 1 : i32
      %dma_start3A_300 = arith.constant 0 : i32
      %dma_start3A_301 = arith.constant 0 : i32
      %dma_start3A_302 = tpu.memref_slice %arg9[%dma_start3A_297, %dma_start3A_300, %dma_start3A_301] : memref<10x128x64xf32, #tpu.memory_space<vmem>> -> memref<1x128x64xf32, #tpu.memory_space<vmem>>
      %dma_start3A_303 = tpu.memref_squeeze %dma_start3A_302 : memref<1x128x64xf32, #tpu.memory_space<vmem>> -> memref<128x64xf32, #tpu.memory_space<vmem>>
      %dma_start3A_304 = arith.constant 0 : i32
      %dma_start3A_305 = tpu.memref_slice %arg8[%rem3A_243, %dma_start3A_298, %dma_start3A_304] : memref<2x10x128xi32, #tpu.memory_space<vmem>> -> memref<1x1x128xi32, #tpu.memory_space<vmem>>
      %dma_start3A_306 = tpu.memref_squeeze %dma_start3A_305 : memref<1x1x128xi32, #tpu.memory_space<vmem>> -> memref<128xi32, #tpu.memory_space<vmem>>
      %dma_start3A_307 = arith.constant 0 : i32
      %dma_start3A_308 = arith.constant 0 : i32
      %dma_start3A_309 = tpu.memref_slice %arg10[%dma_start3A_307, %dma_start3A_308] : memref<10112x64xf32, #tpu.memory_space<vmem_shared>> -> memref<10112x64xf32, #tpu.memory_space<vmem_shared>>
      %dma_start3A_310 = tpu.memref_slice %arg12[%dma_start3A_299] : memref<10x!tpu.dma_semaphore, #tpu.memory_space<semaphore_mem>> -> memref<1x!tpu.dma_semaphore, #tpu.memory_space<semaphore_mem>>
      %dma_start3A_311 = tpu.memref_squeeze %dma_start3A_310 : memref<1x!tpu.dma_semaphore, #tpu.memory_space<semaphore_mem>> -> memref<!tpu.dma_semaphore, #tpu.memory_space<semaphore_mem>>
      tpu.enqueue_indirect_dma source(%dma_start3A_303 : memref<128x64xf32, #tpu.memory_space<vmem>>) target(%dma_start3A_309 : memref<10112x64xf32, #tpu.memory_space<vmem_shared>>) offsets(%dma_start3A_306 : memref<128xi32, #tpu.memory_space<vmem>>) semaphore(%dma_start3A_311 : memref<!tpu.dma_semaphore, #tpu.memory_space<semaphore_mem>>) {add = true}
      %dma_wait3A_312 = arith.constant 2 : i32
      %dma_wait3A_313 = arith.constant 2 : i32
      %dma_wait3A_314 = arith.constant 2 : i32
      %dma_wait3A_315 = arith.constant 0 : i32
      %dma_wait3A_316 = arith.constant 0 : i32
      %dma_wait3A_317 = tpu.memref_slice %arg9[%dma_wait3A_313, %dma_wait3A_315, %dma_wait3A_316] : memref<10x128x64xf32, #tpu.memory_space<vmem>> -> memref<1x128x64xf32, #tpu.memory_space<vmem>>
      %dma_wait3A_318 = tpu.memref_squeeze %dma_wait3A_317 : memref<1x128x64xf32, #tpu.memory_space<vmem>> -> memref<128x64xf32, #tpu.memory_space<vmem>>
      %dma_wait3A_319 = arith.constant 0 : i32
      %dma_wait3A_320 = tpu.memref_slice %arg7[%rem3A_243, %dma_wait3A_312, %dma_wait3A_319] : memref<2x10x128xi32, #tpu.memory_space<vmem>> -> memref<1x1x128xi32, #tpu.memory_space<vmem>>
      %dma_wait3A_321 = tpu.memref_squeeze %dma_wait3A_320 : memref<1x1x128xi32, #tpu.memory_space<vmem>> -> memref<128xi32, #tpu.memory_space<vmem>>
      %dma_wait3A_322 = arith.constant 0 : i32
      %dma_wait3A_323 = arith.constant 0 : i32
      %dma_wait3A_324 = tpu.memref_slice %arg2[%dma_wait3A_322, %dma_wait3A_323] : memref<10000x64xf32, #tpu.memory_space<hbm>> -> memref<10000x64xf32, #tpu.memory_space<hbm>>
      %dma_wait3A_325 = tpu.memref_slice %arg11[%dma_wait3A_314] : memref<10x!tpu.dma_semaphore, #tpu.memory_space<semaphore_mem>> -> memref<1x!tpu.dma_semaphore, #tpu.memory_space<semaphore_mem>>
      %dma_wait3A_326 = tpu.memref_squeeze %dma_wait3A_325 : memref<1x!tpu.dma_semaphore, #tpu.memory_space<semaphore_mem>> -> memref<!tpu.dma_semaphore, #tpu.memory_space<semaphore_mem>>
      tpu.wait_indirect_dma semaphore(%dma_wait3A_326 : memref<!tpu.dma_semaphore, #tpu.memory_space<semaphore_mem>>) src(%dma_wait3A_324 : memref<10000x64xf32, #tpu.memory_space<hbm>>) dst(%dma_wait3A_318 : memref<128x64xf32, #tpu.memory_space<vmem>>)
      %dma_start3A_327 = arith.constant 2 : i32
      %dma_start3A_328 = arith.constant 2 : i32
      %dma_start3A_329 = arith.constant 2 : i32
      %dma_start3A_330 = arith.constant 0 : i32
      %dma_start3A_331 = arith.constant 0 : i32
      %dma_start3A_332 = tpu.memref_slice %arg9[%dma_start3A_327, %dma_start3A_330, %dma_start3A_331] : memref<10x128x64xf32, #tpu.memory_space<vmem>> -> memref<1x128x64xf32, #tpu.memory_space<vmem>>
      %dma_start3A_333 = tpu.memref_squeeze %dma_start3A_332 : memref<1x128x64xf32, #tpu.memory_space<vmem>> -> memref<128x64xf32, #tpu.memory_space<vmem>>
      %dma_start3A_334 = arith.constant 0 : i32
      %dma_start3A_335 = tpu.memref_slice %arg8[%rem3A_243, %dma_start3A_328, %dma_start3A_334] : memref<2x10x128xi32, #tpu.memory_space<vmem>> -> memref<1x1x128xi32, #tpu.memory_space<vmem>>
      %dma_start3A_336 = tpu.memref_squeeze %dma_start3A_335 : memref<1x1x128xi32, #tpu.memory_space<vmem>> -> memref<128xi32, #tpu.memory_space<vmem>>
      %dma_start3A_337 = arith.constant 0 : i32
      %dma_start3A_338 = arith.constant 0 : i32
      %dma_start3A_339 = tpu.memref_slice %arg10[%dma_start3A_337, %dma_start3A_338] : memref<10112x64xf32, #tpu.memory_space<vmem_shared>> -> memref<10112x64xf32, #tpu.memory_space<vmem_shared>>
      %dma_start3A_340 = tpu.memref_slice %arg12[%dma_start3A_329] : memref<10x!tpu.dma_semaphore, #tpu.memory_space<semaphore_mem>> -> memref<1x!tpu.dma_semaphore, #tpu.memory_space<semaphore_mem>>
      %dma_start3A_341 = tpu.memref_squeeze %dma_start3A_340 : memref<1x!tpu.dma_semaphore, #tpu.memory_space<semaphore_mem>> -> memref<!tpu.dma_semaphore, #tpu.memory_space<semaphore_mem>>
      tpu.enqueue_indirect_dma source(%dma_start3A_333 : memref<128x64xf32, #tpu.memory_space<vmem>>) target(%dma_start3A_339 : memref<10112x64xf32, #tpu.memory_space<vmem_shared>>) offsets(%dma_start3A_336 : memref<128xi32, #tpu.memory_space<vmem>>) semaphore(%dma_start3A_341 : memref<!tpu.dma_semaphore, #tpu.memory_space<semaphore_mem>>) {add = true}
      %dma_wait3A_342 = arith.constant 3 : i32
      %dma_wait3A_343 = arith.constant 3 : i32
      %dma_wait3A_344 = arith.constant 3 : i32
      %dma_wait3A_345 = arith.constant 0 : i32
      %dma_wait3A_346 = arith.constant 0 : i32
      %dma_wait3A_347 = tpu.memref_slice %arg9[%dma_wait3A_343, %dma_wait3A_345, %dma_wait3A_346] : memref<10x128x64xf32, #tpu.memory_space<vmem>> -> memref<1x128x64xf32, #tpu.memory_space<vmem>>
      %dma_wait3A_348 = tpu.memref_squeeze %dma_wait3A_347 : memref<1x128x64xf32, #tpu.memory_space<vmem>> -> memref<128x64xf32, #tpu.memory_space<vmem>>
      %dma_wait3A_349 = arith.constant 0 : i32
      %dma_wait3A_350 = tpu.memref_slice %arg7[%rem3A_243, %dma_wait3A_342, %dma_wait3A_349] : memref<2x10x128xi32, #tpu.memory_space<vmem>> -> memref<1x1x128xi32, #tpu.memory_space<vmem>>
      %dma_wait3A_351 = tpu.memref_squeeze %dma_wait3A_350 : memref<1x1x128xi32, #tpu.memory_space<vmem>> -> memref<128xi32, #tpu.memory_space<vmem>>
      %dma_wait3A_352 = arith.constant 0 : i32
      %dma_wait3A_353 = arith.constant 0 : i32
      %dma_wait3A_354 = tpu.memref_slice %arg2[%dma_wait3A_352, %dma_wait3A_353] : memref<10000x64xf32, #tpu.memory_space<hbm>> -> memref<10000x64xf32, #tpu.memory_space<hbm>>
      %dma_wait3A_355 = tpu.memref_slice %arg11[%dma_wait3A_344] : memref<10x!tpu.dma_semaphore, #tpu.memory_space<semaphore_mem>> -> memref<1x!tpu.dma_semaphore, #tpu.memory_space<semaphore_mem>>
      %dma_wait3A_356 = tpu.memref_squeeze %dma_wait3A_355 : memref<1x!tpu.dma_semaphore, #tpu.memory_space<semaphore_mem>> -> memref<!tpu.dma_semaphore, #tpu.memory_space<semaphore_mem>>
      tpu.wait_indirect_dma semaphore(%dma_wait3A_356 : memref<!tpu.dma_semaphore, #tpu.memory_space<semaphore_mem>>) src(%dma_wait3A_354 : memref<10000x64xf32, #tpu.memory_space<hbm>>) dst(%dma_wait3A_348 : memref<128x64xf32, #tpu.memory_space<vmem>>)
      %dma_start3A_357 = arith.constant 3 : i32
      %dma_start3A_358 = arith.constant 3 : i32
      %dma_start3A_359 = arith.constant 3 : i32
      %dma_start3A_360 = arith.constant 0 : i32
      %dma_start3A_361 = arith.constant 0 : i32
      %dma_start3A_362 = tpu.memref_slice %arg9[%dma_start3A_357, %dma_start3A_360, %dma_start3A_361] : memref<10x128x64xf32, #tpu.memory_space<vmem>> -> memref<1x128x64xf32, #tpu.memory_space<vmem>>
      %dma_start3A_363 = tpu.memref_squeeze %dma_start3A_362 : memref<1x128x64xf32, #tpu.memory_space<vmem>> -> memref<128x64xf32, #tpu.memory_space<vmem>>
      %dma_start3A_364 = arith.constant 0 : i32
      %dma_start3A_365 = tpu.memref_slice %arg8[%rem3A_243, %dma_start3A_358, %dma_start3A_364] : memref<2x10x128xi32, #tpu.memory_space<vmem>> -> memref<1x1x128xi32, #tpu.memory_space<vmem>>
      %dma_start3A_366 = tpu.memref_squeeze %dma_start3A_365 : memref<1x1x128xi32, #tpu.memory_space<vmem>> -> memref<128xi32, #tpu.memory_space<vmem>>
      %dma_start3A_367 = arith.constant 0 : i32
      %dma_start3A_368 = arith.constant 0 : i32
      %dma_start3A_369 = tpu.memref_slice %arg10[%dma_start3A_367, %dma_start3A_368] : memref<10112x64xf32, #tpu.memory_space<vmem_shared>> -> memref<10112x64xf32, #tpu.memory_space<vmem_shared>>
      %dma_start3A_370 = tpu.memref_slice %arg12[%dma_start3A_359] : memref<10x!tpu.dma_semaphore, #tpu.memory_space<semaphore_mem>> -> memref<1x!tpu.dma_semaphore, #tpu.memory_space<semaphore_mem>>
      %dma_start3A_371 = tpu.memref_squeeze %dma_start3A_370 : memref<1x!tpu.dma_semaphore, #tpu.memory_space<semaphore_mem>> -> memref<!tpu.dma_semaphore, #tpu.memory_space<semaphore_mem>>
      tpu.enqueue_indirect_dma source(%dma_start3A_363 : memref<128x64xf32, #tpu.memory_space<vmem>>) target(%dma_start3A_369 : memref<10112x64xf32, #tpu.memory_space<vmem_shared>>) offsets(%dma_start3A_366 : memref<128xi32, #tpu.memory_space<vmem>>) semaphore(%dma_start3A_371 : memref<!tpu.dma_semaphore, #tpu.memory_space<semaphore_mem>>) {add = true}
      %dma_wait3A_372 = arith.constant 4 : i32
      %dma_wait3A_373 = arith.constant 4 : i32
      %dma_wait3A_374 = arith.constant 4 : i32
      %dma_wait3A_375 = arith.constant 0 : i32
      %dma_wait3A_376 = arith.constant 0 : i32
      %dma_wait3A_377 = tpu.memref_slice %arg9[%dma_wait3A_373, %dma_wait3A_375, %dma_wait3A_376] : memref<10x128x64xf32, #tpu.memory_space<vmem>> -> memref<1x128x64xf32, #tpu.memory_space<vmem>>
      %dma_wait3A_378 = tpu.memref_squeeze %dma_wait3A_377 : memref<1x128x64xf32, #tpu.memory_space<vmem>> -> memref<128x64xf32, #tpu.memory_space<vmem>>
      %dma_wait3A_379 = arith.constant 0 : i32
      %dma_wait3A_380 = tpu.memref_slice %arg7[%rem3A_243, %dma_wait3A_372, %dma_wait3A_379] : memref<2x10x128xi32, #tpu.memory_space<vmem>> -> memref<1x1x128xi32, #tpu.memory_space<vmem>>
      %dma_wait3A_381 = tpu.memref_squeeze %dma_wait3A_380 : memref<1x1x128xi32, #tpu.memory_space<vmem>> -> memref<128xi32, #tpu.memory_space<vmem>>
      %dma_wait3A_382 = arith.constant 0 : i32
      %dma_wait3A_383 = arith.constant 0 : i32
      %dma_wait3A_384 = tpu.memref_slice %arg2[%dma_wait3A_382, %dma_wait3A_383] : memref<10000x64xf32, #tpu.memory_space<hbm>> -> memref<10000x64xf32, #tpu.memory_space<hbm>>
      %dma_wait3A_385 = tpu.memref_slice %arg11[%dma_wait3A_374] : memref<10x!tpu.dma_semaphore, #tpu.memory_space<semaphore_mem>> -> memref<1x!tpu.dma_semaphore, #tpu.memory_space<semaphore_mem>>
      %dma_wait3A_386 = tpu.memref_squeeze %dma_wait3A_385 : memref<1x!tpu.dma_semaphore, #tpu.memory_space<semaphore_mem>> -> memref<!tpu.dma_semaphore, #tpu.memory_space<semaphore_mem>>
      tpu.wait_indirect_dma semaphore(%dma_wait3A_386 : memref<!tpu.dma_semaphore, #tpu.memory_space<semaphore_mem>>) src(%dma_wait3A_384 : memref<10000x64xf32, #tpu.memory_space<hbm>>) dst(%dma_wait3A_378 : memref<128x64xf32, #tpu.memory_space<vmem>>)
      %dma_start3A_387 = arith.constant 4 : i32
      %dma_start3A_388 = arith.constant 4 : i32
      %dma_start3A_389 = arith.constant 4 : i32
      %dma_start3A_390 = arith.constant 0 : i32
      %dma_start3A_391 = arith.constant 0 : i32
      %dma_start3A_392 = tpu.memref_slice %arg9[%dma_start3A_387, %dma_start3A_390, %dma_start3A_391] : memref<10x128x64xf32, #tpu.memory_space<vmem>> -> memref<1x128x64xf32, #tpu.memory_space<vmem>>
      %dma_start3A_393 = tpu.memref_squeeze %dma_start3A_392 : memref<1x128x64xf32, #tpu.memory_space<vmem>> -> memref<128x64xf32, #tpu.memory_space<vmem>>
      %dma_start3A_394 = arith.constant 0 : i32
      %dma_start3A_395 = tpu.memref_slice %arg8[%rem3A_243, %dma_start3A_388, %dma_start3A_394] : memref<2x10x128xi32, #tpu.memory_space<vmem>> -> memref<1x1x128xi32, #tpu.memory_space<vmem>>
      %dma_start3A_396 = tpu.memref_squeeze %dma_start3A_395 : memref<1x1x128xi32, #tpu.memory_space<vmem>> -> memref<128xi32, #tpu.memory_space<vmem>>
      %dma_start3A_397 = arith.constant 0 : i32
      %dma_start3A_398 = arith.constant 0 : i32
      %dma_start3A_399 = tpu.memref_slice %arg10[%dma_start3A_397, %dma_start3A_398] : memref<10112x64xf32, #tpu.memory_space<vmem_shared>> -> memref<10112x64xf32, #tpu.memory_space<vmem_shared>>
      %dma_start3A_400 = tpu.memref_slice %arg12[%dma_start3A_389] : memref<10x!tpu.dma_semaphore, #tpu.memory_space<semaphore_mem>> -> memref<1x!tpu.dma_semaphore, #tpu.memory_space<semaphore_mem>>
      %dma_start3A_401 = tpu.memref_squeeze %dma_start3A_400 : memref<1x!tpu.dma_semaphore, #tpu.memory_space<semaphore_mem>> -> memref<!tpu.dma_semaphore, #tpu.memory_space<semaphore_mem>>
      tpu.enqueue_indirect_dma source(%dma_start3A_393 : memref<128x64xf32, #tpu.memory_space<vmem>>) target(%dma_start3A_399 : memref<10112x64xf32, #tpu.memory_space<vmem_shared>>) offsets(%dma_start3A_396 : memref<128xi32, #tpu.memory_space<vmem>>) semaphore(%dma_start3A_401 : memref<!tpu.dma_semaphore, #tpu.memory_space<semaphore_mem>>) {add = true}
      %dma_wait3A_402 = arith.constant 5 : i32
      %dma_wait3A_403 = arith.constant 5 : i32
      %dma_wait3A_404 = arith.constant 5 : i32
      %dma_wait3A_405 = arith.constant 0 : i32
      %dma_wait3A_406 = arith.constant 0 : i32
      %dma_wait3A_407 = tpu.memref_slice %arg9[%dma_wait3A_403, %dma_wait3A_405, %dma_wait3A_406] : memref<10x128x64xf32, #tpu.memory_space<vmem>> -> memref<1x128x64xf32, #tpu.memory_space<vmem>>
      %dma_wait3A_408 = tpu.memref_squeeze %dma_wait3A_407 : memref<1x128x64xf32, #tpu.memory_space<vmem>> -> memref<128x64xf32, #tpu.memory_space<vmem>>
      %dma_wait3A_409 = arith.constant 0 : i32
      %dma_wait3A_410 = tpu.memref_slice %arg7[%rem3A_243, %dma_wait3A_402, %dma_wait3A_409] : memref<2x10x128xi32, #tpu.memory_space<vmem>> -> memref<1x1x128xi32, #tpu.memory_space<vmem>>
      %dma_wait3A_411 = tpu.memref_squeeze %dma_wait3A_410 : memref<1x1x128xi32, #tpu.memory_space<vmem>> -> memref<128xi32, #tpu.memory_space<vmem>>
      %dma_wait3A_412 = arith.constant 0 : i32
      %dma_wait3A_413 = arith.constant 0 : i32
      %dma_wait3A_414 = tpu.memref_slice %arg2[%dma_wait3A_412, %dma_wait3A_413] : memref<10000x64xf32, #tpu.memory_space<hbm>> -> memref<10000x64xf32, #tpu.memory_space<hbm>>
      %dma_wait3A_415 = tpu.memref_slice %arg11[%dma_wait3A_404] : memref<10x!tpu.dma_semaphore, #tpu.memory_space<semaphore_mem>> -> memref<1x!tpu.dma_semaphore, #tpu.memory_space<semaphore_mem>>
      %dma_wait3A_416 = tpu.memref_squeeze %dma_wait3A_415 : memref<1x!tpu.dma_semaphore, #tpu.memory_space<semaphore_mem>> -> memref<!tpu.dma_semaphore, #tpu.memory_space<semaphore_mem>>
      tpu.wait_indirect_dma semaphore(%dma_wait3A_416 : memref<!tpu.dma_semaphore, #tpu.memory_space<semaphore_mem>>) src(%dma_wait3A_414 : memref<10000x64xf32, #tpu.memory_space<hbm>>) dst(%dma_wait3A_408 : memref<128x64xf32, #tpu.memory_space<vmem>>)
      %dma_start3A_417 = arith.constant 5 : i32
      %dma_start3A_418 = arith.constant 5 : i32
      %dma_start3A_419 = arith.constant 5 : i32
      %dma_start3A_420 = arith.constant 0 : i32
      %dma_start3A_421 = arith.constant 0 : i32
      %dma_start3A_422 = tpu.memref_slice %arg9[%dma_start3A_417, %dma_start3A_420, %dma_start3A_421] : memref<10x128x64xf32, #tpu.memory_space<vmem>> -> memref<1x128x64xf32, #tpu.memory_space<vmem>>
      %dma_start3A_423 = tpu.memref_squeeze %dma_start3A_422 : memref<1x128x64xf32, #tpu.memory_space<vmem>> -> memref<128x64xf32, #tpu.memory_space<vmem>>
      %dma_start3A_424 = arith.constant 0 : i32
      %dma_start3A_425 = tpu.memref_slice %arg8[%rem3A_243, %dma_start3A_418, %dma_start3A_424] : memref<2x10x128xi32, #tpu.memory_space<vmem>> -> memref<1x1x128xi32, #tpu.memory_space<vmem>>
      %dma_start3A_426 = tpu.memref_squeeze %dma_start3A_425 : memref<1x1x128xi32, #tpu.memory_space<vmem>> -> memref<128xi32, #tpu.memory_space<vmem>>
      %dma_start3A_427 = arith.constant 0 : i32
      %dma_start3A_428 = arith.constant 0 : i32
      %dma_start3A_429 = tpu.memref_slice %arg10[%dma_start3A_427, %dma_start3A_428] : memref<10112x64xf32, #tpu.memory_space<vmem_shared>> -> memref<10112x64xf32, #tpu.memory_space<vmem_shared>>
      %dma_start3A_430 = tpu.memref_slice %arg12[%dma_start3A_419] : memref<10x!tpu.dma_semaphore, #tpu.memory_space<semaphore_mem>> -> memref<1x!tpu.dma_semaphore, #tpu.memory_space<semaphore_mem>>
      %dma_start3A_431 = tpu.memref_squeeze %dma_start3A_430 : memref<1x!tpu.dma_semaphore, #tpu.memory_space<semaphore_mem>> -> memref<!tpu.dma_semaphore, #tpu.memory_space<semaphore_mem>>
      tpu.enqueue_indirect_dma source(%dma_start3A_423 : memref<128x64xf32, #tpu.memory_space<vmem>>) target(%dma_start3A_429 : memref<10112x64xf32, #tpu.memory_space<vmem_shared>>) offsets(%dma_start3A_426 : memref<128xi32, #tpu.memory_space<vmem>>) semaphore(%dma_start3A_431 : memref<!tpu.dma_semaphore, #tpu.memory_space<semaphore_mem>>) {add = true}
      %dma_wait3A_432 = arith.constant 6 : i32
      %dma_wait3A_433 = arith.constant 6 : i32
      %dma_wait3A_434 = arith.constant 6 : i32
      %dma_wait3A_435 = arith.constant 0 : i32
      %dma_wait3A_436 = arith.constant 0 : i32
      %dma_wait3A_437 = tpu.memref_slice %arg9[%dma_wait3A_433, %dma_wait3A_435, %dma_wait3A_436] : memref<10x128x64xf32, #tpu.memory_space<vmem>> -> memref<1x128x64xf32, #tpu.memory_space<vmem>>
      %dma_wait3A_438 = tpu.memref_squeeze %dma_wait3A_437 : memref<1x128x64xf32, #tpu.memory_space<vmem>> -> memref<128x64xf32, #tpu.memory_space<vmem>>
      %dma_wait3A_439 = arith.constant 0 : i32
      %dma_wait3A_440 = tpu.memref_slice %arg7[%rem3A_243, %dma_wait3A_432, %dma_wait3A_439] : memref<2x10x128xi32, #tpu.memory_space<vmem>> -> memref<1x1x128xi32, #tpu.memory_space<vmem>>
      %dma_wait3A_441 = tpu.memref_squeeze %dma_wait3A_440 : memref<1x1x128xi32, #tpu.memory_space<vmem>> -> memref<128xi32, #tpu.memory_space<vmem>>
      %dma_wait3A_442 = arith.constant 0 : i32
      %dma_wait3A_443 = arith.constant 0 : i32
      %dma_wait3A_444 = tpu.memref_slice %arg2[%dma_wait3A_442, %dma_wait3A_443] : memref<10000x64xf32, #tpu.memory_space<hbm>> -> memref<10000x64xf32, #tpu.memory_space<hbm>>
      %dma_wait3A_445 = tpu.memref_slice %arg11[%dma_wait3A_434] : memref<10x!tpu.dma_semaphore, #tpu.memory_space<semaphore_mem>> -> memref<1x!tpu.dma_semaphore, #tpu.memory_space<semaphore_mem>>
      %dma_wait3A_446 = tpu.memref_squeeze %dma_wait3A_445 : memref<1x!tpu.dma_semaphore, #tpu.memory_space<semaphore_mem>> -> memref<!tpu.dma_semaphore, #tpu.memory_space<semaphore_mem>>
      tpu.wait_indirect_dma semaphore(%dma_wait3A_446 : memref<!tpu.dma_semaphore, #tpu.memory_space<semaphore_mem>>) src(%dma_wait3A_444 : memref<10000x64xf32, #tpu.memory_space<hbm>>) dst(%dma_wait3A_438 : memref<128x64xf32, #tpu.memory_space<vmem>>)
      %dma_start3A_447 = arith.constant 6 : i32
      %dma_start3A_448 = arith.constant 6 : i32
      %dma_start3A_449 = arith.constant 6 : i32
      %dma_start3A_450 = arith.constant 0 : i32
      %dma_start3A_451 = arith.constant 0 : i32
      %dma_start3A_452 = tpu.memref_slice %arg9[%dma_start3A_447, %dma_start3A_450, %dma_start3A_451] : memref<10x128x64xf32, #tpu.memory_space<vmem>> -> memref<1x128x64xf32, #tpu.memory_space<vmem>>
      %dma_start3A_453 = tpu.memref_squeeze %dma_start3A_452 : memref<1x128x64xf32, #tpu.memory_space<vmem>> -> memref<128x64xf32, #tpu.memory_space<vmem>>
      %dma_start3A_454 = arith.constant 0 : i32
      %dma_start3A_455 = tpu.memref_slice %arg8[%rem3A_243, %dma_start3A_448, %dma_start3A_454] : memref<2x10x128xi32, #tpu.memory_space<vmem>> -> memref<1x1x128xi32, #tpu.memory_space<vmem>>
      %dma_start3A_456 = tpu.memref_squeeze %dma_start3A_455 : memref<1x1x128xi32, #tpu.memory_space<vmem>> -> memref<128xi32, #tpu.memory_space<vmem>>
      %dma_start3A_457 = arith.constant 0 : i32
      %dma_start3A_458 = arith.constant 0 : i32
      %dma_start3A_459 = tpu.memref_slice %arg10[%dma_start3A_457, %dma_start3A_458] : memref<10112x64xf32, #tpu.memory_space<vmem_shared>> -> memref<10112x64xf32, #tpu.memory_space<vmem_shared>>
      %dma_start3A_460 = tpu.memref_slice %arg12[%dma_start3A_449] : memref<10x!tpu.dma_semaphore, #tpu.memory_space<semaphore_mem>> -> memref<1x!tpu.dma_semaphore, #tpu.memory_space<semaphore_mem>>
      %dma_start3A_461 = tpu.memref_squeeze %dma_start3A_460 : memref<1x!tpu.dma_semaphore, #tpu.memory_space<semaphore_mem>> -> memref<!tpu.dma_semaphore, #tpu.memory_space<semaphore_mem>>
      tpu.enqueue_indirect_dma source(%dma_start3A_453 : memref<128x64xf32, #tpu.memory_space<vmem>>) target(%dma_start3A_459 : memref<10112x64xf32, #tpu.memory_space<vmem_shared>>) offsets(%dma_start3A_456 : memref<128xi32, #tpu.memory_space<vmem>>) semaphore(%dma_start3A_461 : memref<!tpu.dma_semaphore, #tpu.memory_space<semaphore_mem>>) {add = true}
      %dma_wait3A_462 = arith.constant 7 : i32
      %dma_wait3A_463 = arith.constant 7 : i32
      %dma_wait3A_464 = arith.constant 7 : i32
      %dma_wait3A_465 = arith.constant 0 : i32
      %dma_wait3A_466 = arith.constant 0 : i32
      %dma_wait3A_467 = tpu.memref_slice %arg9[%dma_wait3A_463, %dma_wait3A_465, %dma_wait3A_466] : memref<10x128x64xf32, #tpu.memory_space<vmem>> -> memref<1x128x64xf32, #tpu.memory_space<vmem>>
      %dma_wait3A_468 = tpu.memref_squeeze %dma_wait3A_467 : memref<1x128x64xf32, #tpu.memory_space<vmem>> -> memref<128x64xf32, #tpu.memory_space<vmem>>
      %dma_wait3A_469 = arith.constant 0 : i32
      %dma_wait3A_470 = tpu.memref_slice %arg7[%rem3A_243, %dma_wait3A_462, %dma_wait3A_469] : memref<2x10x128xi32, #tpu.memory_space<vmem>> -> memref<1x1x128xi32, #tpu.memory_space<vmem>>
      %dma_wait3A_471 = tpu.memref_squeeze %dma_wait3A_470 : memref<1x1x128xi32, #tpu.memory_space<vmem>> -> memref<128xi32, #tpu.memory_space<vmem>>
      %dma_wait3A_472 = arith.constant 0 : i32
      %dma_wait3A_473 = arith.constant 0 : i32
      %dma_wait3A_474 = tpu.memref_slice %arg2[%dma_wait3A_472, %dma_wait3A_473] : memref<10000x64xf32, #tpu.memory_space<hbm>> -> memref<10000x64xf32, #tpu.memory_space<hbm>>
      %dma_wait3A_475 = tpu.memref_slice %arg11[%dma_wait3A_464] : memref<10x!tpu.dma_semaphore, #tpu.memory_space<semaphore_mem>> -> memref<1x!tpu.dma_semaphore, #tpu.memory_space<semaphore_mem>>
      %dma_wait3A_476 = tpu.memref_squeeze %dma_wait3A_475 : memref<1x!tpu.dma_semaphore, #tpu.memory_space<semaphore_mem>> -> memref<!tpu.dma_semaphore, #tpu.memory_space<semaphore_mem>>
      tpu.wait_indirect_dma semaphore(%dma_wait3A_476 : memref<!tpu.dma_semaphore, #tpu.memory_space<semaphore_mem>>) src(%dma_wait3A_474 : memref<10000x64xf32, #tpu.memory_space<hbm>>) dst(%dma_wait3A_468 : memref<128x64xf32, #tpu.memory_space<vmem>>)
      %dma_start3A_477 = arith.constant 7 : i32
      %dma_start3A_478 = arith.constant 7 : i32
      %dma_start3A_479 = arith.constant 7 : i32
      %dma_start3A_480 = arith.constant 0 : i32
      %dma_start3A_481 = arith.constant 0 : i32
      %dma_start3A_482 = tpu.memref_slice %arg9[%dma_start3A_477, %dma_start3A_480, %dma_start3A_481] : memref<10x128x64xf32, #tpu.memory_space<vmem>> -> memref<1x128x64xf32, #tpu.memory_space<vmem>>
      %dma_start3A_483 = tpu.memref_squeeze %dma_start3A_482 : memref<1x128x64xf32, #tpu.memory_space<vmem>> -> memref<128x64xf32, #tpu.memory_space<vmem>>
      %dma_start3A_484 = arith.constant 0 : i32
      %dma_start3A_485 = tpu.memref_slice %arg8[%rem3A_243, %dma_start3A_478, %dma_start3A_484] : memref<2x10x128xi32, #tpu.memory_space<vmem>> -> memref<1x1x128xi32, #tpu.memory_space<vmem>>
      %dma_start3A_486 = tpu.memref_squeeze %dma_start3A_485 : memref<1x1x128xi32, #tpu.memory_space<vmem>> -> memref<128xi32, #tpu.memory_space<vmem>>
      %dma_start3A_487 = arith.constant 0 : i32
      %dma_start3A_488 = arith.constant 0 : i32
      %dma_start3A_489 = tpu.memref_slice %arg10[%dma_start3A_487, %dma_start3A_488] : memref<10112x64xf32, #tpu.memory_space<vmem_shared>> -> memref<10112x64xf32, #tpu.memory_space<vmem_shared>>
      %dma_start3A_490 = tpu.memref_slice %arg12[%dma_start3A_479] : memref<10x!tpu.dma_semaphore, #tpu.memory_space<semaphore_mem>> -> memref<1x!tpu.dma_semaphore, #tpu.memory_space<semaphore_mem>>
      %dma_start3A_491 = tpu.memref_squeeze %dma_start3A_490 : memref<1x!tpu.dma_semaphore, #tpu.memory_space<semaphore_mem>> -> memref<!tpu.dma_semaphore, #tpu.memory_space<semaphore_mem>>
      tpu.enqueue_indirect_dma source(%dma_start3A_483 : memref<128x64xf32, #tpu.memory_space<vmem>>) target(%dma_start3A_489 : memref<10112x64xf32, #tpu.memory_space<vmem_shared>>) offsets(%dma_start3A_486 : memref<128xi32, #tpu.memory_space<vmem>>) semaphore(%dma_start3A_491 : memref<!tpu.dma_semaphore, #tpu.memory_space<semaphore_mem>>) {add = true}
      %dma_wait3A_492 = arith.constant 8 : i32
      %dma_wait3A_493 = arith.constant 8 : i32
      %dma_wait3A_494 = arith.constant 8 : i32
      %dma_wait3A_495 = arith.constant 0 : i32
      %dma_wait3A_496 = arith.constant 0 : i32
      %dma_wait3A_497 = tpu.memref_slice %arg9[%dma_wait3A_493, %dma_wait3A_495, %dma_wait3A_496] : memref<10x128x64xf32, #tpu.memory_space<vmem>> -> memref<1x128x64xf32, #tpu.memory_space<vmem>>
      %dma_wait3A_498 = tpu.memref_squeeze %dma_wait3A_497 : memref<1x128x64xf32, #tpu.memory_space<vmem>> -> memref<128x64xf32, #tpu.memory_space<vmem>>
      %dma_wait3A_499 = arith.constant 0 : i32
      %dma_wait3A_500 = tpu.memref_slice %arg7[%rem3A_243, %dma_wait3A_492, %dma_wait3A_499] : memref<2x10x128xi32, #tpu.memory_space<vmem>> -> memref<1x1x128xi32, #tpu.memory_space<vmem>>
      %dma_wait3A_501 = tpu.memref_squeeze %dma_wait3A_500 : memref<1x1x128xi32, #tpu.memory_space<vmem>> -> memref<128xi32, #tpu.memory_space<vmem>>
      %dma_wait3A_502 = arith.constant 0 : i32
      %dma_wait3A_503 = arith.constant 0 : i32
      %dma_wait3A_504 = tpu.memref_slice %arg2[%dma_wait3A_502, %dma_wait3A_503] : memref<10000x64xf32, #tpu.memory_space<hbm>> -> memref<10000x64xf32, #tpu.memory_space<hbm>>
      %dma_wait3A_505 = tpu.memref_slice %arg11[%dma_wait3A_494] : memref<10x!tpu.dma_semaphore, #tpu.memory_space<semaphore_mem>> -> memref<1x!tpu.dma_semaphore, #tpu.memory_space<semaphore_mem>>
      %dma_wait3A_506 = tpu.memref_squeeze %dma_wait3A_505 : memref<1x!tpu.dma_semaphore, #tpu.memory_space<semaphore_mem>> -> memref<!tpu.dma_semaphore, #tpu.memory_space<semaphore_mem>>
      tpu.wait_indirect_dma semaphore(%dma_wait3A_506 : memref<!tpu.dma_semaphore, #tpu.memory_space<semaphore_mem>>) src(%dma_wait3A_504 : memref<10000x64xf32, #tpu.memory_space<hbm>>) dst(%dma_wait3A_498 : memref<128x64xf32, #tpu.memory_space<vmem>>)
      %dma_start3A_507 = arith.constant 8 : i32
      %dma_start3A_508 = arith.constant 8 : i32
      %dma_start3A_509 = arith.constant 8 : i32
      %dma_start3A_510 = arith.constant 0 : i32
      %dma_start3A_511 = arith.constant 0 : i32
      %dma_start3A_512 = tpu.memref_slice %arg9[%dma_start3A_507, %dma_start3A_510, %dma_start3A_511] : memref<10x128x64xf32, #tpu.memory_space<vmem>> -> memref<1x128x64xf32, #tpu.memory_space<vmem>>
      %dma_start3A_513 = tpu.memref_squeeze %dma_start3A_512 : memref<1x128x64xf32, #tpu.memory_space<vmem>> -> memref<128x64xf32, #tpu.memory_space<vmem>>
      %dma_start3A_514 = arith.constant 0 : i32
      %dma_start3A_515 = tpu.memref_slice %arg8[%rem3A_243, %dma_start3A_508, %dma_start3A_514] : memref<2x10x128xi32, #tpu.memory_space<vmem>> -> memref<1x1x128xi32, #tpu.memory_space<vmem>>
      %dma_start3A_516 = tpu.memref_squeeze %dma_start3A_515 : memref<1x1x128xi32, #tpu.memory_space<vmem>> -> memref<128xi32, #tpu.memory_space<vmem>>
      %dma_start3A_517 = arith.constant 0 : i32
      %dma_start3A_518 = arith.constant 0 : i32
      %dma_start3A_519 = tpu.memref_slice %arg10[%dma_start3A_517, %dma_start3A_518] : memref<10112x64xf32, #tpu.memory_space<vmem_shared>> -> memref<10112x64xf32, #tpu.memory_space<vmem_shared>>
      %dma_start3A_520 = tpu.memref_slice %arg12[%dma_start3A_509] : memref<10x!tpu.dma_semaphore, #tpu.memory_space<semaphore_mem>> -> memref<1x!tpu.dma_semaphore, #tpu.memory_space<semaphore_mem>>
      %dma_start3A_521 = tpu.memref_squeeze %dma_start3A_520 : memref<1x!tpu.dma_semaphore, #tpu.memory_space<semaphore_mem>> -> memref<!tpu.dma_semaphore, #tpu.memory_space<semaphore_mem>>
      tpu.enqueue_indirect_dma source(%dma_start3A_513 : memref<128x64xf32, #tpu.memory_space<vmem>>) target(%dma_start3A_519 : memref<10112x64xf32, #tpu.memory_space<vmem_shared>>) offsets(%dma_start3A_516 : memref<128xi32, #tpu.memory_space<vmem>>) semaphore(%dma_start3A_521 : memref<!tpu.dma_semaphore, #tpu.memory_space<semaphore_mem>>) {add = true}
      %dma_wait3A_522 = arith.constant 9 : i32
      %dma_wait3A_523 = arith.constant 9 : i32
      %dma_wait3A_524 = arith.constant 9 : i32
      %dma_wait3A_525 = arith.constant 0 : i32
      %dma_wait3A_526 = arith.constant 0 : i32
      %dma_wait3A_527 = tpu.memref_slice %arg9[%dma_wait3A_523, %dma_wait3A_525, %dma_wait3A_526] : memref<10x128x64xf32, #tpu.memory_space<vmem>> -> memref<1x128x64xf32, #tpu.memory_space<vmem>>
      %dma_wait3A_528 = tpu.memref_squeeze %dma_wait3A_527 : memref<1x128x64xf32, #tpu.memory_space<vmem>> -> memref<128x64xf32, #tpu.memory_space<vmem>>
      %dma_wait3A_529 = arith.constant 0 : i32
      %dma_wait3A_530 = tpu.memref_slice %arg7[%rem3A_243, %dma_wait3A_522, %dma_wait3A_529] : memref<2x10x128xi32, #tpu.memory_space<vmem>> -> memref<1x1x128xi32, #tpu.memory_space<vmem>>
      %dma_wait3A_531 = tpu.memref_squeeze %dma_wait3A_530 : memref<1x1x128xi32, #tpu.memory_space<vmem>> -> memref<128xi32, #tpu.memory_space<vmem>>
      %dma_wait3A_532 = arith.constant 0 : i32
      %dma_wait3A_533 = arith.constant 0 : i32
      %dma_wait3A_534 = tpu.memref_slice %arg2[%dma_wait3A_532, %dma_wait3A_533] : memref<10000x64xf32, #tpu.memory_space<hbm>> -> memref<10000x64xf32, #tpu.memory_space<hbm>>
      %dma_wait3A_535 = tpu.memref_slice %arg11[%dma_wait3A_524] : memref<10x!tpu.dma_semaphore, #tpu.memory_space<semaphore_mem>> -> memref<1x!tpu.dma_semaphore, #tpu.memory_space<semaphore_mem>>
      %dma_wait3A_536 = tpu.memref_squeeze %dma_wait3A_535 : memref<1x!tpu.dma_semaphore, #tpu.memory_space<semaphore_mem>> -> memref<!tpu.dma_semaphore, #tpu.memory_space<semaphore_mem>>
      tpu.wait_indirect_dma semaphore(%dma_wait3A_536 : memref<!tpu.dma_semaphore, #tpu.memory_space<semaphore_mem>>) src(%dma_wait3A_534 : memref<10000x64xf32, #tpu.memory_space<hbm>>) dst(%dma_wait3A_528 : memref<128x64xf32, #tpu.memory_space<vmem>>)
      %dma_start3A_537 = arith.constant 9 : i32
      %dma_start3A_538 = arith.constant 9 : i32
      %dma_start3A_539 = arith.constant 9 : i32
      %dma_start3A_540 = arith.constant 0 : i32
      %dma_start3A_541 = arith.constant 0 : i32
      %dma_start3A_542 = tpu.memref_slice %arg9[%dma_start3A_537, %dma_start3A_540, %dma_start3A_541] : memref<10x128x64xf32, #tpu.memory_space<vmem>> -> memref<1x128x64xf32, #tpu.memory_space<vmem>>
      %dma_start3A_543 = tpu.memref_squeeze %dma_start3A_542 : memref<1x128x64xf32, #tpu.memory_space<vmem>> -> memref<128x64xf32, #tpu.memory_space<vmem>>
      %dma_start3A_544 = arith.constant 0 : i32
      %dma_start3A_545 = tpu.memref_slice %arg8[%rem3A_243, %dma_start3A_538, %dma_start3A_544] : memref<2x10x128xi32, #tpu.memory_space<vmem>> -> memref<1x1x128xi32, #tpu.memory_space<vmem>>
      %dma_start3A_546 = tpu.memref_squeeze %dma_start3A_545 : memref<1x1x128xi32, #tpu.memory_space<vmem>> -> memref<128xi32, #tpu.memory_space<vmem>>
      %dma_start3A_547 = arith.constant 0 : i32
      %dma_start3A_548 = arith.constant 0 : i32
      %dma_start3A_549 = tpu.memref_slice %arg10[%dma_start3A_547, %dma_start3A_548] : memref<10112x64xf32, #tpu.memory_space<vmem_shared>> -> memref<10112x64xf32, #tpu.memory_space<vmem_shared>>
      %dma_start3A_550 = tpu.memref_slice %arg12[%dma_start3A_539] : memref<10x!tpu.dma_semaphore, #tpu.memory_space<semaphore_mem>> -> memref<1x!tpu.dma_semaphore, #tpu.memory_space<semaphore_mem>>
      %dma_start3A_551 = tpu.memref_squeeze %dma_start3A_550 : memref<1x!tpu.dma_semaphore, #tpu.memory_space<semaphore_mem>> -> memref<!tpu.dma_semaphore, #tpu.memory_space<semaphore_mem>>
      tpu.enqueue_indirect_dma source(%dma_start3A_543 : memref<128x64xf32, #tpu.memory_space<vmem>>) target(%dma_start3A_549 : memref<10112x64xf32, #tpu.memory_space<vmem_shared>>) offsets(%dma_start3A_546 : memref<128xi32, #tpu.memory_space<vmem>>) semaphore(%dma_start3A_551 : memref<!tpu.dma_semaphore, #tpu.memory_space<semaphore_mem>>) {add = true}
      %convert_element_type3A_552 = arith.extui %lt3A_250 : i1 to i32
      %cond3A_553 = arith.constant 0 : i32
      %cond3A_554 = arith.cmpi ne, %convert_element_type3A_552, %cond3A_553 : i32
      scf.if %cond3A_554 {
        %dma_wait3A_735 = arith.constant 0 : i32
        %dma_wait3A_736 = arith.constant 0 : i32
        %dma_wait3A_737 = arith.constant 0 : i32
        %dma_wait3A_738 = tpu.memref_slice %arg7[%rem3A_247, %dma_wait3A_736, %dma_wait3A_737] : memref<2x10x128xi32, #tpu.memory_space<vmem>> -> memref<1x10x128xi32, #tpu.memory_space<vmem>>
        %dma_wait3A_739 = tpu.memref_squeeze %dma_wait3A_738 : memref<1x10x128xi32, #tpu.memory_space<vmem>> -> memref<10x128xi32, #tpu.memory_space<vmem>>
        %dma_wait3A_740 = arith.constant 0 : i32
        %dma_wait3A_741 = tpu.memref_slice %arg3[%add3A_242, %dma_wait3A_740] : memref<2560x128xi32, #tpu.memory_space<hbm>> -> memref<10x128xi32, #tpu.memory_space<hbm>>
        %dma_wait3A_742 = tpu.memref_slice %arg13[%dma_wait3A_735] : memref<2x!tpu.dma_semaphore, #tpu.memory_space<semaphore_mem>> -> memref<1x!tpu.dma_semaphore, #tpu.memory_space<semaphore_mem>>
        %dma_wait3A_743 = tpu.memref_squeeze %dma_wait3A_742 : memref<1x!tpu.dma_semaphore, #tpu.memory_space<semaphore_mem>> -> memref<!tpu.dma_semaphore, #tpu.memory_space<semaphore_mem>>
        %dma_wait3A_744 = arith.constant 0 : i32
        %dma_wait3A_745 = arith.constant 0 : i32
        %dma_wait3A_746 = tpu.memref_slice %arg7[%rem3A_247, %dma_wait3A_744, %dma_wait3A_745] : memref<2x10x128xi32, #tpu.memory_space<vmem>> -> memref<1x10x128xi32, #tpu.memory_space<vmem>>
        %dma_wait3A_747 = tpu.memref_squeeze %dma_wait3A_746 : memref<1x10x128xi32, #tpu.memory_space<vmem>> -> memref<10x128xi32, #tpu.memory_space<vmem>>
        %dma_wait3A_748 = arith.constant 0 : i32
        %dma_wait3A_749 = tpu.memref_slice %arg3[%add3A_242, %dma_wait3A_748] : memref<2560x128xi32, #tpu.memory_space<hbm>> -> memref<10x128xi32, #tpu.memory_space<hbm>>
        tpu.wait_dma2 semaphore(%dma_wait3A_743 : memref<!tpu.dma_semaphore, #tpu.memory_space<semaphore_mem>>) src(%dma_wait3A_749 : memref<10x128xi32, #tpu.memory_space<hbm>>) dst(%dma_wait3A_747 : memref<10x128xi32, #tpu.memory_space<vmem>>)
        %dma_wait3A_750 = arith.constant 1 : i32
        %dma_wait3A_751 = arith.constant 0 : i32
        %dma_wait3A_752 = arith.constant 0 : i32
        %dma_wait3A_753 = tpu.memref_slice %arg8[%rem3A_247, %dma_wait3A_751, %dma_wait3A_752] : memref<2x10x128xi32, #tpu.memory_space<vmem>> -> memref<1x10x128xi32, #tpu.memory_space<vmem>>
        %dma_wait3A_754 = tpu.memref_squeeze %dma_wait3A_753 : memref<1x10x128xi32, #tpu.memory_space<vmem>> -> memref<10x128xi32, #tpu.memory_space<vmem>>
        %dma_wait3A_755 = arith.constant 0 : i32
        %dma_wait3A_756 = tpu.memref_slice %arg4[%add3A_242, %dma_wait3A_755] : memref<2560x128xi32, #tpu.memory_space<hbm>> -> memref<10x128xi32, #tpu.memory_space<hbm>>
        %dma_wait3A_757 = tpu.memref_slice %arg13[%dma_wait3A_750] : memref<2x!tpu.dma_semaphore, #tpu.memory_space<semaphore_mem>> -> memref<1x!tpu.dma_semaphore, #tpu.memory_space<semaphore_mem>>
        %dma_wait3A_758 = tpu.memref_squeeze %dma_wait3A_757 : memref<1x!tpu.dma_semaphore, #tpu.memory_space<semaphore_mem>> -> memref<!tpu.dma_semaphore, #tpu.memory_space<semaphore_mem>>
        %dma_wait3A_759 = arith.constant 0 : i32
        %dma_wait3A_760 = arith.constant 0 : i32
        %dma_wait3A_761 = tpu.memref_slice %arg8[%rem3A_247, %dma_wait3A_759, %dma_wait3A_760] : memref<2x10x128xi32, #tpu.memory_space<vmem>> -> memref<1x10x128xi32, #tpu.memory_space<vmem>>
        %dma_wait3A_762 = tpu.memref_squeeze %dma_wait3A_761 : memref<1x10x128xi32, #tpu.memory_space<vmem>> -> memref<10x128xi32, #tpu.memory_space<vmem>>
        %dma_wait3A_763 = arith.constant 0 : i32
        %dma_wait3A_764 = tpu.memref_slice %arg4[%add3A_242, %dma_wait3A_763] : memref<2560x128xi32, #tpu.memory_space<hbm>> -> memref<10x128xi32, #tpu.memory_space<hbm>>
        tpu.wait_dma2 semaphore(%dma_wait3A_758 : memref<!tpu.dma_semaphore, #tpu.memory_space<semaphore_mem>>) src(%dma_wait3A_764 : memref<10x128xi32, #tpu.memory_space<hbm>>) dst(%dma_wait3A_762 : memref<10x128xi32, #tpu.memory_space<vmem>>)
      } else {
      }
      %dma_wait3A_555 = arith.constant 0 : i32
      %dma_wait3A_556 = arith.constant 0 : i32
      %dma_wait3A_557 = arith.constant 0 : i32
      %dma_wait3A_558 = arith.constant 0 : i32
      %dma_wait3A_559 = arith.constant 0 : i32
      %dma_wait3A_560 = tpu.memref_slice %arg9[%dma_wait3A_555, %dma_wait3A_558, %dma_wait3A_559] : memref<10x128x64xf32, #tpu.memory_space<vmem>> -> memref<1x128x64xf32, #tpu.memory_space<vmem>>
      %dma_wait3A_561 = tpu.memref_squeeze %dma_wait3A_560 : memref<1x128x64xf32, #tpu.memory_space<vmem>> -> memref<128x64xf32, #tpu.memory_space<vmem>>
      %dma_wait3A_562 = arith.constant 0 : i32
      %dma_wait3A_563 = tpu.memref_slice %arg8[%rem3A_243, %dma_wait3A_556, %dma_wait3A_562] : memref<2x10x128xi32, #tpu.memory_space<vmem>> -> memref<1x1x128xi32, #tpu.memory_space<vmem>>
      %dma_wait3A_564 = tpu.memref_squeeze %dma_wait3A_563 : memref<1x1x128xi32, #tpu.memory_space<vmem>> -> memref<128xi32, #tpu.memory_space<vmem>>
      %dma_wait3A_565 = arith.constant 0 : i32
      %dma_wait3A_566 = arith.constant 0 : i32
      %dma_wait3A_567 = tpu.memref_slice %arg10[%dma_wait3A_565, %dma_wait3A_566] : memref<10112x64xf32, #tpu.memory_space<vmem_shared>> -> memref<10112x64xf32, #tpu.memory_space<vmem_shared>>
      %dma_wait3A_568 = tpu.memref_slice %arg12[%dma_wait3A_557] : memref<10x!tpu.dma_semaphore, #tpu.memory_space<semaphore_mem>> -> memref<1x!tpu.dma_semaphore, #tpu.memory_space<semaphore_mem>>
      %dma_wait3A_569 = tpu.memref_squeeze %dma_wait3A_568 : memref<1x!tpu.dma_semaphore, #tpu.memory_space<semaphore_mem>> -> memref<!tpu.dma_semaphore, #tpu.memory_space<semaphore_mem>>
      tpu.wait_indirect_dma semaphore(%dma_wait3A_569 : memref<!tpu.dma_semaphore, #tpu.memory_space<semaphore_mem>>) src(%dma_wait3A_561 : memref<128x64xf32, #tpu.memory_space<vmem>>) dst(%dma_wait3A_567 : memref<10112x64xf32, #tpu.memory_space<vmem_shared>>)
      %convert_element_type3A_570 = arith.extui %lt3A_250 : i1 to i32
      %cond3A_571 = arith.constant 0 : i32
      %cond3A_572 = arith.cmpi ne, %convert_element_type3A_570, %cond3A_571 : i32
      scf.if %cond3A_572 {
        %dma_start3A_735 = arith.constant 0 : i32
        %dma_start3A_736 = arith.constant 0 : i32
        %dma_start3A_737 = arith.constant 0 : i32
        %dma_start3A_738 = arith.constant 0 : i32
        %dma_start3A_739 = arith.constant 0 : i32
        %dma_start3A_740 = tpu.memref_slice %arg9[%dma_start3A_736, %dma_start3A_738, %dma_start3A_739] : memref<10x128x64xf32, #tpu.memory_space<vmem>> -> memref<1x128x64xf32, #tpu.memory_space<vmem>>
        %dma_start3A_741 = tpu.memref_squeeze %dma_start3A_740 : memref<1x128x64xf32, #tpu.memory_space<vmem>> -> memref<128x64xf32, #tpu.memory_space<vmem>>
        %dma_start3A_742 = arith.constant 0 : i32
        %dma_start3A_743 = tpu.memref_slice %arg7[%rem3A_247, %dma_start3A_735, %dma_start3A_742] : memref<2x10x128xi32, #tpu.memory_space<vmem>> -> memref<1x1x128xi32, #tpu.memory_space<vmem>>
        %dma_start3A_744 = tpu.memref_squeeze %dma_start3A_743 : memref<1x1x128xi32, #tpu.memory_space<vmem>> -> memref<128xi32, #tpu.memory_space<vmem>>
        %dma_start3A_745 = arith.constant 0 : i32
        %dma_start3A_746 = arith.constant 0 : i32
        %dma_start3A_747 = tpu.memref_slice %arg2[%dma_start3A_745, %dma_start3A_746] : memref<10000x64xf32, #tpu.memory_space<hbm>> -> memref<10000x64xf32, #tpu.memory_space<hbm>>
        %dma_start3A_748 = tpu.memref_slice %arg11[%dma_start3A_737] : memref<10x!tpu.dma_semaphore, #tpu.memory_space<semaphore_mem>> -> memref<1x!tpu.dma_semaphore, #tpu.memory_space<semaphore_mem>>
        %dma_start3A_749 = tpu.memref_squeeze %dma_start3A_748 : memref<1x!tpu.dma_semaphore, #tpu.memory_space<semaphore_mem>> -> memref<!tpu.dma_semaphore, #tpu.memory_space<semaphore_mem>>
        tpu.enqueue_indirect_dma source(%dma_start3A_747 : memref<10000x64xf32, #tpu.memory_space<hbm>>) target(%dma_start3A_741 : memref<128x64xf32, #tpu.memory_space<vmem>>) offsets(%dma_start3A_744 : memref<128xi32, #tpu.memory_space<vmem>>) semaphore(%dma_start3A_749 : memref<!tpu.dma_semaphore, #tpu.memory_space<semaphore_mem>>)
      } else {
      }
      %dma_wait3A_573 = arith.constant 1 : i32
      %dma_wait3A_574 = arith.constant 1 : i32
      %dma_wait3A_575 = arith.constant 1 : i32
      %dma_wait3A_576 = arith.constant 0 : i32
      %dma_wait3A_577 = arith.constant 0 : i32
      %dma_wait3A_578 = tpu.memref_slice %arg9[%dma_wait3A_573, %dma_wait3A_576, %dma_wait3A_577] : memref<10x128x64xf32, #tpu.memory_space<vmem>> -> memref<1x128x64xf32, #tpu.memory_space<vmem>>
      %dma_wait3A_579 = tpu.memref_squeeze %dma_wait3A_578 : memref<1x128x64xf32, #tpu.memory_space<vmem>> -> memref<128x64xf32, #tpu.memory_space<vmem>>
      %dma_wait3A_580 = arith.constant 0 : i32
      %dma_wait3A_581 = tpu.memref_slice %arg8[%rem3A_243, %dma_wait3A_574, %dma_wait3A_580] : memref<2x10x128xi32, #tpu.memory_space<vmem>> -> memref<1x1x128xi32, #tpu.memory_space<vmem>>
      %dma_wait3A_582 = tpu.memref_squeeze %dma_wait3A_581 : memref<1x1x128xi32, #tpu.memory_space<vmem>> -> memref<128xi32, #tpu.memory_space<vmem>>
      %dma_wait3A_583 = arith.constant 0 : i32
      %dma_wait3A_584 = arith.constant 0 : i32
      %dma_wait3A_585 = tpu.memref_slice %arg10[%dma_wait3A_583, %dma_wait3A_584] : memref<10112x64xf32, #tpu.memory_space<vmem_shared>> -> memref<10112x64xf32, #tpu.memory_space<vmem_shared>>
      %dma_wait3A_586 = tpu.memref_slice %arg12[%dma_wait3A_575] : memref<10x!tpu.dma_semaphore, #tpu.memory_space<semaphore_mem>> -> memref<1x!tpu.dma_semaphore, #tpu.memory_space<semaphore_mem>>
      %dma_wait3A_587 = tpu.memref_squeeze %dma_wait3A_586 : memref<1x!tpu.dma_semaphore, #tpu.memory_space<semaphore_mem>> -> memref<!tpu.dma_semaphore, #tpu.memory_space<semaphore_mem>>
      tpu.wait_indirect_dma semaphore(%dma_wait3A_587 : memref<!tpu.dma_semaphore, #tpu.memory_space<semaphore_mem>>) src(%dma_wait3A_579 : memref<128x64xf32, #tpu.memory_space<vmem>>) dst(%dma_wait3A_585 : memref<10112x64xf32, #tpu.memory_space<vmem_shared>>)
      %convert_element_type3A_588 = arith.extui %lt3A_250 : i1 to i32
      %cond3A_589 = arith.constant 0 : i32
      %cond3A_590 = arith.cmpi ne, %convert_element_type3A_588, %cond3A_589 : i32
      scf.if %cond3A_590 {
        %dma_start3A_735 = arith.constant 1 : i32
        %dma_start3A_736 = arith.constant 1 : i32
        %dma_start3A_737 = arith.constant 1 : i32
        %dma_start3A_738 = arith.constant 0 : i32
        %dma_start3A_739 = arith.constant 0 : i32
        %dma_start3A_740 = tpu.memref_slice %arg9[%dma_start3A_736, %dma_start3A_738, %dma_start3A_739] : memref<10x128x64xf32, #tpu.memory_space<vmem>> -> memref<1x128x64xf32, #tpu.memory_space<vmem>>
        %dma_start3A_741 = tpu.memref_squeeze %dma_start3A_740 : memref<1x128x64xf32, #tpu.memory_space<vmem>> -> memref<128x64xf32, #tpu.memory_space<vmem>>
        %dma_start3A_742 = arith.constant 0 : i32
        %dma_start3A_743 = tpu.memref_slice %arg7[%rem3A_247, %dma_start3A_735, %dma_start3A_742] : memref<2x10x128xi32, #tpu.memory_space<vmem>> -> memref<1x1x128xi32, #tpu.memory_space<vmem>>
        %dma_start3A_744 = tpu.memref_squeeze %dma_start3A_743 : memref<1x1x128xi32, #tpu.memory_space<vmem>> -> memref<128xi32, #tpu.memory_space<vmem>>
        %dma_start3A_745 = arith.constant 0 : i32
        %dma_start3A_746 = arith.constant 0 : i32
        %dma_start3A_747 = tpu.memref_slice %arg2[%dma_start3A_745, %dma_start3A_746] : memref<10000x64xf32, #tpu.memory_space<hbm>> -> memref<10000x64xf32, #tpu.memory_space<hbm>>
        %dma_start3A_748 = tpu.memref_slice %arg11[%dma_start3A_737] : memref<10x!tpu.dma_semaphore, #tpu.memory_space<semaphore_mem>> -> memref<1x!tpu.dma_semaphore, #tpu.memory_space<semaphore_mem>>
        %dma_start3A_749 = tpu.memref_squeeze %dma_start3A_748 : memref<1x!tpu.dma_semaphore, #tpu.memory_space<semaphore_mem>> -> memref<!tpu.dma_semaphore, #tpu.memory_space<semaphore_mem>>
        tpu.enqueue_indirect_dma source(%dma_start3A_747 : memref<10000x64xf32, #tpu.memory_space<hbm>>) target(%dma_start3A_741 : memref<128x64xf32, #tpu.memory_space<vmem>>) offsets(%dma_start3A_744 : memref<128xi32, #tpu.memory_space<vmem>>) semaphore(%dma_start3A_749 : memref<!tpu.dma_semaphore, #tpu.memory_space<semaphore_mem>>)
      } else {
      }
      %dma_wait3A_591 = arith.constant 2 : i32
      %dma_wait3A_592 = arith.constant 2 : i32
      %dma_wait3A_593 = arith.constant 2 : i32
      %dma_wait3A_594 = arith.constant 0 : i32
      %dma_wait3A_595 = arith.constant 0 : i32
      %dma_wait3A_596 = tpu.memref_slice %arg9[%dma_wait3A_591, %dma_wait3A_594, %dma_wait3A_595] : memref<10x128x64xf32, #tpu.memory_space<vmem>> -> memref<1x128x64xf32, #tpu.memory_space<vmem>>
      %dma_wait3A_597 = tpu.memref_squeeze %dma_wait3A_596 : memref<1x128x64xf32, #tpu.memory_space<vmem>> -> memref<128x64xf32, #tpu.memory_space<vmem>>
      %dma_wait3A_598 = arith.constant 0 : i32
      %dma_wait3A_599 = tpu.memref_slice %arg8[%rem3A_243, %dma_wait3A_592, %dma_wait3A_598] : memref<2x10x128xi32, #tpu.memory_space<vmem>> -> memref<1x1x128xi32, #tpu.memory_space<vmem>>
      %dma_wait3A_600 = tpu.memref_squeeze %dma_wait3A_599 : memref<1x1x128xi32, #tpu.memory_space<vmem>> -> memref<128xi32, #tpu.memory_space<vmem>>
      %dma_wait3A_601 = arith.constant 0 : i32
      %dma_wait3A_602 = arith.constant 0 : i32
      %dma_wait3A_603 = tpu.memref_slice %arg10[%dma_wait3A_601, %dma_wait3A_602] : memref<10112x64xf32, #tpu.memory_space<vmem_shared>> -> memref<10112x64xf32, #tpu.memory_space<vmem_shared>>
      %dma_wait3A_604 = tpu.memref_slice %arg12[%dma_wait3A_593] : memref<10x!tpu.dma_semaphore, #tpu.memory_space<semaphore_mem>> -> memref<1x!tpu.dma_semaphore, #tpu.memory_space<semaphore_mem>>
      %dma_wait3A_605 = tpu.memref_squeeze %dma_wait3A_604 : memref<1x!tpu.dma_semaphore, #tpu.memory_space<semaphore_mem>> -> memref<!tpu.dma_semaphore, #tpu.memory_space<semaphore_mem>>
      tpu.wait_indirect_dma semaphore(%dma_wait3A_605 : memref<!tpu.dma_semaphore, #tpu.memory_space<semaphore_mem>>) src(%dma_wait3A_597 : memref<128x64xf32, #tpu.memory_space<vmem>>) dst(%dma_wait3A_603 : memref<10112x64xf32, #tpu.memory_space<vmem_shared>>)
      %convert_element_type3A_606 = arith.extui %lt3A_250 : i1 to i32
      %cond3A_607 = arith.constant 0 : i32
      %cond3A_608 = arith.cmpi ne, %convert_element_type3A_606, %cond3A_607 : i32
      scf.if %cond3A_608 {
        %dma_start3A_735 = arith.constant 2 : i32
        %dma_start3A_736 = arith.constant 2 : i32
        %dma_start3A_737 = arith.constant 2 : i32
        %dma_start3A_738 = arith.constant 0 : i32
        %dma_start3A_739 = arith.constant 0 : i32
        %dma_start3A_740 = tpu.memref_slice %arg9[%dma_start3A_736, %dma_start3A_738, %dma_start3A_739] : memref<10x128x64xf32, #tpu.memory_space<vmem>> -> memref<1x128x64xf32, #tpu.memory_space<vmem>>
        %dma_start3A_741 = tpu.memref_squeeze %dma_start3A_740 : memref<1x128x64xf32, #tpu.memory_space<vmem>> -> memref<128x64xf32, #tpu.memory_space<vmem>>
        %dma_start3A_742 = arith.constant 0 : i32
        %dma_start3A_743 = tpu.memref_slice %arg7[%rem3A_247, %dma_start3A_735, %dma_start3A_742] : memref<2x10x128xi32, #tpu.memory_space<vmem>> -> memref<1x1x128xi32, #tpu.memory_space<vmem>>
        %dma_start3A_744 = tpu.memref_squeeze %dma_start3A_743 : memref<1x1x128xi32, #tpu.memory_space<vmem>> -> memref<128xi32, #tpu.memory_space<vmem>>
        %dma_start3A_745 = arith.constant 0 : i32
        %dma_start3A_746 = arith.constant 0 : i32
        %dma_start3A_747 = tpu.memref_slice %arg2[%dma_start3A_745, %dma_start3A_746] : memref<10000x64xf32, #tpu.memory_space<hbm>> -> memref<10000x64xf32, #tpu.memory_space<hbm>>
        %dma_start3A_748 = tpu.memref_slice %arg11[%dma_start3A_737] : memref<10x!tpu.dma_semaphore, #tpu.memory_space<semaphore_mem>> -> memref<1x!tpu.dma_semaphore, #tpu.memory_space<semaphore_mem>>
        %dma_start3A_749 = tpu.memref_squeeze %dma_start3A_748 : memref<1x!tpu.dma_semaphore, #tpu.memory_space<semaphore_mem>> -> memref<!tpu.dma_semaphore, #tpu.memory_space<semaphore_mem>>
        tpu.enqueue_indirect_dma source(%dma_start3A_747 : memref<10000x64xf32, #tpu.memory_space<hbm>>) target(%dma_start3A_741 : memref<128x64xf32, #tpu.memory_space<vmem>>) offsets(%dma_start3A_744 : memref<128xi32, #tpu.memory_space<vmem>>) semaphore(%dma_start3A_749 : memref<!tpu.dma_semaphore, #tpu.memory_space<semaphore_mem>>)
      } else {
      }
      %dma_wait3A_609 = arith.constant 3 : i32
      %dma_wait3A_610 = arith.constant 3 : i32
      %dma_wait3A_611 = arith.constant 3 : i32
      %dma_wait3A_612 = arith.constant 0 : i32
      %dma_wait3A_613 = arith.constant 0 : i32
      %dma_wait3A_614 = tpu.memref_slice %arg9[%dma_wait3A_609, %dma_wait3A_612, %dma_wait3A_613] : memref<10x128x64xf32, #tpu.memory_space<vmem>> -> memref<1x128x64xf32, #tpu.memory_space<vmem>>
      %dma_wait3A_615 = tpu.memref_squeeze %dma_wait3A_614 : memref<1x128x64xf32, #tpu.memory_space<vmem>> -> memref<128x64xf32, #tpu.memory_space<vmem>>
      %dma_wait3A_616 = arith.constant 0 : i32
      %dma_wait3A_617 = tpu.memref_slice %arg8[%rem3A_243, %dma_wait3A_610, %dma_wait3A_616] : memref<2x10x128xi32, #tpu.memory_space<vmem>> -> memref<1x1x128xi32, #tpu.memory_space<vmem>>
      %dma_wait3A_618 = tpu.memref_squeeze %dma_wait3A_617 : memref<1x1x128xi32, #tpu.memory_space<vmem>> -> memref<128xi32, #tpu.memory_space<vmem>>
      %dma_wait3A_619 = arith.constant 0 : i32
      %dma_wait3A_620 = arith.constant 0 : i32
      %dma_wait3A_621 = tpu.memref_slice %arg10[%dma_wait3A_619, %dma_wait3A_620] : memref<10112x64xf32, #tpu.memory_space<vmem_shared>> -> memref<10112x64xf32, #tpu.memory_space<vmem_shared>>
      %dma_wait3A_622 = tpu.memref_slice %arg12[%dma_wait3A_611] : memref<10x!tpu.dma_semaphore, #tpu.memory_space<semaphore_mem>> -> memref<1x!tpu.dma_semaphore, #tpu.memory_space<semaphore_mem>>
      %dma_wait3A_623 = tpu.memref_squeeze %dma_wait3A_622 : memref<1x!tpu.dma_semaphore, #tpu.memory_space<semaphore_mem>> -> memref<!tpu.dma_semaphore, #tpu.memory_space<semaphore_mem>>
      tpu.wait_indirect_dma semaphore(%dma_wait3A_623 : memref<!tpu.dma_semaphore, #tpu.memory_space<semaphore_mem>>) src(%dma_wait3A_615 : memref<128x64xf32, #tpu.memory_space<vmem>>) dst(%dma_wait3A_621 : memref<10112x64xf32, #tpu.memory_space<vmem_shared>>)
      %convert_element_type3A_624 = arith.extui %lt3A_250 : i1 to i32
      %cond3A_625 = arith.constant 0 : i32
      %cond3A_626 = arith.cmpi ne, %convert_element_type3A_624, %cond3A_625 : i32
      scf.if %cond3A_626 {
        %dma_start3A_735 = arith.constant 3 : i32
        %dma_start3A_736 = arith.constant 3 : i32
        %dma_start3A_737 = arith.constant 3 : i32
        %dma_start3A_738 = arith.constant 0 : i32
        %dma_start3A_739 = arith.constant 0 : i32
        %dma_start3A_740 = tpu.memref_slice %arg9[%dma_start3A_736, %dma_start3A_738, %dma_start3A_739] : memref<10x128x64xf32, #tpu.memory_space<vmem>> -> memref<1x128x64xf32, #tpu.memory_space<vmem>>
        %dma_start3A_741 = tpu.memref_squeeze %dma_start3A_740 : memref<1x128x64xf32, #tpu.memory_space<vmem>> -> memref<128x64xf32, #tpu.memory_space<vmem>>
        %dma_start3A_742 = arith.constant 0 : i32
        %dma_start3A_743 = tpu.memref_slice %arg7[%rem3A_247, %dma_start3A_735, %dma_start3A_742] : memref<2x10x128xi32, #tpu.memory_space<vmem>> -> memref<1x1x128xi32, #tpu.memory_space<vmem>>
        %dma_start3A_744 = tpu.memref_squeeze %dma_start3A_743 : memref<1x1x128xi32, #tpu.memory_space<vmem>> -> memref<128xi32, #tpu.memory_space<vmem>>
        %dma_start3A_745 = arith.constant 0 : i32
        %dma_start3A_746 = arith.constant 0 : i32
        %dma_start3A_747 = tpu.memref_slice %arg2[%dma_start3A_745, %dma_start3A_746] : memref<10000x64xf32, #tpu.memory_space<hbm>> -> memref<10000x64xf32, #tpu.memory_space<hbm>>
        %dma_start3A_748 = tpu.memref_slice %arg11[%dma_start3A_737] : memref<10x!tpu.dma_semaphore, #tpu.memory_space<semaphore_mem>> -> memref<1x!tpu.dma_semaphore, #tpu.memory_space<semaphore_mem>>
        %dma_start3A_749 = tpu.memref_squeeze %dma_start3A_748 : memref<1x!tpu.dma_semaphore, #tpu.memory_space<semaphore_mem>> -> memref<!tpu.dma_semaphore, #tpu.memory_space<semaphore_mem>>
        tpu.enqueue_indirect_dma source(%dma_start3A_747 : memref<10000x64xf32, #tpu.memory_space<hbm>>) target(%dma_start3A_741 : memref<128x64xf32, #tpu.memory_space<vmem>>) offsets(%dma_start3A_744 : memref<128xi32, #tpu.memory_space<vmem>>) semaphore(%dma_start3A_749 : memref<!tpu.dma_semaphore, #tpu.memory_space<semaphore_mem>>)
      } else {
      }
      %dma_wait3A_627 = arith.constant 4 : i32
      %dma_wait3A_628 = arith.constant 4 : i32
      %dma_wait3A_629 = arith.constant 4 : i32
      %dma_wait3A_630 = arith.constant 0 : i32
      %dma_wait3A_631 = arith.constant 0 : i32
      %dma_wait3A_632 = tpu.memref_slice %arg9[%dma_wait3A_627, %dma_wait3A_630, %dma_wait3A_631] : memref<10x128x64xf32, #tpu.memory_space<vmem>> -> memref<1x128x64xf32, #tpu.memory_space<vmem>>
      %dma_wait3A_633 = tpu.memref_squeeze %dma_wait3A_632 : memref<1x128x64xf32, #tpu.memory_space<vmem>> -> memref<128x64xf32, #tpu.memory_space<vmem>>
      %dma_wait3A_634 = arith.constant 0 : i32
      %dma_wait3A_635 = tpu.memref_slice %arg8[%rem3A_243, %dma_wait3A_628, %dma_wait3A_634] : memref<2x10x128xi32, #tpu.memory_space<vmem>> -> memref<1x1x128xi32, #tpu.memory_space<vmem>>
      %dma_wait3A_636 = tpu.memref_squeeze %dma_wait3A_635 : memref<1x1x128xi32, #tpu.memory_space<vmem>> -> memref<128xi32, #tpu.memory_space<vmem>>
      %dma_wait3A_637 = arith.constant 0 : i32
      %dma_wait3A_638 = arith.constant 0 : i32
      %dma_wait3A_639 = tpu.memref_slice %arg10[%dma_wait3A_637, %dma_wait3A_638] : memref<10112x64xf32, #tpu.memory_space<vmem_shared>> -> memref<10112x64xf32, #tpu.memory_space<vmem_shared>>
      %dma_wait3A_640 = tpu.memref_slice %arg12[%dma_wait3A_629] : memref<10x!tpu.dma_semaphore, #tpu.memory_space<semaphore_mem>> -> memref<1x!tpu.dma_semaphore, #tpu.memory_space<semaphore_mem>>
      %dma_wait3A_641 = tpu.memref_squeeze %dma_wait3A_640 : memref<1x!tpu.dma_semaphore, #tpu.memory_space<semaphore_mem>> -> memref<!tpu.dma_semaphore, #tpu.memory_space<semaphore_mem>>
      tpu.wait_indirect_dma semaphore(%dma_wait3A_641 : memref<!tpu.dma_semaphore, #tpu.memory_space<semaphore_mem>>) src(%dma_wait3A_633 : memref<128x64xf32, #tpu.memory_space<vmem>>) dst(%dma_wait3A_639 : memref<10112x64xf32, #tpu.memory_space<vmem_shared>>)
      %convert_element_type3A_642 = arith.extui %lt3A_250 : i1 to i32
      %cond3A_643 = arith.constant 0 : i32
      %cond3A_644 = arith.cmpi ne, %convert_element_type3A_642, %cond3A_643 : i32
      scf.if %cond3A_644 {
        %dma_start3A_735 = arith.constant 4 : i32
        %dma_start3A_736 = arith.constant 4 : i32
        %dma_start3A_737 = arith.constant 4 : i32
        %dma_start3A_738 = arith.constant 0 : i32
        %dma_start3A_739 = arith.constant 0 : i32
        %dma_start3A_740 = tpu.memref_slice %arg9[%dma_start3A_736, %dma_start3A_738, %dma_start3A_739] : memref<10x128x64xf32, #tpu.memory_space<vmem>> -> memref<1x128x64xf32, #tpu.memory_space<vmem>>
        %dma_start3A_741 = tpu.memref_squeeze %dma_start3A_740 : memref<1x128x64xf32, #tpu.memory_space<vmem>> -> memref<128x64xf32, #tpu.memory_space<vmem>>
        %dma_start3A_742 = arith.constant 0 : i32
        %dma_start3A_743 = tpu.memref_slice %arg7[%rem3A_247, %dma_start3A_735, %dma_start3A_742] : memref<2x10x128xi32, #tpu.memory_space<vmem>> -> memref<1x1x128xi32, #tpu.memory_space<vmem>>
        %dma_start3A_744 = tpu.memref_squeeze %dma_start3A_743 : memref<1x1x128xi32, #tpu.memory_space<vmem>> -> memref<128xi32, #tpu.memory_space<vmem>>
        %dma_start3A_745 = arith.constant 0 : i32
        %dma_start3A_746 = arith.constant 0 : i32
        %dma_start3A_747 = tpu.memref_slice %arg2[%dma_start3A_745, %dma_start3A_746] : memref<10000x64xf32, #tpu.memory_space<hbm>> -> memref<10000x64xf32, #tpu.memory_space<hbm>>
        %dma_start3A_748 = tpu.memref_slice %arg11[%dma_start3A_737] : memref<10x!tpu.dma_semaphore, #tpu.memory_space<semaphore_mem>> -> memref<1x!tpu.dma_semaphore, #tpu.memory_space<semaphore_mem>>
        %dma_start3A_749 = tpu.memref_squeeze %dma_start3A_748 : memref<1x!tpu.dma_semaphore, #tpu.memory_space<semaphore_mem>> -> memref<!tpu.dma_semaphore, #tpu.memory_space<semaphore_mem>>
        tpu.enqueue_indirect_dma source(%dma_start3A_747 : memref<10000x64xf32, #tpu.memory_space<hbm>>) target(%dma_start3A_741 : memref<128x64xf32, #tpu.memory_space<vmem>>) offsets(%dma_start3A_744 : memref<128xi32, #tpu.memory_space<vmem>>) semaphore(%dma_start3A_749 : memref<!tpu.dma_semaphore, #tpu.memory_space<semaphore_mem>>)
      } else {
      }
      %dma_wait3A_645 = arith.constant 5 : i32
      %dma_wait3A_646 = arith.constant 5 : i32
      %dma_wait3A_647 = arith.constant 5 : i32
      %dma_wait3A_648 = arith.constant 0 : i32
      %dma_wait3A_649 = arith.constant 0 : i32
      %dma_wait3A_650 = tpu.memref_slice %arg9[%dma_wait3A_645, %dma_wait3A_648, %dma_wait3A_649] : memref<10x128x64xf32, #tpu.memory_space<vmem>> -> memref<1x128x64xf32, #tpu.memory_space<vmem>>
      %dma_wait3A_651 = tpu.memref_squeeze %dma_wait3A_650 : memref<1x128x64xf32, #tpu.memory_space<vmem>> -> memref<128x64xf32, #tpu.memory_space<vmem>>
      %dma_wait3A_652 = arith.constant 0 : i32
      %dma_wait3A_653 = tpu.memref_slice %arg8[%rem3A_243, %dma_wait3A_646, %dma_wait3A_652] : memref<2x10x128xi32, #tpu.memory_space<vmem>> -> memref<1x1x128xi32, #tpu.memory_space<vmem>>
      %dma_wait3A_654 = tpu.memref_squeeze %dma_wait3A_653 : memref<1x1x128xi32, #tpu.memory_space<vmem>> -> memref<128xi32, #tpu.memory_space<vmem>>
      %dma_wait3A_655 = arith.constant 0 : i32
      %dma_wait3A_656 = arith.constant 0 : i32
      %dma_wait3A_657 = tpu.memref_slice %arg10[%dma_wait3A_655, %dma_wait3A_656] : memref<10112x64xf32, #tpu.memory_space<vmem_shared>> -> memref<10112x64xf32, #tpu.memory_space<vmem_shared>>
      %dma_wait3A_658 = tpu.memref_slice %arg12[%dma_wait3A_647] : memref<10x!tpu.dma_semaphore, #tpu.memory_space<semaphore_mem>> -> memref<1x!tpu.dma_semaphore, #tpu.memory_space<semaphore_mem>>
      %dma_wait3A_659 = tpu.memref_squeeze %dma_wait3A_658 : memref<1x!tpu.dma_semaphore, #tpu.memory_space<semaphore_mem>> -> memref<!tpu.dma_semaphore, #tpu.memory_space<semaphore_mem>>
      tpu.wait_indirect_dma semaphore(%dma_wait3A_659 : memref<!tpu.dma_semaphore, #tpu.memory_space<semaphore_mem>>) src(%dma_wait3A_651 : memref<128x64xf32, #tpu.memory_space<vmem>>) dst(%dma_wait3A_657 : memref<10112x64xf32, #tpu.memory_space<vmem_shared>>)
      %convert_element_type3A_660 = arith.extui %lt3A_250 : i1 to i32
      %cond3A_661 = arith.constant 0 : i32
      %cond3A_662 = arith.cmpi ne, %convert_element_type3A_660, %cond3A_661 : i32
      scf.if %cond3A_662 {
        %dma_start3A_735 = arith.constant 5 : i32
        %dma_start3A_736 = arith.constant 5 : i32
        %dma_start3A_737 = arith.constant 5 : i32
        %dma_start3A_738 = arith.constant 0 : i32
        %dma_start3A_739 = arith.constant 0 : i32
        %dma_start3A_740 = tpu.memref_slice %arg9[%dma_start3A_736, %dma_start3A_738, %dma_start3A_739] : memref<10x128x64xf32, #tpu.memory_space<vmem>> -> memref<1x128x64xf32, #tpu.memory_space<vmem>>
        %dma_start3A_741 = tpu.memref_squeeze %dma_start3A_740 : memref<1x128x64xf32, #tpu.memory_space<vmem>> -> memref<128x64xf32, #tpu.memory_space<vmem>>
        %dma_start3A_742 = arith.constant 0 : i32
        %dma_start3A_743 = tpu.memref_slice %arg7[%rem3A_247, %dma_start3A_735, %dma_start3A_742] : memref<2x10x128xi32, #tpu.memory_space<vmem>> -> memref<1x1x128xi32, #tpu.memory_space<vmem>>
        %dma_start3A_744 = tpu.memref_squeeze %dma_start3A_743 : memref<1x1x128xi32, #tpu.memory_space<vmem>> -> memref<128xi32, #tpu.memory_space<vmem>>
        %dma_start3A_745 = arith.constant 0 : i32
        %dma_start3A_746 = arith.constant 0 : i32
        %dma_start3A_747 = tpu.memref_slice %arg2[%dma_start3A_745, %dma_start3A_746] : memref<10000x64xf32, #tpu.memory_space<hbm>> -> memref<10000x64xf32, #tpu.memory_space<hbm>>
        %dma_start3A_748 = tpu.memref_slice %arg11[%dma_start3A_737] : memref<10x!tpu.dma_semaphore, #tpu.memory_space<semaphore_mem>> -> memref<1x!tpu.dma_semaphore, #tpu.memory_space<semaphore_mem>>
        %dma_start3A_749 = tpu.memref_squeeze %dma_start3A_748 : memref<1x!tpu.dma_semaphore, #tpu.memory_space<semaphore_mem>> -> memref<!tpu.dma_semaphore, #tpu.memory_space<semaphore_mem>>
        tpu.enqueue_indirect_dma source(%dma_start3A_747 : memref<10000x64xf32, #tpu.memory_space<hbm>>) target(%dma_start3A_741 : memref<128x64xf32, #tpu.memory_space<vmem>>) offsets(%dma_start3A_744 : memref<128xi32, #tpu.memory_space<vmem>>) semaphore(%dma_start3A_749 : memref<!tpu.dma_semaphore, #tpu.memory_space<semaphore_mem>>)
      } else {
      }
      %dma_wait3A_663 = arith.constant 6 : i32
      %dma_wait3A_664 = arith.constant 6 : i32
      %dma_wait3A_665 = arith.constant 6 : i32
      %dma_wait3A_666 = arith.constant 0 : i32
      %dma_wait3A_667 = arith.constant 0 : i32
      %dma_wait3A_668 = tpu.memref_slice %arg9[%dma_wait3A_663, %dma_wait3A_666, %dma_wait3A_667] : memref<10x128x64xf32, #tpu.memory_space<vmem>> -> memref<1x128x64xf32, #tpu.memory_space<vmem>>
      %dma_wait3A_669 = tpu.memref_squeeze %dma_wait3A_668 : memref<1x128x64xf32, #tpu.memory_space<vmem>> -> memref<128x64xf32, #tpu.memory_space<vmem>>
      %dma_wait3A_670 = arith.constant 0 : i32
      %dma_wait3A_671 = tpu.memref_slice %arg8[%rem3A_243, %dma_wait3A_664, %dma_wait3A_670] : memref<2x10x128xi32, #tpu.memory_space<vmem>> -> memref<1x1x128xi32, #tpu.memory_space<vmem>>
      %dma_wait3A_672 = tpu.memref_squeeze %dma_wait3A_671 : memref<1x1x128xi32, #tpu.memory_space<vmem>> -> memref<128xi32, #tpu.memory_space<vmem>>
      %dma_wait3A_673 = arith.constant 0 : i32
      %dma_wait3A_674 = arith.constant 0 : i32
      %dma_wait3A_675 = tpu.memref_slice %arg10[%dma_wait3A_673, %dma_wait3A_674] : memref<10112x64xf32, #tpu.memory_space<vmem_shared>> -> memref<10112x64xf32, #tpu.memory_space<vmem_shared>>
      %dma_wait3A_676 = tpu.memref_slice %arg12[%dma_wait3A_665] : memref<10x!tpu.dma_semaphore, #tpu.memory_space<semaphore_mem>> -> memref<1x!tpu.dma_semaphore, #tpu.memory_space<semaphore_mem>>
      %dma_wait3A_677 = tpu.memref_squeeze %dma_wait3A_676 : memref<1x!tpu.dma_semaphore, #tpu.memory_space<semaphore_mem>> -> memref<!tpu.dma_semaphore, #tpu.memory_space<semaphore_mem>>
      tpu.wait_indirect_dma semaphore(%dma_wait3A_677 : memref<!tpu.dma_semaphore, #tpu.memory_space<semaphore_mem>>) src(%dma_wait3A_669 : memref<128x64xf32, #tpu.memory_space<vmem>>) dst(%dma_wait3A_675 : memref<10112x64xf32, #tpu.memory_space<vmem_shared>>)
      %convert_element_type3A_678 = arith.extui %lt3A_250 : i1 to i32
      %cond3A_679 = arith.constant 0 : i32
      %cond3A_680 = arith.cmpi ne, %convert_element_type3A_678, %cond3A_679 : i32
      scf.if %cond3A_680 {
        %dma_start3A_735 = arith.constant 6 : i32
        %dma_start3A_736 = arith.constant 6 : i32
        %dma_start3A_737 = arith.constant 6 : i32
        %dma_start3A_738 = arith.constant 0 : i32
        %dma_start3A_739 = arith.constant 0 : i32
        %dma_start3A_740 = tpu.memref_slice %arg9[%dma_start3A_736, %dma_start3A_738, %dma_start3A_739] : memref<10x128x64xf32, #tpu.memory_space<vmem>> -> memref<1x128x64xf32, #tpu.memory_space<vmem>>
        %dma_start3A_741 = tpu.memref_squeeze %dma_start3A_740 : memref<1x128x64xf32, #tpu.memory_space<vmem>> -> memref<128x64xf32, #tpu.memory_space<vmem>>
        %dma_start3A_742 = arith.constant 0 : i32
        %dma_start3A_743 = tpu.memref_slice %arg7[%rem3A_247, %dma_start3A_735, %dma_start3A_742] : memref<2x10x128xi32, #tpu.memory_space<vmem>> -> memref<1x1x128xi32, #tpu.memory_space<vmem>>
        %dma_start3A_744 = tpu.memref_squeeze %dma_start3A_743 : memref<1x1x128xi32, #tpu.memory_space<vmem>> -> memref<128xi32, #tpu.memory_space<vmem>>
        %dma_start3A_745 = arith.constant 0 : i32
        %dma_start3A_746 = arith.constant 0 : i32
        %dma_start3A_747 = tpu.memref_slice %arg2[%dma_start3A_745, %dma_start3A_746] : memref<10000x64xf32, #tpu.memory_space<hbm>> -> memref<10000x64xf32, #tpu.memory_space<hbm>>
        %dma_start3A_748 = tpu.memref_slice %arg11[%dma_start3A_737] : memref<10x!tpu.dma_semaphore, #tpu.memory_space<semaphore_mem>> -> memref<1x!tpu.dma_semaphore, #tpu.memory_space<semaphore_mem>>
        %dma_start3A_749 = tpu.memref_squeeze %dma_start3A_748 : memref<1x!tpu.dma_semaphore, #tpu.memory_space<semaphore_mem>> -> memref<!tpu.dma_semaphore, #tpu.memory_space<semaphore_mem>>
        tpu.enqueue_indirect_dma source(%dma_start3A_747 : memref<10000x64xf32, #tpu.memory_space<hbm>>) target(%dma_start3A_741 : memref<128x64xf32, #tpu.memory_space<vmem>>) offsets(%dma_start3A_744 : memref<128xi32, #tpu.memory_space<vmem>>) semaphore(%dma_start3A_749 : memref<!tpu.dma_semaphore, #tpu.memory_space<semaphore_mem>>)
      } else {
      }
      %dma_wait3A_681 = arith.constant 7 : i32
      %dma_wait3A_682 = arith.constant 7 : i32
      %dma_wait3A_683 = arith.constant 7 : i32
      %dma_wait3A_684 = arith.constant 0 : i32
      %dma_wait3A_685 = arith.constant 0 : i32
      %dma_wait3A_686 = tpu.memref_slice %arg9[%dma_wait3A_681, %dma_wait3A_684, %dma_wait3A_685] : memref<10x128x64xf32, #tpu.memory_space<vmem>> -> memref<1x128x64xf32, #tpu.memory_space<vmem>>
      %dma_wait3A_687 = tpu.memref_squeeze %dma_wait3A_686 : memref<1x128x64xf32, #tpu.memory_space<vmem>> -> memref<128x64xf32, #tpu.memory_space<vmem>>
      %dma_wait3A_688 = arith.constant 0 : i32
      %dma_wait3A_689 = tpu.memref_slice %arg8[%rem3A_243, %dma_wait3A_682, %dma_wait3A_688] : memref<2x10x128xi32, #tpu.memory_space<vmem>> -> memref<1x1x128xi32, #tpu.memory_space<vmem>>
      %dma_wait3A_690 = tpu.memref_squeeze %dma_wait3A_689 : memref<1x1x128xi32, #tpu.memory_space<vmem>> -> memref<128xi32, #tpu.memory_space<vmem>>
      %dma_wait3A_691 = arith.constant 0 : i32
      %dma_wait3A_692 = arith.constant 0 : i32
      %dma_wait3A_693 = tpu.memref_slice %arg10[%dma_wait3A_691, %dma_wait3A_692] : memref<10112x64xf32, #tpu.memory_space<vmem_shared>> -> memref<10112x64xf32, #tpu.memory_space<vmem_shared>>
      %dma_wait3A_694 = tpu.memref_slice %arg12[%dma_wait3A_683] : memref<10x!tpu.dma_semaphore, #tpu.memory_space<semaphore_mem>> -> memref<1x!tpu.dma_semaphore, #tpu.memory_space<semaphore_mem>>
      %dma_wait3A_695 = tpu.memref_squeeze %dma_wait3A_694 : memref<1x!tpu.dma_semaphore, #tpu.memory_space<semaphore_mem>> -> memref<!tpu.dma_semaphore, #tpu.memory_space<semaphore_mem>>
      tpu.wait_indirect_dma semaphore(%dma_wait3A_695 : memref<!tpu.dma_semaphore, #tpu.memory_space<semaphore_mem>>) src(%dma_wait3A_687 : memref<128x64xf32, #tpu.memory_space<vmem>>) dst(%dma_wait3A_693 : memref<10112x64xf32, #tpu.memory_space<vmem_shared>>)
      %convert_element_type3A_696 = arith.extui %lt3A_250 : i1 to i32
      %cond3A_697 = arith.constant 0 : i32
      %cond3A_698 = arith.cmpi ne, %convert_element_type3A_696, %cond3A_697 : i32
      scf.if %cond3A_698 {
        %dma_start3A_735 = arith.constant 7 : i32
        %dma_start3A_736 = arith.constant 7 : i32
        %dma_start3A_737 = arith.constant 7 : i32
        %dma_start3A_738 = arith.constant 0 : i32
        %dma_start3A_739 = arith.constant 0 : i32
        %dma_start3A_740 = tpu.memref_slice %arg9[%dma_start3A_736, %dma_start3A_738, %dma_start3A_739] : memref<10x128x64xf32, #tpu.memory_space<vmem>> -> memref<1x128x64xf32, #tpu.memory_space<vmem>>
        %dma_start3A_741 = tpu.memref_squeeze %dma_start3A_740 : memref<1x128x64xf32, #tpu.memory_space<vmem>> -> memref<128x64xf32, #tpu.memory_space<vmem>>
        %dma_start3A_742 = arith.constant 0 : i32
        %dma_start3A_743 = tpu.memref_slice %arg7[%rem3A_247, %dma_start3A_735, %dma_start3A_742] : memref<2x10x128xi32, #tpu.memory_space<vmem>> -> memref<1x1x128xi32, #tpu.memory_space<vmem>>
        %dma_start3A_744 = tpu.memref_squeeze %dma_start3A_743 : memref<1x1x128xi32, #tpu.memory_space<vmem>> -> memref<128xi32, #tpu.memory_space<vmem>>
        %dma_start3A_745 = arith.constant 0 : i32
        %dma_start3A_746 = arith.constant 0 : i32
        %dma_start3A_747 = tpu.memref_slice %arg2[%dma_start3A_745, %dma_start3A_746] : memref<10000x64xf32, #tpu.memory_space<hbm>> -> memref<10000x64xf32, #tpu.memory_space<hbm>>
        %dma_start3A_748 = tpu.memref_slice %arg11[%dma_start3A_737] : memref<10x!tpu.dma_semaphore, #tpu.memory_space<semaphore_mem>> -> memref<1x!tpu.dma_semaphore, #tpu.memory_space<semaphore_mem>>
        %dma_start3A_749 = tpu.memref_squeeze %dma_start3A_748 : memref<1x!tpu.dma_semaphore, #tpu.memory_space<semaphore_mem>> -> memref<!tpu.dma_semaphore, #tpu.memory_space<semaphore_mem>>
        tpu.enqueue_indirect_dma source(%dma_start3A_747 : memref<10000x64xf32, #tpu.memory_space<hbm>>) target(%dma_start3A_741 : memref<128x64xf32, #tpu.memory_space<vmem>>) offsets(%dma_start3A_744 : memref<128xi32, #tpu.memory_space<vmem>>) semaphore(%dma_start3A_749 : memref<!tpu.dma_semaphore, #tpu.memory_space<semaphore_mem>>)
      } else {
      }
      %dma_wait3A_699 = arith.constant 8 : i32
      %dma_wait3A_700 = arith.constant 8 : i32
      %dma_wait3A_701 = arith.constant 8 : i32
      %dma_wait3A_702 = arith.constant 0 : i32
      %dma_wait3A_703 = arith.constant 0 : i32
      %dma_wait3A_704 = tpu.memref_slice %arg9[%dma_wait3A_699, %dma_wait3A_702, %dma_wait3A_703] : memref<10x128x64xf32, #tpu.memory_space<vmem>> -> memref<1x128x64xf32, #tpu.memory_space<vmem>>
      %dma_wait3A_705 = tpu.memref_squeeze %dma_wait3A_704 : memref<1x128x64xf32, #tpu.memory_space<vmem>> -> memref<128x64xf32, #tpu.memory_space<vmem>>
      %dma_wait3A_706 = arith.constant 0 : i32
      %dma_wait3A_707 = tpu.memref_slice %arg8[%rem3A_243, %dma_wait3A_700, %dma_wait3A_706] : memref<2x10x128xi32, #tpu.memory_space<vmem>> -> memref<1x1x128xi32, #tpu.memory_space<vmem>>
      %dma_wait3A_708 = tpu.memref_squeeze %dma_wait3A_707 : memref<1x1x128xi32, #tpu.memory_space<vmem>> -> memref<128xi32, #tpu.memory_space<vmem>>
      %dma_wait3A_709 = arith.constant 0 : i32
      %dma_wait3A_710 = arith.constant 0 : i32
      %dma_wait3A_711 = tpu.memref_slice %arg10[%dma_wait3A_709, %dma_wait3A_710] : memref<10112x64xf32, #tpu.memory_space<vmem_shared>> -> memref<10112x64xf32, #tpu.memory_space<vmem_shared>>
      %dma_wait3A_712 = tpu.memref_slice %arg12[%dma_wait3A_701] : memref<10x!tpu.dma_semaphore, #tpu.memory_space<semaphore_mem>> -> memref<1x!tpu.dma_semaphore, #tpu.memory_space<semaphore_mem>>
      %dma_wait3A_713 = tpu.memref_squeeze %dma_wait3A_712 : memref<1x!tpu.dma_semaphore, #tpu.memory_space<semaphore_mem>> -> memref<!tpu.dma_semaphore, #tpu.memory_space<semaphore_mem>>
      tpu.wait_indirect_dma semaphore(%dma_wait3A_713 : memref<!tpu.dma_semaphore, #tpu.memory_space<semaphore_mem>>) src(%dma_wait3A_705 : memref<128x64xf32, #tpu.memory_space<vmem>>) dst(%dma_wait3A_711 : memref<10112x64xf32, #tpu.memory_space<vmem_shared>>)
      %convert_element_type3A_714 = arith.extui %lt3A_250 : i1 to i32
      %cond3A_715 = arith.constant 0 : i32
      %cond3A_716 = arith.cmpi ne, %convert_element_type3A_714, %cond3A_715 : i32
      scf.if %cond3A_716 {
        %dma_start3A_735 = arith.constant 8 : i32
        %dma_start3A_736 = arith.constant 8 : i32
        %dma_start3A_737 = arith.constant 8 : i32
        %dma_start3A_738 = arith.constant 0 : i32
        %dma_start3A_739 = arith.constant 0 : i32
        %dma_start3A_740 = tpu.memref_slice %arg9[%dma_start3A_736, %dma_start3A_738, %dma_start3A_739] : memref<10x128x64xf32, #tpu.memory_space<vmem>> -> memref<1x128x64xf32, #tpu.memory_space<vmem>>
        %dma_start3A_741 = tpu.memref_squeeze %dma_start3A_740 : memref<1x128x64xf32, #tpu.memory_space<vmem>> -> memref<128x64xf32, #tpu.memory_space<vmem>>
        %dma_start3A_742 = arith.constant 0 : i32
        %dma_start3A_743 = tpu.memref_slice %arg7[%rem3A_247, %dma_start3A_735, %dma_start3A_742] : memref<2x10x128xi32, #tpu.memory_space<vmem>> -> memref<1x1x128xi32, #tpu.memory_space<vmem>>
        %dma_start3A_744 = tpu.memref_squeeze %dma_start3A_743 : memref<1x1x128xi32, #tpu.memory_space<vmem>> -> memref<128xi32, #tpu.memory_space<vmem>>
        %dma_start3A_745 = arith.constant 0 : i32
        %dma_start3A_746 = arith.constant 0 : i32
        %dma_start3A_747 = tpu.memref_slice %arg2[%dma_start3A_745, %dma_start3A_746] : memref<10000x64xf32, #tpu.memory_space<hbm>> -> memref<10000x64xf32, #tpu.memory_space<hbm>>
        %dma_start3A_748 = tpu.memref_slice %arg11[%dma_start3A_737] : memref<10x!tpu.dma_semaphore, #tpu.memory_space<semaphore_mem>> -> memref<1x!tpu.dma_semaphore, #tpu.memory_space<semaphore_mem>>
        %dma_start3A_749 = tpu.memref_squeeze %dma_start3A_748 : memref<1x!tpu.dma_semaphore, #tpu.memory_space<semaphore_mem>> -> memref<!tpu.dma_semaphore, #tpu.memory_space<semaphore_mem>>
        tpu.enqueue_indirect_dma source(%dma_start3A_747 : memref<10000x64xf32, #tpu.memory_space<hbm>>) target(%dma_start3A_741 : memref<128x64xf32, #tpu.memory_space<vmem>>) offsets(%dma_start3A_744 : memref<128xi32, #tpu.memory_space<vmem>>) semaphore(%dma_start3A_749 : memref<!tpu.dma_semaphore, #tpu.memory_space<semaphore_mem>>)
      } else {
      }
      %dma_wait3A_717 = arith.constant 9 : i32
      %dma_wait3A_718 = arith.constant 9 : i32
      %dma_wait3A_719 = arith.constant 9 : i32
      %dma_wait3A_720 = arith.constant 0 : i32
      %dma_wait3A_721 = arith.constant 0 : i32
      %dma_wait3A_722 = tpu.memref_slice %arg9[%dma_wait3A_717, %dma_wait3A_720, %dma_wait3A_721] : memref<10x128x64xf32, #tpu.memory_space<vmem>> -> memref<1x128x64xf32, #tpu.memory_space<vmem>>
      %dma_wait3A_723 = tpu.memref_squeeze %dma_wait3A_722 : memref<1x128x64xf32, #tpu.memory_space<vmem>> -> memref<128x64xf32, #tpu.memory_space<vmem>>
      %dma_wait3A_724 = arith.constant 0 : i32
      %dma_wait3A_725 = tpu.memref_slice %arg8[%rem3A_243, %dma_wait3A_718, %dma_wait3A_724] : memref<2x10x128xi32, #tpu.memory_space<vmem>> -> memref<1x1x128xi32, #tpu.memory_space<vmem>>
      %dma_wait3A_726 = tpu.memref_squeeze %dma_wait3A_725 : memref<1x1x128xi32, #tpu.memory_space<vmem>> -> memref<128xi32, #tpu.memory_space<vmem>>
      %dma_wait3A_727 = arith.constant 0 : i32
      %dma_wait3A_728 = arith.constant 0 : i32
      %dma_wait3A_729 = tpu.memref_slice %arg10[%dma_wait3A_727, %dma_wait3A_728] : memref<10112x64xf32, #tpu.memory_space<vmem_shared>> -> memref<10112x64xf32, #tpu.memory_space<vmem_shared>>
      %dma_wait3A_730 = tpu.memref_slice %arg12[%dma_wait3A_719] : memref<10x!tpu.dma_semaphore, #tpu.memory_space<semaphore_mem>> -> memref<1x!tpu.dma_semaphore, #tpu.memory_space<semaphore_mem>>
      %dma_wait3A_731 = tpu.memref_squeeze %dma_wait3A_730 : memref<1x!tpu.dma_semaphore, #tpu.memory_space<semaphore_mem>> -> memref<!tpu.dma_semaphore, #tpu.memory_space<semaphore_mem>>
      tpu.wait_indirect_dma semaphore(%dma_wait3A_731 : memref<!tpu.dma_semaphore, #tpu.memory_space<semaphore_mem>>) src(%dma_wait3A_723 : memref<128x64xf32, #tpu.memory_space<vmem>>) dst(%dma_wait3A_729 : memref<10112x64xf32, #tpu.memory_space<vmem_shared>>)
      %convert_element_type3A_732 = arith.extui %lt3A_250 : i1 to i32
      %cond3A_733 = arith.constant 0 : i32
      %cond3A_734 = arith.cmpi ne, %convert_element_type3A_732, %cond3A_733 : i32
      scf.if %cond3A_734 {
        %dma_start3A_735 = arith.constant 9 : i32
        %dma_start3A_736 = arith.constant 9 : i32
        %dma_start3A_737 = arith.constant 9 : i32
        %dma_start3A_738 = arith.constant 0 : i32
        %dma_start3A_739 = arith.constant 0 : i32
        %dma_start3A_740 = tpu.memref_slice %arg9[%dma_start3A_736, %dma_start3A_738, %dma_start3A_739] : memref<10x128x64xf32, #tpu.memory_space<vmem>> -> memref<1x128x64xf32, #tpu.memory_space<vmem>>
        %dma_start3A_741 = tpu.memref_squeeze %dma_start3A_740 : memref<1x128x64xf32, #tpu.memory_space<vmem>> -> memref<128x64xf32, #tpu.memory_space<vmem>>
        %dma_start3A_742 = arith.constant 0 : i32
        %dma_start3A_743 = tpu.memref_slice %arg7[%rem3A_247, %dma_start3A_735, %dma_start3A_742] : memref<2x10x128xi32, #tpu.memory_space<vmem>> -> memref<1x1x128xi32, #tpu.memory_space<vmem>>
        %dma_start3A_744 = tpu.memref_squeeze %dma_start3A_743 : memref<1x1x128xi32, #tpu.memory_space<vmem>> -> memref<128xi32, #tpu.memory_space<vmem>>
        %dma_start3A_745 = arith.constant 0 : i32
        %dma_start3A_746 = arith.constant 0 : i32
        %dma_start3A_747 = tpu.memref_slice %arg2[%dma_start3A_745, %dma_start3A_746] : memref<10000x64xf32, #tpu.memory_space<hbm>> -> memref<10000x64xf32, #tpu.memory_space<hbm>>
        %dma_start3A_748 = tpu.memref_slice %arg11[%dma_start3A_737] : memref<10x!tpu.dma_semaphore, #tpu.memory_space<semaphore_mem>> -> memref<1x!tpu.dma_semaphore, #tpu.memory_space<semaphore_mem>>
        %dma_start3A_749 = tpu.memref_squeeze %dma_start3A_748 : memref<1x!tpu.dma_semaphore, #tpu.memory_space<semaphore_mem>> -> memref<!tpu.dma_semaphore, #tpu.memory_space<semaphore_mem>>
        tpu.enqueue_indirect_dma source(%dma_start3A_747 : memref<10000x64xf32, #tpu.memory_space<hbm>>) target(%dma_start3A_741 : memref<128x64xf32, #tpu.memory_space<vmem>>) offsets(%dma_start3A_744 : memref<128xi32, #tpu.memory_space<vmem>>) semaphore(%dma_start3A_749 : memref<!tpu.dma_semaphore, #tpu.memory_space<semaphore_mem>>)
      } else {
      }
    }
    %scan3A_231 = arith.constant 8 : i32
    %barrier3A_232 = arith.constant 0 : index
    tpu.barrier barrier_id(%barrier3A_232)
    %mul3A_233 = arith.constant 632 : i32
    %mul3A_234 = arith.muli %arg1, %mul3A_233 : i32
    %mul3A_235 = arith.constant 632 : i32
    %mul3A_236 = arith.muli %arg1, %mul3A_235 : i32
    "tpu.region"() ({
      %run_scoped3A = tpu.sem_alloc : memref<!tpu.dma_semaphore, #tpu.memory_space<semaphore_mem>>
      %dma_start3A_237 = arith.constant 0 : i32
      %dma_start3A_238 = tpu.memref_slice %arg6[%arg0, %mul3A_236, %dma_start3A_237] : memref<2x10112x64xf32, #tpu.memory_space<hbm>> -> memref<1x632x64xf32, #tpu.memory_space<hbm>>
      %dma_start3A_239 = tpu.memref_squeeze %dma_start3A_238 : memref<1x632x64xf32, #tpu.memory_space<hbm>> -> memref<632x64xf32, #tpu.memory_space<hbm>>
      %dma_start3A_240 = arith.constant 0 : i32
      %dma_start3A_241 = tpu.memref_slice %arg10[%mul3A_234, %dma_start3A_240] : memref<10112x64xf32, #tpu.memory_space<vmem_shared>> -> memref<632x64xf32, #tpu.memory_space<vmem_shared>>
      tpu.enqueue_dma source(%dma_start3A_241 : memref<632x64xf32, #tpu.memory_space<vmem_shared>>) target(%dma_start3A_239 : memref<632x64xf32, #tpu.memory_space<hbm>>) target_semaphore(%run_scoped3A : memref<!tpu.dma_semaphore, #tpu.memory_space<semaphore_mem>>)
      %dma_wait3A_242 = arith.constant 0 : i32
      %dma_wait3A_243 = tpu.memref_slice %arg6[%arg0, %mul3A_236, %dma_wait3A_242] : memref<2x10112x64xf32, #tpu.memory_space<hbm>> -> memref<1x632x64xf32, #tpu.memory_space<hbm>>
      %dma_wait3A_244 = tpu.memref_squeeze %dma_wait3A_243 : memref<1x632x64xf32, #tpu.memory_space<hbm>> -> memref<632x64xf32, #tpu.memory_space<hbm>>
      %dma_wait3A_245 = arith.constant 0 : i32
      %dma_wait3A_246 = tpu.memref_slice %arg10[%mul3A_234, %dma_wait3A_245] : memref<10112x64xf32, #tpu.memory_space<vmem_shared>> -> memref<632x64xf32, #tpu.memory_space<vmem_shared>>
      tpu.wait_dma2 semaphore(%run_scoped3A : memref<!tpu.dma_semaphore, #tpu.memory_space<semaphore_mem>>) src(%dma_wait3A_246 : memref<632x64xf32, #tpu.memory_space<vmem_shared>>) dst(%dma_wait3A_244 : memref<632x64xf32, #tpu.memory_space<hbm>>)
      tpu.yield
    }) : () -> ()
    return
  }
}

#map = affine_map<(d0, d1) -> (0, 0)>
#map1 = affine_map<(d0, d1) -> (0, 0, 0)>
module attributes {stable_mosaic.version = 14 : i64} {
  func.func @k(%arg0: i32, %arg1: i32, %arg2: memref<10000x64xf32, #tpu.memory_space<hbm>>, %arg3: memref<2560x128xi32, #tpu.memory_space<hbm>>, %arg4: memref<2560x128xi32, #tpu.memory_space<hbm>>, %arg5: memref<632x64xf32, #tpu.memory_space<hbm>>, %arg6: memref<2x10112x64xf32, #tpu.memory_space<hbm>>, %arg7: memref<2x10x128xi32, #tpu.memory_space<vmem>>, %arg8: memref<2x10x128xi32, #tpu.memory_space<vmem>>, %arg9: memref<10x128x64xf32, #tpu.memory_space<vmem>>, %arg10: memref<10112x64xf32, #tpu.memory_space<vmem_shared>>, %arg11: memref<10x!tpu.dma_semaphore, #tpu.memory_space<semaphore_mem>>, %arg12: memref<10x!tpu.dma_semaphore, #tpu.memory_space<semaphore_mem>>, %arg13: memref<2x!tpu.dma_semaphore, #tpu.memory_space<semaphore_mem>>) attributes {dimension_semantics = [#tpu.dimension_semantics<core_parallel>, #tpu.dimension_semantics<subcore_parallel>], iteration_bounds = array<i64: 2, 16>, scalar_prefetch = 0 : i64, scratch_operands = 7 : i64, tpu.core_type = #tpu.core_type<sc_vector_subcore>, window_params = [{transform_indices = #map}, {transform_indices = #map}, {transform_indices = #map}, {transform_indices = #map}, {transform_indices = #map1}]} {
    %mul3A = arith.constant 632 : i32
    %mul3A_0 = arith.muli %arg1, %mul3A : i32
    "tpu.region"() ({
      %run_scoped3A = tpu.sem_alloc : memref<!tpu.dma_semaphore, #tpu.memory_space<semaphore_mem>>
      %dma_start3A_237 = arith.constant 0 : i32
      %dma_start3A_238 = tpu.memref_slice %arg10[%mul3A_0, %dma_start3A_237] : memref<10112x64xf32, #tpu.memory_space<vmem_shared>> -> memref<632x64xf32, #tpu.memory_space<vmem_shared>>
      tpu.enqueue_dma source(%arg5 : memref<632x64xf32, #tpu.memory_space<hbm>>) target(%dma_start3A_238 : memref<632x64xf32, #tpu.memory_space<vmem_shared>>) target_semaphore(%run_scoped3A : memref<!tpu.dma_semaphore, #tpu.memory_space<semaphore_mem>>)
      %dma_wait3A_239 = arith.constant 0 : i32
      %dma_wait3A_240 = tpu.memref_slice %arg10[%mul3A_0, %dma_wait3A_239] : memref<10112x64xf32, #tpu.memory_space<vmem_shared>> -> memref<632x64xf32, #tpu.memory_space<vmem_shared>>
      tpu.wait_dma2 semaphore(%run_scoped3A : memref<!tpu.dma_semaphore, #tpu.memory_space<semaphore_mem>>) src(%arg5 : memref<632x64xf32, #tpu.memory_space<hbm>>) dst(%dma_wait3A_240 : memref<632x64xf32, #tpu.memory_space<vmem_shared>>)
      tpu.yield
    }) : () -> ()
    %barrier3A = arith.constant 0 : index
    tpu.barrier barrier_id(%barrier3A)
    %mul3A_1 = arith.constant 16 : i32
    %mul3A_2 = arith.muli %arg0, %mul3A_1 : i32
    %add3A = arith.addi %mul3A_2, %arg1 : i32
    %mul3A_3 = arith.constant 80 : i32
    %mul3A_4 = arith.muli %add3A, %mul3A_3 : i32
    %dma_start3A = arith.constant 0 : i32
    %dma_start3A_5 = arith.constant 0 : i32
    %dma_start3A_6 = arith.constant 0 : i32
    %dma_start3A_7 = arith.constant 0 : i32
    %dma_start3A_8 = tpu.memref_slice %arg7[%dma_start3A, %dma_start3A_6, %dma_start3A_7] : memref<2x10x128xi32, #tpu.memory_space<vmem>> -> memref<1x10x128xi32, #tpu.memory_space<vmem>>
    %dma_start3A_9 = tpu.memref_squeeze %dma_start3A_8 : memref<1x10x128xi32, #tpu.memory_space<vmem>> -> memref<10x128xi32, #tpu.memory_space<vmem>>
    %dma_start3A_10 = arith.constant 0 : i32
    %dma_start3A_11 = tpu.memref_slice %arg3[%mul3A_4, %dma_start3A_10] : memref<2560x128xi32, #tpu.memory_space<hbm>> -> memref<10x128xi32, #tpu.memory_space<hbm>>
    %dma_start3A_12 = tpu.memref_slice %arg13[%dma_start3A_5] : memref<2x!tpu.dma_semaphore, #tpu.memory_space<semaphore_mem>> -> memref<1x!tpu.dma_semaphore, #tpu.memory_space<semaphore_mem>>
    %dma_start3A_13 = tpu.memref_squeeze %dma_start3A_12 : memref<1x!tpu.dma_semaphore, #tpu.memory_space<semaphore_mem>> -> memref<!tpu.dma_semaphore, #tpu.memory_space<semaphore_mem>>
    %dma_start3A_14 = arith.constant 0 : i32
    %dma_start3A_15 = arith.constant 0 : i32
    %dma_start3A_16 = tpu.memref_slice %arg7[%dma_start3A, %dma_start3A_14, %dma_start3A_15] : memref<2x10x128xi32, #tpu.memory_space<vmem>> -> memref<1x10x128xi32, #tpu.memory_space<vmem>>
    %dma_start3A_17 = tpu.memref_squeeze %dma_start3A_16 : memref<1x10x128xi32, #tpu.memory_space<vmem>> -> memref<10x128xi32, #tpu.memory_space<vmem>>
    %dma_start3A_18 = arith.constant 0 : i32
    %dma_start3A_19 = tpu.memref_slice %arg3[%mul3A_4, %dma_start3A_18] : memref<2560x128xi32, #tpu.memory_space<hbm>> -> memref<10x128xi32, #tpu.memory_space<hbm>>
    tpu.enqueue_dma source(%dma_start3A_19 : memref<10x128xi32, #tpu.memory_space<hbm>>) target(%dma_start3A_17 : memref<10x128xi32, #tpu.memory_space<vmem>>) target_semaphore(%dma_start3A_13 : memref<!tpu.dma_semaphore, #tpu.memory_space<semaphore_mem>>)
    %dma_start3A_20 = arith.constant 0 : i32
    %dma_start3A_21 = arith.constant 1 : i32
    %dma_start3A_22 = arith.constant 0 : i32
    %dma_start3A_23 = arith.constant 0 : i32
    %dma_start3A_24 = tpu.memref_slice %arg8[%dma_start3A_20, %dma_start3A_22, %dma_start3A_23] : memref<2x10x128xi32, #tpu.memory_space<vmem>> -> memref<1x10x128xi32, #tpu.memory_space<vmem>>
    %dma_start3A_25 = tpu.memref_squeeze %dma_start3A_24 : memref<1x10x128xi32, #tpu.memory_space<vmem>> -> memref<10x128xi32, #tpu.memory_space<vmem>>
    %dma_start3A_26 = arith.constant 0 : i32
    %dma_start3A_27 = tpu.memref_slice %arg4[%mul3A_4, %dma_start3A_26] : memref<2560x128xi32, #tpu.memory_space<hbm>> -> memref<10x128xi32, #tpu.memory_space<hbm>>
    %dma_start3A_28 = tpu.memref_slice %arg13[%dma_start3A_21] : memref<2x!tpu.dma_semaphore, #tpu.memory_space<semaphore_mem>> -> memref<1x!tpu.dma_semaphore, #tpu.memory_space<semaphore_mem>>
    %dma_start3A_29 = tpu.memref_squeeze %dma_start3A_28 : memref<1x!tpu.dma_semaphore, #tpu.memory_space<semaphore_mem>> -> memref<!tpu.dma_semaphore, #tpu.memory_space<semaphore_mem>>
    %dma_start3A_30 = arith.constant 0 : i32
    %dma_start3A_31 = arith.constant 0 : i32
    %dma_start3A_32 = tpu.memref_slice %arg8[%dma_start3A_20, %dma_start3A_30, %dma_start3A_31] : memref<2x10x128xi32, #tpu.memory_space<vmem>> -> memref<1x10x128xi32, #tpu.memory_space<vmem>>
    %dma_start3A_33 = tpu.memref_squeeze %dma_start3A_32 : memref<1x10x128xi32, #tpu.memory_space<vmem>> -> memref<10x128xi32, #tpu.memory_space<vmem>>
    %dma_start3A_34 = arith.constant 0 : i32
    %dma_start3A_35 = tpu.memref_slice %arg4[%mul3A_4, %dma_start3A_34] : memref<2560x128xi32, #tpu.memory_space<hbm>> -> memref<10x128xi32, #tpu.memory_space<hbm>>
    tpu.enqueue_dma source(%dma_start3A_35 : memref<10x128xi32, #tpu.memory_space<hbm>>) target(%dma_start3A_33 : memref<10x128xi32, #tpu.memory_space<vmem>>) target_semaphore(%dma_start3A_29 : memref<!tpu.dma_semaphore, #tpu.memory_space<semaphore_mem>>)
    %dma_wait3A = arith.constant 0 : i32
    %dma_wait3A_36 = arith.constant 0 : i32
    %dma_wait3A_37 = arith.constant 0 : i32
    %dma_wait3A_38 = arith.constant 0 : i32
    %dma_wait3A_39 = tpu.memref_slice %arg7[%dma_wait3A, %dma_wait3A_37, %dma_wait3A_38] : memref<2x10x128xi32, #tpu.memory_space<vmem>> -> memref<1x10x128xi32, #tpu.memory_space<vmem>>
    %dma_wait3A_40 = tpu.memref_squeeze %dma_wait3A_39 : memref<1x10x128xi32, #tpu.memory_space<vmem>> -> memref<10x128xi32, #tpu.memory_space<vmem>>
    %dma_wait3A_41 = arith.constant 0 : i32
    %dma_wait3A_42 = tpu.memref_slice %arg3[%mul3A_4, %dma_wait3A_41] : memref<2560x128xi32, #tpu.memory_space<hbm>> -> memref<10x128xi32, #tpu.memory_space<hbm>>
    %dma_wait3A_43 = tpu.memref_slice %arg13[%dma_wait3A_36] : memref<2x!tpu.dma_semaphore, #tpu.memory_space<semaphore_mem>> -> memref<1x!tpu.dma_semaphore, #tpu.memory_space<semaphore_mem>>
    %dma_wait3A_44 = tpu.memref_squeeze %dma_wait3A_43 : memref<1x!tpu.dma_semaphore, #tpu.memory_space<semaphore_mem>> -> memref<!tpu.dma_semaphore, #tpu.memory_space<semaphore_mem>>
    %dma_wait3A_45 = arith.constant 0 : i32
    %dma_wait3A_46 = arith.constant 0 : i32
    %dma_wait3A_47 = tpu.memref_slice %arg7[%dma_wait3A, %dma_wait3A_45, %dma_wait3A_46] : memref<2x10x128xi32, #tpu.memory_space<vmem>> -> memref<1x10x128xi32, #tpu.memory_space<vmem>>
    %dma_wait3A_48 = tpu.memref_squeeze %dma_wait3A_47 : memref<1x10x128xi32, #tpu.memory_space<vmem>> -> memref<10x128xi32, #tpu.memory_space<vmem>>
    %dma_wait3A_49 = arith.constant 0 : i32
    %dma_wait3A_50 = tpu.memref_slice %arg3[%mul3A_4, %dma_wait3A_49] : memref<2560x128xi32, #tpu.memory_space<hbm>> -> memref<10x128xi32, #tpu.memory_space<hbm>>
    tpu.wait_dma2 semaphore(%dma_wait3A_44 : memref<!tpu.dma_semaphore, #tpu.memory_space<semaphore_mem>>) src(%dma_wait3A_50 : memref<10x128xi32, #tpu.memory_space<hbm>>) dst(%dma_wait3A_48 : memref<10x128xi32, #tpu.memory_space<vmem>>)
    %dma_wait3A_51 = arith.constant 0 : i32
    %dma_wait3A_52 = arith.constant 1 : i32
    %dma_wait3A_53 = arith.constant 0 : i32
    %dma_wait3A_54 = arith.constant 0 : i32
    %dma_wait3A_55 = tpu.memref_slice %arg8[%dma_wait3A_51, %dma_wait3A_53, %dma_wait3A_54] : memref<2x10x128xi32, #tpu.memory_space<vmem>> -> memref<1x10x128xi32, #tpu.memory_space<vmem>>
    %dma_wait3A_56 = tpu.memref_squeeze %dma_wait3A_55 : memref<1x10x128xi32, #tpu.memory_space<vmem>> -> memref<10x128xi32, #tpu.memory_space<vmem>>
    %dma_wait3A_57 = arith.constant 0 : i32
    %dma_wait3A_58 = tpu.memref_slice %arg4[%mul3A_4, %dma_wait3A_57] : memref<2560x128xi32, #tpu.memory_space<hbm>> -> memref<10x128xi32, #tpu.memory_space<hbm>>
    %dma_wait3A_59 = tpu.memref_slice %arg13[%dma_wait3A_52] : memref<2x!tpu.dma_semaphore, #tpu.memory_space<semaphore_mem>> -> memref<1x!tpu.dma_semaphore, #tpu.memory_space<semaphore_mem>>
    %dma_wait3A_60 = tpu.memref_squeeze %dma_wait3A_59 : memref<1x!tpu.dma_semaphore, #tpu.memory_space<semaphore_mem>> -> memref<!tpu.dma_semaphore, #tpu.memory_space<semaphore_mem>>
    %dma_wait3A_61 = arith.constant 0 : i32
    %dma_wait3A_62 = arith.constant 0 : i32
    %dma_wait3A_63 = tpu.memref_slice %arg8[%dma_wait3A_51, %dma_wait3A_61, %dma_wait3A_62] : memref<2x10x128xi32, #tpu.memory_space<vmem>> -> memref<1x10x128xi32, #tpu.memory_space<vmem>>
    %dma_wait3A_64 = tpu.memref_squeeze %dma_wait3A_63 : memref<1x10x128xi32, #tpu.memory_space<vmem>> -> memref<10x128xi32, #tpu.memory_space<vmem>>
    %dma_wait3A_65 = arith.constant 0 : i32
    %dma_wait3A_66 = tpu.memref_slice %arg4[%mul3A_4, %dma_wait3A_65] : memref<2560x128xi32, #tpu.memory_space<hbm>> -> memref<10x128xi32, #tpu.memory_space<hbm>>
    tpu.wait_dma2 semaphore(%dma_wait3A_60 : memref<!tpu.dma_semaphore, #tpu.memory_space<semaphore_mem>>) src(%dma_wait3A_66 : memref<10x128xi32, #tpu.memory_space<hbm>>) dst(%dma_wait3A_64 : memref<10x128xi32, #tpu.memory_space<vmem>>)
    %dma_start3A_67 = arith.constant 0 : i32
    %dma_start3A_68 = arith.constant 0 : i32
    %dma_start3A_69 = arith.constant 0 : i32
    %dma_start3A_70 = arith.constant 0 : i32
    %dma_start3A_71 = arith.constant 0 : i32
    %dma_start3A_72 = arith.constant 0 : i32
    %dma_start3A_73 = tpu.memref_slice %arg9[%dma_start3A_69, %dma_start3A_71, %dma_start3A_72] : memref<10x128x64xf32, #tpu.memory_space<vmem>> -> memref<1x128x64xf32, #tpu.memory_space<vmem>>
    %dma_start3A_74 = tpu.memref_squeeze %dma_start3A_73 : memref<1x128x64xf32, #tpu.memory_space<vmem>> -> memref<128x64xf32, #tpu.memory_space<vmem>>
    %dma_start3A_75 = arith.constant 0 : i32
    %dma_start3A_76 = tpu.memref_slice %arg7[%dma_start3A_67, %dma_start3A_68, %dma_start3A_75] : memref<2x10x128xi32, #tpu.memory_space<vmem>> -> memref<1x1x128xi32, #tpu.memory_space<vmem>>
    %dma_start3A_77 = tpu.memref_squeeze %dma_start3A_76 : memref<1x1x128xi32, #tpu.memory_space<vmem>> -> memref<128xi32, #tpu.memory_space<vmem>>
    %dma_start3A_78 = arith.constant 0 : i32
    %dma_start3A_79 = arith.constant 0 : i32
    %dma_start3A_80 = tpu.memref_slice %arg2[%dma_start3A_78, %dma_start3A_79] : memref<10000x64xf32, #tpu.memory_space<hbm>> -> memref<10000x64xf32, #tpu.memory_space<hbm>>
    %dma_start3A_81 = tpu.memref_slice %arg11[%dma_start3A_70] : memref<10x!tpu.dma_semaphore, #tpu.memory_space<semaphore_mem>> -> memref<1x!tpu.dma_semaphore, #tpu.memory_space<semaphore_mem>>
    %dma_start3A_82 = tpu.memref_squeeze %dma_start3A_81 : memref<1x!tpu.dma_semaphore, #tpu.memory_space<semaphore_mem>> -> memref<!tpu.dma_semaphore, #tpu.memory_space<semaphore_mem>>
    tpu.enqueue_indirect_dma source(%dma_start3A_80 : memref<10000x64xf32, #tpu.memory_space<hbm>>) target(%dma_start3A_74 : memref<128x64xf32, #tpu.memory_space<vmem>>) offsets(%dma_start3A_77 : memref<128xi32, #tpu.memory_space<vmem>>) semaphore(%dma_start3A_82 : memref<!tpu.dma_semaphore, #tpu.memory_space<semaphore_mem>>)
    %dma_start3A_83 = arith.constant 0 : i32
    %dma_start3A_84 = arith.constant 1 : i32
    %dma_start3A_85 = arith.constant 1 : i32
    %dma_start3A_86 = arith.constant 1 : i32
    %dma_start3A_87 = arith.constant 0 : i32
    %dma_start3A_88 = arith.constant 0 : i32
    %dma_start3A_89 = tpu.memref_slice %arg9[%dma_start3A_85, %dma_start3A_87, %dma_start3A_88] : memref<10x128x64xf32, #tpu.memory_space<vmem>> -> memref<1x128x64xf32, #tpu.memory_space<vmem>>
    %dma_start3A_90 = tpu.memref_squeeze %dma_start3A_89 : memref<1x128x64xf32, #tpu.memory_space<vmem>> -> memref<128x64xf32, #tpu.memory_space<vmem>>
    %dma_start3A_91 = arith.constant 0 : i32
    %dma_start3A_92 = tpu.memref_slice %arg7[%dma_start3A_83, %dma_start3A_84, %dma_start3A_91] : memref<2x10x128xi32, #tpu.memory_space<vmem>> -> memref<1x1x128xi32, #tpu.memory_space<vmem>>
    %dma_start3A_93 = tpu.memref_squeeze %dma_start3A_92 : memref<1x1x128xi32, #tpu.memory_space<vmem>> -> memref<128xi32, #tpu.memory_space<vmem>>
    %dma_start3A_94 = arith.constant 0 : i32
    %dma_start3A_95 = arith.constant 0 : i32
    %dma_start3A_96 = tpu.memref_slice %arg2[%dma_start3A_94, %dma_start3A_95] : memref<10000x64xf32, #tpu.memory_space<hbm>> -> memref<10000x64xf32, #tpu.memory_space<hbm>>
    %dma_start3A_97 = tpu.memref_slice %arg11[%dma_start3A_86] : memref<10x!tpu.dma_semaphore, #tpu.memory_space<semaphore_mem>> -> memref<1x!tpu.dma_semaphore, #tpu.memory_space<semaphore_mem>>
    %dma_start3A_98 = tpu.memref_squeeze %dma_start3A_97 : memref<1x!tpu.dma_semaphore, #tpu.memory_space<semaphore_mem>> -> memref<!tpu.dma_semaphore, #tpu.memory_space<semaphore_mem>>
    tpu.enqueue_indirect_dma source(%dma_start3A_96 : memref<10000x64xf32, #tpu.memory_space<hbm>>) target(%dma_start3A_90 : memref<128x64xf32, #tpu.memory_space<vmem>>) offsets(%dma_start3A_93 : memref<128xi32, #tpu.memory_space<vmem>>) semaphore(%dma_start3A_98 : memref<!tpu.dma_semaphore, #tpu.memory_space<semaphore_mem>>)
    %dma_start3A_99 = arith.constant 0 : i32
    %dma_start3A_100 = arith.constant 2 : i32
    %dma_start3A_101 = arith.constant 2 : i32
    %dma_start3A_102 = arith.constant 2 : i32
    %dma_start3A_103 = arith.constant 0 : i32
    %dma_start3A_104 = arith.constant 0 : i32
    %dma_start3A_105 = tpu.memref_slice %arg9[%dma_start3A_101, %dma_start3A_103, %dma_start3A_104] : memref<10x128x64xf32, #tpu.memory_space<vmem>> -> memref<1x128x64xf32, #tpu.memory_space<vmem>>
    %dma_start3A_106 = tpu.memref_squeeze %dma_start3A_105 : memref<1x128x64xf32, #tpu.memory_space<vmem>> -> memref<128x64xf32, #tpu.memory_space<vmem>>
    %dma_start3A_107 = arith.constant 0 : i32
    %dma_start3A_108 = tpu.memref_slice %arg7[%dma_start3A_99, %dma_start3A_100, %dma_start3A_107] : memref<2x10x128xi32, #tpu.memory_space<vmem>> -> memref<1x1x128xi32, #tpu.memory_space<vmem>>
    %dma_start3A_109 = tpu.memref_squeeze %dma_start3A_108 : memref<1x1x128xi32, #tpu.memory_space<vmem>> -> memref<128xi32, #tpu.memory_space<vmem>>
    %dma_start3A_110 = arith.constant 0 : i32
    %dma_start3A_111 = arith.constant 0 : i32
    %dma_start3A_112 = tpu.memref_slice %arg2[%dma_start3A_110, %dma_start3A_111] : memref<10000x64xf32, #tpu.memory_space<hbm>> -> memref<10000x64xf32, #tpu.memory_space<hbm>>
    %dma_start3A_113 = tpu.memref_slice %arg11[%dma_start3A_102] : memref<10x!tpu.dma_semaphore, #tpu.memory_space<semaphore_mem>> -> memref<1x!tpu.dma_semaphore, #tpu.memory_space<semaphore_mem>>
    %dma_start3A_114 = tpu.memref_squeeze %dma_start3A_113 : memref<1x!tpu.dma_semaphore, #tpu.memory_space<semaphore_mem>> -> memref<!tpu.dma_semaphore, #tpu.memory_space<semaphore_mem>>
    tpu.enqueue_indirect_dma source(%dma_start3A_112 : memref<10000x64xf32, #tpu.memory_space<hbm>>) target(%dma_start3A_106 : memref<128x64xf32, #tpu.memory_space<vmem>>) offsets(%dma_start3A_109 : memref<128xi32, #tpu.memory_space<vmem>>) semaphore(%dma_start3A_114 : memref<!tpu.dma_semaphore, #tpu.memory_space<semaphore_mem>>)
    %dma_start3A_115 = arith.constant 0 : i32
    %dma_start3A_116 = arith.constant 3 : i32
    %dma_start3A_117 = arith.constant 3 : i32
    %dma_start3A_118 = arith.constant 3 : i32
    %dma_start3A_119 = arith.constant 0 : i32
    %dma_start3A_120 = arith.constant 0 : i32
    %dma_start3A_121 = tpu.memref_slice %arg9[%dma_start3A_117, %dma_start3A_119, %dma_start3A_120] : memref<10x128x64xf32, #tpu.memory_space<vmem>> -> memref<1x128x64xf32, #tpu.memory_space<vmem>>
    %dma_start3A_122 = tpu.memref_squeeze %dma_start3A_121 : memref<1x128x64xf32, #tpu.memory_space<vmem>> -> memref<128x64xf32, #tpu.memory_space<vmem>>
    %dma_start3A_123 = arith.constant 0 : i32
    %dma_start3A_124 = tpu.memref_slice %arg7[%dma_start3A_115, %dma_start3A_116, %dma_start3A_123] : memref<2x10x128xi32, #tpu.memory_space<vmem>> -> memref<1x1x128xi32, #tpu.memory_space<vmem>>
    %dma_start3A_125 = tpu.memref_squeeze %dma_start3A_124 : memref<1x1x128xi32, #tpu.memory_space<vmem>> -> memref<128xi32, #tpu.memory_space<vmem>>
    %dma_start3A_126 = arith.constant 0 : i32
    %dma_start3A_127 = arith.constant 0 : i32
    %dma_start3A_128 = tpu.memref_slice %arg2[%dma_start3A_126, %dma_start3A_127] : memref<10000x64xf32, #tpu.memory_space<hbm>> -> memref<10000x64xf32, #tpu.memory_space<hbm>>
    %dma_start3A_129 = tpu.memref_slice %arg11[%dma_start3A_118] : memref<10x!tpu.dma_semaphore, #tpu.memory_space<semaphore_mem>> -> memref<1x!tpu.dma_semaphore, #tpu.memory_space<semaphore_mem>>
    %dma_start3A_130 = tpu.memref_squeeze %dma_start3A_129 : memref<1x!tpu.dma_semaphore, #tpu.memory_space<semaphore_mem>> -> memref<!tpu.dma_semaphore, #tpu.memory_space<semaphore_mem>>
    tpu.enqueue_indirect_dma source(%dma_start3A_128 : memref<10000x64xf32, #tpu.memory_space<hbm>>) target(%dma_start3A_122 : memref<128x64xf32, #tpu.memory_space<vmem>>) offsets(%dma_start3A_125 : memref<128xi32, #tpu.memory_space<vmem>>) semaphore(%dma_start3A_130 : memref<!tpu.dma_semaphore, #tpu.memory_space<semaphore_mem>>)
    %dma_start3A_131 = arith.constant 0 : i32
    %dma_start3A_132 = arith.constant 4 : i32
    %dma_start3A_133 = arith.constant 4 : i32
    %dma_start3A_134 = arith.constant 4 : i32
    %dma_start3A_135 = arith.constant 0 : i32
    %dma_start3A_136 = arith.constant 0 : i32
    %dma_start3A_137 = tpu.memref_slice %arg9[%dma_start3A_133, %dma_start3A_135, %dma_start3A_136] : memref<10x128x64xf32, #tpu.memory_space<vmem>> -> memref<1x128x64xf32, #tpu.memory_space<vmem>>
    %dma_start3A_138 = tpu.memref_squeeze %dma_start3A_137 : memref<1x128x64xf32, #tpu.memory_space<vmem>> -> memref<128x64xf32, #tpu.memory_space<vmem>>
    %dma_start3A_139 = arith.constant 0 : i32
    %dma_start3A_140 = tpu.memref_slice %arg7[%dma_start3A_131, %dma_start3A_132, %dma_start3A_139] : memref<2x10x128xi32, #tpu.memory_space<vmem>> -> memref<1x1x128xi32, #tpu.memory_space<vmem>>
    %dma_start3A_141 = tpu.memref_squeeze %dma_start3A_140 : memref<1x1x128xi32, #tpu.memory_space<vmem>> -> memref<128xi32, #tpu.memory_space<vmem>>
    %dma_start3A_142 = arith.constant 0 : i32
    %dma_start3A_143 = arith.constant 0 : i32
    %dma_start3A_144 = tpu.memref_slice %arg2[%dma_start3A_142, %dma_start3A_143] : memref<10000x64xf32, #tpu.memory_space<hbm>> -> memref<10000x64xf32, #tpu.memory_space<hbm>>
    %dma_start3A_145 = tpu.memref_slice %arg11[%dma_start3A_134] : memref<10x!tpu.dma_semaphore, #tpu.memory_space<semaphore_mem>> -> memref<1x!tpu.dma_semaphore, #tpu.memory_space<semaphore_mem>>
    %dma_start3A_146 = tpu.memref_squeeze %dma_start3A_145 : memref<1x!tpu.dma_semaphore, #tpu.memory_space<semaphore_mem>> -> memref<!tpu.dma_semaphore, #tpu.memory_space<semaphore_mem>>
    tpu.enqueue_indirect_dma source(%dma_start3A_144 : memref<10000x64xf32, #tpu.memory_space<hbm>>) target(%dma_start3A_138 : memref<128x64xf32, #tpu.memory_space<vmem>>) offsets(%dma_start3A_141 : memref<128xi32, #tpu.memory_space<vmem>>) semaphore(%dma_start3A_146 : memref<!tpu.dma_semaphore, #tpu.memory_space<semaphore_mem>>)
    %dma_start3A_147 = arith.constant 0 : i32
    %dma_start3A_148 = arith.constant 5 : i32
    %dma_start3A_149 = arith.constant 5 : i32
    %dma_start3A_150 = arith.constant 5 : i32
    %dma_start3A_151 = arith.constant 0 : i32
    %dma_start3A_152 = arith.constant 0 : i32
    %dma_start3A_153 = tpu.memref_slice %arg9[%dma_start3A_149, %dma_start3A_151, %dma_start3A_152] : memref<10x128x64xf32, #tpu.memory_space<vmem>> -> memref<1x128x64xf32, #tpu.memory_space<vmem>>
    %dma_start3A_154 = tpu.memref_squeeze %dma_start3A_153 : memref<1x128x64xf32, #tpu.memory_space<vmem>> -> memref<128x64xf32, #tpu.memory_space<vmem>>
    %dma_start3A_155 = arith.constant 0 : i32
    %dma_start3A_156 = tpu.memref_slice %arg7[%dma_start3A_147, %dma_start3A_148, %dma_start3A_155] : memref<2x10x128xi32, #tpu.memory_space<vmem>> -> memref<1x1x128xi32, #tpu.memory_space<vmem>>
    %dma_start3A_157 = tpu.memref_squeeze %dma_start3A_156 : memref<1x1x128xi32, #tpu.memory_space<vmem>> -> memref<128xi32, #tpu.memory_space<vmem>>
    %dma_start3A_158 = arith.constant 0 : i32
    %dma_start3A_159 = arith.constant 0 : i32
    %dma_start3A_160 = tpu.memref_slice %arg2[%dma_start3A_158, %dma_start3A_159] : memref<10000x64xf32, #tpu.memory_space<hbm>> -> memref<10000x64xf32, #tpu.memory_space<hbm>>
    %dma_start3A_161 = tpu.memref_slice %arg11[%dma_start3A_150] : memref<10x!tpu.dma_semaphore, #tpu.memory_space<semaphore_mem>> -> memref<1x!tpu.dma_semaphore, #tpu.memory_space<semaphore_mem>>
    %dma_start3A_162 = tpu.memref_squeeze %dma_start3A_161 : memref<1x!tpu.dma_semaphore, #tpu.memory_space<semaphore_mem>> -> memref<!tpu.dma_semaphore, #tpu.memory_space<semaphore_mem>>
    tpu.enqueue_indirect_dma source(%dma_start3A_160 : memref<10000x64xf32, #tpu.memory_space<hbm>>) target(%dma_start3A_154 : memref<128x64xf32, #tpu.memory_space<vmem>>) offsets(%dma_start3A_157 : memref<128xi32, #tpu.memory_space<vmem>>) semaphore(%dma_start3A_162 : memref<!tpu.dma_semaphore, #tpu.memory_space<semaphore_mem>>)
    %dma_start3A_163 = arith.constant 0 : i32
    %dma_start3A_164 = arith.constant 6 : i32
    %dma_start3A_165 = arith.constant 6 : i32
    %dma_start3A_166 = arith.constant 6 : i32
    %dma_start3A_167 = arith.constant 0 : i32
    %dma_start3A_168 = arith.constant 0 : i32
    %dma_start3A_169 = tpu.memref_slice %arg9[%dma_start3A_165, %dma_start3A_167, %dma_start3A_168] : memref<10x128x64xf32, #tpu.memory_space<vmem>> -> memref<1x128x64xf32, #tpu.memory_space<vmem>>
    %dma_start3A_170 = tpu.memref_squeeze %dma_start3A_169 : memref<1x128x64xf32, #tpu.memory_space<vmem>> -> memref<128x64xf32, #tpu.memory_space<vmem>>
    %dma_start3A_171 = arith.constant 0 : i32
    %dma_start3A_172 = tpu.memref_slice %arg7[%dma_start3A_163, %dma_start3A_164, %dma_start3A_171] : memref<2x10x128xi32, #tpu.memory_space<vmem>> -> memref<1x1x128xi32, #tpu.memory_space<vmem>>
    %dma_start3A_173 = tpu.memref_squeeze %dma_start3A_172 : memref<1x1x128xi32, #tpu.memory_space<vmem>> -> memref<128xi32, #tpu.memory_space<vmem>>
    %dma_start3A_174 = arith.constant 0 : i32
    %dma_start3A_175 = arith.constant 0 : i32
    %dma_start3A_176 = tpu.memref_slice %arg2[%dma_start3A_174, %dma_start3A_175] : memref<10000x64xf32, #tpu.memory_space<hbm>> -> memref<10000x64xf32, #tpu.memory_space<hbm>>
    %dma_start3A_177 = tpu.memref_slice %arg11[%dma_start3A_166] : memref<10x!tpu.dma_semaphore, #tpu.memory_space<semaphore_mem>> -> memref<1x!tpu.dma_semaphore, #tpu.memory_space<semaphore_mem>>
    %dma_start3A_178 = tpu.memref_squeeze %dma_start3A_177 : memref<1x!tpu.dma_semaphore, #tpu.memory_space<semaphore_mem>> -> memref<!tpu.dma_semaphore, #tpu.memory_space<semaphore_mem>>
    tpu.enqueue_indirect_dma source(%dma_start3A_176 : memref<10000x64xf32, #tpu.memory_space<hbm>>) target(%dma_start3A_170 : memref<128x64xf32, #tpu.memory_space<vmem>>) offsets(%dma_start3A_173 : memref<128xi32, #tpu.memory_space<vmem>>) semaphore(%dma_start3A_178 : memref<!tpu.dma_semaphore, #tpu.memory_space<semaphore_mem>>)
    %dma_start3A_179 = arith.constant 0 : i32
    %dma_start3A_180 = arith.constant 7 : i32
    %dma_start3A_181 = arith.constant 7 : i32
    %dma_start3A_182 = arith.constant 7 : i32
    %dma_start3A_183 = arith.constant 0 : i32
    %dma_start3A_184 = arith.constant 0 : i32
    %dma_start3A_185 = tpu.memref_slice %arg9[%dma_start3A_181, %dma_start3A_183, %dma_start3A_184] : memref<10x128x64xf32, #tpu.memory_space<vmem>> -> memref<1x128x64xf32, #tpu.memory_space<vmem>>
    %dma_start3A_186 = tpu.memref_squeeze %dma_start3A_185 : memref<1x128x64xf32, #tpu.memory_space<vmem>> -> memref<128x64xf32, #tpu.memory_space<vmem>>
    %dma_start3A_187 = arith.constant 0 : i32
    %dma_start3A_188 = tpu.memref_slice %arg7[%dma_start3A_179, %dma_start3A_180, %dma_start3A_187] : memref<2x10x128xi32, #tpu.memory_space<vmem>> -> memref<1x1x128xi32, #tpu.memory_space<vmem>>
    %dma_start3A_189 = tpu.memref_squeeze %dma_start3A_188 : memref<1x1x128xi32, #tpu.memory_space<vmem>> -> memref<128xi32, #tpu.memory_space<vmem>>
    %dma_start3A_190 = arith.constant 0 : i32
    %dma_start3A_191 = arith.constant 0 : i32
    %dma_start3A_192 = tpu.memref_slice %arg2[%dma_start3A_190, %dma_start3A_191] : memref<10000x64xf32, #tpu.memory_space<hbm>> -> memref<10000x64xf32, #tpu.memory_space<hbm>>
    %dma_start3A_193 = tpu.memref_slice %arg11[%dma_start3A_182] : memref<10x!tpu.dma_semaphore, #tpu.memory_space<semaphore_mem>> -> memref<1x!tpu.dma_semaphore, #tpu.memory_space<semaphore_mem>>
    %dma_start3A_194 = tpu.memref_squeeze %dma_start3A_193 : memref<1x!tpu.dma_semaphore, #tpu.memory_space<semaphore_mem>> -> memref<!tpu.dma_semaphore, #tpu.memory_space<semaphore_mem>>
    tpu.enqueue_indirect_dma source(%dma_start3A_192 : memref<10000x64xf32, #tpu.memory_space<hbm>>) target(%dma_start3A_186 : memref<128x64xf32, #tpu.memory_space<vmem>>) offsets(%dma_start3A_189 : memref<128xi32, #tpu.memory_space<vmem>>) semaphore(%dma_start3A_194 : memref<!tpu.dma_semaphore, #tpu.memory_space<semaphore_mem>>)
    %dma_start3A_195 = arith.constant 0 : i32
    %dma_start3A_196 = arith.constant 8 : i32
    %dma_start3A_197 = arith.constant 8 : i32
    %dma_start3A_198 = arith.constant 8 : i32
    %dma_start3A_199 = arith.constant 0 : i32
    %dma_start3A_200 = arith.constant 0 : i32
    %dma_start3A_201 = tpu.memref_slice %arg9[%dma_start3A_197, %dma_start3A_199, %dma_start3A_200] : memref<10x128x64xf32, #tpu.memory_space<vmem>> -> memref<1x128x64xf32, #tpu.memory_space<vmem>>
    %dma_start3A_202 = tpu.memref_squeeze %dma_start3A_201 : memref<1x128x64xf32, #tpu.memory_space<vmem>> -> memref<128x64xf32, #tpu.memory_space<vmem>>
    %dma_start3A_203 = arith.constant 0 : i32
    %dma_start3A_204 = tpu.memref_slice %arg7[%dma_start3A_195, %dma_start3A_196, %dma_start3A_203] : memref<2x10x128xi32, #tpu.memory_space<vmem>> -> memref<1x1x128xi32, #tpu.memory_space<vmem>>
    %dma_start3A_205 = tpu.memref_squeeze %dma_start3A_204 : memref<1x1x128xi32, #tpu.memory_space<vmem>> -> memref<128xi32, #tpu.memory_space<vmem>>
    %dma_start3A_206 = arith.constant 0 : i32
    %dma_start3A_207 = arith.constant 0 : i32
    %dma_start3A_208 = tpu.memref_slice %arg2[%dma_start3A_206, %dma_start3A_207] : memref<10000x64xf32, #tpu.memory_space<hbm>> -> memref<10000x64xf32, #tpu.memory_space<hbm>>
    %dma_start3A_209 = tpu.memref_slice %arg11[%dma_start3A_198] : memref<10x!tpu.dma_semaphore, #tpu.memory_space<semaphore_mem>> -> memref<1x!tpu.dma_semaphore, #tpu.memory_space<semaphore_mem>>
    %dma_start3A_210 = tpu.memref_squeeze %dma_start3A_209 : memref<1x!tpu.dma_semaphore, #tpu.memory_space<semaphore_mem>> -> memref<!tpu.dma_semaphore, #tpu.memory_space<semaphore_mem>>
    tpu.enqueue_indirect_dma source(%dma_start3A_208 : memref<10000x64xf32, #tpu.memory_space<hbm>>) target(%dma_start3A_202 : memref<128x64xf32, #tpu.memory_space<vmem>>) offsets(%dma_start3A_205 : memref<128xi32, #tpu.memory_space<vmem>>) semaphore(%dma_start3A_210 : memref<!tpu.dma_semaphore, #tpu.memory_space<semaphore_mem>>)
    %dma_start3A_211 = arith.constant 0 : i32
    %dma_start3A_212 = arith.constant 9 : i32
    %dma_start3A_213 = arith.constant 9 : i32
    %dma_start3A_214 = arith.constant 9 : i32
    %dma_start3A_215 = arith.constant 0 : i32
    %dma_start3A_216 = arith.constant 0 : i32
    %dma_start3A_217 = tpu.memref_slice %arg9[%dma_start3A_213, %dma_start3A_215, %dma_start3A_216] : memref<10x128x64xf32, #tpu.memory_space<vmem>> -> memref<1x128x64xf32, #tpu.memory_space<vmem>>
    %dma_start3A_218 = tpu.memref_squeeze %dma_start3A_217 : memref<1x128x64xf32, #tpu.memory_space<vmem>> -> memref<128x64xf32, #tpu.memory_space<vmem>>
    %dma_start3A_219 = arith.constant 0 : i32
    %dma_start3A_220 = tpu.memref_slice %arg7[%dma_start3A_211, %dma_start3A_212, %dma_start3A_219] : memref<2x10x128xi32, #tpu.memory_space<vmem>> -> memref<1x1x128xi32, #tpu.memory_space<vmem>>
    %dma_start3A_221 = tpu.memref_squeeze %dma_start3A_220 : memref<1x1x128xi32, #tpu.memory_space<vmem>> -> memref<128xi32, #tpu.memory_space<vmem>>
    %dma_start3A_222 = arith.constant 0 : i32
    %dma_start3A_223 = arith.constant 0 : i32
    %dma_start3A_224 = tpu.memref_slice %arg2[%dma_start3A_222, %dma_start3A_223] : memref<10000x64xf32, #tpu.memory_space<hbm>> -> memref<10000x64xf32, #tpu.memory_space<hbm>>
    %dma_start3A_225 = tpu.memref_slice %arg11[%dma_start3A_214] : memref<10x!tpu.dma_semaphore, #tpu.memory_space<semaphore_mem>> -> memref<1x!tpu.dma_semaphore, #tpu.memory_space<semaphore_mem>>
    %dma_start3A_226 = tpu.memref_squeeze %dma_start3A_225 : memref<1x!tpu.dma_semaphore, #tpu.memory_space<semaphore_mem>> -> memref<!tpu.dma_semaphore, #tpu.memory_space<semaphore_mem>>
    tpu.enqueue_indirect_dma source(%dma_start3A_224 : memref<10000x64xf32, #tpu.memory_space<hbm>>) target(%dma_start3A_218 : memref<128x64xf32, #tpu.memory_space<vmem>>) offsets(%dma_start3A_221 : memref<128xi32, #tpu.memory_space<vmem>>) semaphore(%dma_start3A_226 : memref<!tpu.dma_semaphore, #tpu.memory_space<semaphore_mem>>)
    %scan3A = arith.constant 0 : i32
    %scan3A_227 = arith.constant 0 : i32
    %scan3A_228 = arith.constant 8 : i32
    %scan3A_229 = arith.addi %scan3A_227, %scan3A_228 : i32
    %scan3A_230 = arith.constant 1 : i32
    scf.for %scan3A_237 = %scan3A_227 to %scan3A_229 step %scan3A_230  : i32 {
      %add3A_238 = arith.constant 1 : i32
      %add3A_239 = arith.addi %scan3A_237, %add3A_238 : i32
      %mul3A_240 = arith.constant 10 : i32
      %mul3A_241 = arith.muli %add3A_239, %mul3A_240 : i32
      %add3A_242 = arith.addi %mul3A_4, %mul3A_241 : i32
      %rem3A = arith.constant 2 : i32
      %rem3A_243 = arith.remsi %scan3A_237, %rem3A : i32
      %add3A_244 = arith.constant 1 : i32
      %add3A_245 = arith.addi %scan3A_237, %add3A_244 : i32
      %rem3A_246 = arith.constant 2 : i32
      %rem3A_247 = arith.remsi %add3A_245, %rem3A_246 : i32
      %add3A_248 = arith.constant 1 : i32
      %add3A_249 = arith.addi %scan3A_237, %add3A_248 : i32
      %lt3A = arith.constant 8 : i32
      %lt3A_250 = arith.cmpi slt, %add3A_249, %lt3A : i32
      %convert_element_type3A = arith.extui %lt3A_250 : i1 to i32
      %cond3A = arith.constant 0 : i32
      %cond3A_251 = arith.cmpi ne, %convert_element_type3A, %cond3A : i32
      scf.if %cond3A_251 {
        %dma_start3A_735 = arith.constant 0 : i32
        %dma_start3A_736 = arith.constant 0 : i32
        %dma_start3A_737 = arith.constant 0 : i32
        %dma_start3A_738 = tpu.memref_slice %arg7[%rem3A_247, %dma_start3A_736, %dma_start3A_737] : memref<2x10x128xi32, #tpu.memory_space<vmem>> -> memref<1x10x128xi32, #tpu.memory_space<vmem>>
        %dma_start3A_739 = tpu.memref_squeeze %dma_start3A_738 : memref<1x10x128xi32, #tpu.memory_space<vmem>> -> memref<10x128xi32, #tpu.memory_space<vmem>>
        %dma_start3A_740 = arith.constant 0 : i32
        %dma_start3A_741 = tpu.memref_slice %arg3[%add3A_242, %dma_start3A_740] : memref<2560x128xi32, #tpu.memory_space<hbm>> -> memref<10x128xi32, #tpu.memory_space<hbm>>
        %dma_start3A_742 = tpu.memref_slice %arg13[%dma_start3A_735] : memref<2x!tpu.dma_semaphore, #tpu.memory_space<semaphore_mem>> -> memref<1x!tpu.dma_semaphore, #tpu.memory_space<semaphore_mem>>
        %dma_start3A_743 = tpu.memref_squeeze %dma_start3A_742 : memref<1x!tpu.dma_semaphore, #tpu.memory_space<semaphore_mem>> -> memref<!tpu.dma_semaphore, #tpu.memory_space<semaphore_mem>>
        %dma_start3A_744 = arith.constant 0 : i32
        %dma_start3A_745 = arith.constant 0 : i32
        %dma_start3A_746 = tpu.memref_slice %arg7[%rem3A_247, %dma_start3A_744, %dma_start3A_745] : memref<2x10x128xi32, #tpu.memory_space<vmem>> -> memref<1x10x128xi32, #tpu.memory_space<vmem>>
        %dma_start3A_747 = tpu.memref_squeeze %dma_start3A_746 : memref<1x10x128xi32, #tpu.memory_space<vmem>> -> memref<10x128xi32, #tpu.memory_space<vmem>>
        %dma_start3A_748 = arith.constant 0 : i32
        %dma_start3A_749 = tpu.memref_slice %arg3[%add3A_242, %dma_start3A_748] : memref<2560x128xi32, #tpu.memory_space<hbm>> -> memref<10x128xi32, #tpu.memory_space<hbm>>
        tpu.enqueue_dma source(%dma_start3A_749 : memref<10x128xi32, #tpu.memory_space<hbm>>) target(%dma_start3A_747 : memref<10x128xi32, #tpu.memory_space<vmem>>) target_semaphore(%dma_start3A_743 : memref<!tpu.dma_semaphore, #tpu.memory_space<semaphore_mem>>)
        %dma_start3A_750 = arith.constant 1 : i32
        %dma_start3A_751 = arith.constant 0 : i32
        %dma_start3A_752 = arith.constant 0 : i32
        %dma_start3A_753 = tpu.memref_slice %arg8[%rem3A_247, %dma_start3A_751, %dma_start3A_752] : memref<2x10x128xi32, #tpu.memory_space<vmem>> -> memref<1x10x128xi32, #tpu.memory_space<vmem>>
        %dma_start3A_754 = tpu.memref_squeeze %dma_start3A_753 : memref<1x10x128xi32, #tpu.memory_space<vmem>> -> memref<10x128xi32, #tpu.memory_space<vmem>>
        %dma_start3A_755 = arith.constant 0 : i32
        %dma_start3A_756 = tpu.memref_slice %arg4[%add3A_242, %dma_start3A_755] : memref<2560x128xi32, #tpu.memory_space<hbm>> -> memref<10x128xi32, #tpu.memory_space<hbm>>
        %dma_start3A_757 = tpu.memref_slice %arg13[%dma_start3A_750] : memref<2x!tpu.dma_semaphore, #tpu.memory_space<semaphore_mem>> -> memref<1x!tpu.dma_semaphore, #tpu.memory_space<semaphore_mem>>
        %dma_start3A_758 = tpu.memref_squeeze %dma_start3A_757 : memref<1x!tpu.dma_semaphore, #tpu.memory_space<semaphore_mem>> -> memref<!tpu.dma_semaphore, #tpu.memory_space<semaphore_mem>>
        %dma_start3A_759 = arith.constant 0 : i32
        %dma_start3A_760 = arith.constant 0 : i32
        %dma_start3A_761 = tpu.memref_slice %arg8[%rem3A_247, %dma_start3A_759, %dma_start3A_760] : memref<2x10x128xi32, #tpu.memory_space<vmem>> -> memref<1x10x128xi32, #tpu.memory_space<vmem>>
        %dma_start3A_762 = tpu.memref_squeeze %dma_start3A_761 : memref<1x10x128xi32, #tpu.memory_space<vmem>> -> memref<10x128xi32, #tpu.memory_space<vmem>>
        %dma_start3A_763 = arith.constant 0 : i32
        %dma_start3A_764 = tpu.memref_slice %arg4[%add3A_242, %dma_start3A_763] : memref<2560x128xi32, #tpu.memory_space<hbm>> -> memref<10x128xi32, #tpu.memory_space<hbm>>
        tpu.enqueue_dma source(%dma_start3A_764 : memref<10x128xi32, #tpu.memory_space<hbm>>) target(%dma_start3A_762 : memref<10x128xi32, #tpu.memory_space<vmem>>) target_semaphore(%dma_start3A_758 : memref<!tpu.dma_semaphore, #tpu.memory_space<semaphore_mem>>)
      } else {
      }
      %dma_wait3A_252 = arith.constant 0 : i32
      %dma_wait3A_253 = arith.constant 0 : i32
      %dma_wait3A_254 = arith.constant 0 : i32
      %dma_wait3A_255 = arith.constant 0 : i32
      %dma_wait3A_256 = arith.constant 0 : i32
      %dma_wait3A_257 = tpu.memref_slice %arg9[%dma_wait3A_253, %dma_wait3A_255, %dma_wait3A_256] : memref<10x128x64xf32, #tpu.memory_space<vmem>> -> memref<1x128x64xf32, #tpu.memory_space<vmem>>
      %dma_wait3A_258 = tpu.memref_squeeze %dma_wait3A_257 : memref<1x128x64xf32, #tpu.memory_space<vmem>> -> memref<128x64xf32, #tpu.memory_space<vmem>>
      %dma_wait3A_259 = arith.constant 0 : i32
      %dma_wait3A_260 = tpu.memref_slice %arg7[%rem3A_243, %dma_wait3A_252, %dma_wait3A_259] : memref<2x10x128xi32, #tpu.memory_space<vmem>> -> memref<1x1x128xi32, #tpu.memory_space<vmem>>
      %dma_wait3A_261 = tpu.memref_squeeze %dma_wait3A_260 : memref<1x1x128xi32, #tpu.memory_space<vmem>> -> memref<128xi32, #tpu.memory_space<vmem>>
      %dma_wait3A_262 = arith.constant 0 : i32
      %dma_wait3A_263 = arith.constant 0 : i32
      %dma_wait3A_264 = tpu.memref_slice %arg2[%dma_wait3A_262, %dma_wait3A_263] : memref<10000x64xf32, #tpu.memory_space<hbm>> -> memref<10000x64xf32, #tpu.memory_space<hbm>>
      %dma_wait3A_265 = tpu.memref_slice %arg11[%dma_wait3A_254] : memref<10x!tpu.dma_semaphore, #tpu.memory_space<semaphore_mem>> -> memref<1x!tpu.dma_semaphore, #tpu.memory_space<semaphore_mem>>
      %dma_wait3A_266 = tpu.memref_squeeze %dma_wait3A_265 : memref<1x!tpu.dma_semaphore, #tpu.memory_space<semaphore_mem>> -> memref<!tpu.dma_semaphore, #tpu.memory_space<semaphore_mem>>
      tpu.wait_indirect_dma semaphore(%dma_wait3A_266 : memref<!tpu.dma_semaphore, #tpu.memory_space<semaphore_mem>>) src(%dma_wait3A_264 : memref<10000x64xf32, #tpu.memory_space<hbm>>) dst(%dma_wait3A_258 : memref<128x64xf32, #tpu.memory_space<vmem>>)
      %dma_start3A_267 = arith.constant 0 : i32
      %dma_start3A_268 = arith.constant 0 : i32
      %dma_start3A_269 = arith.constant 0 : i32
      %dma_start3A_270 = arith.constant 0 : i32
      %dma_start3A_271 = arith.constant 0 : i32
      %dma_start3A_272 = tpu.memref_slice %arg9[%dma_start3A_267, %dma_start3A_270, %dma_start3A_271] : memref<10x128x64xf32, #tpu.memory_space<vmem>> -> memref<1x128x64xf32, #tpu.memory_space<vmem>>
      %dma_start3A_273 = tpu.memref_squeeze %dma_start3A_272 : memref<1x128x64xf32, #tpu.memory_space<vmem>> -> memref<128x64xf32, #tpu.memory_space<vmem>>
      %dma_start3A_274 = arith.constant 0 : i32
      %dma_start3A_275 = tpu.memref_slice %arg8[%rem3A_243, %dma_start3A_268, %dma_start3A_274] : memref<2x10x128xi32, #tpu.memory_space<vmem>> -> memref<1x1x128xi32, #tpu.memory_space<vmem>>
      %dma_start3A_276 = tpu.memref_squeeze %dma_start3A_275 : memref<1x1x128xi32, #tpu.memory_space<vmem>> -> memref<128xi32, #tpu.memory_space<vmem>>
      %dma_start3A_277 = arith.constant 0 : i32
      %dma_start3A_278 = arith.constant 0 : i32
      %dma_start3A_279 = tpu.memref_slice %arg10[%dma_start3A_277, %dma_start3A_278] : memref<10112x64xf32, #tpu.memory_space<vmem_shared>> -> memref<10112x64xf32, #tpu.memory_space<vmem_shared>>
      %dma_start3A_280 = tpu.memref_slice %arg12[%dma_start3A_269] : memref<10x!tpu.dma_semaphore, #tpu.memory_space<semaphore_mem>> -> memref<1x!tpu.dma_semaphore, #tpu.memory_space<semaphore_mem>>
      %dma_start3A_281 = tpu.memref_squeeze %dma_start3A_280 : memref<1x!tpu.dma_semaphore, #tpu.memory_space<semaphore_mem>> -> memref<!tpu.dma_semaphore, #tpu.memory_space<semaphore_mem>>
      tpu.enqueue_indirect_dma source(%dma_start3A_273 : memref<128x64xf32, #tpu.memory_space<vmem>>) target(%dma_start3A_279 : memref<10112x64xf32, #tpu.memory_space<vmem_shared>>) offsets(%dma_start3A_276 : memref<128xi32, #tpu.memory_space<vmem>>) semaphore(%dma_start3A_281 : memref<!tpu.dma_semaphore, #tpu.memory_space<semaphore_mem>>) {add = true}
      %dma_wait3A_282 = arith.constant 1 : i32
      %dma_wait3A_283 = arith.constant 1 : i32
      %dma_wait3A_284 = arith.constant 1 : i32
      %dma_wait3A_285 = arith.constant 0 : i32
      %dma_wait3A_286 = arith.constant 0 : i32
      %dma_wait3A_287 = tpu.memref_slice %arg9[%dma_wait3A_283, %dma_wait3A_285, %dma_wait3A_286] : memref<10x128x64xf32, #tpu.memory_space<vmem>> -> memref<1x128x64xf32, #tpu.memory_space<vmem>>
      %dma_wait3A_288 = tpu.memref_squeeze %dma_wait3A_287 : memref<1x128x64xf32, #tpu.memory_space<vmem>> -> memref<128x64xf32, #tpu.memory_space<vmem>>
      %dma_wait3A_289 = arith.constant 0 : i32
      %dma_wait3A_290 = tpu.memref_slice %arg7[%rem3A_243, %dma_wait3A_282, %dma_wait3A_289] : memref<2x10x128xi32, #tpu.memory_space<vmem>> -> memref<1x1x128xi32, #tpu.memory_space<vmem>>
      %dma_wait3A_291 = tpu.memref_squeeze %dma_wait3A_290 : memref<1x1x128xi32, #tpu.memory_space<vmem>> -> memref<128xi32, #tpu.memory_space<vmem>>
      %dma_wait3A_292 = arith.constant 0 : i32
      %dma_wait3A_293 = arith.constant 0 : i32
      %dma_wait3A_294 = tpu.memref_slice %arg2[%dma_wait3A_292, %dma_wait3A_293] : memref<10000x64xf32, #tpu.memory_space<hbm>> -> memref<10000x64xf32, #tpu.memory_space<hbm>>
      %dma_wait3A_295 = tpu.memref_slice %arg11[%dma_wait3A_284] : memref<10x!tpu.dma_semaphore, #tpu.memory_space<semaphore_mem>> -> memref<1x!tpu.dma_semaphore, #tpu.memory_space<semaphore_mem>>
      %dma_wait3A_296 = tpu.memref_squeeze %dma_wait3A_295 : memref<1x!tpu.dma_semaphore, #tpu.memory_space<semaphore_mem>> -> memref<!tpu.dma_semaphore, #tpu.memory_space<semaphore_mem>>
      tpu.wait_indirect_dma semaphore(%dma_wait3A_296 : memref<!tpu.dma_semaphore, #tpu.memory_space<semaphore_mem>>) src(%dma_wait3A_294 : memref<10000x64xf32, #tpu.memory_space<hbm>>) dst(%dma_wait3A_288 : memref<128x64xf32, #tpu.memory_space<vmem>>)
      %dma_start3A_297 = arith.constant 1 : i32
      %dma_start3A_298 = arith.constant 1 : i32
      %dma_start3A_299 = arith.constant 1 : i32
      %dma_start3A_300 = arith.constant 0 : i32
      %dma_start3A_301 = arith.constant 0 : i32
      %dma_start3A_302 = tpu.memref_slice %arg9[%dma_start3A_297, %dma_start3A_300, %dma_start3A_301] : memref<10x128x64xf32, #tpu.memory_space<vmem>> -> memref<1x128x64xf32, #tpu.memory_space<vmem>>
      %dma_start3A_303 = tpu.memref_squeeze %dma_start3A_302 : memref<1x128x64xf32, #tpu.memory_space<vmem>> -> memref<128x64xf32, #tpu.memory_space<vmem>>
      %dma_start3A_304 = arith.constant 0 : i32
      %dma_start3A_305 = tpu.memref_slice %arg8[%rem3A_243, %dma_start3A_298, %dma_start3A_304] : memref<2x10x128xi32, #tpu.memory_space<vmem>> -> memref<1x1x128xi32, #tpu.memory_space<vmem>>
      %dma_start3A_306 = tpu.memref_squeeze %dma_start3A_305 : memref<1x1x128xi32, #tpu.memory_space<vmem>> -> memref<128xi32, #tpu.memory_space<vmem>>
      %dma_start3A_307 = arith.constant 0 : i32
      %dma_start3A_308 = arith.constant 0 : i32
      %dma_start3A_309 = tpu.memref_slice %arg10[%dma_start3A_307, %dma_start3A_308] : memref<10112x64xf32, #tpu.memory_space<vmem_shared>> -> memref<10112x64xf32, #tpu.memory_space<vmem_shared>>
      %dma_start3A_310 = tpu.memref_slice %arg12[%dma_start3A_299] : memref<10x!tpu.dma_semaphore, #tpu.memory_space<semaphore_mem>> -> memref<1x!tpu.dma_semaphore, #tpu.memory_space<semaphore_mem>>
      %dma_start3A_311 = tpu.memref_squeeze %dma_start3A_310 : memref<1x!tpu.dma_semaphore, #tpu.memory_space<semaphore_mem>> -> memref<!tpu.dma_semaphore, #tpu.memory_space<semaphore_mem>>
      tpu.enqueue_indirect_dma source(%dma_start3A_303 : memref<128x64xf32, #tpu.memory_space<vmem>>) target(%dma_start3A_309 : memref<10112x64xf32, #tpu.memory_space<vmem_shared>>) offsets(%dma_start3A_306 : memref<128xi32, #tpu.memory_space<vmem>>) semaphore(%dma_start3A_311 : memref<!tpu.dma_semaphore, #tpu.memory_space<semaphore_mem>>) {add = true}
      %dma_wait3A_312 = arith.constant 2 : i32
      %dma_wait3A_313 = arith.constant 2 : i32
      %dma_wait3A_314 = arith.constant 2 : i32
      %dma_wait3A_315 = arith.constant 0 : i32
      %dma_wait3A_316 = arith.constant 0 : i32
      %dma_wait3A_317 = tpu.memref_slice %arg9[%dma_wait3A_313, %dma_wait3A_315, %dma_wait3A_316] : memref<10x128x64xf32, #tpu.memory_space<vmem>> -> memref<1x128x64xf32, #tpu.memory_space<vmem>>
      %dma_wait3A_318 = tpu.memref_squeeze %dma_wait3A_317 : memref<1x128x64xf32, #tpu.memory_space<vmem>> -> memref<128x64xf32, #tpu.memory_space<vmem>>
      %dma_wait3A_319 = arith.constant 0 : i32
      %dma_wait3A_320 = tpu.memref_slice %arg7[%rem3A_243, %dma_wait3A_312, %dma_wait3A_319] : memref<2x10x128xi32, #tpu.memory_space<vmem>> -> memref<1x1x128xi32, #tpu.memory_space<vmem>>
      %dma_wait3A_321 = tpu.memref_squeeze %dma_wait3A_320 : memref<1x1x128xi32, #tpu.memory_space<vmem>> -> memref<128xi32, #tpu.memory_space<vmem>>
      %dma_wait3A_322 = arith.constant 0 : i32
      %dma_wait3A_323 = arith.constant 0 : i32
      %dma_wait3A_324 = tpu.memref_slice %arg2[%dma_wait3A_322, %dma_wait3A_323] : memref<10000x64xf32, #tpu.memory_space<hbm>> -> memref<10000x64xf32, #tpu.memory_space<hbm>>
      %dma_wait3A_325 = tpu.memref_slice %arg11[%dma_wait3A_314] : memref<10x!tpu.dma_semaphore, #tpu.memory_space<semaphore_mem>> -> memref<1x!tpu.dma_semaphore, #tpu.memory_space<semaphore_mem>>
      %dma_wait3A_326 = tpu.memref_squeeze %dma_wait3A_325 : memref<1x!tpu.dma_semaphore, #tpu.memory_space<semaphore_mem>> -> memref<!tpu.dma_semaphore, #tpu.memory_space<semaphore_mem>>
      tpu.wait_indirect_dma semaphore(%dma_wait3A_326 : memref<!tpu.dma_semaphore, #tpu.memory_space<semaphore_mem>>) src(%dma_wait3A_324 : memref<10000x64xf32, #tpu.memory_space<hbm>>) dst(%dma_wait3A_318 : memref<128x64xf32, #tpu.memory_space<vmem>>)
      %dma_start3A_327 = arith.constant 2 : i32
      %dma_start3A_328 = arith.constant 2 : i32
      %dma_start3A_329 = arith.constant 2 : i32
      %dma_start3A_330 = arith.constant 0 : i32
      %dma_start3A_331 = arith.constant 0 : i32
      %dma_start3A_332 = tpu.memref_slice %arg9[%dma_start3A_327, %dma_start3A_330, %dma_start3A_331] : memref<10x128x64xf32, #tpu.memory_space<vmem>> -> memref<1x128x64xf32, #tpu.memory_space<vmem>>
      %dma_start3A_333 = tpu.memref_squeeze %dma_start3A_332 : memref<1x128x64xf32, #tpu.memory_space<vmem>> -> memref<128x64xf32, #tpu.memory_space<vmem>>
      %dma_start3A_334 = arith.constant 0 : i32
      %dma_start3A_335 = tpu.memref_slice %arg8[%rem3A_243, %dma_start3A_328, %dma_start3A_334] : memref<2x10x128xi32, #tpu.memory_space<vmem>> -> memref<1x1x128xi32, #tpu.memory_space<vmem>>
      %dma_start3A_336 = tpu.memref_squeeze %dma_start3A_335 : memref<1x1x128xi32, #tpu.memory_space<vmem>> -> memref<128xi32, #tpu.memory_space<vmem>>
      %dma_start3A_337 = arith.constant 0 : i32
      %dma_start3A_338 = arith.constant 0 : i32
      %dma_start3A_339 = tpu.memref_slice %arg10[%dma_start3A_337, %dma_start3A_338] : memref<10112x64xf32, #tpu.memory_space<vmem_shared>> -> memref<10112x64xf32, #tpu.memory_space<vmem_shared>>
      %dma_start3A_340 = tpu.memref_slice %arg12[%dma_start3A_329] : memref<10x!tpu.dma_semaphore, #tpu.memory_space<semaphore_mem>> -> memref<1x!tpu.dma_semaphore, #tpu.memory_space<semaphore_mem>>
      %dma_start3A_341 = tpu.memref_squeeze %dma_start3A_340 : memref<1x!tpu.dma_semaphore, #tpu.memory_space<semaphore_mem>> -> memref<!tpu.dma_semaphore, #tpu.memory_space<semaphore_mem>>
      tpu.enqueue_indirect_dma source(%dma_start3A_333 : memref<128x64xf32, #tpu.memory_space<vmem>>) target(%dma_start3A_339 : memref<10112x64xf32, #tpu.memory_space<vmem_shared>>) offsets(%dma_start3A_336 : memref<128xi32, #tpu.memory_space<vmem>>) semaphore(%dma_start3A_341 : memref<!tpu.dma_semaphore, #tpu.memory_space<semaphore_mem>>) {add = true}
      %dma_wait3A_342 = arith.constant 3 : i32
      %dma_wait3A_343 = arith.constant 3 : i32
      %dma_wait3A_344 = arith.constant 3 : i32
      %dma_wait3A_345 = arith.constant 0 : i32
      %dma_wait3A_346 = arith.constant 0 : i32
      %dma_wait3A_347 = tpu.memref_slice %arg9[%dma_wait3A_343, %dma_wait3A_345, %dma_wait3A_346] : memref<10x128x64xf32, #tpu.memory_space<vmem>> -> memref<1x128x64xf32, #tpu.memory_space<vmem>>
      %dma_wait3A_348 = tpu.memref_squeeze %dma_wait3A_347 : memref<1x128x64xf32, #tpu.memory_space<vmem>> -> memref<128x64xf32, #tpu.memory_space<vmem>>
      %dma_wait3A_349 = arith.constant 0 : i32
      %dma_wait3A_350 = tpu.memref_slice %arg7[%rem3A_243, %dma_wait3A_342, %dma_wait3A_349] : memref<2x10x128xi32, #tpu.memory_space<vmem>> -> memref<1x1x128xi32, #tpu.memory_space<vmem>>
      %dma_wait3A_351 = tpu.memref_squeeze %dma_wait3A_350 : memref<1x1x128xi32, #tpu.memory_space<vmem>> -> memref<128xi32, #tpu.memory_space<vmem>>
      %dma_wait3A_352 = arith.constant 0 : i32
      %dma_wait3A_353 = arith.constant 0 : i32
      %dma_wait3A_354 = tpu.memref_slice %arg2[%dma_wait3A_352, %dma_wait3A_353] : memref<10000x64xf32, #tpu.memory_space<hbm>> -> memref<10000x64xf32, #tpu.memory_space<hbm>>
      %dma_wait3A_355 = tpu.memref_slice %arg11[%dma_wait3A_344] : memref<10x!tpu.dma_semaphore, #tpu.memory_space<semaphore_mem>> -> memref<1x!tpu.dma_semaphore, #tpu.memory_space<semaphore_mem>>
      %dma_wait3A_356 = tpu.memref_squeeze %dma_wait3A_355 : memref<1x!tpu.dma_semaphore, #tpu.memory_space<semaphore_mem>> -> memref<!tpu.dma_semaphore, #tpu.memory_space<semaphore_mem>>
      tpu.wait_indirect_dma semaphore(%dma_wait3A_356 : memref<!tpu.dma_semaphore, #tpu.memory_space<semaphore_mem>>) src(%dma_wait3A_354 : memref<10000x64xf32, #tpu.memory_space<hbm>>) dst(%dma_wait3A_348 : memref<128x64xf32, #tpu.memory_space<vmem>>)
      %dma_start3A_357 = arith.constant 3 : i32
      %dma_start3A_358 = arith.constant 3 : i32
      %dma_start3A_359 = arith.constant 3 : i32
      %dma_start3A_360 = arith.constant 0 : i32
      %dma_start3A_361 = arith.constant 0 : i32
      %dma_start3A_362 = tpu.memref_slice %arg9[%dma_start3A_357, %dma_start3A_360, %dma_start3A_361] : memref<10x128x64xf32, #tpu.memory_space<vmem>> -> memref<1x128x64xf32, #tpu.memory_space<vmem>>
      %dma_start3A_363 = tpu.memref_squeeze %dma_start3A_362 : memref<1x128x64xf32, #tpu.memory_space<vmem>> -> memref<128x64xf32, #tpu.memory_space<vmem>>
      %dma_start3A_364 = arith.constant 0 : i32
      %dma_start3A_365 = tpu.memref_slice %arg8[%rem3A_243, %dma_start3A_358, %dma_start3A_364] : memref<2x10x128xi32, #tpu.memory_space<vmem>> -> memref<1x1x128xi32, #tpu.memory_space<vmem>>
      %dma_start3A_366 = tpu.memref_squeeze %dma_start3A_365 : memref<1x1x128xi32, #tpu.memory_space<vmem>> -> memref<128xi32, #tpu.memory_space<vmem>>
      %dma_start3A_367 = arith.constant 0 : i32
      %dma_start3A_368 = arith.constant 0 : i32
      %dma_start3A_369 = tpu.memref_slice %arg10[%dma_start3A_367, %dma_start3A_368] : memref<10112x64xf32, #tpu.memory_space<vmem_shared>> -> memref<10112x64xf32, #tpu.memory_space<vmem_shared>>
      %dma_start3A_370 = tpu.memref_slice %arg12[%dma_start3A_359] : memref<10x!tpu.dma_semaphore, #tpu.memory_space<semaphore_mem>> -> memref<1x!tpu.dma_semaphore, #tpu.memory_space<semaphore_mem>>
      %dma_start3A_371 = tpu.memref_squeeze %dma_start3A_370 : memref<1x!tpu.dma_semaphore, #tpu.memory_space<semaphore_mem>> -> memref<!tpu.dma_semaphore, #tpu.memory_space<semaphore_mem>>
      tpu.enqueue_indirect_dma source(%dma_start3A_363 : memref<128x64xf32, #tpu.memory_space<vmem>>) target(%dma_start3A_369 : memref<10112x64xf32, #tpu.memory_space<vmem_shared>>) offsets(%dma_start3A_366 : memref<128xi32, #tpu.memory_space<vmem>>) semaphore(%dma_start3A_371 : memref<!tpu.dma_semaphore, #tpu.memory_space<semaphore_mem>>) {add = true}
      %dma_wait3A_372 = arith.constant 4 : i32
      %dma_wait3A_373 = arith.constant 4 : i32
      %dma_wait3A_374 = arith.constant 4 : i32
      %dma_wait3A_375 = arith.constant 0 : i32
      %dma_wait3A_376 = arith.constant 0 : i32
      %dma_wait3A_377 = tpu.memref_slice %arg9[%dma_wait3A_373, %dma_wait3A_375, %dma_wait3A_376] : memref<10x128x64xf32, #tpu.memory_space<vmem>> -> memref<1x128x64xf32, #tpu.memory_space<vmem>>
      %dma_wait3A_378 = tpu.memref_squeeze %dma_wait3A_377 : memref<1x128x64xf32, #tpu.memory_space<vmem>> -> memref<128x64xf32, #tpu.memory_space<vmem>>
      %dma_wait3A_379 = arith.constant 0 : i32
      %dma_wait3A_380 = tpu.memref_slice %arg7[%rem3A_243, %dma_wait3A_372, %dma_wait3A_379] : memref<2x10x128xi32, #tpu.memory_space<vmem>> -> memref<1x1x128xi32, #tpu.memory_space<vmem>>
      %dma_wait3A_381 = tpu.memref_squeeze %dma_wait3A_380 : memref<1x1x128xi32, #tpu.memory_space<vmem>> -> memref<128xi32, #tpu.memory_space<vmem>>
      %dma_wait3A_382 = arith.constant 0 : i32
      %dma_wait3A_383 = arith.constant 0 : i32
      %dma_wait3A_384 = tpu.memref_slice %arg2[%dma_wait3A_382, %dma_wait3A_383] : memref<10000x64xf32, #tpu.memory_space<hbm>> -> memref<10000x64xf32, #tpu.memory_space<hbm>>
      %dma_wait3A_385 = tpu.memref_slice %arg11[%dma_wait3A_374] : memref<10x!tpu.dma_semaphore, #tpu.memory_space<semaphore_mem>> -> memref<1x!tpu.dma_semaphore, #tpu.memory_space<semaphore_mem>>
      %dma_wait3A_386 = tpu.memref_squeeze %dma_wait3A_385 : memref<1x!tpu.dma_semaphore, #tpu.memory_space<semaphore_mem>> -> memref<!tpu.dma_semaphore, #tpu.memory_space<semaphore_mem>>
      tpu.wait_indirect_dma semaphore(%dma_wait3A_386 : memref<!tpu.dma_semaphore, #tpu.memory_space<semaphore_mem>>) src(%dma_wait3A_384 : memref<10000x64xf32, #tpu.memory_space<hbm>>) dst(%dma_wait3A_378 : memref<128x64xf32, #tpu.memory_space<vmem>>)
      %dma_start3A_387 = arith.constant 4 : i32
      %dma_start3A_388 = arith.constant 4 : i32
      %dma_start3A_389 = arith.constant 4 : i32
      %dma_start3A_390 = arith.constant 0 : i32
      %dma_start3A_391 = arith.constant 0 : i32
      %dma_start3A_392 = tpu.memref_slice %arg9[%dma_start3A_387, %dma_start3A_390, %dma_start3A_391] : memref<10x128x64xf32, #tpu.memory_space<vmem>> -> memref<1x128x64xf32, #tpu.memory_space<vmem>>
      %dma_start3A_393 = tpu.memref_squeeze %dma_start3A_392 : memref<1x128x64xf32, #tpu.memory_space<vmem>> -> memref<128x64xf32, #tpu.memory_space<vmem>>
      %dma_start3A_394 = arith.constant 0 : i32
      %dma_start3A_395 = tpu.memref_slice %arg8[%rem3A_243, %dma_start3A_388, %dma_start3A_394] : memref<2x10x128xi32, #tpu.memory_space<vmem>> -> memref<1x1x128xi32, #tpu.memory_space<vmem>>
      %dma_start3A_396 = tpu.memref_squeeze %dma_start3A_395 : memref<1x1x128xi32, #tpu.memory_space<vmem>> -> memref<128xi32, #tpu.memory_space<vmem>>
      %dma_start3A_397 = arith.constant 0 : i32
      %dma_start3A_398 = arith.constant 0 : i32
      %dma_start3A_399 = tpu.memref_slice %arg10[%dma_start3A_397, %dma_start3A_398] : memref<10112x64xf32, #tpu.memory_space<vmem_shared>> -> memref<10112x64xf32, #tpu.memory_space<vmem_shared>>
      %dma_start3A_400 = tpu.memref_slice %arg12[%dma_start3A_389] : memref<10x!tpu.dma_semaphore, #tpu.memory_space<semaphore_mem>> -> memref<1x!tpu.dma_semaphore, #tpu.memory_space<semaphore_mem>>
      %dma_start3A_401 = tpu.memref_squeeze %dma_start3A_400 : memref<1x!tpu.dma_semaphore, #tpu.memory_space<semaphore_mem>> -> memref<!tpu.dma_semaphore, #tpu.memory_space<semaphore_mem>>
      tpu.enqueue_indirect_dma source(%dma_start3A_393 : memref<128x64xf32, #tpu.memory_space<vmem>>) target(%dma_start3A_399 : memref<10112x64xf32, #tpu.memory_space<vmem_shared>>) offsets(%dma_start3A_396 : memref<128xi32, #tpu.memory_space<vmem>>) semaphore(%dma_start3A_401 : memref<!tpu.dma_semaphore, #tpu.memory_space<semaphore_mem>>) {add = true}
      %dma_wait3A_402 = arith.constant 5 : i32
      %dma_wait3A_403 = arith.constant 5 : i32
      %dma_wait3A_404 = arith.constant 5 : i32
      %dma_wait3A_405 = arith.constant 0 : i32
      %dma_wait3A_406 = arith.constant 0 : i32
      %dma_wait3A_407 = tpu.memref_slice %arg9[%dma_wait3A_403, %dma_wait3A_405, %dma_wait3A_406] : memref<10x128x64xf32, #tpu.memory_space<vmem>> -> memref<1x128x64xf32, #tpu.memory_space<vmem>>
      %dma_wait3A_408 = tpu.memref_squeeze %dma_wait3A_407 : memref<1x128x64xf32, #tpu.memory_space<vmem>> -> memref<128x64xf32, #tpu.memory_space<vmem>>
      %dma_wait3A_409 = arith.constant 0 : i32
      %dma_wait3A_410 = tpu.memref_slice %arg7[%rem3A_243, %dma_wait3A_402, %dma_wait3A_409] : memref<2x10x128xi32, #tpu.memory_space<vmem>> -> memref<1x1x128xi32, #tpu.memory_space<vmem>>
      %dma_wait3A_411 = tpu.memref_squeeze %dma_wait3A_410 : memref<1x1x128xi32, #tpu.memory_space<vmem>> -> memref<128xi32, #tpu.memory_space<vmem>>
      %dma_wait3A_412 = arith.constant 0 : i32
      %dma_wait3A_413 = arith.constant 0 : i32
      %dma_wait3A_414 = tpu.memref_slice %arg2[%dma_wait3A_412, %dma_wait3A_413] : memref<10000x64xf32, #tpu.memory_space<hbm>> -> memref<10000x64xf32, #tpu.memory_space<hbm>>
      %dma_wait3A_415 = tpu.memref_slice %arg11[%dma_wait3A_404] : memref<10x!tpu.dma_semaphore, #tpu.memory_space<semaphore_mem>> -> memref<1x!tpu.dma_semaphore, #tpu.memory_space<semaphore_mem>>
      %dma_wait3A_416 = tpu.memref_squeeze %dma_wait3A_415 : memref<1x!tpu.dma_semaphore, #tpu.memory_space<semaphore_mem>> -> memref<!tpu.dma_semaphore, #tpu.memory_space<semaphore_mem>>
      tpu.wait_indirect_dma semaphore(%dma_wait3A_416 : memref<!tpu.dma_semaphore, #tpu.memory_space<semaphore_mem>>) src(%dma_wait3A_414 : memref<10000x64xf32, #tpu.memory_space<hbm>>) dst(%dma_wait3A_408 : memref<128x64xf32, #tpu.memory_space<vmem>>)
      %dma_start3A_417 = arith.constant 5 : i32
      %dma_start3A_418 = arith.constant 5 : i32
      %dma_start3A_419 = arith.constant 5 : i32
      %dma_start3A_420 = arith.constant 0 : i32
      %dma_start3A_421 = arith.constant 0 : i32
      %dma_start3A_422 = tpu.memref_slice %arg9[%dma_start3A_417, %dma_start3A_420, %dma_start3A_421] : memref<10x128x64xf32, #tpu.memory_space<vmem>> -> memref<1x128x64xf32, #tpu.memory_space<vmem>>
      %dma_start3A_423 = tpu.memref_squeeze %dma_start3A_422 : memref<1x128x64xf32, #tpu.memory_space<vmem>> -> memref<128x64xf32, #tpu.memory_space<vmem>>
      %dma_start3A_424 = arith.constant 0 : i32
      %dma_start3A_425 = tpu.memref_slice %arg8[%rem3A_243, %dma_start3A_418, %dma_start3A_424] : memref<2x10x128xi32, #tpu.memory_space<vmem>> -> memref<1x1x128xi32, #tpu.memory_space<vmem>>
      %dma_start3A_426 = tpu.memref_squeeze %dma_start3A_425 : memref<1x1x128xi32, #tpu.memory_space<vmem>> -> memref<128xi32, #tpu.memory_space<vmem>>
      %dma_start3A_427 = arith.constant 0 : i32
      %dma_start3A_428 = arith.constant 0 : i32
      %dma_start3A_429 = tpu.memref_slice %arg10[%dma_start3A_427, %dma_start3A_428] : memref<10112x64xf32, #tpu.memory_space<vmem_shared>> -> memref<10112x64xf32, #tpu.memory_space<vmem_shared>>
      %dma_start3A_430 = tpu.memref_slice %arg12[%dma_start3A_419] : memref<10x!tpu.dma_semaphore, #tpu.memory_space<semaphore_mem>> -> memref<1x!tpu.dma_semaphore, #tpu.memory_space<semaphore_mem>>
      %dma_start3A_431 = tpu.memref_squeeze %dma_start3A_430 : memref<1x!tpu.dma_semaphore, #tpu.memory_space<semaphore_mem>> -> memref<!tpu.dma_semaphore, #tpu.memory_space<semaphore_mem>>
      tpu.enqueue_indirect_dma source(%dma_start3A_423 : memref<128x64xf32, #tpu.memory_space<vmem>>) target(%dma_start3A_429 : memref<10112x64xf32, #tpu.memory_space<vmem_shared>>) offsets(%dma_start3A_426 : memref<128xi32, #tpu.memory_space<vmem>>) semaphore(%dma_start3A_431 : memref<!tpu.dma_semaphore, #tpu.memory_space<semaphore_mem>>) {add = true}
      %dma_wait3A_432 = arith.constant 6 : i32
      %dma_wait3A_433 = arith.constant 6 : i32
      %dma_wait3A_434 = arith.constant 6 : i32
      %dma_wait3A_435 = arith.constant 0 : i32
      %dma_wait3A_436 = arith.constant 0 : i32
      %dma_wait3A_437 = tpu.memref_slice %arg9[%dma_wait3A_433, %dma_wait3A_435, %dma_wait3A_436] : memref<10x128x64xf32, #tpu.memory_space<vmem>> -> memref<1x128x64xf32, #tpu.memory_space<vmem>>
      %dma_wait3A_438 = tpu.memref_squeeze %dma_wait3A_437 : memref<1x128x64xf32, #tpu.memory_space<vmem>> -> memref<128x64xf32, #tpu.memory_space<vmem>>
      %dma_wait3A_439 = arith.constant 0 : i32
      %dma_wait3A_440 = tpu.memref_slice %arg7[%rem3A_243, %dma_wait3A_432, %dma_wait3A_439] : memref<2x10x128xi32, #tpu.memory_space<vmem>> -> memref<1x1x128xi32, #tpu.memory_space<vmem>>
      %dma_wait3A_441 = tpu.memref_squeeze %dma_wait3A_440 : memref<1x1x128xi32, #tpu.memory_space<vmem>> -> memref<128xi32, #tpu.memory_space<vmem>>
      %dma_wait3A_442 = arith.constant 0 : i32
      %dma_wait3A_443 = arith.constant 0 : i32
      %dma_wait3A_444 = tpu.memref_slice %arg2[%dma_wait3A_442, %dma_wait3A_443] : memref<10000x64xf32, #tpu.memory_space<hbm>> -> memref<10000x64xf32, #tpu.memory_space<hbm>>
      %dma_wait3A_445 = tpu.memref_slice %arg11[%dma_wait3A_434] : memref<10x!tpu.dma_semaphore, #tpu.memory_space<semaphore_mem>> -> memref<1x!tpu.dma_semaphore, #tpu.memory_space<semaphore_mem>>
      %dma_wait3A_446 = tpu.memref_squeeze %dma_wait3A_445 : memref<1x!tpu.dma_semaphore, #tpu.memory_space<semaphore_mem>> -> memref<!tpu.dma_semaphore, #tpu.memory_space<semaphore_mem>>
      tpu.wait_indirect_dma semaphore(%dma_wait3A_446 : memref<!tpu.dma_semaphore, #tpu.memory_space<semaphore_mem>>) src(%dma_wait3A_444 : memref<10000x64xf32, #tpu.memory_space<hbm>>) dst(%dma_wait3A_438 : memref<128x64xf32, #tpu.memory_space<vmem>>)
      %dma_start3A_447 = arith.constant 6 : i32
      %dma_start3A_448 = arith.constant 6 : i32
      %dma_start3A_449 = arith.constant 6 : i32
      %dma_start3A_450 = arith.constant 0 : i32
      %dma_start3A_451 = arith.constant 0 : i32
      %dma_start3A_452 = tpu.memref_slice %arg9[%dma_start3A_447, %dma_start3A_450, %dma_start3A_451] : memref<10x128x64xf32, #tpu.memory_space<vmem>> -> memref<1x128x64xf32, #tpu.memory_space<vmem>>
      %dma_start3A_453 = tpu.memref_squeeze %dma_start3A_452 : memref<1x128x64xf32, #tpu.memory_space<vmem>> -> memref<128x64xf32, #tpu.memory_space<vmem>>
      %dma_start3A_454 = arith.constant 0 : i32
      %dma_start3A_455 = tpu.memref_slice %arg8[%rem3A_243, %dma_start3A_448, %dma_start3A_454] : memref<2x10x128xi32, #tpu.memory_space<vmem>> -> memref<1x1x128xi32, #tpu.memory_space<vmem>>
      %dma_start3A_456 = tpu.memref_squeeze %dma_start3A_455 : memref<1x1x128xi32, #tpu.memory_space<vmem>> -> memref<128xi32, #tpu.memory_space<vmem>>
      %dma_start3A_457 = arith.constant 0 : i32
      %dma_start3A_458 = arith.constant 0 : i32
      %dma_start3A_459 = tpu.memref_slice %arg10[%dma_start3A_457, %dma_start3A_458] : memref<10112x64xf32, #tpu.memory_space<vmem_shared>> -> memref<10112x64xf32, #tpu.memory_space<vmem_shared>>
      %dma_start3A_460 = tpu.memref_slice %arg12[%dma_start3A_449] : memref<10x!tpu.dma_semaphore, #tpu.memory_space<semaphore_mem>> -> memref<1x!tpu.dma_semaphore, #tpu.memory_space<semaphore_mem>>
      %dma_start3A_461 = tpu.memref_squeeze %dma_start3A_460 : memref<1x!tpu.dma_semaphore, #tpu.memory_space<semaphore_mem>> -> memref<!tpu.dma_semaphore, #tpu.memory_space<semaphore_mem>>
      tpu.enqueue_indirect_dma source(%dma_start3A_453 : memref<128x64xf32, #tpu.memory_space<vmem>>) target(%dma_start3A_459 : memref<10112x64xf32, #tpu.memory_space<vmem_shared>>) offsets(%dma_start3A_456 : memref<128xi32, #tpu.memory_space<vmem>>) semaphore(%dma_start3A_461 : memref<!tpu.dma_semaphore, #tpu.memory_space<semaphore_mem>>) {add = true}
      %dma_wait3A_462 = arith.constant 7 : i32
      %dma_wait3A_463 = arith.constant 7 : i32
      %dma_wait3A_464 = arith.constant 7 : i32
      %dma_wait3A_465 = arith.constant 0 : i32
      %dma_wait3A_466 = arith.constant 0 : i32
      %dma_wait3A_467 = tpu.memref_slice %arg9[%dma_wait3A_463, %dma_wait3A_465, %dma_wait3A_466] : memref<10x128x64xf32, #tpu.memory_space<vmem>> -> memref<1x128x64xf32, #tpu.memory_space<vmem>>
      %dma_wait3A_468 = tpu.memref_squeeze %dma_wait3A_467 : memref<1x128x64xf32, #tpu.memory_space<vmem>> -> memref<128x64xf32, #tpu.memory_space<vmem>>
      %dma_wait3A_469 = arith.constant 0 : i32
      %dma_wait3A_470 = tpu.memref_slice %arg7[%rem3A_243, %dma_wait3A_462, %dma_wait3A_469] : memref<2x10x128xi32, #tpu.memory_space<vmem>> -> memref<1x1x128xi32, #tpu.memory_space<vmem>>
      %dma_wait3A_471 = tpu.memref_squeeze %dma_wait3A_470 : memref<1x1x128xi32, #tpu.memory_space<vmem>> -> memref<128xi32, #tpu.memory_space<vmem>>
      %dma_wait3A_472 = arith.constant 0 : i32
      %dma_wait3A_473 = arith.constant 0 : i32
      %dma_wait3A_474 = tpu.memref_slice %arg2[%dma_wait3A_472, %dma_wait3A_473] : memref<10000x64xf32, #tpu.memory_space<hbm>> -> memref<10000x64xf32, #tpu.memory_space<hbm>>
      %dma_wait3A_475 = tpu.memref_slice %arg11[%dma_wait3A_464] : memref<10x!tpu.dma_semaphore, #tpu.memory_space<semaphore_mem>> -> memref<1x!tpu.dma_semaphore, #tpu.memory_space<semaphore_mem>>
      %dma_wait3A_476 = tpu.memref_squeeze %dma_wait3A_475 : memref<1x!tpu.dma_semaphore, #tpu.memory_space<semaphore_mem>> -> memref<!tpu.dma_semaphore, #tpu.memory_space<semaphore_mem>>
      tpu.wait_indirect_dma semaphore(%dma_wait3A_476 : memref<!tpu.dma_semaphore, #tpu.memory_space<semaphore_mem>>) src(%dma_wait3A_474 : memref<10000x64xf32, #tpu.memory_space<hbm>>) dst(%dma_wait3A_468 : memref<128x64xf32, #tpu.memory_space<vmem>>)
      %dma_start3A_477 = arith.constant 7 : i32
      %dma_start3A_478 = arith.constant 7 : i32
      %dma_start3A_479 = arith.constant 7 : i32
      %dma_start3A_480 = arith.constant 0 : i32
      %dma_start3A_481 = arith.constant 0 : i32
      %dma_start3A_482 = tpu.memref_slice %arg9[%dma_start3A_477, %dma_start3A_480, %dma_start3A_481] : memref<10x128x64xf32, #tpu.memory_space<vmem>> -> memref<1x128x64xf32, #tpu.memory_space<vmem>>
      %dma_start3A_483 = tpu.memref_squeeze %dma_start3A_482 : memref<1x128x64xf32, #tpu.memory_space<vmem>> -> memref<128x64xf32, #tpu.memory_space<vmem>>
      %dma_start3A_484 = arith.constant 0 : i32
      %dma_start3A_485 = tpu.memref_slice %arg8[%rem3A_243, %dma_start3A_478, %dma_start3A_484] : memref<2x10x128xi32, #tpu.memory_space<vmem>> -> memref<1x1x128xi32, #tpu.memory_space<vmem>>
      %dma_start3A_486 = tpu.memref_squeeze %dma_start3A_485 : memref<1x1x128xi32, #tpu.memory_space<vmem>> -> memref<128xi32, #tpu.memory_space<vmem>>
      %dma_start3A_487 = arith.constant 0 : i32
      %dma_start3A_488 = arith.constant 0 : i32
      %dma_start3A_489 = tpu.memref_slice %arg10[%dma_start3A_487, %dma_start3A_488] : memref<10112x64xf32, #tpu.memory_space<vmem_shared>> -> memref<10112x64xf32, #tpu.memory_space<vmem_shared>>
      %dma_start3A_490 = tpu.memref_slice %arg12[%dma_start3A_479] : memref<10x!tpu.dma_semaphore, #tpu.memory_space<semaphore_mem>> -> memref<1x!tpu.dma_semaphore, #tpu.memory_space<semaphore_mem>>
      %dma_start3A_491 = tpu.memref_squeeze %dma_start3A_490 : memref<1x!tpu.dma_semaphore, #tpu.memory_space<semaphore_mem>> -> memref<!tpu.dma_semaphore, #tpu.memory_space<semaphore_mem>>
      tpu.enqueue_indirect_dma source(%dma_start3A_483 : memref<128x64xf32, #tpu.memory_space<vmem>>) target(%dma_start3A_489 : memref<10112x64xf32, #tpu.memory_space<vmem_shared>>) offsets(%dma_start3A_486 : memref<128xi32, #tpu.memory_space<vmem>>) semaphore(%dma_start3A_491 : memref<!tpu.dma_semaphore, #tpu.memory_space<semaphore_mem>>) {add = true}
      %dma_wait3A_492 = arith.constant 8 : i32
      %dma_wait3A_493 = arith.constant 8 : i32
      %dma_wait3A_494 = arith.constant 8 : i32
      %dma_wait3A_495 = arith.constant 0 : i32
      %dma_wait3A_496 = arith.constant 0 : i32
      %dma_wait3A_497 = tpu.memref_slice %arg9[%dma_wait3A_493, %dma_wait3A_495, %dma_wait3A_496] : memref<10x128x64xf32, #tpu.memory_space<vmem>> -> memref<1x128x64xf32, #tpu.memory_space<vmem>>
      %dma_wait3A_498 = tpu.memref_squeeze %dma_wait3A_497 : memref<1x128x64xf32, #tpu.memory_space<vmem>> -> memref<128x64xf32, #tpu.memory_space<vmem>>
      %dma_wait3A_499 = arith.constant 0 : i32
      %dma_wait3A_500 = tpu.memref_slice %arg7[%rem3A_243, %dma_wait3A_492, %dma_wait3A_499] : memref<2x10x128xi32, #tpu.memory_space<vmem>> -> memref<1x1x128xi32, #tpu.memory_space<vmem>>
      %dma_wait3A_501 = tpu.memref_squeeze %dma_wait3A_500 : memref<1x1x128xi32, #tpu.memory_space<vmem>> -> memref<128xi32, #tpu.memory_space<vmem>>
      %dma_wait3A_502 = arith.constant 0 : i32
      %dma_wait3A_503 = arith.constant 0 : i32
      %dma_wait3A_504 = tpu.memref_slice %arg2[%dma_wait3A_502, %dma_wait3A_503] : memref<10000x64xf32, #tpu.memory_space<hbm>> -> memref<10000x64xf32, #tpu.memory_space<hbm>>
      %dma_wait3A_505 = tpu.memref_slice %arg11[%dma_wait3A_494] : memref<10x!tpu.dma_semaphore, #tpu.memory_space<semaphore_mem>> -> memref<1x!tpu.dma_semaphore, #tpu.memory_space<semaphore_mem>>
      %dma_wait3A_506 = tpu.memref_squeeze %dma_wait3A_505 : memref<1x!tpu.dma_semaphore, #tpu.memory_space<semaphore_mem>> -> memref<!tpu.dma_semaphore, #tpu.memory_space<semaphore_mem>>
      tpu.wait_indirect_dma semaphore(%dma_wait3A_506 : memref<!tpu.dma_semaphore, #tpu.memory_space<semaphore_mem>>) src(%dma_wait3A_504 : memref<10000x64xf32, #tpu.memory_space<hbm>>) dst(%dma_wait3A_498 : memref<128x64xf32, #tpu.memory_space<vmem>>)
      %dma_start3A_507 = arith.constant 8 : i32
      %dma_start3A_508 = arith.constant 8 : i32
      %dma_start3A_509 = arith.constant 8 : i32
      %dma_start3A_510 = arith.constant 0 : i32
      %dma_start3A_511 = arith.constant 0 : i32
      %dma_start3A_512 = tpu.memref_slice %arg9[%dma_start3A_507, %dma_start3A_510, %dma_start3A_511] : memref<10x128x64xf32, #tpu.memory_space<vmem>> -> memref<1x128x64xf32, #tpu.memory_space<vmem>>
      %dma_start3A_513 = tpu.memref_squeeze %dma_start3A_512 : memref<1x128x64xf32, #tpu.memory_space<vmem>> -> memref<128x64xf32, #tpu.memory_space<vmem>>
      %dma_start3A_514 = arith.constant 0 : i32
      %dma_start3A_515 = tpu.memref_slice %arg8[%rem3A_243, %dma_start3A_508, %dma_start3A_514] : memref<2x10x128xi32, #tpu.memory_space<vmem>> -> memref<1x1x128xi32, #tpu.memory_space<vmem>>
      %dma_start3A_516 = tpu.memref_squeeze %dma_start3A_515 : memref<1x1x128xi32, #tpu.memory_space<vmem>> -> memref<128xi32, #tpu.memory_space<vmem>>
      %dma_start3A_517 = arith.constant 0 : i32
      %dma_start3A_518 = arith.constant 0 : i32
      %dma_start3A_519 = tpu.memref_slice %arg10[%dma_start3A_517, %dma_start3A_518] : memref<10112x64xf32, #tpu.memory_space<vmem_shared>> -> memref<10112x64xf32, #tpu.memory_space<vmem_shared>>
      %dma_start3A_520 = tpu.memref_slice %arg12[%dma_start3A_509] : memref<10x!tpu.dma_semaphore, #tpu.memory_space<semaphore_mem>> -> memref<1x!tpu.dma_semaphore, #tpu.memory_space<semaphore_mem>>
      %dma_start3A_521 = tpu.memref_squeeze %dma_start3A_520 : memref<1x!tpu.dma_semaphore, #tpu.memory_space<semaphore_mem>> -> memref<!tpu.dma_semaphore, #tpu.memory_space<semaphore_mem>>
      tpu.enqueue_indirect_dma source(%dma_start3A_513 : memref<128x64xf32, #tpu.memory_space<vmem>>) target(%dma_start3A_519 : memref<10112x64xf32, #tpu.memory_space<vmem_shared>>) offsets(%dma_start3A_516 : memref<128xi32, #tpu.memory_space<vmem>>) semaphore(%dma_start3A_521 : memref<!tpu.dma_semaphore, #tpu.memory_space<semaphore_mem>>) {add = true}
      %dma_wait3A_522 = arith.constant 9 : i32
      %dma_wait3A_523 = arith.constant 9 : i32
      %dma_wait3A_524 = arith.constant 9 : i32
      %dma_wait3A_525 = arith.constant 0 : i32
      %dma_wait3A_526 = arith.constant 0 : i32
      %dma_wait3A_527 = tpu.memref_slice %arg9[%dma_wait3A_523, %dma_wait3A_525, %dma_wait3A_526] : memref<10x128x64xf32, #tpu.memory_space<vmem>> -> memref<1x128x64xf32, #tpu.memory_space<vmem>>
      %dma_wait3A_528 = tpu.memref_squeeze %dma_wait3A_527 : memref<1x128x64xf32, #tpu.memory_space<vmem>> -> memref<128x64xf32, #tpu.memory_space<vmem>>
      %dma_wait3A_529 = arith.constant 0 : i32
      %dma_wait3A_530 = tpu.memref_slice %arg7[%rem3A_243, %dma_wait3A_522, %dma_wait3A_529] : memref<2x10x128xi32, #tpu.memory_space<vmem>> -> memref<1x1x128xi32, #tpu.memory_space<vmem>>
      %dma_wait3A_531 = tpu.memref_squeeze %dma_wait3A_530 : memref<1x1x128xi32, #tpu.memory_space<vmem>> -> memref<128xi32, #tpu.memory_space<vmem>>
      %dma_wait3A_532 = arith.constant 0 : i32
      %dma_wait3A_533 = arith.constant 0 : i32
      %dma_wait3A_534 = tpu.memref_slice %arg2[%dma_wait3A_532, %dma_wait3A_533] : memref<10000x64xf32, #tpu.memory_space<hbm>> -> memref<10000x64xf32, #tpu.memory_space<hbm>>
      %dma_wait3A_535 = tpu.memref_slice %arg11[%dma_wait3A_524] : memref<10x!tpu.dma_semaphore, #tpu.memory_space<semaphore_mem>> -> memref<1x!tpu.dma_semaphore, #tpu.memory_space<semaphore_mem>>
      %dma_wait3A_536 = tpu.memref_squeeze %dma_wait3A_535 : memref<1x!tpu.dma_semaphore, #tpu.memory_space<semaphore_mem>> -> memref<!tpu.dma_semaphore, #tpu.memory_space<semaphore_mem>>
      tpu.wait_indirect_dma semaphore(%dma_wait3A_536 : memref<!tpu.dma_semaphore, #tpu.memory_space<semaphore_mem>>) src(%dma_wait3A_534 : memref<10000x64xf32, #tpu.memory_space<hbm>>) dst(%dma_wait3A_528 : memref<128x64xf32, #tpu.memory_space<vmem>>)
      %dma_start3A_537 = arith.constant 9 : i32
      %dma_start3A_538 = arith.constant 9 : i32
      %dma_start3A_539 = arith.constant 9 : i32
      %dma_start3A_540 = arith.constant 0 : i32
      %dma_start3A_541 = arith.constant 0 : i32
      %dma_start3A_542 = tpu.memref_slice %arg9[%dma_start3A_537, %dma_start3A_540, %dma_start3A_541] : memref<10x128x64xf32, #tpu.memory_space<vmem>> -> memref<1x128x64xf32, #tpu.memory_space<vmem>>
      %dma_start3A_543 = tpu.memref_squeeze %dma_start3A_542 : memref<1x128x64xf32, #tpu.memory_space<vmem>> -> memref<128x64xf32, #tpu.memory_space<vmem>>
      %dma_start3A_544 = arith.constant 0 : i32
      %dma_start3A_545 = tpu.memref_slice %arg8[%rem3A_243, %dma_start3A_538, %dma_start3A_544] : memref<2x10x128xi32, #tpu.memory_space<vmem>> -> memref<1x1x128xi32, #tpu.memory_space<vmem>>
      %dma_start3A_546 = tpu.memref_squeeze %dma_start3A_545 : memref<1x1x128xi32, #tpu.memory_space<vmem>> -> memref<128xi32, #tpu.memory_space<vmem>>
      %dma_start3A_547 = arith.constant 0 : i32
      %dma_start3A_548 = arith.constant 0 : i32
      %dma_start3A_549 = tpu.memref_slice %arg10[%dma_start3A_547, %dma_start3A_548] : memref<10112x64xf32, #tpu.memory_space<vmem_shared>> -> memref<10112x64xf32, #tpu.memory_space<vmem_shared>>
      %dma_start3A_550 = tpu.memref_slice %arg12[%dma_start3A_539] : memref<10x!tpu.dma_semaphore, #tpu.memory_space<semaphore_mem>> -> memref<1x!tpu.dma_semaphore, #tpu.memory_space<semaphore_mem>>
      %dma_start3A_551 = tpu.memref_squeeze %dma_start3A_550 : memref<1x!tpu.dma_semaphore, #tpu.memory_space<semaphore_mem>> -> memref<!tpu.dma_semaphore, #tpu.memory_space<semaphore_mem>>
      tpu.enqueue_indirect_dma source(%dma_start3A_543 : memref<128x64xf32, #tpu.memory_space<vmem>>) target(%dma_start3A_549 : memref<10112x64xf32, #tpu.memory_space<vmem_shared>>) offsets(%dma_start3A_546 : memref<128xi32, #tpu.memory_space<vmem>>) semaphore(%dma_start3A_551 : memref<!tpu.dma_semaphore, #tpu.memory_space<semaphore_mem>>) {add = true}
      %convert_element_type3A_552 = arith.extui %lt3A_250 : i1 to i32
      %cond3A_553 = arith.constant 0 : i32
      %cond3A_554 = arith.cmpi ne, %convert_element_type3A_552, %cond3A_553 : i32
      scf.if %cond3A_554 {
        %dma_wait3A_735 = arith.constant 0 : i32
        %dma_wait3A_736 = arith.constant 0 : i32
        %dma_wait3A_737 = arith.constant 0 : i32
        %dma_wait3A_738 = tpu.memref_slice %arg7[%rem3A_247, %dma_wait3A_736, %dma_wait3A_737] : memref<2x10x128xi32, #tpu.memory_space<vmem>> -> memref<1x10x128xi32, #tpu.memory_space<vmem>>
        %dma_wait3A_739 = tpu.memref_squeeze %dma_wait3A_738 : memref<1x10x128xi32, #tpu.memory_space<vmem>> -> memref<10x128xi32, #tpu.memory_space<vmem>>
        %dma_wait3A_740 = arith.constant 0 : i32
        %dma_wait3A_741 = tpu.memref_slice %arg3[%add3A_242, %dma_wait3A_740] : memref<2560x128xi32, #tpu.memory_space<hbm>> -> memref<10x128xi32, #tpu.memory_space<hbm>>
        %dma_wait3A_742 = tpu.memref_slice %arg13[%dma_wait3A_735] : memref<2x!tpu.dma_semaphore, #tpu.memory_space<semaphore_mem>> -> memref<1x!tpu.dma_semaphore, #tpu.memory_space<semaphore_mem>>
        %dma_wait3A_743 = tpu.memref_squeeze %dma_wait3A_742 : memref<1x!tpu.dma_semaphore, #tpu.memory_space<semaphore_mem>> -> memref<!tpu.dma_semaphore, #tpu.memory_space<semaphore_mem>>
        %dma_wait3A_744 = arith.constant 0 : i32
        %dma_wait3A_745 = arith.constant 0 : i32
        %dma_wait3A_746 = tpu.memref_slice %arg7[%rem3A_247, %dma_wait3A_744, %dma_wait3A_745] : memref<2x10x128xi32, #tpu.memory_space<vmem>> -> memref<1x10x128xi32, #tpu.memory_space<vmem>>
        %dma_wait3A_747 = tpu.memref_squeeze %dma_wait3A_746 : memref<1x10x128xi32, #tpu.memory_space<vmem>> -> memref<10x128xi32, #tpu.memory_space<vmem>>
        %dma_wait3A_748 = arith.constant 0 : i32
        %dma_wait3A_749 = tpu.memref_slice %arg3[%add3A_242, %dma_wait3A_748] : memref<2560x128xi32, #tpu.memory_space<hbm>> -> memref<10x128xi32, #tpu.memory_space<hbm>>
        tpu.wait_dma2 semaphore(%dma_wait3A_743 : memref<!tpu.dma_semaphore, #tpu.memory_space<semaphore_mem>>) src(%dma_wait3A_749 : memref<10x128xi32, #tpu.memory_space<hbm>>) dst(%dma_wait3A_747 : memref<10x128xi32, #tpu.memory_space<vmem>>)
        %dma_wait3A_750 = arith.constant 1 : i32
        %dma_wait3A_751 = arith.constant 0 : i32
        %dma_wait3A_752 = arith.constant 0 : i32
        %dma_wait3A_753 = tpu.memref_slice %arg8[%rem3A_247, %dma_wait3A_751, %dma_wait3A_752] : memref<2x10x128xi32, #tpu.memory_space<vmem>> -> memref<1x10x128xi32, #tpu.memory_space<vmem>>
        %dma_wait3A_754 = tpu.memref_squeeze %dma_wait3A_753 : memref<1x10x128xi32, #tpu.memory_space<vmem>> -> memref<10x128xi32, #tpu.memory_space<vmem>>
        %dma_wait3A_755 = arith.constant 0 : i32
        %dma_wait3A_756 = tpu.memref_slice %arg4[%add3A_242, %dma_wait3A_755] : memref<2560x128xi32, #tpu.memory_space<hbm>> -> memref<10x128xi32, #tpu.memory_space<hbm>>
        %dma_wait3A_757 = tpu.memref_slice %arg13[%dma_wait3A_750] : memref<2x!tpu.dma_semaphore, #tpu.memory_space<semaphore_mem>> -> memref<1x!tpu.dma_semaphore, #tpu.memory_space<semaphore_mem>>
        %dma_wait3A_758 = tpu.memref_squeeze %dma_wait3A_757 : memref<1x!tpu.dma_semaphore, #tpu.memory_space<semaphore_mem>> -> memref<!tpu.dma_semaphore, #tpu.memory_space<semaphore_mem>>
        %dma_wait3A_759 = arith.constant 0 : i32
        %dma_wait3A_760 = arith.constant 0 : i32
        %dma_wait3A_761 = tpu.memref_slice %arg8[%rem3A_247, %dma_wait3A_759, %dma_wait3A_760] : memref<2x10x128xi32, #tpu.memory_space<vmem>> -> memref<1x10x128xi32, #tpu.memory_space<vmem>>
        %dma_wait3A_762 = tpu.memref_squeeze %dma_wait3A_761 : memref<1x10x128xi32, #tpu.memory_space<vmem>> -> memref<10x128xi32, #tpu.memory_space<vmem>>
        %dma_wait3A_763 = arith.constant 0 : i32
        %dma_wait3A_764 = tpu.memref_slice %arg4[%add3A_242, %dma_wait3A_763] : memref<2560x128xi32, #tpu.memory_space<hbm>> -> memref<10x128xi32, #tpu.memory_space<hbm>>
        tpu.wait_dma2 semaphore(%dma_wait3A_758 : memref<!tpu.dma_semaphore, #tpu.memory_space<semaphore_mem>>) src(%dma_wait3A_764 : memref<10x128xi32, #tpu.memory_space<hbm>>) dst(%dma_wait3A_762 : memref<10x128xi32, #tpu.memory_space<vmem>>)
      } else {
      }
      %dma_wait3A_555 = arith.constant 0 : i32
      %dma_wait3A_556 = arith.constant 0 : i32
      %dma_wait3A_557 = arith.constant 0 : i32
      %dma_wait3A_558 = arith.constant 0 : i32
      %dma_wait3A_559 = arith.constant 0 : i32
      %dma_wait3A_560 = tpu.memref_slice %arg9[%dma_wait3A_555, %dma_wait3A_558, %dma_wait3A_559] : memref<10x128x64xf32, #tpu.memory_space<vmem>> -> memref<1x128x64xf32, #tpu.memory_space<vmem>>
      %dma_wait3A_561 = tpu.memref_squeeze %dma_wait3A_560 : memref<1x128x64xf32, #tpu.memory_space<vmem>> -> memref<128x64xf32, #tpu.memory_space<vmem>>
      %dma_wait3A_562 = arith.constant 0 : i32
      %dma_wait3A_563 = tpu.memref_slice %arg8[%rem3A_243, %dma_wait3A_556, %dma_wait3A_562] : memref<2x10x128xi32, #tpu.memory_space<vmem>> -> memref<1x1x128xi32, #tpu.memory_space<vmem>>
      %dma_wait3A_564 = tpu.memref_squeeze %dma_wait3A_563 : memref<1x1x128xi32, #tpu.memory_space<vmem>> -> memref<128xi32, #tpu.memory_space<vmem>>
      %dma_wait3A_565 = arith.constant 0 : i32
      %dma_wait3A_566 = arith.constant 0 : i32
      %dma_wait3A_567 = tpu.memref_slice %arg10[%dma_wait3A_565, %dma_wait3A_566] : memref<10112x64xf32, #tpu.memory_space<vmem_shared>> -> memref<10112x64xf32, #tpu.memory_space<vmem_shared>>
      %dma_wait3A_568 = tpu.memref_slice %arg12[%dma_wait3A_557] : memref<10x!tpu.dma_semaphore, #tpu.memory_space<semaphore_mem>> -> memref<1x!tpu.dma_semaphore, #tpu.memory_space<semaphore_mem>>
      %dma_wait3A_569 = tpu.memref_squeeze %dma_wait3A_568 : memref<1x!tpu.dma_semaphore, #tpu.memory_space<semaphore_mem>> -> memref<!tpu.dma_semaphore, #tpu.memory_space<semaphore_mem>>
      tpu.wait_indirect_dma semaphore(%dma_wait3A_569 : memref<!tpu.dma_semaphore, #tpu.memory_space<semaphore_mem>>) src(%dma_wait3A_561 : memref<128x64xf32, #tpu.memory_space<vmem>>) dst(%dma_wait3A_567 : memref<10112x64xf32, #tpu.memory_space<vmem_shared>>)
      %convert_element_type3A_570 = arith.extui %lt3A_250 : i1 to i32
      %cond3A_571 = arith.constant 0 : i32
      %cond3A_572 = arith.cmpi ne, %convert_element_type3A_570, %cond3A_571 : i32
      scf.if %cond3A_572 {
        %dma_start3A_735 = arith.constant 0 : i32
        %dma_start3A_736 = arith.constant 0 : i32
        %dma_start3A_737 = arith.constant 0 : i32
        %dma_start3A_738 = arith.constant 0 : i32
        %dma_start3A_739 = arith.constant 0 : i32
        %dma_start3A_740 = tpu.memref_slice %arg9[%dma_start3A_736, %dma_start3A_738, %dma_start3A_739] : memref<10x128x64xf32, #tpu.memory_space<vmem>> -> memref<1x128x64xf32, #tpu.memory_space<vmem>>
        %dma_start3A_741 = tpu.memref_squeeze %dma_start3A_740 : memref<1x128x64xf32, #tpu.memory_space<vmem>> -> memref<128x64xf32, #tpu.memory_space<vmem>>
        %dma_start3A_742 = arith.constant 0 : i32
        %dma_start3A_743 = tpu.memref_slice %arg7[%rem3A_247, %dma_start3A_735, %dma_start3A_742] : memref<2x10x128xi32, #tpu.memory_space<vmem>> -> memref<1x1x128xi32, #tpu.memory_space<vmem>>
        %dma_start3A_744 = tpu.memref_squeeze %dma_start3A_743 : memref<1x1x128xi32, #tpu.memory_space<vmem>> -> memref<128xi32, #tpu.memory_space<vmem>>
        %dma_start3A_745 = arith.constant 0 : i32
        %dma_start3A_746 = arith.constant 0 : i32
        %dma_start3A_747 = tpu.memref_slice %arg2[%dma_start3A_745, %dma_start3A_746] : memref<10000x64xf32, #tpu.memory_space<hbm>> -> memref<10000x64xf32, #tpu.memory_space<hbm>>
        %dma_start3A_748 = tpu.memref_slice %arg11[%dma_start3A_737] : memref<10x!tpu.dma_semaphore, #tpu.memory_space<semaphore_mem>> -> memref<1x!tpu.dma_semaphore, #tpu.memory_space<semaphore_mem>>
        %dma_start3A_749 = tpu.memref_squeeze %dma_start3A_748 : memref<1x!tpu.dma_semaphore, #tpu.memory_space<semaphore_mem>> -> memref<!tpu.dma_semaphore, #tpu.memory_space<semaphore_mem>>
        tpu.enqueue_indirect_dma source(%dma_start3A_747 : memref<10000x64xf32, #tpu.memory_space<hbm>>) target(%dma_start3A_741 : memref<128x64xf32, #tpu.memory_space<vmem>>) offsets(%dma_start3A_744 : memref<128xi32, #tpu.memory_space<vmem>>) semaphore(%dma_start3A_749 : memref<!tpu.dma_semaphore, #tpu.memory_space<semaphore_mem>>)
      } else {
      }
      %dma_wait3A_573 = arith.constant 1 : i32
      %dma_wait3A_574 = arith.constant 1 : i32
      %dma_wait3A_575 = arith.constant 1 : i32
      %dma_wait3A_576 = arith.constant 0 : i32
      %dma_wait3A_577 = arith.constant 0 : i32
      %dma_wait3A_578 = tpu.memref_slice %arg9[%dma_wait3A_573, %dma_wait3A_576, %dma_wait3A_577] : memref<10x128x64xf32, #tpu.memory_space<vmem>> -> memref<1x128x64xf32, #tpu.memory_space<vmem>>
      %dma_wait3A_579 = tpu.memref_squeeze %dma_wait3A_578 : memref<1x128x64xf32, #tpu.memory_space<vmem>> -> memref<128x64xf32, #tpu.memory_space<vmem>>
      %dma_wait3A_580 = arith.constant 0 : i32
      %dma_wait3A_581 = tpu.memref_slice %arg8[%rem3A_243, %dma_wait3A_574, %dma_wait3A_580] : memref<2x10x128xi32, #tpu.memory_space<vmem>> -> memref<1x1x128xi32, #tpu.memory_space<vmem>>
      %dma_wait3A_582 = tpu.memref_squeeze %dma_wait3A_581 : memref<1x1x128xi32, #tpu.memory_space<vmem>> -> memref<128xi32, #tpu.memory_space<vmem>>
      %dma_wait3A_583 = arith.constant 0 : i32
      %dma_wait3A_584 = arith.constant 0 : i32
      %dma_wait3A_585 = tpu.memref_slice %arg10[%dma_wait3A_583, %dma_wait3A_584] : memref<10112x64xf32, #tpu.memory_space<vmem_shared>> -> memref<10112x64xf32, #tpu.memory_space<vmem_shared>>
      %dma_wait3A_586 = tpu.memref_slice %arg12[%dma_wait3A_575] : memref<10x!tpu.dma_semaphore, #tpu.memory_space<semaphore_mem>> -> memref<1x!tpu.dma_semaphore, #tpu.memory_space<semaphore_mem>>
      %dma_wait3A_587 = tpu.memref_squeeze %dma_wait3A_586 : memref<1x!tpu.dma_semaphore, #tpu.memory_space<semaphore_mem>> -> memref<!tpu.dma_semaphore, #tpu.memory_space<semaphore_mem>>
      tpu.wait_indirect_dma semaphore(%dma_wait3A_587 : memref<!tpu.dma_semaphore, #tpu.memory_space<semaphore_mem>>) src(%dma_wait3A_579 : memref<128x64xf32, #tpu.memory_space<vmem>>) dst(%dma_wait3A_585 : memref<10112x64xf32, #tpu.memory_space<vmem_shared>>)
      %convert_element_type3A_588 = arith.extui %lt3A_250 : i1 to i32
      %cond3A_589 = arith.constant 0 : i32
      %cond3A_590 = arith.cmpi ne, %convert_element_type3A_588, %cond3A_589 : i32
      scf.if %cond3A_590 {
        %dma_start3A_735 = arith.constant 1 : i32
        %dma_start3A_736 = arith.constant 1 : i32
        %dma_start3A_737 = arith.constant 1 : i32
        %dma_start3A_738 = arith.constant 0 : i32
        %dma_start3A_739 = arith.constant 0 : i32
        %dma_start3A_740 = tpu.memref_slice %arg9[%dma_start3A_736, %dma_start3A_738, %dma_start3A_739] : memref<10x128x64xf32, #tpu.memory_space<vmem>> -> memref<1x128x64xf32, #tpu.memory_space<vmem>>
        %dma_start3A_741 = tpu.memref_squeeze %dma_start3A_740 : memref<1x128x64xf32, #tpu.memory_space<vmem>> -> memref<128x64xf32, #tpu.memory_space<vmem>>
        %dma_start3A_742 = arith.constant 0 : i32
        %dma_start3A_743 = tpu.memref_slice %arg7[%rem3A_247, %dma_start3A_735, %dma_start3A_742] : memref<2x10x128xi32, #tpu.memory_space<vmem>> -> memref<1x1x128xi32, #tpu.memory_space<vmem>>
        %dma_start3A_744 = tpu.memref_squeeze %dma_start3A_743 : memref<1x1x128xi32, #tpu.memory_space<vmem>> -> memref<128xi32, #tpu.memory_space<vmem>>
        %dma_start3A_745 = arith.constant 0 : i32
        %dma_start3A_746 = arith.constant 0 : i32
        %dma_start3A_747 = tpu.memref_slice %arg2[%dma_start3A_745, %dma_start3A_746] : memref<10000x64xf32, #tpu.memory_space<hbm>> -> memref<10000x64xf32, #tpu.memory_space<hbm>>
        %dma_start3A_748 = tpu.memref_slice %arg11[%dma_start3A_737] : memref<10x!tpu.dma_semaphore, #tpu.memory_space<semaphore_mem>> -> memref<1x!tpu.dma_semaphore, #tpu.memory_space<semaphore_mem>>
        %dma_start3A_749 = tpu.memref_squeeze %dma_start3A_748 : memref<1x!tpu.dma_semaphore, #tpu.memory_space<semaphore_mem>> -> memref<!tpu.dma_semaphore, #tpu.memory_space<semaphore_mem>>
        tpu.enqueue_indirect_dma source(%dma_start3A_747 : memref<10000x64xf32, #tpu.memory_space<hbm>>) target(%dma_start3A_741 : memref<128x64xf32, #tpu.memory_space<vmem>>) offsets(%dma_start3A_744 : memref<128xi32, #tpu.memory_space<vmem>>) semaphore(%dma_start3A_749 : memref<!tpu.dma_semaphore, #tpu.memory_space<semaphore_mem>>)
      } else {
      }
      %dma_wait3A_591 = arith.constant 2 : i32
      %dma_wait3A_592 = arith.constant 2 : i32
      %dma_wait3A_593 = arith.constant 2 : i32
      %dma_wait3A_594 = arith.constant 0 : i32
      %dma_wait3A_595 = arith.constant 0 : i32
      %dma_wait3A_596 = tpu.memref_slice %arg9[%dma_wait3A_591, %dma_wait3A_594, %dma_wait3A_595] : memref<10x128x64xf32, #tpu.memory_space<vmem>> -> memref<1x128x64xf32, #tpu.memory_space<vmem>>
      %dma_wait3A_597 = tpu.memref_squeeze %dma_wait3A_596 : memref<1x128x64xf32, #tpu.memory_space<vmem>> -> memref<128x64xf32, #tpu.memory_space<vmem>>
      %dma_wait3A_598 = arith.constant 0 : i32
      %dma_wait3A_599 = tpu.memref_slice %arg8[%rem3A_243, %dma_wait3A_592, %dma_wait3A_598] : memref<2x10x128xi32, #tpu.memory_space<vmem>> -> memref<1x1x128xi32, #tpu.memory_space<vmem>>
      %dma_wait3A_600 = tpu.memref_squeeze %dma_wait3A_599 : memref<1x1x128xi32, #tpu.memory_space<vmem>> -> memref<128xi32, #tpu.memory_space<vmem>>
      %dma_wait3A_601 = arith.constant 0 : i32
      %dma_wait3A_602 = arith.constant 0 : i32
      %dma_wait3A_603 = tpu.memref_slice %arg10[%dma_wait3A_601, %dma_wait3A_602] : memref<10112x64xf32, #tpu.memory_space<vmem_shared>> -> memref<10112x64xf32, #tpu.memory_space<vmem_shared>>
      %dma_wait3A_604 = tpu.memref_slice %arg12[%dma_wait3A_593] : memref<10x!tpu.dma_semaphore, #tpu.memory_space<semaphore_mem>> -> memref<1x!tpu.dma_semaphore, #tpu.memory_space<semaphore_mem>>
      %dma_wait3A_605 = tpu.memref_squeeze %dma_wait3A_604 : memref<1x!tpu.dma_semaphore, #tpu.memory_space<semaphore_mem>> -> memref<!tpu.dma_semaphore, #tpu.memory_space<semaphore_mem>>
      tpu.wait_indirect_dma semaphore(%dma_wait3A_605 : memref<!tpu.dma_semaphore, #tpu.memory_space<semaphore_mem>>) src(%dma_wait3A_597 : memref<128x64xf32, #tpu.memory_space<vmem>>) dst(%dma_wait3A_603 : memref<10112x64xf32, #tpu.memory_space<vmem_shared>>)
      %convert_element_type3A_606 = arith.extui %lt3A_250 : i1 to i32
      %cond3A_607 = arith.constant 0 : i32
      %cond3A_608 = arith.cmpi ne, %convert_element_type3A_606, %cond3A_607 : i32
      scf.if %cond3A_608 {
        %dma_start3A_735 = arith.constant 2 : i32
        %dma_start3A_736 = arith.constant 2 : i32
        %dma_start3A_737 = arith.constant 2 : i32
        %dma_start3A_738 = arith.constant 0 : i32
        %dma_start3A_739 = arith.constant 0 : i32
        %dma_start3A_740 = tpu.memref_slice %arg9[%dma_start3A_736, %dma_start3A_738, %dma_start3A_739] : memref<10x128x64xf32, #tpu.memory_space<vmem>> -> memref<1x128x64xf32, #tpu.memory_space<vmem>>
        %dma_start3A_741 = tpu.memref_squeeze %dma_start3A_740 : memref<1x128x64xf32, #tpu.memory_space<vmem>> -> memref<128x64xf32, #tpu.memory_space<vmem>>
        %dma_start3A_742 = arith.constant 0 : i32
        %dma_start3A_743 = tpu.memref_slice %arg7[%rem3A_247, %dma_start3A_735, %dma_start3A_742] : memref<2x10x128xi32, #tpu.memory_space<vmem>> -> memref<1x1x128xi32, #tpu.memory_space<vmem>>
        %dma_start3A_744 = tpu.memref_squeeze %dma_start3A_743 : memref<1x1x128xi32, #tpu.memory_space<vmem>> -> memref<128xi32, #tpu.memory_space<vmem>>
        %dma_start3A_745 = arith.constant 0 : i32
        %dma_start3A_746 = arith.constant 0 : i32
        %dma_start3A_747 = tpu.memref_slice %arg2[%dma_start3A_745, %dma_start3A_746] : memref<10000x64xf32, #tpu.memory_space<hbm>> -> memref<10000x64xf32, #tpu.memory_space<hbm>>
        %dma_start3A_748 = tpu.memref_slice %arg11[%dma_start3A_737] : memref<10x!tpu.dma_semaphore, #tpu.memory_space<semaphore_mem>> -> memref<1x!tpu.dma_semaphore, #tpu.memory_space<semaphore_mem>>
        %dma_start3A_749 = tpu.memref_squeeze %dma_start3A_748 : memref<1x!tpu.dma_semaphore, #tpu.memory_space<semaphore_mem>> -> memref<!tpu.dma_semaphore, #tpu.memory_space<semaphore_mem>>
        tpu.enqueue_indirect_dma source(%dma_start3A_747 : memref<10000x64xf32, #tpu.memory_space<hbm>>) target(%dma_start3A_741 : memref<128x64xf32, #tpu.memory_space<vmem>>) offsets(%dma_start3A_744 : memref<128xi32, #tpu.memory_space<vmem>>) semaphore(%dma_start3A_749 : memref<!tpu.dma_semaphore, #tpu.memory_space<semaphore_mem>>)
      } else {
      }
      %dma_wait3A_609 = arith.constant 3 : i32
      %dma_wait3A_610 = arith.constant 3 : i32
      %dma_wait3A_611 = arith.constant 3 : i32
      %dma_wait3A_612 = arith.constant 0 : i32
      %dma_wait3A_613 = arith.constant 0 : i32
      %dma_wait3A_614 = tpu.memref_slice %arg9[%dma_wait3A_609, %dma_wait3A_612, %dma_wait3A_613] : memref<10x128x64xf32, #tpu.memory_space<vmem>> -> memref<1x128x64xf32, #tpu.memory_space<vmem>>
      %dma_wait3A_615 = tpu.memref_squeeze %dma_wait3A_614 : memref<1x128x64xf32, #tpu.memory_space<vmem>> -> memref<128x64xf32, #tpu.memory_space<vmem>>
      %dma_wait3A_616 = arith.constant 0 : i32
      %dma_wait3A_617 = tpu.memref_slice %arg8[%rem3A_243, %dma_wait3A_610, %dma_wait3A_616] : memref<2x10x128xi32, #tpu.memory_space<vmem>> -> memref<1x1x128xi32, #tpu.memory_space<vmem>>
      %dma_wait3A_618 = tpu.memref_squeeze %dma_wait3A_617 : memref<1x1x128xi32, #tpu.memory_space<vmem>> -> memref<128xi32, #tpu.memory_space<vmem>>
      %dma_wait3A_619 = arith.constant 0 : i32
      %dma_wait3A_620 = arith.constant 0 : i32
      %dma_wait3A_621 = tpu.memref_slice %arg10[%dma_wait3A_619, %dma_wait3A_620] : memref<10112x64xf32, #tpu.memory_space<vmem_shared>> -> memref<10112x64xf32, #tpu.memory_space<vmem_shared>>
      %dma_wait3A_622 = tpu.memref_slice %arg12[%dma_wait3A_611] : memref<10x!tpu.dma_semaphore, #tpu.memory_space<semaphore_mem>> -> memref<1x!tpu.dma_semaphore, #tpu.memory_space<semaphore_mem>>
      %dma_wait3A_623 = tpu.memref_squeeze %dma_wait3A_622 : memref<1x!tpu.dma_semaphore, #tpu.memory_space<semaphore_mem>> -> memref<!tpu.dma_semaphore, #tpu.memory_space<semaphore_mem>>
      tpu.wait_indirect_dma semaphore(%dma_wait3A_623 : memref<!tpu.dma_semaphore, #tpu.memory_space<semaphore_mem>>) src(%dma_wait3A_615 : memref<128x64xf32, #tpu.memory_space<vmem>>) dst(%dma_wait3A_621 : memref<10112x64xf32, #tpu.memory_space<vmem_shared>>)
      %convert_element_type3A_624 = arith.extui %lt3A_250 : i1 to i32
      %cond3A_625 = arith.constant 0 : i32
      %cond3A_626 = arith.cmpi ne, %convert_element_type3A_624, %cond3A_625 : i32
      scf.if %cond3A_626 {
        %dma_start3A_735 = arith.constant 3 : i32
        %dma_start3A_736 = arith.constant 3 : i32
        %dma_start3A_737 = arith.constant 3 : i32
        %dma_start3A_738 = arith.constant 0 : i32
        %dma_start3A_739 = arith.constant 0 : i32
        %dma_start3A_740 = tpu.memref_slice %arg9[%dma_start3A_736, %dma_start3A_738, %dma_start3A_739] : memref<10x128x64xf32, #tpu.memory_space<vmem>> -> memref<1x128x64xf32, #tpu.memory_space<vmem>>
        %dma_start3A_741 = tpu.memref_squeeze %dma_start3A_740 : memref<1x128x64xf32, #tpu.memory_space<vmem>> -> memref<128x64xf32, #tpu.memory_space<vmem>>
        %dma_start3A_742 = arith.constant 0 : i32
        %dma_start3A_743 = tpu.memref_slice %arg7[%rem3A_247, %dma_start3A_735, %dma_start3A_742] : memref<2x10x128xi32, #tpu.memory_space<vmem>> -> memref<1x1x128xi32, #tpu.memory_space<vmem>>
        %dma_start3A_744 = tpu.memref_squeeze %dma_start3A_743 : memref<1x1x128xi32, #tpu.memory_space<vmem>> -> memref<128xi32, #tpu.memory_space<vmem>>
        %dma_start3A_745 = arith.constant 0 : i32
        %dma_start3A_746 = arith.constant 0 : i32
        %dma_start3A_747 = tpu.memref_slice %arg2[%dma_start3A_745, %dma_start3A_746] : memref<10000x64xf32, #tpu.memory_space<hbm>> -> memref<10000x64xf32, #tpu.memory_space<hbm>>
        %dma_start3A_748 = tpu.memref_slice %arg11[%dma_start3A_737] : memref<10x!tpu.dma_semaphore, #tpu.memory_space<semaphore_mem>> -> memref<1x!tpu.dma_semaphore, #tpu.memory_space<semaphore_mem>>
        %dma_start3A_749 = tpu.memref_squeeze %dma_start3A_748 : memref<1x!tpu.dma_semaphore, #tpu.memory_space<semaphore_mem>> -> memref<!tpu.dma_semaphore, #tpu.memory_space<semaphore_mem>>
        tpu.enqueue_indirect_dma source(%dma_start3A_747 : memref<10000x64xf32, #tpu.memory_space<hbm>>) target(%dma_start3A_741 : memref<128x64xf32, #tpu.memory_space<vmem>>) offsets(%dma_start3A_744 : memref<128xi32, #tpu.memory_space<vmem>>) semaphore(%dma_start3A_749 : memref<!tpu.dma_semaphore, #tpu.memory_space<semaphore_mem>>)
      } else {
      }
      %dma_wait3A_627 = arith.constant 4 : i32
      %dma_wait3A_628 = arith.constant 4 : i32
      %dma_wait3A_629 = arith.constant 4 : i32
      %dma_wait3A_630 = arith.constant 0 : i32
      %dma_wait3A_631 = arith.constant 0 : i32
      %dma_wait3A_632 = tpu.memref_slice %arg9[%dma_wait3A_627, %dma_wait3A_630, %dma_wait3A_631] : memref<10x128x64xf32, #tpu.memory_space<vmem>> -> memref<1x128x64xf32, #tpu.memory_space<vmem>>
      %dma_wait3A_633 = tpu.memref_squeeze %dma_wait3A_632 : memref<1x128x64xf32, #tpu.memory_space<vmem>> -> memref<128x64xf32, #tpu.memory_space<vmem>>
      %dma_wait3A_634 = arith.constant 0 : i32
      %dma_wait3A_635 = tpu.memref_slice %arg8[%rem3A_243, %dma_wait3A_628, %dma_wait3A_634] : memref<2x10x128xi32, #tpu.memory_space<vmem>> -> memref<1x1x128xi32, #tpu.memory_space<vmem>>
      %dma_wait3A_636 = tpu.memref_squeeze %dma_wait3A_635 : memref<1x1x128xi32, #tpu.memory_space<vmem>> -> memref<128xi32, #tpu.memory_space<vmem>>
      %dma_wait3A_637 = arith.constant 0 : i32
      %dma_wait3A_638 = arith.constant 0 : i32
      %dma_wait3A_639 = tpu.memref_slice %arg10[%dma_wait3A_637, %dma_wait3A_638] : memref<10112x64xf32, #tpu.memory_space<vmem_shared>> -> memref<10112x64xf32, #tpu.memory_space<vmem_shared>>
      %dma_wait3A_640 = tpu.memref_slice %arg12[%dma_wait3A_629] : memref<10x!tpu.dma_semaphore, #tpu.memory_space<semaphore_mem>> -> memref<1x!tpu.dma_semaphore, #tpu.memory_space<semaphore_mem>>
      %dma_wait3A_641 = tpu.memref_squeeze %dma_wait3A_640 : memref<1x!tpu.dma_semaphore, #tpu.memory_space<semaphore_mem>> -> memref<!tpu.dma_semaphore, #tpu.memory_space<semaphore_mem>>
      tpu.wait_indirect_dma semaphore(%dma_wait3A_641 : memref<!tpu.dma_semaphore, #tpu.memory_space<semaphore_mem>>) src(%dma_wait3A_633 : memref<128x64xf32, #tpu.memory_space<vmem>>) dst(%dma_wait3A_639 : memref<10112x64xf32, #tpu.memory_space<vmem_shared>>)
      %convert_element_type3A_642 = arith.extui %lt3A_250 : i1 to i32
      %cond3A_643 = arith.constant 0 : i32
      %cond3A_644 = arith.cmpi ne, %convert_element_type3A_642, %cond3A_643 : i32
      scf.if %cond3A_644 {
        %dma_start3A_735 = arith.constant 4 : i32
        %dma_start3A_736 = arith.constant 4 : i32
        %dma_start3A_737 = arith.constant 4 : i32
        %dma_start3A_738 = arith.constant 0 : i32
        %dma_start3A_739 = arith.constant 0 : i32
        %dma_start3A_740 = tpu.memref_slice %arg9[%dma_start3A_736, %dma_start3A_738, %dma_start3A_739] : memref<10x128x64xf32, #tpu.memory_space<vmem>> -> memref<1x128x64xf32, #tpu.memory_space<vmem>>
        %dma_start3A_741 = tpu.memref_squeeze %dma_start3A_740 : memref<1x128x64xf32, #tpu.memory_space<vmem>> -> memref<128x64xf32, #tpu.memory_space<vmem>>
        %dma_start3A_742 = arith.constant 0 : i32
        %dma_start3A_743 = tpu.memref_slice %arg7[%rem3A_247, %dma_start3A_735, %dma_start3A_742] : memref<2x10x128xi32, #tpu.memory_space<vmem>> -> memref<1x1x128xi32, #tpu.memory_space<vmem>>
        %dma_start3A_744 = tpu.memref_squeeze %dma_start3A_743 : memref<1x1x128xi32, #tpu.memory_space<vmem>> -> memref<128xi32, #tpu.memory_space<vmem>>
        %dma_start3A_745 = arith.constant 0 : i32
        %dma_start3A_746 = arith.constant 0 : i32
        %dma_start3A_747 = tpu.memref_slice %arg2[%dma_start3A_745, %dma_start3A_746] : memref<10000x64xf32, #tpu.memory_space<hbm>> -> memref<10000x64xf32, #tpu.memory_space<hbm>>
        %dma_start3A_748 = tpu.memref_slice %arg11[%dma_start3A_737] : memref<10x!tpu.dma_semaphore, #tpu.memory_space<semaphore_mem>> -> memref<1x!tpu.dma_semaphore, #tpu.memory_space<semaphore_mem>>
        %dma_start3A_749 = tpu.memref_squeeze %dma_start3A_748 : memref<1x!tpu.dma_semaphore, #tpu.memory_space<semaphore_mem>> -> memref<!tpu.dma_semaphore, #tpu.memory_space<semaphore_mem>>
        tpu.enqueue_indirect_dma source(%dma_start3A_747 : memref<10000x64xf32, #tpu.memory_space<hbm>>) target(%dma_start3A_741 : memref<128x64xf32, #tpu.memory_space<vmem>>) offsets(%dma_start3A_744 : memref<128xi32, #tpu.memory_space<vmem>>) semaphore(%dma_start3A_749 : memref<!tpu.dma_semaphore, #tpu.memory_space<semaphore_mem>>)
      } else {
      }
      %dma_wait3A_645 = arith.constant 5 : i32
      %dma_wait3A_646 = arith.constant 5 : i32
      %dma_wait3A_647 = arith.constant 5 : i32
      %dma_wait3A_648 = arith.constant 0 : i32
      %dma_wait3A_649 = arith.constant 0 : i32
      %dma_wait3A_650 = tpu.memref_slice %arg9[%dma_wait3A_645, %dma_wait3A_648, %dma_wait3A_649] : memref<10x128x64xf32, #tpu.memory_space<vmem>> -> memref<1x128x64xf32, #tpu.memory_space<vmem>>
      %dma_wait3A_651 = tpu.memref_squeeze %dma_wait3A_650 : memref<1x128x64xf32, #tpu.memory_space<vmem>> -> memref<128x64xf32, #tpu.memory_space<vmem>>
      %dma_wait3A_652 = arith.constant 0 : i32
      %dma_wait3A_653 = tpu.memref_slice %arg8[%rem3A_243, %dma_wait3A_646, %dma_wait3A_652] : memref<2x10x128xi32, #tpu.memory_space<vmem>> -> memref<1x1x128xi32, #tpu.memory_space<vmem>>
      %dma_wait3A_654 = tpu.memref_squeeze %dma_wait3A_653 : memref<1x1x128xi32, #tpu.memory_space<vmem>> -> memref<128xi32, #tpu.memory_space<vmem>>
      %dma_wait3A_655 = arith.constant 0 : i32
      %dma_wait3A_656 = arith.constant 0 : i32
      %dma_wait3A_657 = tpu.memref_slice %arg10[%dma_wait3A_655, %dma_wait3A_656] : memref<10112x64xf32, #tpu.memory_space<vmem_shared>> -> memref<10112x64xf32, #tpu.memory_space<vmem_shared>>
      %dma_wait3A_658 = tpu.memref_slice %arg12[%dma_wait3A_647] : memref<10x!tpu.dma_semaphore, #tpu.memory_space<semaphore_mem>> -> memref<1x!tpu.dma_semaphore, #tpu.memory_space<semaphore_mem>>
      %dma_wait3A_659 = tpu.memref_squeeze %dma_wait3A_658 : memref<1x!tpu.dma_semaphore, #tpu.memory_space<semaphore_mem>> -> memref<!tpu.dma_semaphore, #tpu.memory_space<semaphore_mem>>
      tpu.wait_indirect_dma semaphore(%dma_wait3A_659 : memref<!tpu.dma_semaphore, #tpu.memory_space<semaphore_mem>>) src(%dma_wait3A_651 : memref<128x64xf32, #tpu.memory_space<vmem>>) dst(%dma_wait3A_657 : memref<10112x64xf32, #tpu.memory_space<vmem_shared>>)
      %convert_element_type3A_660 = arith.extui %lt3A_250 : i1 to i32
      %cond3A_661 = arith.constant 0 : i32
      %cond3A_662 = arith.cmpi ne, %convert_element_type3A_660, %cond3A_661 : i32
      scf.if %cond3A_662 {
        %dma_start3A_735 = arith.constant 5 : i32
        %dma_start3A_736 = arith.constant 5 : i32
        %dma_start3A_737 = arith.constant 5 : i32
        %dma_start3A_738 = arith.constant 0 : i32
        %dma_start3A_739 = arith.constant 0 : i32
        %dma_start3A_740 = tpu.memref_slice %arg9[%dma_start3A_736, %dma_start3A_738, %dma_start3A_739] : memref<10x128x64xf32, #tpu.memory_space<vmem>> -> memref<1x128x64xf32, #tpu.memory_space<vmem>>
        %dma_start3A_741 = tpu.memref_squeeze %dma_start3A_740 : memref<1x128x64xf32, #tpu.memory_space<vmem>> -> memref<128x64xf32, #tpu.memory_space<vmem>>
        %dma_start3A_742 = arith.constant 0 : i32
        %dma_start3A_743 = tpu.memref_slice %arg7[%rem3A_247, %dma_start3A_735, %dma_start3A_742] : memref<2x10x128xi32, #tpu.memory_space<vmem>> -> memref<1x1x128xi32, #tpu.memory_space<vmem>>
        %dma_start3A_744 = tpu.memref_squeeze %dma_start3A_743 : memref<1x1x128xi32, #tpu.memory_space<vmem>> -> memref<128xi32, #tpu.memory_space<vmem>>
        %dma_start3A_745 = arith.constant 0 : i32
        %dma_start3A_746 = arith.constant 0 : i32
        %dma_start3A_747 = tpu.memref_slice %arg2[%dma_start3A_745, %dma_start3A_746] : memref<10000x64xf32, #tpu.memory_space<hbm>> -> memref<10000x64xf32, #tpu.memory_space<hbm>>
        %dma_start3A_748 = tpu.memref_slice %arg11[%dma_start3A_737] : memref<10x!tpu.dma_semaphore, #tpu.memory_space<semaphore_mem>> -> memref<1x!tpu.dma_semaphore, #tpu.memory_space<semaphore_mem>>
        %dma_start3A_749 = tpu.memref_squeeze %dma_start3A_748 : memref<1x!tpu.dma_semaphore, #tpu.memory_space<semaphore_mem>> -> memref<!tpu.dma_semaphore, #tpu.memory_space<semaphore_mem>>
        tpu.enqueue_indirect_dma source(%dma_start3A_747 : memref<10000x64xf32, #tpu.memory_space<hbm>>) target(%dma_start3A_741 : memref<128x64xf32, #tpu.memory_space<vmem>>) offsets(%dma_start3A_744 : memref<128xi32, #tpu.memory_space<vmem>>) semaphore(%dma_start3A_749 : memref<!tpu.dma_semaphore, #tpu.memory_space<semaphore_mem>>)
      } else {
      }
      %dma_wait3A_663 = arith.constant 6 : i32
      %dma_wait3A_664 = arith.constant 6 : i32
      %dma_wait3A_665 = arith.constant 6 : i32
      %dma_wait3A_666 = arith.constant 0 : i32
      %dma_wait3A_667 = arith.constant 0 : i32
      %dma_wait3A_668 = tpu.memref_slice %arg9[%dma_wait3A_663, %dma_wait3A_666, %dma_wait3A_667] : memref<10x128x64xf32, #tpu.memory_space<vmem>> -> memref<1x128x64xf32, #tpu.memory_space<vmem>>
      %dma_wait3A_669 = tpu.memref_squeeze %dma_wait3A_668 : memref<1x128x64xf32, #tpu.memory_space<vmem>> -> memref<128x64xf32, #tpu.memory_space<vmem>>
      %dma_wait3A_670 = arith.constant 0 : i32
      %dma_wait3A_671 = tpu.memref_slice %arg8[%rem3A_243, %dma_wait3A_664, %dma_wait3A_670] : memref<2x10x128xi32, #tpu.memory_space<vmem>> -> memref<1x1x128xi32, #tpu.memory_space<vmem>>
      %dma_wait3A_672 = tpu.memref_squeeze %dma_wait3A_671 : memref<1x1x128xi32, #tpu.memory_space<vmem>> -> memref<128xi32, #tpu.memory_space<vmem>>
      %dma_wait3A_673 = arith.constant 0 : i32
      %dma_wait3A_674 = arith.constant 0 : i32
      %dma_wait3A_675 = tpu.memref_slice %arg10[%dma_wait3A_673, %dma_wait3A_674] : memref<10112x64xf32, #tpu.memory_space<vmem_shared>> -> memref<10112x64xf32, #tpu.memory_space<vmem_shared>>
      %dma_wait3A_676 = tpu.memref_slice %arg12[%dma_wait3A_665] : memref<10x!tpu.dma_semaphore, #tpu.memory_space<semaphore_mem>> -> memref<1x!tpu.dma_semaphore, #tpu.memory_space<semaphore_mem>>
      %dma_wait3A_677 = tpu.memref_squeeze %dma_wait3A_676 : memref<1x!tpu.dma_semaphore, #tpu.memory_space<semaphore_mem>> -> memref<!tpu.dma_semaphore, #tpu.memory_space<semaphore_mem>>
      tpu.wait_indirect_dma semaphore(%dma_wait3A_677 : memref<!tpu.dma_semaphore, #tpu.memory_space<semaphore_mem>>) src(%dma_wait3A_669 : memref<128x64xf32, #tpu.memory_space<vmem>>) dst(%dma_wait3A_675 : memref<10112x64xf32, #tpu.memory_space<vmem_shared>>)
      %convert_element_type3A_678 = arith.extui %lt3A_250 : i1 to i32
      %cond3A_679 = arith.constant 0 : i32
      %cond3A_680 = arith.cmpi ne, %convert_element_type3A_678, %cond3A_679 : i32
      scf.if %cond3A_680 {
        %dma_start3A_735 = arith.constant 6 : i32
        %dma_start3A_736 = arith.constant 6 : i32
        %dma_start3A_737 = arith.constant 6 : i32
        %dma_start3A_738 = arith.constant 0 : i32
        %dma_start3A_739 = arith.constant 0 : i32
        %dma_start3A_740 = tpu.memref_slice %arg9[%dma_start3A_736, %dma_start3A_738, %dma_start3A_739] : memref<10x128x64xf32, #tpu.memory_space<vmem>> -> memref<1x128x64xf32, #tpu.memory_space<vmem>>
        %dma_start3A_741 = tpu.memref_squeeze %dma_start3A_740 : memref<1x128x64xf32, #tpu.memory_space<vmem>> -> memref<128x64xf32, #tpu.memory_space<vmem>>
        %dma_start3A_742 = arith.constant 0 : i32
        %dma_start3A_743 = tpu.memref_slice %arg7[%rem3A_247, %dma_start3A_735, %dma_start3A_742] : memref<2x10x128xi32, #tpu.memory_space<vmem>> -> memref<1x1x128xi32, #tpu.memory_space<vmem>>
        %dma_start3A_744 = tpu.memref_squeeze %dma_start3A_743 : memref<1x1x128xi32, #tpu.memory_space<vmem>> -> memref<128xi32, #tpu.memory_space<vmem>>
        %dma_start3A_745 = arith.constant 0 : i32
        %dma_start3A_746 = arith.constant 0 : i32
        %dma_start3A_747 = tpu.memref_slice %arg2[%dma_start3A_745, %dma_start3A_746] : memref<10000x64xf32, #tpu.memory_space<hbm>> -> memref<10000x64xf32, #tpu.memory_space<hbm>>
        %dma_start3A_748 = tpu.memref_slice %arg11[%dma_start3A_737] : memref<10x!tpu.dma_semaphore, #tpu.memory_space<semaphore_mem>> -> memref<1x!tpu.dma_semaphore, #tpu.memory_space<semaphore_mem>>
        %dma_start3A_749 = tpu.memref_squeeze %dma_start3A_748 : memref<1x!tpu.dma_semaphore, #tpu.memory_space<semaphore_mem>> -> memref<!tpu.dma_semaphore, #tpu.memory_space<semaphore_mem>>
        tpu.enqueue_indirect_dma source(%dma_start3A_747 : memref<10000x64xf32, #tpu.memory_space<hbm>>) target(%dma_start3A_741 : memref<128x64xf32, #tpu.memory_space<vmem>>) offsets(%dma_start3A_744 : memref<128xi32, #tpu.memory_space<vmem>>) semaphore(%dma_start3A_749 : memref<!tpu.dma_semaphore, #tpu.memory_space<semaphore_mem>>)
      } else {
      }
      %dma_wait3A_681 = arith.constant 7 : i32
      %dma_wait3A_682 = arith.constant 7 : i32
      %dma_wait3A_683 = arith.constant 7 : i32
      %dma_wait3A_684 = arith.constant 0 : i32
      %dma_wait3A_685 = arith.constant 0 : i32
      %dma_wait3A_686 = tpu.memref_slice %arg9[%dma_wait3A_681, %dma_wait3A_684, %dma_wait3A_685] : memref<10x128x64xf32, #tpu.memory_space<vmem>> -> memref<1x128x64xf32, #tpu.memory_space<vmem>>
      %dma_wait3A_687 = tpu.memref_squeeze %dma_wait3A_686 : memref<1x128x64xf32, #tpu.memory_space<vmem>> -> memref<128x64xf32, #tpu.memory_space<vmem>>
      %dma_wait3A_688 = arith.constant 0 : i32
      %dma_wait3A_689 = tpu.memref_slice %arg8[%rem3A_243, %dma_wait3A_682, %dma_wait3A_688] : memref<2x10x128xi32, #tpu.memory_space<vmem>> -> memref<1x1x128xi32, #tpu.memory_space<vmem>>
      %dma_wait3A_690 = tpu.memref_squeeze %dma_wait3A_689 : memref<1x1x128xi32, #tpu.memory_space<vmem>> -> memref<128xi32, #tpu.memory_space<vmem>>
      %dma_wait3A_691 = arith.constant 0 : i32
      %dma_wait3A_692 = arith.constant 0 : i32
      %dma_wait3A_693 = tpu.memref_slice %arg10[%dma_wait3A_691, %dma_wait3A_692] : memref<10112x64xf32, #tpu.memory_space<vmem_shared>> -> memref<10112x64xf32, #tpu.memory_space<vmem_shared>>
      %dma_wait3A_694 = tpu.memref_slice %arg12[%dma_wait3A_683] : memref<10x!tpu.dma_semaphore, #tpu.memory_space<semaphore_mem>> -> memref<1x!tpu.dma_semaphore, #tpu.memory_space<semaphore_mem>>
      %dma_wait3A_695 = tpu.memref_squeeze %dma_wait3A_694 : memref<1x!tpu.dma_semaphore, #tpu.memory_space<semaphore_mem>> -> memref<!tpu.dma_semaphore, #tpu.memory_space<semaphore_mem>>
      tpu.wait_indirect_dma semaphore(%dma_wait3A_695 : memref<!tpu.dma_semaphore, #tpu.memory_space<semaphore_mem>>) src(%dma_wait3A_687 : memref<128x64xf32, #tpu.memory_space<vmem>>) dst(%dma_wait3A_693 : memref<10112x64xf32, #tpu.memory_space<vmem_shared>>)
      %convert_element_type3A_696 = arith.extui %lt3A_250 : i1 to i32
      %cond3A_697 = arith.constant 0 : i32
      %cond3A_698 = arith.cmpi ne, %convert_element_type3A_696, %cond3A_697 : i32
      scf.if %cond3A_698 {
        %dma_start3A_735 = arith.constant 7 : i32
        %dma_start3A_736 = arith.constant 7 : i32
        %dma_start3A_737 = arith.constant 7 : i32
        %dma_start3A_738 = arith.constant 0 : i32
        %dma_start3A_739 = arith.constant 0 : i32
        %dma_start3A_740 = tpu.memref_slice %arg9[%dma_start3A_736, %dma_start3A_738, %dma_start3A_739] : memref<10x128x64xf32, #tpu.memory_space<vmem>> -> memref<1x128x64xf32, #tpu.memory_space<vmem>>
        %dma_start3A_741 = tpu.memref_squeeze %dma_start3A_740 : memref<1x128x64xf32, #tpu.memory_space<vmem>> -> memref<128x64xf32, #tpu.memory_space<vmem>>
        %dma_start3A_742 = arith.constant 0 : i32
        %dma_start3A_743 = tpu.memref_slice %arg7[%rem3A_247, %dma_start3A_735, %dma_start3A_742] : memref<2x10x128xi32, #tpu.memory_space<vmem>> -> memref<1x1x128xi32, #tpu.memory_space<vmem>>
        %dma_start3A_744 = tpu.memref_squeeze %dma_start3A_743 : memref<1x1x128xi32, #tpu.memory_space<vmem>> -> memref<128xi32, #tpu.memory_space<vmem>>
        %dma_start3A_745 = arith.constant 0 : i32
        %dma_start3A_746 = arith.constant 0 : i32
        %dma_start3A_747 = tpu.memref_slice %arg2[%dma_start3A_745, %dma_start3A_746] : memref<10000x64xf32, #tpu.memory_space<hbm>> -> memref<10000x64xf32, #tpu.memory_space<hbm>>
        %dma_start3A_748 = tpu.memref_slice %arg11[%dma_start3A_737] : memref<10x!tpu.dma_semaphore, #tpu.memory_space<semaphore_mem>> -> memref<1x!tpu.dma_semaphore, #tpu.memory_space<semaphore_mem>>
        %dma_start3A_749 = tpu.memref_squeeze %dma_start3A_748 : memref<1x!tpu.dma_semaphore, #tpu.memory_space<semaphore_mem>> -> memref<!tpu.dma_semaphore, #tpu.memory_space<semaphore_mem>>
        tpu.enqueue_indirect_dma source(%dma_start3A_747 : memref<10000x64xf32, #tpu.memory_space<hbm>>) target(%dma_start3A_741 : memref<128x64xf32, #tpu.memory_space<vmem>>) offsets(%dma_start3A_744 : memref<128xi32, #tpu.memory_space<vmem>>) semaphore(%dma_start3A_749 : memref<!tpu.dma_semaphore, #tpu.memory_space<semaphore_mem>>)
      } else {
      }
      %dma_wait3A_699 = arith.constant 8 : i32
      %dma_wait3A_700 = arith.constant 8 : i32
      %dma_wait3A_701 = arith.constant 8 : i32
      %dma_wait3A_702 = arith.constant 0 : i32
      %dma_wait3A_703 = arith.constant 0 : i32
      %dma_wait3A_704 = tpu.memref_slice %arg9[%dma_wait3A_699, %dma_wait3A_702, %dma_wait3A_703] : memref<10x128x64xf32, #tpu.memory_space<vmem>> -> memref<1x128x64xf32, #tpu.memory_space<vmem>>
      %dma_wait3A_705 = tpu.memref_squeeze %dma_wait3A_704 : memref<1x128x64xf32, #tpu.memory_space<vmem>> -> memref<128x64xf32, #tpu.memory_space<vmem>>
      %dma_wait3A_706 = arith.constant 0 : i32
      %dma_wait3A_707 = tpu.memref_slice %arg8[%rem3A_243, %dma_wait3A_700, %dma_wait3A_706] : memref<2x10x128xi32, #tpu.memory_space<vmem>> -> memref<1x1x128xi32, #tpu.memory_space<vmem>>
      %dma_wait3A_708 = tpu.memref_squeeze %dma_wait3A_707 : memref<1x1x128xi32, #tpu.memory_space<vmem>> -> memref<128xi32, #tpu.memory_space<vmem>>
      %dma_wait3A_709 = arith.constant 0 : i32
      %dma_wait3A_710 = arith.constant 0 : i32
      %dma_wait3A_711 = tpu.memref_slice %arg10[%dma_wait3A_709, %dma_wait3A_710] : memref<10112x64xf32, #tpu.memory_space<vmem_shared>> -> memref<10112x64xf32, #tpu.memory_space<vmem_shared>>
      %dma_wait3A_712 = tpu.memref_slice %arg12[%dma_wait3A_701] : memref<10x!tpu.dma_semaphore, #tpu.memory_space<semaphore_mem>> -> memref<1x!tpu.dma_semaphore, #tpu.memory_space<semaphore_mem>>
      %dma_wait3A_713 = tpu.memref_squeeze %dma_wait3A_712 : memref<1x!tpu.dma_semaphore, #tpu.memory_space<semaphore_mem>> -> memref<!tpu.dma_semaphore, #tpu.memory_space<semaphore_mem>>
      tpu.wait_indirect_dma semaphore(%dma_wait3A_713 : memref<!tpu.dma_semaphore, #tpu.memory_space<semaphore_mem>>) src(%dma_wait3A_705 : memref<128x64xf32, #tpu.memory_space<vmem>>) dst(%dma_wait3A_711 : memref<10112x64xf32, #tpu.memory_space<vmem_shared>>)
      %convert_element_type3A_714 = arith.extui %lt3A_250 : i1 to i32
      %cond3A_715 = arith.constant 0 : i32
      %cond3A_716 = arith.cmpi ne, %convert_element_type3A_714, %cond3A_715 : i32
      scf.if %cond3A_716 {
        %dma_start3A_735 = arith.constant 8 : i32
        %dma_start3A_736 = arith.constant 8 : i32
        %dma_start3A_737 = arith.constant 8 : i32
        %dma_start3A_738 = arith.constant 0 : i32
        %dma_start3A_739 = arith.constant 0 : i32
        %dma_start3A_740 = tpu.memref_slice %arg9[%dma_start3A_736, %dma_start3A_738, %dma_start3A_739] : memref<10x128x64xf32, #tpu.memory_space<vmem>> -> memref<1x128x64xf32, #tpu.memory_space<vmem>>
        %dma_start3A_741 = tpu.memref_squeeze %dma_start3A_740 : memref<1x128x64xf32, #tpu.memory_space<vmem>> -> memref<128x64xf32, #tpu.memory_space<vmem>>
        %dma_start3A_742 = arith.constant 0 : i32
        %dma_start3A_743 = tpu.memref_slice %arg7[%rem3A_247, %dma_start3A_735, %dma_start3A_742] : memref<2x10x128xi32, #tpu.memory_space<vmem>> -> memref<1x1x128xi32, #tpu.memory_space<vmem>>
        %dma_start3A_744 = tpu.memref_squeeze %dma_start3A_743 : memref<1x1x128xi32, #tpu.memory_space<vmem>> -> memref<128xi32, #tpu.memory_space<vmem>>
        %dma_start3A_745 = arith.constant 0 : i32
        %dma_start3A_746 = arith.constant 0 : i32
        %dma_start3A_747 = tpu.memref_slice %arg2[%dma_start3A_745, %dma_start3A_746] : memref<10000x64xf32, #tpu.memory_space<hbm>> -> memref<10000x64xf32, #tpu.memory_space<hbm>>
        %dma_start3A_748 = tpu.memref_slice %arg11[%dma_start3A_737] : memref<10x!tpu.dma_semaphore, #tpu.memory_space<semaphore_mem>> -> memref<1x!tpu.dma_semaphore, #tpu.memory_space<semaphore_mem>>
        %dma_start3A_749 = tpu.memref_squeeze %dma_start3A_748 : memref<1x!tpu.dma_semaphore, #tpu.memory_space<semaphore_mem>> -> memref<!tpu.dma_semaphore, #tpu.memory_space<semaphore_mem>>
        tpu.enqueue_indirect_dma source(%dma_start3A_747 : memref<10000x64xf32, #tpu.memory_space<hbm>>) target(%dma_start3A_741 : memref<128x64xf32, #tpu.memory_space<vmem>>) offsets(%dma_start3A_744 : memref<128xi32, #tpu.memory_space<vmem>>) semaphore(%dma_start3A_749 : memref<!tpu.dma_semaphore, #tpu.memory_space<semaphore_mem>>)
      } else {
      }
      %dma_wait3A_717 = arith.constant 9 : i32
      %dma_wait3A_718 = arith.constant 9 : i32
      %dma_wait3A_719 = arith.constant 9 : i32
      %dma_wait3A_720 = arith.constant 0 : i32
      %dma_wait3A_721 = arith.constant 0 : i32
      %dma_wait3A_722 = tpu.memref_slice %arg9[%dma_wait3A_717, %dma_wait3A_720, %dma_wait3A_721] : memref<10x128x64xf32, #tpu.memory_space<vmem>> -> memref<1x128x64xf32, #tpu.memory_space<vmem>>
      %dma_wait3A_723 = tpu.memref_squeeze %dma_wait3A_722 : memref<1x128x64xf32, #tpu.memory_space<vmem>> -> memref<128x64xf32, #tpu.memory_space<vmem>>
      %dma_wait3A_724 = arith.constant 0 : i32
      %dma_wait3A_725 = tpu.memref_slice %arg8[%rem3A_243, %dma_wait3A_718, %dma_wait3A_724] : memref<2x10x128xi32, #tpu.memory_space<vmem>> -> memref<1x1x128xi32, #tpu.memory_space<vmem>>
      %dma_wait3A_726 = tpu.memref_squeeze %dma_wait3A_725 : memref<1x1x128xi32, #tpu.memory_space<vmem>> -> memref<128xi32, #tpu.memory_space<vmem>>
      %dma_wait3A_727 = arith.constant 0 : i32
      %dma_wait3A_728 = arith.constant 0 : i32
      %dma_wait3A_729 = tpu.memref_slice %arg10[%dma_wait3A_727, %dma_wait3A_728] : memref<10112x64xf32, #tpu.memory_space<vmem_shared>> -> memref<10112x64xf32, #tpu.memory_space<vmem_shared>>
      %dma_wait3A_730 = tpu.memref_slice %arg12[%dma_wait3A_719] : memref<10x!tpu.dma_semaphore, #tpu.memory_space<semaphore_mem>> -> memref<1x!tpu.dma_semaphore, #tpu.memory_space<semaphore_mem>>
      %dma_wait3A_731 = tpu.memref_squeeze %dma_wait3A_730 : memref<1x!tpu.dma_semaphore, #tpu.memory_space<semaphore_mem>> -> memref<!tpu.dma_semaphore, #tpu.memory_space<semaphore_mem>>
      tpu.wait_indirect_dma semaphore(%dma_wait3A_731 : memref<!tpu.dma_semaphore, #tpu.memory_space<semaphore_mem>>) src(%dma_wait3A_723 : memref<128x64xf32, #tpu.memory_space<vmem>>) dst(%dma_wait3A_729 : memref<10112x64xf32, #tpu.memory_space<vmem_shared>>)
      %convert_element_type3A_732 = arith.extui %lt3A_250 : i1 to i32
      %cond3A_733 = arith.constant 0 : i32
      %cond3A_734 = arith.cmpi ne, %convert_element_type3A_732, %cond3A_733 : i32
      scf.if %cond3A_734 {
        %dma_start3A_735 = arith.constant 9 : i32
        %dma_start3A_736 = arith.constant 9 : i32
        %dma_start3A_737 = arith.constant 9 : i32
        %dma_start3A_738 = arith.constant 0 : i32
        %dma_start3A_739 = arith.constant 0 : i32
        %dma_start3A_740 = tpu.memref_slice %arg9[%dma_start3A_736, %dma_start3A_738, %dma_start3A_739] : memref<10x128x64xf32, #tpu.memory_space<vmem>> -> memref<1x128x64xf32, #tpu.memory_space<vmem>>
        %dma_start3A_741 = tpu.memref_squeeze %dma_start3A_740 : memref<1x128x64xf32, #tpu.memory_space<vmem>> -> memref<128x64xf32, #tpu.memory_space<vmem>>
        %dma_start3A_742 = arith.constant 0 : i32
        %dma_start3A_743 = tpu.memref_slice %arg7[%rem3A_247, %dma_start3A_735, %dma_start3A_742] : memref<2x10x128xi32, #tpu.memory_space<vmem>> -> memref<1x1x128xi32, #tpu.memory_space<vmem>>
        %dma_start3A_744 = tpu.memref_squeeze %dma_start3A_743 : memref<1x1x128xi32, #tpu.memory_space<vmem>> -> memref<128xi32, #tpu.memory_space<vmem>>
        %dma_start3A_745 = arith.constant 0 : i32
        %dma_start3A_746 = arith.constant 0 : i32
        %dma_start3A_747 = tpu.memref_slice %arg2[%dma_start3A_745, %dma_start3A_746] : memref<10000x64xf32, #tpu.memory_space<hbm>> -> memref<10000x64xf32, #tpu.memory_space<hbm>>
        %dma_start3A_748 = tpu.memref_slice %arg11[%dma_start3A_737] : memref<10x!tpu.dma_semaphore, #tpu.memory_space<semaphore_mem>> -> memref<1x!tpu.dma_semaphore, #tpu.memory_space<semaphore_mem>>
        %dma_start3A_749 = tpu.memref_squeeze %dma_start3A_748 : memref<1x!tpu.dma_semaphore, #tpu.memory_space<semaphore_mem>> -> memref<!tpu.dma_semaphore, #tpu.memory_space<semaphore_mem>>
        tpu.enqueue_indirect_dma source(%dma_start3A_747 : memref<10000x64xf32, #tpu.memory_space<hbm>>) target(%dma_start3A_741 : memref<128x64xf32, #tpu.memory_space<vmem>>) offsets(%dma_start3A_744 : memref<128xi32, #tpu.memory_space<vmem>>) semaphore(%dma_start3A_749 : memref<!tpu.dma_semaphore, #tpu.memory_space<semaphore_mem>>)
      } else {
      }
    }
    %scan3A_231 = arith.constant 8 : i32
    %barrier3A_232 = arith.constant 0 : index
    tpu.barrier barrier_id(%barrier3A_232)
    %mul3A_233 = arith.constant 632 : i32
    %mul3A_234 = arith.muli %arg1, %mul3A_233 : i32
    %mul3A_235 = arith.constant 632 : i32
    %mul3A_236 = arith.muli %arg1, %mul3A_235 : i32
    "tpu.region"() ({
      %run_scoped3A = tpu.sem_alloc : memref<!tpu.dma_semaphore, #tpu.memory_space<semaphore_mem>>
      %dma_start3A_237 = arith.constant 0 : i32
      %dma_start3A_238 = tpu.memref_slice %arg6[%arg0, %mul3A_236, %dma_start3A_237] : memref<2x10112x64xf32, #tpu.memory_space<hbm>> -> memref<1x632x64xf32, #tpu.memory_space<hbm>>
      %dma_start3A_239 = tpu.memref_squeeze %dma_start3A_238 : memref<1x632x64xf32, #tpu.memory_space<hbm>> -> memref<632x64xf32, #tpu.memory_space<hbm>>
      %dma_start3A_240 = arith.constant 0 : i32
      %dma_start3A_241 = tpu.memref_slice %arg10[%mul3A_234, %dma_start3A_240] : memref<10112x64xf32, #tpu.memory_space<vmem_shared>> -> memref<632x64xf32, #tpu.memory_space<vmem_shared>>
      tpu.enqueue_dma source(%dma_start3A_241 : memref<632x64xf32, #tpu.memory_space<vmem_shared>>) target(%dma_start3A_239 : memref<632x64xf32, #tpu.memory_space<hbm>>) target_semaphore(%run_scoped3A : memref<!tpu.dma_semaphore, #tpu.memory_space<semaphore_mem>>)
      %dma_wait3A_242 = arith.constant 0 : i32
      %dma_wait3A_243 = tpu.memref_slice %arg6[%arg0, %mul3A_236, %dma_wait3A_242] : memref<2x10112x64xf32, #tpu.memory_space<hbm>> -> memref<1x632x64xf32, #tpu.memory_space<hbm>>
      %dma_wait3A_244 = tpu.memref_squeeze %dma_wait3A_243 : memref<1x632x64xf32, #tpu.memory_space<hbm>> -> memref<632x64xf32, #tpu.memory_space<hbm>>
      %dma_wait3A_245 = arith.constant 0 : i32
      %dma_wait3A_246 = tpu.memref_slice %arg10[%mul3A_234, %dma_wait3A_245] : memref<10112x64xf32, #tpu.memory_space<vmem_shared>> -> memref<632x64xf32, #tpu.memory_space<vmem_shared>>
      tpu.wait_dma2 semaphore(%run_scoped3A : memref<!tpu.dma_semaphore, #tpu.memory_space<semaphore_mem>>) src(%dma_wait3A_246 : memref<632x64xf32, #tpu.memory_space<vmem_shared>>) dst(%dma_wait3A_244 : memref<632x64xf32, #tpu.memory_space<hbm>>)
      tpu.yield
    }) : () -> ()
    return
  }
}

module attributes {stable_mosaic.version = 14 : i64} {
  func.func @body(%arg0: i32, %arg1: memref<2000x128xf32, #tpu.memory_space<vmem>>, %arg2: memref<128x64xf32, #tpu.memory_space<vmem>>, %arg3: memref<2000x64xf32, #tpu.memory_space<vmem>>) attributes {dimension_semantics = [#tpu.dimension_semantics<arbitrary>], iteration_bounds = array<i64: 5>, scalar_prefetch = 0 : i64, scratch_operands = 0 : i64, tpu.core_type = #tpu.core_type<tc>, window_params = [{transform_indices = @transform_0, window_bounds = array<i64: 2000, 128>}, {pipeline_mode = #tpu.pipeline_mode<synchronous>, transform_indices = @transform_1, window_bounds = array<i64: 128, 64>}, {transform_indices = @transform_2, window_bounds = array<i64: 2000, 64>}]} {
    %get3A = arith.constant 0 : index
    %get3A_0 = arith.constant 0 : index
    %get3A_1 = vector.load %arg1[%get3A, %get3A_0] : memref<2000x128xf32, #tpu.memory_space<vmem>>, vector<2000x128xf32>
    %get3A_2 = arith.constant 0 : index
    %get3A_3 = arith.constant 0 : index
    %get3A_4 = vector.load %arg2[%get3A_2, %get3A_3] : memref<128x64xf32, #tpu.memory_space<vmem>>, vector<128x64xf32>
    %dot_general3A = arith.constant dense<0.000000e+00> : vector<2000x64xf32>
    %dot_general3A_5 = tpu.matmul %get3A_1, %get3A_4, %dot_general3A {dimension_numbers = #tpu.dot_dimension_numbers<[1], [0], [0], [1], [0, 0, 1, 1], [], []>, transpose_lhs_hint = false} : vector<2000x128xf32>, vector<128x64xf32>, vector<2000x64xf32> -> vector<2000x64xf32>
    %swap3A = arith.constant 0 : index
    %swap3A_6 = arith.constant 0 : index
    %swap3A_7 = vector.load %arg3[%swap3A, %swap3A_6] : memref<2000x64xf32, #tpu.memory_space<vmem>>, vector<2000x64xf32>
    tpu.vector_store %arg3[%swap3A, %swap3A_6], %dot_general3A_5 {strides = array<i32>} : memref<2000x64xf32, #tpu.memory_space<vmem>>, vector<2000x64xf32>,
    return
  }
  func.func @transform_0(%arg0: i32) -> (i32, i32) {
    %c0_i32 = arith.constant 0 : i32
    %c0_i32_0 = arith.constant 0 : i32
    return %arg0, %c0_i32 : i32, i32
  }
  func.func @transform_1(%arg0: i32) -> (i32, i32) {
    %c0_i32 = arith.constant 0 : i32
    %c0_i32_0 = arith.constant 0 : i32
    %c0_i32_1 = arith.constant 0 : i32
    return %c0_i32, %c0_i32_0 : i32, i32
  }
  func.func @transform_2(%arg0: i32) -> (i32, i32) {
    %c0_i32 = arith.constant 0 : i32
    %c0_i32_0 = arith.constant 0 : i32
    return %arg0, %c0_i32 : i32, i32
  }
}

module attributes {stable_mosaic.version = 14 : i64} {
  func.func @body(%arg0: i32, %arg1: memref<2000x64xf32, #tpu.memory_space<vmem>>, %arg2: memref<2x2000x8xf32, #tpu.memory_space<vmem>>, %arg3: memref<2000x64xf32, #tpu.memory_space<vmem>>) attributes {dimension_semantics = [#tpu.dimension_semantics<arbitrary>], iteration_bounds = array<i64: 5>, scalar_prefetch = 0 : i64, scratch_operands = 0 : i64, tpu.core_type = #tpu.core_type<tc>, window_params = [{transform_indices = @transform_0, window_bounds = array<i64: 2000, 64>}, {transform_indices = @transform_1, window_bounds = array<i64: 2, 2000, 8>}, {transform_indices = @transform_2, window_bounds = array<i64: 2000, 64>}]} {
    %get3A = arith.constant 0 : index
    %get3A_0 = arith.constant 0 : index
    %get3A_1 = arith.constant 0 : index
    %get3A_2 = vector.load %arg2[%get3A, %get3A_0, %get3A_1] : memref<2x2000x8xf32, #tpu.memory_space<vmem>>, vector<1x2000x1xf32>
    %get3A_3 = vector.shape_cast %get3A_2 : vector<1x2000x1xf32> to vector<2000x1xf32>
    %add3A = arith.constant 1.000000e+00 : f32
    %add3A_4 = vector.broadcast %add3A : f32 to vector<2000x1xf32>
    %add3A_5 = arith.addf %add3A_4, %get3A_3 : vector<2000x1xf32>
    %get3A_6 = arith.constant 1 : index
    %get3A_7 = arith.constant 0 : index
    %get3A_8 = arith.constant 0 : index
    %get3A_9 = vector.load %arg2[%get3A_6, %get3A_7, %get3A_8] : memref<2x2000x8xf32, #tpu.memory_space<vmem>>, vector<1x2000x1xf32>
    %get3A_10 = vector.shape_cast %get3A_9 : vector<1x2000x1xf32> to vector<2000x1xf32>
    %add3A_11 = arith.addf %add3A_5, %get3A_10 : vector<2000x1xf32>
    %rsqrt3A = math.rsqrt %add3A_11 : vector<2000x1xf32>
    %get3A_12 = arith.constant 0 : index
    %get3A_13 = arith.constant 0 : index
    %get3A_14 = vector.load %arg1[%get3A_12, %get3A_13] : memref<2000x64xf32, #tpu.memory_space<vmem>>, vector<2000x64xf32>
    %mul3A = vector.broadcast %rsqrt3A : vector<2000x1xf32> to vector<2000x64xf32>
    %mul3A_15 = arith.mulf %mul3A, %get3A_14 : vector<2000x64xf32>
    %swap3A = arith.constant 0 : index
    %swap3A_16 = arith.constant 0 : index
    %swap3A_17 = vector.load %arg3[%swap3A, %swap3A_16] : memref<2000x64xf32, #tpu.memory_space<vmem>>, vector<2000x64xf32>
    tpu.vector_store %arg3[%swap3A, %swap3A_16], %mul3A_15 {strides = array<i32>} : memref<2000x64xf32, #tpu.memory_space<vmem>>, vector<2000x64xf32>,
    return
  }
  func.func @transform_0(%arg0: i32) -> (i32, i32) {
    %c0_i32 = arith.constant 0 : i32
    %c0_i32_0 = arith.constant 0 : i32
    return %arg0, %c0_i32 : i32, i32
  }
  func.func @transform_1(%arg0: i32) -> (i32, i32, i32) {
    %c0_i32 = arith.constant 0 : i32
    %c0_i32_0 = arith.constant 0 : i32
    %c0_i32_1 = arith.constant 0 : i32
    return %c0_i32, %arg0, %c0_i32_0 : i32, i32, i32
  }
  func.func @transform_2(%arg0: i32) -> (i32, i32) {
    %c0_i32 = arith.constant 0 : i32
    %c0_i32_0 = arith.constant 0 : i32
    return %arg0, %c0_i32 : i32, i32
  }
}

module attributes {stable_mosaic.version = 14 : i64} {
  func.func @body(%arg0: i32, %arg1: memref<2x2000x64xf32, #tpu.memory_space<vmem>>, %arg2: memref<2000x64xf32, #tpu.memory_space<vmem>>, %arg3: memref<2x2000x8xf32, #tpu.memory_space<vmem>>, %arg4: memref<1x64xf32, #tpu.memory_space<vmem>>, %arg5: memref<64x64xf32, #tpu.memory_space<vmem>>, %arg6: memref<2000x64xf32, #tpu.memory_space<vmem>>, %arg7: memref<2000x64xf32, #tpu.memory_space<vmem>>) attributes {dimension_semantics = [#tpu.dimension_semantics<arbitrary>], iteration_bounds = array<i64: 5>, scalar_prefetch = 0 : i64, scratch_operands = 0 : i64, tpu.core_type = #tpu.core_type<tc>, window_params = [{transform_indices = @transform_0, window_bounds = array<i64: 2, 2000, 64>}, {transform_indices = @transform_1, window_bounds = array<i64: 2000, 64>}, {transform_indices = @transform_2, window_bounds = array<i64: 2, 2000, 8>}, {pipeline_mode = #tpu.pipeline_mode<synchronous>, transform_indices = @transform_3, window_bounds = array<i64: 1, 64>}, {pipeline_mode = #tpu.pipeline_mode<synchronous>, transform_indices = @transform_4, window_bounds = array<i64: 64, 64>}, {transform_indices = @transform_5, window_bounds = array<i64: 2000, 64>}, {transform_indices = @transform_6, window_bounds = array<i64: 2000, 64>}]} {
    %get3A = arith.constant 0 : index
    %get3A_0 = arith.constant 0 : index
    %get3A_1 = arith.constant 0 : index
    %get3A_2 = vector.load %arg3[%get3A, %get3A_0, %get3A_1] : memref<2x2000x8xf32, #tpu.memory_space<vmem>>, vector<1x2000x1xf32>
    %get3A_3 = vector.shape_cast %get3A_2 : vector<1x2000x1xf32> to vector<2000x1xf32>
    %add3A = arith.constant 1.000000e+00 : f32
    %add3A_4 = vector.broadcast %add3A : f32 to vector<2000x1xf32>
    %add3A_5 = arith.addf %add3A_4, %get3A_3 : vector<2000x1xf32>
    %get3A_6 = arith.constant 1 : index
    %get3A_7 = arith.constant 0 : index
    %get3A_8 = arith.constant 0 : index
    %get3A_9 = vector.load %arg3[%get3A_6, %get3A_7, %get3A_8] : memref<2x2000x8xf32, #tpu.memory_space<vmem>>, vector<1x2000x1xf32>
    %get3A_10 = vector.shape_cast %get3A_9 : vector<1x2000x1xf32> to vector<2000x1xf32>
    %add3A_11 = arith.addf %add3A_5, %get3A_10 : vector<2000x1xf32>
    %rsqrt3A = math.rsqrt %add3A_11 : vector<2000x1xf32>
    %get3A_12 = arith.constant 0 : index
    %get3A_13 = arith.constant 0 : index
    %get3A_14 = arith.constant 0 : index
    %get3A_15 = vector.load %arg1[%get3A_12, %get3A_13, %get3A_14] : memref<2x2000x64xf32, #tpu.memory_space<vmem>>, vector<1x2000x64xf32>
    %get3A_16 = vector.shape_cast %get3A_15 : vector<1x2000x64xf32> to vector<2000x64xf32>
    %get3A_17 = arith.constant 1 : index
    %get3A_18 = arith.constant 0 : index
    %get3A_19 = arith.constant 0 : index
    %get3A_20 = vector.load %arg1[%get3A_17, %get3A_18, %get3A_19] : memref<2x2000x64xf32, #tpu.memory_space<vmem>>, vector<1x2000x64xf32>
    %get3A_21 = vector.shape_cast %get3A_20 : vector<1x2000x64xf32> to vector<2000x64xf32>
    %add3A_22 = arith.addf %get3A_16, %get3A_21 : vector<2000x64xf32>
    %mul3A = vector.broadcast %rsqrt3A : vector<2000x1xf32> to vector<2000x64xf32>
    %mul3A_23 = arith.mulf %mul3A, %add3A_22 : vector<2000x64xf32>
    %mul3A_24 = arith.mulf %rsqrt3A, %rsqrt3A : vector<2000x1xf32>
    %get3A_25 = arith.constant 0 : index
    %get3A_26 = arith.constant 0 : index
    %get3A_27 = vector.load %arg2[%get3A_25, %get3A_26] : memref<2000x64xf32, #tpu.memory_space<vmem>>, vector<2000x64xf32>
    %mul3A_28 = vector.broadcast %mul3A_24 : vector<2000x1xf32> to vector<2000x64xf32>
    %mul3A_29 = arith.mulf %mul3A_28, %get3A_27 : vector<2000x64xf32>
    %add3A_30 = arith.addf %mul3A_23, %mul3A_29 : vector<2000x64xf32>
    %get3A_31 = arith.constant 0 : index
    %get3A_32 = arith.constant 0 : index
    %get3A_33 = vector.load %arg4[%get3A_31, %get3A_32] : memref<1x64xf32, #tpu.memory_space<vmem>>, vector<1x64xf32>
    %add3A_34 = vector.broadcast %get3A_33 : vector<1x64xf32> to vector<2000x64xf32>
    %add3A_35 = arith.addf %add3A_30, %add3A_34 : vector<2000x64xf32>
    %max3A = arith.constant 0.000000e+00 : f32
    %max3A_36 = vector.broadcast %max3A : f32 to vector<2000x64xf32>
    %max3A_37 = arith.maximumf %add3A_35, %max3A_36 : vector<2000x64xf32>
    %get3A_38 = arith.constant 0 : index
    %get3A_39 = arith.constant 0 : index
    %get3A_40 = vector.load %arg5[%get3A_38, %get3A_39] : memref<64x64xf32, #tpu.memory_space<vmem>>, vector<64x64xf32>
    %dot_general3A = arith.constant dense<0.000000e+00> : vector<2000x64xf32>
    %dot_general3A_41 = tpu.matmul %max3A_37, %get3A_40, %dot_general3A {dimension_numbers = #tpu.dot_dimension_numbers<[1], [0], [0], [1], [0, 0, 1, 1], [], []>, transpose_lhs_hint = false} : vector<2000x64xf32>, vector<64x64xf32>, vector<2000x64xf32> -> vector<2000x64xf32>
    %swap3A = arith.constant 0 : index
    %swap3A_42 = arith.constant 0 : index
    %swap3A_43 = vector.load %arg6[%swap3A, %swap3A_42] : memref<2000x64xf32, #tpu.memory_space<vmem>>, vector<2000x64xf32>
    tpu.vector_store %arg6[%swap3A, %swap3A_42], %dot_general3A_41 {strides = array<i32>} : memref<2000x64xf32, #tpu.memory_space<vmem>>, vector<2000x64xf32>,
    %mul3A_44 = vector.broadcast %rsqrt3A : vector<2000x1xf32> to vector<2000x64xf32>
    %mul3A_45 = arith.mulf %mul3A_44, %dot_general3A_41 : vector<2000x64xf32>
    %swap3A_46 = arith.constant 0 : index
    %swap3A_47 = arith.constant 0 : index
    %swap3A_48 = vector.load %arg7[%swap3A_46, %swap3A_47] : memref<2000x64xf32, #tpu.memory_space<vmem>>, vector<2000x64xf32>
    tpu.vector_store %arg7[%swap3A_46, %swap3A_47], %mul3A_45 {strides = array<i32>} : memref<2000x64xf32, #tpu.memory_space<vmem>>, vector<2000x64xf32>,
    return
  }
  func.func @transform_0(%arg0: i32) -> (i32, i32, i32) {
    %c0_i32 = arith.constant 0 : i32
    %c0_i32_0 = arith.constant 0 : i32
    %c0_i32_1 = arith.constant 0 : i32
    return %c0_i32, %arg0, %c0_i32_0 : i32, i32, i32
  }
  func.func @transform_1(%arg0: i32) -> (i32, i32) {
    %c0_i32 = arith.constant 0 : i32
    %c0_i32_0 = arith.constant 0 : i32
    return %arg0, %c0_i32 : i32, i32
  }
  func.func @transform_2(%arg0: i32) -> (i32, i32, i32) {
    %c0_i32 = arith.constant 0 : i32
    %c0_i32_0 = arith.constant 0 : i32
    %c0_i32_1 = arith.constant 0 : i32
    return %c0_i32, %arg0, %c0_i32_0 : i32, i32, i32
  }
  func.func @transform_3(%arg0: i32) -> (i32, i32) {
    %c0_i32 = arith.constant 0 : i32
    %c0_i32_0 = arith.constant 0 : i32
    %c0_i32_1 = arith.constant 0 : i32
    return %c0_i32, %c0_i32_0 : i32, i32
  }
  func.func @transform_4(%arg0: i32) -> (i32, i32) {
    %c0_i32 = arith.constant 0 : i32
    %c0_i32_0 = arith.constant 0 : i32
    %c0_i32_1 = arith.constant 0 : i32
    return %c0_i32, %c0_i32_0 : i32, i32
  }
  func.func @transform_5(%arg0: i32) -> (i32, i32) {
    %c0_i32 = arith.constant 0 : i32
    %c0_i32_0 = arith.constant 0 : i32
    return %arg0, %c0_i32 : i32, i32
  }
  func.func @transform_6(%arg0: i32) -> (i32, i32) {
    %c0_i32 = arith.constant 0 : i32
    %c0_i32_0 = arith.constant 0 : i32
    return %arg0, %c0_i32 : i32, i32
  }
}

module attributes {stable_mosaic.version = 14 : i64} {
  func.func @body(%arg0: i32, %arg1: memref<2x2000x64xf32, #tpu.memory_space<vmem>>, %arg2: memref<2000x64xf32, #tpu.memory_space<vmem>>, %arg3: memref<2x2000x8xf32, #tpu.memory_space<vmem>>, %arg4: memref<1x64xf32, #tpu.memory_space<vmem>>, %arg5: memref<64x1xf32, #tpu.memory_space<vmem>>, %arg6: memref<1x1xf32, #tpu.memory_space<vmem>>, %arg7: memref<2000x1xf32, #tpu.memory_space<vmem>>) attributes {dimension_semantics = [#tpu.dimension_semantics<arbitrary>], iteration_bounds = array<i64: 5>, scalar_prefetch = 0 : i64, scratch_operands = 0 : i64, tpu.core_type = #tpu.core_type<tc>, window_params = [{transform_indices = @transform_0, window_bounds = array<i64: 2, 2000, 64>}, {transform_indices = @transform_1, window_bounds = array<i64: 2000, 64>}, {transform_indices = @transform_2, window_bounds = array<i64: 2, 2000, 8>}, {pipeline_mode = #tpu.pipeline_mode<synchronous>, transform_indices = @transform_3, window_bounds = array<i64: 1, 64>}, {pipeline_mode = #tpu.pipeline_mode<synchronous>, transform_indices = @transform_4, window_bounds = array<i64: 64, 1>}, {pipeline_mode = #tpu.pipeline_mode<synchronous>, transform_indices = @transform_5, window_bounds = array<i64: 1, 1>}, {transform_indices = @transform_6, window_bounds = array<i64: 2000, 1>}]} {
    %get3A = arith.constant 0 : index
    %get3A_0 = arith.constant 0 : index
    %get3A_1 = arith.constant 0 : index
    %get3A_2 = vector.load %arg3[%get3A, %get3A_0, %get3A_1] : memref<2x2000x8xf32, #tpu.memory_space<vmem>>, vector<1x2000x1xf32>
    %get3A_3 = vector.shape_cast %get3A_2 : vector<1x2000x1xf32> to vector<2000x1xf32>
    %add3A = arith.constant 1.000000e+00 : f32
    %add3A_4 = vector.broadcast %add3A : f32 to vector<2000x1xf32>
    %add3A_5 = arith.addf %add3A_4, %get3A_3 : vector<2000x1xf32>
    %get3A_6 = arith.constant 1 : index
    %get3A_7 = arith.constant 0 : index
    %get3A_8 = arith.constant 0 : index
    %get3A_9 = vector.load %arg3[%get3A_6, %get3A_7, %get3A_8] : memref<2x2000x8xf32, #tpu.memory_space<vmem>>, vector<1x2000x1xf32>
    %get3A_10 = vector.shape_cast %get3A_9 : vector<1x2000x1xf32> to vector<2000x1xf32>
    %add3A_11 = arith.addf %add3A_5, %get3A_10 : vector<2000x1xf32>
    %rsqrt3A = math.rsqrt %add3A_11 : vector<2000x1xf32>
    %get3A_12 = arith.constant 0 : index
    %get3A_13 = arith.constant 0 : index
    %get3A_14 = arith.constant 0 : index
    %get3A_15 = vector.load %arg1[%get3A_12, %get3A_13, %get3A_14] : memref<2x2000x64xf32, #tpu.memory_space<vmem>>, vector<1x2000x64xf32>
    %get3A_16 = vector.shape_cast %get3A_15 : vector<1x2000x64xf32> to vector<2000x64xf32>
    %get3A_17 = arith.constant 1 : index
    %get3A_18 = arith.constant 0 : index
    %get3A_19 = arith.constant 0 : index
    %get3A_20 = vector.load %arg1[%get3A_17, %get3A_18, %get3A_19] : memref<2x2000x64xf32, #tpu.memory_space<vmem>>, vector<1x2000x64xf32>
    %get3A_21 = vector.shape_cast %get3A_20 : vector<1x2000x64xf32> to vector<2000x64xf32>
    %add3A_22 = arith.addf %get3A_16, %get3A_21 : vector<2000x64xf32>
    %mul3A = vector.broadcast %rsqrt3A : vector<2000x1xf32> to vector<2000x64xf32>
    %mul3A_23 = arith.mulf %mul3A, %add3A_22 : vector<2000x64xf32>
    %mul3A_24 = arith.mulf %rsqrt3A, %rsqrt3A : vector<2000x1xf32>
    %get3A_25 = arith.constant 0 : index
    %get3A_26 = arith.constant 0 : index
    %get3A_27 = vector.load %arg2[%get3A_25, %get3A_26] : memref<2000x64xf32, #tpu.memory_space<vmem>>, vector<2000x64xf32>
    %mul3A_28 = vector.broadcast %mul3A_24 : vector<2000x1xf32> to vector<2000x64xf32>
    %mul3A_29 = arith.mulf %mul3A_28, %get3A_27 : vector<2000x64xf32>
    %add3A_30 = arith.addf %mul3A_23, %mul3A_29 : vector<2000x64xf32>
    %get3A_31 = arith.constant 0 : index
    %get3A_32 = arith.constant 0 : index
    %get3A_33 = vector.load %arg4[%get3A_31, %get3A_32] : memref<1x64xf32, #tpu.memory_space<vmem>>, vector<1x64xf32>
    %add3A_34 = vector.broadcast %get3A_33 : vector<1x64xf32> to vector<2000x64xf32>
    %add3A_35 = arith.addf %add3A_30, %add3A_34 : vector<2000x64xf32>
    %max3A = arith.constant 0.000000e+00 : f32
    %max3A_36 = vector.broadcast %max3A : f32 to vector<2000x64xf32>
    %max3A_37 = arith.maximumf %add3A_35, %max3A_36 : vector<2000x64xf32>
    %get3A_38 = arith.constant 0 : index
    %get3A_39 = arith.constant 0 : index
    %get3A_40 = vector.load %arg5[%get3A_38, %get3A_39] : memref<64x1xf32, #tpu.memory_space<vmem>>, vector<64x1xf32>
    %dot_general3A = arith.constant dense<0.000000e+00> : vector<2000x1xf32>
    %dot_general3A_41 = tpu.matmul %max3A_37, %get3A_40, %dot_general3A {dimension_numbers = #tpu.dot_dimension_numbers<[1], [0], [0], [1], [0, 0, 1, 1], [], []>, transpose_lhs_hint = false} : vector<2000x64xf32>, vector<64x1xf32>, vector<2000x1xf32> -> vector<2000x1xf32>
    %get3A_42 = arith.constant 0 : index
    %get3A_43 = arith.constant 0 : index
    %get3A_44 = vector.load %arg6[%get3A_42, %get3A_43] : memref<1x1xf32, #tpu.memory_space<vmem>>, vector<1x1xf32>
    %add3A_45 = vector.broadcast %get3A_44 : vector<1x1xf32> to vector<2000x1xf32>
    %add3A_46 = arith.addf %dot_general3A_41, %add3A_45 : vector<2000x1xf32>
    %swap3A = arith.constant 0 : index
    %swap3A_47 = arith.constant 0 : index
    %swap3A_48 = vector.load %arg7[%swap3A, %swap3A_47] : memref<2000x1xf32, #tpu.memory_space<vmem>>, vector<2000x1xf32>
    tpu.vector_store %arg7[%swap3A, %swap3A_47], %add3A_46 {strides = array<i32>} : memref<2000x1xf32, #tpu.memory_space<vmem>>, vector<2000x1xf32>,
    return
  }
  func.func @transform_0(%arg0: i32) -> (i32, i32, i32) {
    %c0_i32 = arith.constant 0 : i32
    %c0_i32_0 = arith.constant 0 : i32
    %c0_i32_1 = arith.constant 0 : i32
    return %c0_i32, %arg0, %c0_i32_0 : i32, i32, i32
  }
  func.func @transform_1(%arg0: i32) -> (i32, i32) {
    %c0_i32 = arith.constant 0 : i32
    %c0_i32_0 = arith.constant 0 : i32
    return %arg0, %c0_i32 : i32, i32
  }
  func.func @transform_2(%arg0: i32) -> (i32, i32, i32) {
    %c0_i32 = arith.constant 0 : i32
    %c0_i32_0 = arith.constant 0 : i32
    %c0_i32_1 = arith.constant 0 : i32
    return %c0_i32, %arg0, %c0_i32_0 : i32, i32, i32
  }
  func.func @transform_3(%arg0: i32) -> (i32, i32) {
    %c0_i32 = arith.constant 0 : i32
    %c0_i32_0 = arith.constant 0 : i32
    %c0_i32_1 = arith.constant 0 : i32
    return %c0_i32, %c0_i32_0 : i32, i32
  }
  func.func @transform_4(%arg0: i32) -> (i32, i32) {
    %c0_i32 = arith.constant 0 : i32
    %c0_i32_0 = arith.constant 0 : i32
    %c0_i32_1 = arith.constant 0 : i32
    return %c0_i32, %c0_i32_0 : i32, i32
  }
  func.func @transform_5(%arg0: i32) -> (i32, i32) {
    %c0_i32 = arith.constant 0 : i32
    %c0_i32_0 = arith.constant 0 : i32
    %c0_i32_1 = arith.constant 0 : i32
    return %c0_i32, %c0_i32_0 : i32, i32
  }
  func.func @transform_6(%arg0: i32) -> (i32, i32) {
    %c0_i32 = arith.constant 0 : i32
    %c0_i32_0 = arith.constant 0 : i32
    return %arg0, %c0_i32 : i32, i32
  }
}

</mosaic_0001>

<sc_bundles>
// kernel: kernel.12.cloned.1.call-start
scs
__scs_entry_jumppad:
0x0: {  	(pc) =	sbr.rel $0x88, $3  }
0x1: {  	(tag) =	ssettag $0x0;
	lr =	simm.s32 $0x1  }
0x2: {  	[smem:$0x3F99] =	sst lr;
	_ =	strace $0xD0000000  }
0x3: {  	_ = 	snop  }
0x4: {  	_ = 	snop  }
0x5: {  	_ = 	snop  }
0x6: {  	_ = 	snop  }
0x7: {  	_ = 	snop  }
__scs_overlays_trampoline_lowered:
0x8: {  	[smem:$0x3FA8] =	sst s0  }
0x9: {  	[smem:$0x3FA9] =	sst s1  }
0xa: {  	[smem:$0x3FAA] =	sst s2  }
0xb: {  	[smem:$0x3FAB] =	sst s3  }
0xc: {  	[smem:$0x3FAC] =	sst s4  }
0xd: {  	[smem:$0x3FAD] =	sst s5  }
0xe: {  	[smem:$0x3FAE] =	sst s6  }
0xf: {  	[smem:$0x3FAF] =	sst s7  }
0x10: {  	[smem:$0x3FB0] =	sst s8  }
0x11: {  	[smem:$0x3FB1] =	sst s9;
	s0 =	simm.s32 @!p0 $0x0  }
0x12: {  	s1 =	sld [smem:$0x3F97];
	s0 =	simm.s32 @p0 $0x1  }
0x13: {  	[smem:$0x3FB2] =	sst s0;
	s0 =	simm.s32 @!p1 $0x0  }
0x14: {  	s2 =	sld [smem:$0x3F96];
	s0 =	simm.s32 @p1 $0x1  }
0x15: {  	[smem:$0x3FB3] =	sst s0;
	s0 =	simm.s32 @!p2 $0x0  }
0x16: {  	s3 =	sld [smem:$0x3FDB];
	s0 =	simm.s32 @p2 $0x1  }
0x17: {  	s4 =	simm.s32 $0x1BF5;
	[smem:$0x3FB5] =	sst s0  }
0x18: {  	s0 =	sld [smem:$0x3F98];
	_ =	swait.ge [sflag:s4], $0x0  }
0x19: {  	s7 =	sld [smem:$0x3F99]  }
0x1a: {  	s8 =	sadd.s32 $0xFFFFE003, lr  }
0x1b: {  	s9 =	sadd.s32 $0xFFFFFEF7, lr;
	s5 =	simm.s32 $0xFFFFFFFF;
	p2 =	slt.u32 s8, $0xFFFFF086  }
0x1c: {  	p1 =	slt.u32 s9, $0xF7A;
	s5 =	simm.s32 @!p2 $0x0  }
0x1d: {  	s5 =	simm.s32 @p1 $0x1;
	p0 =	seq.s32 s7, s2  }
0x1e: {  	s7 =	smul.u32 @!p0 $0xF7A, s2;
	p2 =	seq.s32 @!p0 s5, $0x0  }
0x1f: {  	s9 =	smul.u32 $0xF7A, s1;
	s8 =	simm.s32 @!p0 $0x1BF5;
	p2 =	por !p2, p0  }
0x20: {  	[sflag:s8] =	ssyncset.s32 @!p0 $0xFFFFF086;
	s6 =	sadd.s32 @!p0 s3, s7;
	s7 =	simm.s32 @!p0 $0x108  }
0x21: {  	s3 =	sadd.s32 s3, s9;
	s6 =	sadd.s32 @!p0 $0x88, s6;
	s7 =	simm.s32 @p2 $0x1082  }
0x22: {  	[simem:s7], [sflag:s8] =	dma.local @!p0 [hbm:s6], $0xF7A  }
0x23: {  	s9 =	sor.u32 $0xD0000000, s2;
	s6 =	simm.s32 $0x108;
	_ =	swait.ge @!p0 [sflag:s8], $0x0  }
0x24: {  	s3 =	sadd.s32 $0x88, s3;
	s6 =	simm.s32 @!p1 $0x1082;
	[sflag:s4] =	ssyncset.s32 $0xFFFFF086  }
0x25: {  	[simem:s6], [sflag:s4] =	dma.local [hbm:s3], $0xF7A  }
0x26: {  	[smem:$0x3F99] =	sst s1;
	(tag) =	ssettag s2;
	_ =	strace s9  }
0x27: {  	s1 =	sld [smem:$0x3FA9]  }
0x28: {  	s2 =	sld [smem:$0x3FAA]  }
0x29: {  	s4 =	sld [smem:$0x3FAC]  }
0x2a: {  	p0 =	seq.s32 s5, $0x0;
	s5 =	sld [smem:$0x3FAD]  }
0x2b: {  	s6 =	sld [smem:$0x3FAE]  }
0x2c: {  	s7 =	sld [smem:$0x3FAF]  }
0x2d: {  	s3 =	simm.s32 $0x108;
	s8 =	sld [smem:$0x3FB0]  }
0x2e: {  	s3 =	simm.s32 @!p0 $0x1082;
	s9 =	sld [smem:$0x3FB1]  }
0x2f: {  	lr =	sadd.s32 s0, s3;
	s0 =	sld [smem:$0x3FA8]  }
0x30: {  	s3 =	sld [smem:$0x3FAB]  }
0x31: {  	[smem:$0x3FB4] =	sst s10  }
0x32: {  	s10 =	sld [smem:$0x3FB2];
	_ =	sdelay $0x3  }
0x33: {  	p0 =	seq.s32 s10, $0x1;
	s10 =	sld [smem:$0x3FB4];
	_ =	sdelay $0x3  }
0x34: {  	[smem:$0x3FB4] =	sst s10  }
0x35: {  	s10 =	sld [smem:$0x3FB3];
	_ =	sdelay $0x3  }
0x36: {  	p1 =	seq.s32 s10, $0x1;
	s10 =	sld [smem:$0x3FB4];
	_ =	sdelay $0x3  }
0x37: {  	[smem:$0x3FB4] =	sst s10  }
0x38: {  	s10 =	sld [smem:$0x3FB5]  }
0x39: {  	_ = 	snop;
	(pc) =	sbr.ind lr, $3  }
0x3a: {  	_ = 	snop  }
0x3b: {  	_ = 	snop  }
0x3c: {  	p2 =	seq.s32 s10, $0x1;
	s10 =	sld [smem:$0x3FB4]  }
0x3d: {  	_ =	shalt  }
0x3e: {  	_ =	shalt  }
0x3f: {  	_ =	shalt  }
0x40: {  	_ =	shalt  }
0x41: {  	_ =	shalt  }
0x42: {  	_ =	shalt  }
0x43: {  	_ =	shalt  }
0x44: {  	_ =	shalt  }
0x45: {  	_ =	shalt  }
0x46: {  	_ =	shalt  }
0x47: {  	_ =	shalt  }
0x48: {  	_ =	shalt  }
0x49: {  	_ =	shalt  }
0x4a: {  	_ =	shalt  }
0x4b: {  	_ =	shalt  }
0x4c: {  	_ =	shalt  }
0x4d: {  	_ =	shalt  }
0x4e: {  	_ =	shalt  }
0x4f: {  	_ =	shalt  }
0x50: {  	_ =	shalt  }
0x51: {  	_ =	shalt  }
0x52: {  	_ =	shalt  }
0x53: {  	_ =	shalt  }
0x54: {  	_ =	shalt  }
0x55: {  	_ =	shalt  }
0x56: {  	_ =	shalt  }
0x57: {  	_ =	shalt  }
0x58: {  	_ =	shalt  }
0x59: {  	_ =	shalt  }
0x5a: {  	_ =	shalt  }
0x5b: {  	_ =	shalt  }
0x5c: {  	_ =	shalt  }
0x5d: {  	_ =	shalt  }
0x5e: {  	_ =	shalt  }
0x5f: {  	_ =	shalt  }
0x60: {  	_ =	shalt  }
0x61: {  	_ =	shalt  }
0x62: {  	_ =	shalt  }
0x63: {  	_ =	shalt  }
0x64: {  	_ =	shalt  }
0x65: {  	_ =	shalt  }
0x66: {  	_ =	shalt  }
0x67: {  	_ =	shalt  }
0x68: {  	_ =	shalt  }
0x69: {  	_ =	shalt  }
0x6a: {  	_ =	shalt  }
0x6b: {  	_ =	shalt  }
0x6c: {  	_ =	shalt  }
0x6d: {  	_ =	shalt  }
0x6e: {  	_ =	shalt  }
0x6f: {  	_ =	shalt  }
0x70: {  	_ =	shalt  }
0x71: {  	_ =	shalt  }
0x72: {  	_ =	shalt  }
0x73: {  	_ =	shalt  }
0x74: {  	_ =	shalt  }
0x75: {  	_ =	shalt  }
0x76: {  	_ =	shalt  }
0x77: {  	_ =	shalt  }
0x78: {  	_ =	shalt  }
0x79: {  	_ =	shalt  }
0x7a: {  	_ =	shalt  }
0x7b: {  	_ =	shalt  }
0x7c: {  	_ =	shalt  }
0x7d: {  	_ =	shalt  }
0x7e: {  	_ =	shalt  }
0x7f: {  	_ =	shalt  }
0x80: {  	_ =	shalt  }
0x81: {  	_ =	shalt  }
0x82: {  	_ =	shalt  }
0x83: {  	_ =	shalt  }
0x84: {  	_ =	shalt  }
0x85: {  	_ =	shalt  }
0x86: {  	_ =	shalt  }
0x87: {  	_ =	shalt  }
.Lfunc_end0:
.L_simem_size_0:
called_computation.1_lowered:
.L_overlay_start_0:
0x88: {  	s2 =	sld [smem:$0x3FD9]  }
0x89: {  	s3 =	sld [smem:$0x3FFE];
	_ =	sdelay $0x1  }
0x8a: {  	s1 =	srdreg.scid  }
0x8b: {  	s0 =	sand.u32 $0x1, s1  }
0x8c: {  	s16 =	sshll.u32 s0, $0xA;
	s2 =	sadd.s32 s3, s2  }
0x8d: {  	s2 =	sadd.s32 s2, s16  }
0x8e: {  	[smem:$0x3FC0] =	sst s2  }
0x8f: {  	_ = 	snop  }
0x90: {  	(tm) =	ssettm $0x1  }
0x91: {  	s17 =	sld [smem:$0x3FFB];
	_ =	sdelay $0x3  }
0x92: {  	_ =	strace s17  }
0x93: {  	s2 =	sld [smem:$0x3FFC];
	_ =	sdelay $0x3  }
0x94: {  	_ =	strace s2  }
0x95: {  	s2 =	sld [smem:$0x3FFD];
	_ =	sdelay $0x3  }
0x96: {  	_ =	strace s2  }
0x97: {  	_ =	strace $0x8FFFFFFF  }
0x98: {  	s18 =	sld [smem:$0x3FDB];
	_ =	sdelay $0x1  }
0x99: {  	s19 =	simm.s32 $_scs_section_size  }
0x9a: {  	s4 =	simm.s32 $_size__tile_overlayer_lowered;
	s5 =	simm.s32 $_tile_overlayer_lowered  }
0x9b: {  	s22 =	simm.s32 $0x1BFF;
	s21 =	sshll.u32 s5, $0x1;
	s2 =	sadd.s32 s19, s18  }
0x9c: {  	s6 =	simm.s32 $0x0;
	s20 =	sshll.u32 s4, $0x1;
	s4 =	sadd.s32 s21, s2  }
0x9d: {  	[timem:s6], [sflag:s22] =	dma.local [hbm:s4], s20  }
0x9e: {  	_ =	swait.ge [sflag:s22], s20  }
0x9f: {  	s3 =	ssub.s32 $0x0, s20;
	[sflag:s22] =	ssyncset.done $0x0  }
0xa0: {  	[sflag:s22] =	ssyncadd.s32 s3;
	_ =	sdelay $0x1  }
0xa1: {  	s23 =	simm.s32 $0x1B8B  }
0xa2: {  	_ =	swait.ge [sflag:s23], $0x1  }
0xa3: {  	[sflag:s23] =	ssyncset.done $0x0  }
0xa4: {  	s25 =	simm.s32 $0x1B8E;
	s24 =	sld [smem:$0x3FFE];
	[sflag:s23] =	ssyncadd.s32 $0xFFFFFFFF  }
0xa5: {  	s26 =	simm.s32 $execute0_lowered;
	[smem:$0x3FD2] =	sst s25  }
0xa6: {  	s4 =	sshll.u32 s26, $0x1;
	_ =	strace $0x80000049;
	[dreg:$0x1] =	wrdreg $0xFFFFFFFF  }
0xa7: {  	s28 =	simm.s32 $_size_execute0_lowered;
	s2 =	sadd.s32 s2, s4;
	[dreg:$0x0] =	wrdreg $0x0  }
0xa8: {  	s4 =	sshll.u32 s28, $0x1;
	[dreg:$0x2] =	wrdreg s2  }
0xa9: {  	[dreg:$0x3] =	wrdreg s4  }
0xaa: {  	[dreg:$0x4] =	wrdreg $0xC0  }
0xab: {  	_ =	task [dreg:s6], $0x5FFFF  }
0xac: {  	[dreg:$0x1] =	wrdreg $0xFFFFFFFF  }
0xad: {  	[dreg:$0x0] =	wrdreg $0x60  }
0xae: {  	[dreg:$0x2] =	wrdreg s24  }
0xaf: {  	[dreg:$0x3] =	wrdreg $0x154000  }
0xb0: {  	[dreg:$0x4] =	wrdreg $0x9  }
0xb1: {  	_ =	task.clear_ibuf [dreg:s6], $0x5FFFF;
	_ =	strace $0x90000049  }
0xb2: {  	s29 =	simm.s32 $0x9;
	_ =	strace $0x8000004B  }
0xb3: {  	_ =	swait.ge [sflag:s29], $0x1  }
0xb4: {  	[sflag:s29] =	ssyncadd.s32 $0xFFFFFFFF  }
0xb5: {  	_ =	strace $0x9000004B  }
0xb6: {  	_ =	sfence  }
0xb7: {  	s30 =	sld [smem:$0x0];
	_ =	sdelay $0x2  }
0xb8: {  	s31 =	sshll.u32 s1, $0xD;
	s1 =	sshrl.u32 s1, $0x2  }
0xb9: {  	s3 =	sand.u32 $0x4000, s31;
	s1 =	sadd.s32 s1, s30  }
0xba: {  	s0 =	sor.u32 s3, s0;
	s1 =	sshll.u32 s1, $0x11  }
0xbb: {  	s0 =	sor.u32 s1, s0  }
0xbc: {  	s0 =	sadd.s32 $0x8F2B, s0  }
0xbd: {  	[sflag:s0] =	ssyncadd.remote.s32 $0x1  }
0xbe: {  	_ =	sfence.sel $0xFFFF  }
0xbf: {  	[dreg:$0x0] =	wrdreg $0xFFFFFFFF;
	(pc) =	sbr.abs _section_cstart, $3  }
0xc0: {  	[dreg:$0x1] =	wrdreg $0xFFFFFFFF  }
0xc1: {  	_ =	task.clear_ibuf [dreg:s6], $0x2FFFF;
	_ =	strace $0x9FFFFFFF  }
0xc2: {  	(tm) =	ssettm $0x7FFFFFFF  }
0xc3: {  	_ =	shalt  }
tec
execute0_lowered:
.L_overlay_start_1:
0x0: {  	(tag) =	ssettag $0x1  }
0x1: {  	s0 =	rddreg [dreg:$0x0]  }
0x2: {  	s2 =	rddreg [dreg:$0x1]  }
0x3: {  	s1 =	srdreg.scid;
	s12 =	stileid.u32  }
0x4: {  	s4 =	simm.s32 $0x0;
	s18 =	simm.s32 $0x80;
	s17 =	simm.s32 $0x1400  }
0x5: {  	s28 =	simm.s32 $0x3400;
	s30 =	simm.s32 $0x5400;
	s15 =	simm.s32 $0x9400  }
0x6: {  	s13 =	simm.s32 $0xF;
	s14 =	simm.s32 $0x10;
	s19 =	simm.s32 $0x11  }
0x7: {  	s20 =	simm.s32 $0x12;
	s1 =	sand.u32 $0x1, s1;
	s3 =	smul.u32 $0x9E00, s12  }
0x8: {  	[smem:$0x7FF] =	sst s4;
	s4 =	sadd.s32 $0x91A00, s0;
	s6 =	sadd.s32 $0xC600, s0  }
0x9: {  	s7 =	sadd.s32 $0x2600, s0;
	s8 =	sadd.s32 $0x16600, s0;
	s11 =	smul.u32 $0x50, s12  }
0xa: {  	s24 =	sshll.u32 s12, $0x6;
	s5 =	smul.u32 $0x9E000, s1;
	_ =	strace $0x8000004A  }
0xb: {  	[dreg:$0x3] =	wrdreg s8;
	s21 =	ssub.s32 $0x2, s1;
	s9 =	sshll.u32 s1, $0x4  }
0xc: {  	s1 =	smul.u32 $0x500, s1;
	s16 =	sor.u32 $0x1C17, s24;
	s24 =	simm.s32 $0x14  }
0xd: {  	s10 =	sshrl.u32 s21, $0x1;
	s9 =	sor.u32 s12, s9;
	s12 =	simm.s32 $0xC  }
0xe: {  	[dreg:$0x4] =	wrdreg s16;
	s5 =	sadd.s32 s3, s5;
	s22 =	ssub.s32 s21, s10  }
0xf: {  	s23 =	smul.u32 $0x500, s9;
	s3 =	sadd.s32 s3, s2;
	s1 =	sadd.s32 s11, s1  }
0x10: {  	s10 =	simm.s32 $0xA;
	s11 =	simm.s32 $0xB;
	s5 =	sshrl.u32 s5, $0x3  }
0x11: {  	s1 =	sshll.u32 s1, $0x4;
	s29 =	smax.u32 s22, $0x1;
	s21 =	sshrl.u32 s3, $0x3  }
0x12: {  	s3 =	simm.s32 $0xD;
	s22 =	simm.s32 $0x13;
	s0 =	sadd.s32 s5, s0  }
0x13: {  	s25 =	sadd.s32 s6, s23;
	s8 =	sadd.s32 s7, s23;
	[dreg:$0x8] =	wrdreg s29  }
0x14: {  	s26 =	sor.u32 $0xA0, s1;
	s23 =	simm.s32 $0xB400;
	[dreg:$0xb] =	wrdreg s21  }
.Ltmp0:
0x15: {  	s5 =	simm.s32 $0xD400;
	[dreg:$0x5] =	wrdreg s25;
	(pc) =	sbr.rel .LBB2_1-.Ltmp0, $4  }
0x16: {  	[dreg:$0x6] =	wrdreg s8;
	s0 =	sadd.s32 $0xA5400, s0;
	s31 =	sadd.s32 s26, s6  }
0x17: {  	s25 =	simm.s32 $0x17;
	s6 =	simm.s32 $0xE;
	[dreg:$0x7] =	wrdreg s0  }
0x18: {  	s8 =	simm.s32 $0x0;
	[dreg:$0x9] =	wrdreg s31;
	s0 =	sadd.s32 s26, s7  }
0x19: {  	s7 =	simm.s32 $0xF400;
	[dreg:$0xa] =	wrdreg s0;
	s0 =	simm.s32 $0x7400  }
.LBB2_3:
0x1a: {  	_ =	swait.ge [sflag:s11], $0x2000  }
0x1b: {  	[sflag:s11] =	ssyncset.done $0x0  }
0x1c: {  	[sflag:s11] =	ssyncadd.s32 $0xFFFFE000  }
0x1d: {  	_ =	swait.ge [sflag:s12], $0x2000  }
0x1e: {  	[sflag:s12] =	ssyncset.done $0x0  }
0x1f: {  	[sflag:s12] =	ssyncadd.s32 $0xFFFFE000  }
0x20: {  	_ =	swait.ge [sflag:s3], $0x2000  }
0x21: {  	[sflag:s3] =	ssyncset.done $0x0  }
0x22: {  	[sflag:s3] =	ssyncadd.s32 $0xFFFFE000  }
0x23: {  	_ =	swait.ge [sflag:s6], $0x2000  }
0x24: {  	[sflag:s6] =	ssyncset.done $0x0  }
0x25: {  	[sflag:s6] =	ssyncadd.s32 $0xFFFFE000  }
0x26: {  	_ =	swait.ge [sflag:s13], $0x2000  }
0x27: {  	[sflag:s13] =	ssyncset.done $0x0  }
0x28: {  	[sflag:s13] =	ssyncadd.s32 $0xFFFFE000  }
0x29: {  	_ =	swait.ge [sflag:s14], $0x2000  }
0x2a: {  	[sflag:s14] =	ssyncset.done $0x0  }
0x2b: {  	[sflag:s14] =	ssyncadd.s32 $0xFFFFE000  }
0x2c: {  	_ =	swait.ge [sflag:s19], $0x2000  }
0x2d: {  	[sflag:s19] =	ssyncset.done $0x0  }
0x2e: {  	[sflag:s19] =	ssyncadd.s32 $0xFFFFE000  }
0x2f: {  	_ =	swait.ge [sflag:s20], $0x2000  }
0x30: {  	[sflag:s20] =	ssyncset.done $0x0  }
0x31: {  	[sflag:s20] =	ssyncadd.s32 $0xFFFFE000  }
0x32: {  	_ =	swait.ge [sflag:s22], $0x2000  }
0x33: {  	[sflag:s22] =	ssyncset.done $0x0  }
0x34: {  	s17 =	simm.s32 $0x1400;
	s28 =	simm.s32 $0x3400;
	[sflag:s22] =	ssyncadd.s32 $0xFFFFE000  }
0x35: {  	s30 =	simm.s32 $0x5400;
	s0 =	simm.s32 $0x7400;
	_ =	swait.ge [sflag:s24], $0x2000  }
0x36: {  	s15 =	simm.s32 $0x9400;
	s23 =	simm.s32 $0xB400;
	[sflag:s24] =	ssyncset.done $0x0  }
0x37: {  	s5 =	simm.s32 $0xD400;
	s7 =	simm.s32 $0xF400;
	[sflag:s24] =	ssyncadd.s32 $0xFFFFE000  }
.LBB2_5:
0x38: {  	[bflag:$0x0] =	sbarrier.arrive $0xFFFF  }
0x39: {  	s16 =	rddreg [dreg:$0x4]  }
0x3a: {  	s1 =	rddreg [dreg:$0x7]  }
0x3b: {  	s25 =	simm.s32 $0x17;
	s21 =	rddreg [dreg:$0xb]  }
0x3c: {  	[hbm:s1], [sflag:s16] =	dma.local [spmem:s21], $0x13C0  }
0x3d: {  	_ =	swait.ge [sflag:s25], $0x13C0  }
0x3e: {  	s8 =	rddreg [dreg:$0xc]  }
0x3f: {  	s31 =	rddreg [dreg:$0x8];
	s8 =	sadd.s32 $0x1, s8  }
0x40: {  	p0 =	sne.s32 s8, s31  }
.Ltmp1:
0x41: {  	_ = 	snop;
	(pc) =	sbr.rel @!p0 .LBB2_6-.Ltmp1, $3  }
0x42: {  	_ =	sdelay $0x1  }
0x43: {  	[sflag:s25] =	ssyncset.done $0x0  }
0x44: {  	[sflag:s25] =	ssyncadd.s32 $0xFFFFEC40  }
.LBB2_1:
0x45: {  	[dreg:$0xc] =	wrdreg s8  }
0x46: {  	s1 =	rddreg [dreg:$0x3]  }
0x47: {  	[spmem:s21], [sflag:s16] =	dma.local [hbm:s1], $0x13C0  }
0x48: {  	_ =	swait.ge [sflag:s25], $0x13C0  }
0x49: {  	[sflag:s25] =	ssyncset.done $0x0  }
0x4a: {  	[sflag:s25] =	ssyncadd.s32 $0xFFFFEC40  }
0x4b: {  	[bflag:$0x0] =	sbarrier.arrive $0xFFFF  }
0x4c: {  	s1 =	simm.s32 $0x0;
	s25 =	rddreg [dreg:$0x5]  }
0x4d: {  	[tilespmem:s1], [sflag:$0x15] =	stream.linear.gather [hbm4b:s25+s1], $0x500, $0x38;
	[tilespmem:$0x1F200] =	vst v63  }
0x4e: {  	s31 =	simm.s32 $0xA00;
	s8 =	simm.s32 $0x15;
	s26 =	rddreg [dreg:$0x6]  }
0x4f: {  	[tilespmem:s31], [sflag:$0x16] =	stream.linear.gather [hbm4b:s26+s1], $0x500, $0x38;
	[tilespmem:$0x1F200] =	vst v63  }
0x50: {  	_ =	swait.ge [sflag:s8], $0x500  }
0x51: {  	[sflag:s8] =	ssyncset.done $0x0  }
0x52: {  	s9 =	simm.s32 $0x16;
	[sflag:s8] =	ssyncadd.s32 $0xFFFFFB00  }
0x53: {  	_ =	swait.ge [sflag:s9], $0x500  }
0x54: {  	[sflag:s9] =	ssyncset.done $0x0  }
0x55: {  	[sflag:s9] =	ssyncadd.s32 $0xFFFFFB00  }
0x56: {  	[tilespmem:s17], [sflag:$0x1] =	stream.indirect.gather [hbm4b:s4+s18], $0x40, s1, s18, $0xb8;
	[tilespmem:$0x1F200] =	vst v63  }
0x57: {  	_ = 	snop  }
0x58: {  	[tilespmem:s28], [sflag:$0x2] =	stream.indirect.gather [hbm4b:s4+s18], $0x40, s18, s18, $0xb8;
	[tilespmem:$0x1F200] =	vst v63  }
0x59: {  	s16 =	simm.s32 $0x100  }
0x5a: {  	[tilespmem:s30], [sflag:$0x3] =	stream.indirect.gather [hbm4b:s4+s18], $0x40, s16, s18, $0xb8;
	[tilespmem:$0x1F200] =	vst v63  }
0x5b: {  	s17 =	simm.s32 $0x180  }
0x5c: {  	[tilespmem:s0], [sflag:$0x4] =	stream.indirect.gather [hbm4b:s4+s18], $0x40, s17, s18, $0xb8;
	[tilespmem:$0x1F200] =	vst v63  }
0x5d: {  	s21 =	simm.s32 $0x200  }
0x5e: {  	[tilespmem:s15], [sflag:$0x5] =	stream.indirect.gather [hbm4b:s4+s18], $0x40, s21, s18, $0xb8;
	[tilespmem:$0x1F200] =	vst v63  }
0x5f: {  	s25 =	simm.s32 $0x280  }
0x60: {  	[tilespmem:s23], [sflag:$0x6] =	stream.indirect.gather [hbm4b:s4+s18], $0x40, s25, s18, $0xb8;
	[tilespmem:$0x1F200] =	vst v63  }
0x61: {  	s26 =	simm.s32 $0x300  }
0x62: {  	[tilespmem:s5], [sflag:$0x7] =	stream.indirect.gather [hbm4b:s4+s18], $0x40, s26, s18, $0xb8;
	[tilespmem:$0x1F200] =	vst v63  }
0x63: {  	s31 =	simm.s32 $0x480;
	s28 =	simm.s32 $0x380  }
0x64: {  	[tilespmem:s7], [sflag:$0x8] =	stream.indirect.gather [hbm4b:s4+s18], $0x40, s28, s18, $0xb8;
	[tilespmem:$0x1F200] =	vst v63  }
0x65: {  	s8 =	simm.s32 $0x11400;
	s29 =	rddreg [dreg:$0x9];
	s30 =	simm.s32 $0x400  }
0x66: {  	[tilespmem:s8], [sflag:$0x9] =	stream.indirect.gather [hbm4b:s4+s18], $0x40, s30, s18, $0xb8;
	[tilespmem:$0x1F200] =	vst v63  }
0x67: {  	s9 =	simm.s32 $0x13400;
	s21 =	simm.s32 $0x0;
	s26 =	rddreg [dreg:$0xa]  }
0x68: {  	[tilespmem:s9], [sflag:$0xA] =	stream.indirect.gather [hbm4b:s4+s18], $0x40, s31, s18, $0xb8;
	[tilespmem:$0x1F200] =	vst v63  }
.LBB2_2:
0x69: {  	s31 =	smov.u32 s21;
	s21 =	sadd.s32 $0x1, s21  }
0x6a: {  	s1 =	sand.u32 $0x1, s21;
	p0 =	seq.s32 s31, $0x7  }
0x6b: {  	s25 =	smul.u32 @!p0 $0x500, s1  }
0x6c: {  	s16 =	simm.s32 @!p0 $0x0  }
0x6d: {  	[tilespmem:s25], [sflag:$0x15] =	stream.linear.gather @!p0 [hbm4b:s29+s16], $0x500, $0x38;
	[tilespmem:$0x1F200] =	vst v63  }
0x6e: {  	s25 =	sadd.s32 @!p0 $0xA00, s25  }
0x6f: {  	[tilespmem:s25], [sflag:$0x16] =	stream.linear.gather @!p0 [hbm4b:s26+s16], $0x500, $0x38;
	[tilespmem:$0x1F200] =	vst v63  }
0x70: {  	s16 =	sand.u32 $0x1, s31;
	s25 =	simm.s32 $0x1  }
0x71: {  	_ =	swait.ge [sflag:s25], $0x2000;
	p0 =	seq.s32 s16, $0x1;
	s16 =	simm.s32 $0x500  }
0x72: {  	[sflag:s25] =	ssyncset.done $0x0;
	s16 =	simm.s32 @!p0 $0x0  }
0x73: {  	s17 =	simm.s32 $0x1400;
	[sflag:s25] =	ssyncadd.s32 $0xFFFFE000;
	s25 =	sor.u32 $0xA00, s16  }
0x74: {  	[spmem:s2] =	stream.indirect.scatter.add.f32 [tilespmem:s17], [sflag:$0xB], $0x40, s25, s18, $0xb8;
	[tilespmem:$0x1F200] =	vst v63  }
0x75: {  	s25 =	simm.s32 $0x2  }
0x76: {  	_ =	swait.ge [sflag:s25], $0x2000  }
0x77: {  	[sflag:s25] =	ssyncset.done $0x0  }
0x78: {  	s28 =	simm.s32 $0x3400;
	[sflag:s25] =	ssyncadd.s32 $0xFFFFE000;
	s25 =	sor.u32 $0xA80, s16  }
0x79: {  	[spmem:s2] =	stream.indirect.scatter.add.f32 [tilespmem:s28], [sflag:$0xC], $0x40, s25, s18, $0xb8;
	[tilespmem:$0x1F200] =	vst v63  }
0x7a: {  	s25 =	simm.s32 $0x3  }
0x7b: {  	_ =	swait.ge [sflag:s25], $0x2000  }
0x7c: {  	[sflag:s25] =	ssyncset.done $0x0  }
0x7d: {  	s30 =	simm.s32 $0x5400;
	[sflag:s25] =	ssyncadd.s32 $0xFFFFE000;
	s25 =	sadd.s32 $0xB00, s16  }
0x7e: {  	[spmem:s2] =	stream.indirect.scatter.add.f32 [tilespmem:s30], [sflag:$0xD], $0x40, s25, s18, $0xb8;
	[tilespmem:$0x1F200] =	vst v63  }
0x7f: {  	s25 =	simm.s32 $0x4  }
0x80: {  	_ =	swait.ge [sflag:s25], $0x2000  }
0x81: {  	[sflag:s25] =	ssyncset.done $0x0  }
0x82: {  	s0 =	simm.s32 $0x7400;
	[sflag:s25] =	ssyncadd.s32 $0xFFFFE000;
	s25 =	sadd.s32 $0xB80, s16  }
0x83: {  	[spmem:s2] =	stream.indirect.scatter.add.f32 [tilespmem:s0], [sflag:$0xE], $0x40, s25, s18, $0xb8;
	[tilespmem:$0x1F200] =	vst v63  }
0x84: {  	s25 =	simm.s32 $0x5  }
0x85: {  	_ =	swait.ge [sflag:s25], $0x2000  }
0x86: {  	[sflag:s25] =	ssyncset.done $0x0  }
0x87: {  	s15 =	simm.s32 $0x9400;
	[sflag:s25] =	ssyncadd.s32 $0xFFFFE000;
	s25 =	sadd.s32 $0xC00, s16  }
0x88: {  	[spmem:s2] =	stream.indirect.scatter.add.f32 [tilespmem:s15], [sflag:$0xF], $0x40, s25, s18, $0xb8;
	[tilespmem:$0x1F200] =	vst v63  }
0x89: {  	s25 =	simm.s32 $0x6  }
0x8a: {  	_ =	swait.ge [sflag:s25], $0x2000  }
0x8b: {  	[sflag:s25] =	ssyncset.done $0x0  }
0x8c: {  	s23 =	simm.s32 $0xB400;
	[sflag:s25] =	ssyncadd.s32 $0xFFFFE000;
	s25 =	sadd.s32 $0xC80, s16  }
0x8d: {  	[spmem:s2] =	stream.indirect.scatter.add.f32 [tilespmem:s23], [sflag:$0x10], $0x40, s25, s18, $0xb8;
	[tilespmem:$0x1F200] =	vst v63  }
0x8e: {  	s25 =	simm.s32 $0x7  }
0x8f: {  	_ =	swait.ge [sflag:s25], $0x2000  }
0x90: {  	[sflag:s25] =	ssyncset.done $0x0  }
0x91: {  	s5 =	simm.s32 $0xD400;
	[sflag:s25] =	ssyncadd.s32 $0xFFFFE000;
	s25 =	sadd.s32 $0xD00, s16  }
0x92: {  	[spmem:s2] =	stream.indirect.scatter.add.f32 [tilespmem:s5], [sflag:$0x11], $0x40, s25, s18, $0xb8;
	[tilespmem:$0x1F200] =	vst v63  }
0x93: {  	s25 =	simm.s32 $0x8  }
0x94: {  	_ =	swait.ge [sflag:s25], $0x2000  }
0x95: {  	[sflag:s25] =	ssyncset.done $0x0  }
0x96: {  	s7 =	simm.s32 $0xF400;
	[sflag:s25] =	ssyncadd.s32 $0xFFFFE000;
	s25 =	sadd.s32 $0xD80, s16  }
0x97: {  	[spmem:s2] =	stream.indirect.scatter.add.f32 [tilespmem:s7], [sflag:$0x12], $0x40, s25, s18, $0xb8;
	[tilespmem:$0x1F200] =	vst v63  }
0x98: {  	s25 =	simm.s32 $0x9  }
0x99: {  	_ =	swait.ge [sflag:s25], $0x2000  }
0x9a: {  	[sflag:s25] =	ssyncset.done $0x0  }
0x9b: {  	p0 =	sne.s32 s31, $0x7;
	[sflag:s25] =	ssyncadd.s32 $0xFFFFE000;
	s25 =	sadd.s32 $0xE00, s16  }
0x9c: {  	[spmem:s2] =	stream.indirect.scatter.add.f32 [tilespmem:s8], [sflag:$0x13], $0x40, s25, s18, $0xb8;
	[tilespmem:$0x1F200] =	vst v63  }
.Ltmp2:
0x9d: {  	_ =	swait.ge [sflag:s10], $0x2000;
	(pc) =	sbr.rel @!p0 .LBB2_3-.Ltmp2, $4  }
0x9e: {  	[sflag:s10] =	ssyncset.done $0x0  }
0x9f: {  	s16 =	sadd.s32 $0xE80, s16;
	[sflag:s10] =	ssyncadd.s32 $0xFFFFE000  }
0xa0: {  	[spmem:s2] =	stream.indirect.scatter.add.f32 [tilespmem:s9], [sflag:$0x14], $0x40, s16, s18, $0xb8;
	[tilespmem:$0x1F200] =	vst v63  }
0xa1: {  	s8 =	simm.s32 $0x11400;
	s9 =	simm.s32 $0x13400  }
0xa2: {  	s16 =	simm.s32 $0x15  }
0xa3: {  	_ =	swait.ge [sflag:s16], $0x500  }
0xa4: {  	[sflag:s16] =	ssyncset.done $0x0  }
0xa5: {  	s31 =	simm.s32 $0x16;
	[sflag:s16] =	ssyncadd.s32 $0xFFFFFB00  }
0xa6: {  	_ =	swait.ge [sflag:s31], $0x500  }
0xa7: {  	[sflag:s31] =	ssyncset.done $0x0  }
0xa8: {  	[sflag:s31] =	ssyncadd.s32 $0xFFFFFB00  }
0xa9: {  	s1 =	smul.u32 $0x1400, s1;
	_ =	swait.ge [sflag:s11], $0x2000  }
0xaa: {  	[sflag:s11] =	ssyncset.done $0x0  }
0xab: {  	s1 =	sshrl.u32 s1, $0x2;
	[sflag:s11] =	ssyncadd.s32 $0xFFFFE000  }
0xac: {  	[tilespmem:s17], [sflag:$0x1] =	stream.indirect.gather [hbm4b:s4+s18], $0x40, s1, s18, $0xb8;
	[tilespmem:$0x1F200] =	vst v63  }
0xad: {  	_ =	swait.ge [sflag:s12], $0x2000  }
0xae: {  	[sflag:s12] =	ssyncset.done $0x0  }
0xaf: {  	s17 =	sor.u32 $0x80, s1;
	[sflag:s12] =	ssyncadd.s32 $0xFFFFE000  }
0xb0: {  	[tilespmem:s28], [sflag:$0x2] =	stream.indirect.gather [hbm4b:s4+s18], $0x40, s17, s18, $0xb8;
	[tilespmem:$0x1F200] =	vst v63  }
0xb1: {  	_ =	swait.ge [sflag:s3], $0x2000  }
0xb2: {  	[sflag:s3] =	ssyncset.done $0x0  }
0xb3: {  	s25 =	sadd.s32 $0x100, s1;
	[sflag:s3] =	ssyncadd.s32 $0xFFFFE000  }
0xb4: {  	[tilespmem:s30], [sflag:$0x3] =	stream.indirect.gather [hbm4b:s4+s18], $0x40, s25, s18, $0xb8;
	[tilespmem:$0x1F200] =	vst v63  }
0xb5: {  	_ =	swait.ge [sflag:s6], $0x2000  }
0xb6: {  	[sflag:s6] =	ssyncset.done $0x0  }
0xb7: {  	s31 =	sadd.s32 $0x180, s1;
	[sflag:s6] =	ssyncadd.s32 $0xFFFFE000  }
0xb8: {  	[tilespmem:s0], [sflag:$0x4] =	stream.indirect.gather [hbm4b:s4+s18], $0x40, s31, s18, $0xb8;
	[tilespmem:$0x1F200] =	vst v63  }
0xb9: {  	_ =	swait.ge [sflag:s13], $0x2000  }
0xba: {  	[sflag:s13] =	ssyncset.done $0x0  }
0xbb: {  	s0 =	sadd.s32 $0x200, s1;
	[sflag:s13] =	ssyncadd.s32 $0xFFFFE000  }
0xbc: {  	[tilespmem:s15], [sflag:$0x5] =	stream.indirect.gather [hbm4b:s4+s18], $0x40, s0, s18, $0xb8;
	[tilespmem:$0x1F200] =	vst v63  }
0xbd: {  	_ =	swait.ge [sflag:s14], $0x2000  }
0xbe: {  	[sflag:s14] =	ssyncset.done $0x0  }
0xbf: {  	s17 =	sadd.s32 $0x280, s1;
	[sflag:s14] =	ssyncadd.s32 $0xFFFFE000  }
0xc0: {  	[tilespmem:s23], [sflag:$0x6] =	stream.indirect.gather [hbm4b:s4+s18], $0x40, s17, s18, $0xb8;
	[tilespmem:$0x1F200] =	vst v63  }
0xc1: {  	_ =	swait.ge [sflag:s19], $0x2000  }
0xc2: {  	[sflag:s19] =	ssyncset.done $0x0  }
0xc3: {  	s23 =	sadd.s32 $0x300, s1;
	[sflag:s19] =	ssyncadd.s32 $0xFFFFE000  }
0xc4: {  	[tilespmem:s5], [sflag:$0x7] =	stream.indirect.gather [hbm4b:s4+s18], $0x40, s23, s18, $0xb8;
	[tilespmem:$0x1F200] =	vst v63  }
0xc5: {  	_ =	swait.ge [sflag:s20], $0x2000  }
0xc6: {  	p0 =	sne.s32 s21, $0x8;
	[sflag:s20] =	ssyncset.done $0x0  }
0xc7: {  	s29 =	sadd.s32 $0xA0, s29;
	s25 =	sadd.s32 $0x380, s1;
	[sflag:s20] =	ssyncadd.s32 $0xFFFFE000  }
0xc8: {  	[tilespmem:s7], [sflag:$0x8] =	stream.indirect.gather [hbm4b:s4+s18], $0x40, s25, s18, $0xb8;
	[tilespmem:$0x1F200] =	vst v63  }
0xc9: {  	s26 =	sadd.s32 $0xA0, s26;
	s28 =	simm.s32 $0x3400;
	_ =	swait.ge [sflag:s22], $0x2000  }
0xca: {  	s30 =	simm.s32 $0x5400;
	s31 =	sadd.s32 $0x400, s1;
	[sflag:s22] =	ssyncset.done $0x0  }
0xcb: {  	s0 =	simm.s32 $0x7400;
	s15 =	simm.s32 $0x9400;
	[sflag:s22] =	ssyncadd.s32 $0xFFFFE000  }
0xcc: {  	[tilespmem:s8], [sflag:$0x9] =	stream.indirect.gather [hbm4b:s4+s18], $0x40, s31, s18, $0xb8;
	[tilespmem:$0x1F200] =	vst v63  }
.Ltmp3:
0xcd: {  	s1 =	sadd.s32 $0x480, s1;
	_ =	swait.ge [sflag:s24], $0x2000;
	(pc) =	sbr.rel @p0 .LBB2_2-.Ltmp3, $4  }
.Ltmp4:
0xce: {  	s17 =	simm.s32 $0x1400;
	[sflag:s24] =	ssyncset.done $0x0;
	(pc) =	sbr.rel @!p0 .LBB2_5-.Ltmp4, $4  }
0xcf: {  	s23 =	simm.s32 $0xB400;
	s5 =	simm.s32 $0xD400;
	[sflag:s24] =	ssyncadd.s32 $0xFFFFE000  }
0xd0: {  	[tilespmem:s9], [sflag:$0xA] =	stream.indirect.gather [hbm4b:s4+s18], $0x40, s1, s18, $0xb8;
	[tilespmem:$0x1F200] =	vst v63  }
0xd1: {  	s7 =	simm.s32 $0xF400;
	s8 =	simm.s32 $0x11400;
	s9 =	simm.s32 $0x13400  }
0xd2: {  	_ = 	snop  }
.LBB2_6:
0xd3: {  	_ =	sfence.sel $0x180000  }
0xd4: {  	[bflag:$0x0] =	sbarrier.arrive $0xFFFF  }
0xd5: {  	_ =	strace $0x9000004A  }
0xd6: {  	s0 =	stileid.u32;
	[bflag:$0x2] =	sbarrier.arrive $0xFFFF  }
0xd7: {  	p0 =	sne.s32 s0, $0x0;
	s0 =	rddreg [dreg:$0x2]  }
0xd8: {  	s0 =	sadd.s32 @!p0 $0x100000, s0  }
0xd9: {  	[sflag:s0] =	ssyncadd.tile.s32 @!p0 $0x1;
	_ =	shalt  }
.Lfunc_end2:
_tile_overlayer_lowered:
.L_overlay_start_2:
0xda: {  	(tag) =	ssettag $0x2  }
0xdb: {  	s0 =	rddreg [dreg:$0x0];
	s2 =	stileid.u32  }
0xdc: {  	s1 =	rddreg [dreg:$0x1];
	p0 =	sne.s32 s2, $0x0  }
0xdd: {  	s3 =	rddreg [dreg:$0x2];
	[bflag:$0x3] =	sbarrier.arrive $0xFFFF;
	s2 =	simm.s32 @!p0 $0x1C17  }
0xde: {  	[timem:s3], [sflag:s2] =	dma.local @!p0 [hbm:s0], s1  }
0xdf: {  	s0 =	simm.s32 @!p0 $0x17  }
0xe0: {  	_ =	swait.ge @!p0 [sflag:s0], s1  }
0xe1: {  	s1 =	ssub.s32 @!p0 $0x0, s1;
	[sflag:s0] =	ssyncset.done @!p0 $0x0  }
0xe2: {  	[sflag:s0] =	ssyncadd.s32 @!p0 s1  }
0xe3: {  	[bflag:$0x3] =	sbarrier.arrive $0xFFFF  }
0xe4: {  	_ =	shalt  }

// kernel: kernel.15.cloned.1.call-start
scs
__scs_entry_jumppad:
0x0: {  	(pc) =	sbr.rel $0x88, $3  }
0x1: {  	(tag) =	ssettag $0x0;
	lr =	simm.s32 $0x1  }
0x2: {  	[smem:$0x3F99] =	sst lr;
	_ =	strace $0xD0000000  }
0x3: {  	_ = 	snop  }
0x4: {  	_ = 	snop  }
0x5: {  	_ = 	snop  }
0x6: {  	_ = 	snop  }
0x7: {  	_ = 	snop  }
__scs_overlays_trampoline_lowered:
0x8: {  	[smem:$0x3FA8] =	sst s0  }
0x9: {  	[smem:$0x3FA9] =	sst s1  }
0xa: {  	[smem:$0x3FAA] =	sst s2  }
0xb: {  	[smem:$0x3FAB] =	sst s3  }
0xc: {  	[smem:$0x3FAC] =	sst s4  }
0xd: {  	[smem:$0x3FAD] =	sst s5  }
0xe: {  	[smem:$0x3FAE] =	sst s6  }
0xf: {  	[smem:$0x3FAF] =	sst s7  }
0x10: {  	[smem:$0x3FB0] =	sst s8  }
0x11: {  	[smem:$0x3FB1] =	sst s9;
	s0 =	simm.s32 @!p0 $0x0  }
0x12: {  	s1 =	sld [smem:$0x3F97];
	s0 =	simm.s32 @p0 $0x1  }
0x13: {  	[smem:$0x3FB2] =	sst s0;
	s0 =	simm.s32 @!p1 $0x0  }
0x14: {  	s2 =	sld [smem:$0x3F96];
	s0 =	simm.s32 @p1 $0x1  }
0x15: {  	[smem:$0x3FB3] =	sst s0;
	s0 =	simm.s32 @!p2 $0x0  }
0x16: {  	s3 =	sld [smem:$0x3FDB];
	s0 =	simm.s32 @p2 $0x1  }
0x17: {  	s4 =	simm.s32 $0x1BF5;
	[smem:$0x3FB5] =	sst s0  }
0x18: {  	s0 =	sld [smem:$0x3F98];
	_ =	swait.ge [sflag:s4], $0x0  }
0x19: {  	s7 =	sld [smem:$0x3F99]  }
0x1a: {  	s8 =	sadd.s32 $0xFFFFE003, lr  }
0x1b: {  	s9 =	sadd.s32 $0xFFFFFEF7, lr;
	s5 =	simm.s32 $0xFFFFFFFF;
	p2 =	slt.u32 s8, $0xFFFFF086  }
0x1c: {  	p1 =	slt.u32 s9, $0xF7A;
	s5 =	simm.s32 @!p2 $0x0  }
0x1d: {  	s5 =	simm.s32 @p1 $0x1;
	p0 =	seq.s32 s7, s2  }
0x1e: {  	s7 =	smul.u32 @!p0 $0xF7A, s2;
	p2 =	seq.s32 @!p0 s5, $0x0  }
0x1f: {  	s9 =	smul.u32 $0xF7A, s1;
	s8 =	simm.s32 @!p0 $0x1BF5;
	p2 =	por !p2, p0  }
0x20: {  	[sflag:s8] =	ssyncset.s32 @!p0 $0xFFFFF086;
	s6 =	sadd.s32 @!p0 s3, s7;
	s7 =	simm.s32 @!p0 $0x108  }
0x21: {  	s3 =	sadd.s32 s3, s9;
	s6 =	sadd.s32 @!p0 $0x88, s6;
	s7 =	simm.s32 @p2 $0x1082  }
0x22: {  	[simem:s7], [sflag:s8] =	dma.local @!p0 [hbm:s6], $0xF7A  }
0x23: {  	s9 =	sor.u32 $0xD0000000, s2;
	s6 =	simm.s32 $0x108;
	_ =	swait.ge @!p0 [sflag:s8], $0x0  }
0x24: {  	s3 =	sadd.s32 $0x88, s3;
	s6 =	simm.s32 @!p1 $0x1082;
	[sflag:s4] =	ssyncset.s32 $0xFFFFF086  }
0x25: {  	[simem:s6], [sflag:s4] =	dma.local [hbm:s3], $0xF7A  }
0x26: {  	[smem:$0x3F99] =	sst s1;
	(tag) =	ssettag s2;
	_ =	strace s9  }
0x27: {  	s1 =	sld [smem:$0x3FA9]  }
0x28: {  	s2 =	sld [smem:$0x3FAA]  }
0x29: {  	s4 =	sld [smem:$0x3FAC]  }
0x2a: {  	p0 =	seq.s32 s5, $0x0;
	s5 =	sld [smem:$0x3FAD]  }
0x2b: {  	s6 =	sld [smem:$0x3FAE]  }
0x2c: {  	s7 =	sld [smem:$0x3FAF]  }
0x2d: {  	s3 =	simm.s32 $0x108;
	s8 =	sld [smem:$0x3FB0]  }
0x2e: {  	s3 =	simm.s32 @!p0 $0x1082;
	s9 =	sld [smem:$0x3FB1]  }
0x2f: {  	lr =	sadd.s32 s0, s3;
	s0 =	sld [smem:$0x3FA8]  }
0x30: {  	s3 =	sld [smem:$0x3FAB]  }
0x31: {  	[smem:$0x3FB4] =	sst s10  }
0x32: {  	s10 =	sld [smem:$0x3FB2];
	_ =	sdelay $0x3  }
0x33: {  	p0 =	seq.s32 s10, $0x1;
	s10 =	sld [smem:$0x3FB4];
	_ =	sdelay $0x3  }
0x34: {  	[smem:$0x3FB4] =	sst s10  }
0x35: {  	s10 =	sld [smem:$0x3FB3];
	_ =	sdelay $0x3  }
0x36: {  	p1 =	seq.s32 s10, $0x1;
	s10 =	sld [smem:$0x3FB4];
	_ =	sdelay $0x3  }
0x37: {  	[smem:$0x3FB4] =	sst s10  }
0x38: {  	s10 =	sld [smem:$0x3FB5]  }
0x39: {  	_ = 	snop;
	(pc) =	sbr.ind lr, $3  }
0x3a: {  	_ = 	snop  }
0x3b: {  	_ = 	snop  }
0x3c: {  	p2 =	seq.s32 s10, $0x1;
	s10 =	sld [smem:$0x3FB4]  }
0x3d: {  	_ =	shalt  }
0x3e: {  	_ =	shalt  }
0x3f: {  	_ =	shalt  }
0x40: {  	_ =	shalt  }
0x41: {  	_ =	shalt  }
0x42: {  	_ =	shalt  }
0x43: {  	_ =	shalt  }
0x44: {  	_ =	shalt  }
0x45: {  	_ =	shalt  }
0x46: {  	_ =	shalt  }
0x47: {  	_ =	shalt  }
0x48: {  	_ =	shalt  }
0x49: {  	_ =	shalt  }
0x4a: {  	_ =	shalt  }
0x4b: {  	_ =	shalt  }
0x4c: {  	_ =	shalt  }
0x4d: {  	_ =	shalt  }
0x4e: {  	_ =	shalt  }
0x4f: {  	_ =	shalt  }
0x50: {  	_ =	shalt  }
0x51: {  	_ =	shalt  }
0x52: {  	_ =	shalt  }
0x53: {  	_ =	shalt  }
0x54: {  	_ =	shalt  }
0x55: {  	_ =	shalt  }
0x56: {  	_ =	shalt  }
0x57: {  	_ =	shalt  }
0x58: {  	_ =	shalt  }
0x59: {  	_ =	shalt  }
0x5a: {  	_ =	shalt  }
0x5b: {  	_ =	shalt  }
0x5c: {  	_ =	shalt  }
0x5d: {  	_ =	shalt  }
0x5e: {  	_ =	shalt  }
0x5f: {  	_ =	shalt  }
0x60: {  	_ =	shalt  }
0x61: {  	_ =	shalt  }
0x62: {  	_ =	shalt  }
0x63: {  	_ =	shalt  }
0x64: {  	_ =	shalt  }
0x65: {  	_ =	shalt  }
0x66: {  	_ =	shalt  }
0x67: {  	_ =	shalt  }
0x68: {  	_ =	shalt  }
0x69: {  	_ =	shalt  }
0x6a: {  	_ =	shalt  }
0x6b: {  	_ =	shalt  }
0x6c: {  	_ =	shalt  }
0x6d: {  	_ =	shalt  }
0x6e: {  	_ =	shalt  }
0x6f: {  	_ =	shalt  }
0x70: {  	_ =	shalt  }
0x71: {  	_ =	shalt  }
0x72: {  	_ =	shalt  }
0x73: {  	_ =	shalt  }
0x74: {  	_ =	shalt  }
0x75: {  	_ =	shalt  }
0x76: {  	_ =	shalt  }
0x77: {  	_ =	shalt  }
0x78: {  	_ =	shalt  }
0x79: {  	_ =	shalt  }
0x7a: {  	_ =	shalt  }
0x7b: {  	_ =	shalt  }
0x7c: {  	_ =	shalt  }
0x7d: {  	_ =	shalt  }
0x7e: {  	_ =	shalt  }
0x7f: {  	_ =	shalt  }
0x80: {  	_ =	shalt  }
0x81: {  	_ =	shalt  }
0x82: {  	_ =	shalt  }
0x83: {  	_ =	shalt  }
0x84: {  	_ =	shalt  }
0x85: {  	_ =	shalt  }
0x86: {  	_ =	shalt  }
0x87: {  	_ =	shalt  }
.Lfunc_end0:
.L_simem_size_0:
called_computation.2_lowered:
.L_overlay_start_0:
0x88: {  	s2 =	sld [smem:$0x3FD9]  }
0x89: {  	s3 =	sld [smem:$0x3FFE];
	_ =	sdelay $0x1  }
0x8a: {  	s1 =	srdreg.scid  }
0x8b: {  	s0 =	sand.u32 $0x1, s1  }
0x8c: {  	s16 =	sshll.u32 s0, $0xA;
	s2 =	sadd.s32 s3, s2  }
0x8d: {  	s2 =	sadd.s32 s2, s16  }
0x8e: {  	[smem:$0x3FC0] =	sst s2  }
0x8f: {  	_ = 	snop  }
0x90: {  	(tm) =	ssettm $0x1  }
0x91: {  	s17 =	sld [smem:$0x3FFB];
	_ =	sdelay $0x3  }
0x92: {  	_ =	strace s17  }
0x93: {  	s2 =	sld [smem:$0x3FFC];
	_ =	sdelay $0x3  }
0x94: {  	_ =	strace s2  }
0x95: {  	s2 =	sld [smem:$0x3FFD];
	_ =	sdelay $0x3  }
0x96: {  	_ =	strace s2  }
0x97: {  	_ =	strace $0x8FFFFFFF  }
0x98: {  	s18 =	sld [smem:$0x3FDB];
	_ =	sdelay $0x1  }
0x99: {  	s19 =	simm.s32 $_scs_section_size  }
0x9a: {  	s4 =	simm.s32 $_size__tile_overlayer_lowered;
	s5 =	simm.s32 $_tile_overlayer_lowered  }
0x9b: {  	s22 =	simm.s32 $0x1BFF;
	s21 =	sshll.u32 s5, $0x1;
	s2 =	sadd.s32 s19, s18  }
0x9c: {  	s6 =	simm.s32 $0x0;
	s20 =	sshll.u32 s4, $0x1;
	s4 =	sadd.s32 s21, s2  }
0x9d: {  	[timem:s6], [sflag:s22] =	dma.local [hbm:s4], s20  }
0x9e: {  	_ =	swait.ge [sflag:s22], s20  }
0x9f: {  	s3 =	ssub.s32 $0x0, s20;
	[sflag:s22] =	ssyncset.done $0x0  }
0xa0: {  	[sflag:s22] =	ssyncadd.s32 s3;
	_ =	sdelay $0x1  }
0xa1: {  	s23 =	simm.s32 $0x1B8B  }
0xa2: {  	_ =	swait.ge [sflag:s23], $0x1  }
0xa3: {  	[sflag:s23] =	ssyncset.done $0x0  }
0xa4: {  	s25 =	simm.s32 $0x1B8E;
	s24 =	sld [smem:$0x3FFE];
	[sflag:s23] =	ssyncadd.s32 $0xFFFFFFFF  }
0xa5: {  	s26 =	simm.s32 $execute0_lowered;
	[smem:$0x3FD2] =	sst s25  }
0xa6: {  	s4 =	sshll.u32 s26, $0x1;
	_ =	strace $0x8000004C;
	[dreg:$0x1] =	wrdreg $0xFFFFFFFF  }
0xa7: {  	s28 =	simm.s32 $_size_execute0_lowered;
	s2 =	sadd.s32 s2, s4;
	[dreg:$0x0] =	wrdreg $0x0  }
0xa8: {  	s4 =	sshll.u32 s28, $0x1;
	[dreg:$0x2] =	wrdreg s2  }
0xa9: {  	[dreg:$0x3] =	wrdreg s4  }
0xaa: {  	[dreg:$0x4] =	wrdreg $0xC0  }
0xab: {  	_ =	task [dreg:s6], $0x5FFFF  }
0xac: {  	[dreg:$0x1] =	wrdreg $0xFFFFFFFF  }
0xad: {  	[dreg:$0x0] =	wrdreg $0x60  }
0xae: {  	[dreg:$0x2] =	wrdreg s24  }
0xaf: {  	[dreg:$0x3] =	wrdreg $0x154000  }
0xb0: {  	[dreg:$0x4] =	wrdreg $0x9  }
0xb1: {  	_ =	task.clear_ibuf [dreg:s6], $0x5FFFF;
	_ =	strace $0x9000004C  }
0xb2: {  	s29 =	simm.s32 $0x9;
	_ =	strace $0x8000004E  }
0xb3: {  	_ =	swait.ge [sflag:s29], $0x1  }
0xb4: {  	[sflag:s29] =	ssyncadd.s32 $0xFFFFFFFF  }
0xb5: {  	_ =	strace $0x9000004E  }
0xb6: {  	_ =	sfence  }
0xb7: {  	s30 =	sld [smem:$0x0];
	_ =	sdelay $0x2  }
0xb8: {  	s31 =	sshll.u32 s1, $0xD;
	s1 =	sshrl.u32 s1, $0x2  }
0xb9: {  	s3 =	sand.u32 $0x4000, s31;
	s1 =	sadd.s32 s1, s30  }
0xba: {  	s0 =	sor.u32 s3, s0;
	s1 =	sshll.u32 s1, $0x11  }
0xbb: {  	s0 =	sor.u32 s1, s0  }
0xbc: {  	s0 =	sadd.s32 $0x8F2B, s0  }
0xbd: {  	[sflag:s0] =	ssyncadd.remote.s32 $0x1  }
0xbe: {  	_ =	sfence.sel $0xFFFF  }
0xbf: {  	[dreg:$0x0] =	wrdreg $0xFFFFFFFF;
	(pc) =	sbr.abs _section_cstart, $3  }
0xc0: {  	[dreg:$0x1] =	wrdreg $0xFFFFFFFF  }
0xc1: {  	_ =	task.clear_ibuf [dreg:s6], $0x2FFFF;
	_ =	strace $0x9FFFFFFF  }
0xc2: {  	(tm) =	ssettm $0x7FFFFFFF  }
0xc3: {  	_ =	shalt  }
tec
execute0_lowered:
.L_overlay_start_1:
0x0: {  	(tag) =	ssettag $0x1  }
0x1: {  	s0 =	rddreg [dreg:$0x0]  }
0x2: {  	s2 =	rddreg [dreg:$0x1]  }
0x3: {  	s1 =	srdreg.scid;
	s12 =	stileid.u32  }
0x4: {  	s4 =	simm.s32 $0x0;
	s18 =	simm.s32 $0x80;
	s17 =	simm.s32 $0x1400  }
0x5: {  	s28 =	simm.s32 $0x3400;
	s30 =	simm.s32 $0x5400;
	s15 =	simm.s32 $0x9400  }
0x6: {  	s13 =	simm.s32 $0xF;
	s14 =	simm.s32 $0x10;
	s19 =	simm.s32 $0x11  }
0x7: {  	s20 =	simm.s32 $0x12;
	s1 =	sand.u32 $0x1, s1;
	s3 =	smul.u32 $0x9E00, s12  }
0x8: {  	[smem:$0x7FF] =	sst s4;
	s4 =	sadd.s32 $0x17A00, s0;
	s6 =	sadd.s32 $0xC600, s0  }
0x9: {  	s7 =	sadd.s32 $0x2600, s0;
	s8 =	sadd.s32 $0x16600, s0;
	s11 =	smul.u32 $0x50, s12  }
0xa: {  	s24 =	sshll.u32 s12, $0x6;
	s5 =	smul.u32 $0x9E000, s1;
	_ =	strace $0x8000004D  }
0xb: {  	[dreg:$0x3] =	wrdreg s8;
	s21 =	ssub.s32 $0x2, s1;
	s9 =	sshll.u32 s1, $0x4  }
0xc: {  	s1 =	smul.u32 $0x500, s1;
	s16 =	sor.u32 $0x1C17, s24;
	s24 =	simm.s32 $0x14  }
0xd: {  	s10 =	sshrl.u32 s21, $0x1;
	s9 =	sor.u32 s12, s9;
	s12 =	simm.s32 $0xC  }
0xe: {  	[dreg:$0x4] =	wrdreg s16;
	s5 =	sadd.s32 s3, s5;
	s22 =	ssub.s32 s21, s10  }
0xf: {  	s23 =	smul.u32 $0x500, s9;
	s3 =	sadd.s32 s3, s2;
	s1 =	sadd.s32 s11, s1  }
0x10: {  	s10 =	simm.s32 $0xA;
	s11 =	simm.s32 $0xB;
	s5 =	sshrl.u32 s5, $0x3  }
0x11: {  	s1 =	sshll.u32 s1, $0x4;
	s29 =	smax.u32 s22, $0x1;
	s21 =	sshrl.u32 s3, $0x3  }
0x12: {  	s3 =	simm.s32 $0xD;
	s22 =	simm.s32 $0x13;
	s0 =	sadd.s32 s5, s0  }
0x13: {  	s25 =	sadd.s32 s6, s23;
	s8 =	sadd.s32 s7, s23;
	[dreg:$0x8] =	wrdreg s29  }
0x14: {  	s26 =	sor.u32 $0xA0, s1;
	s23 =	simm.s32 $0xB400;
	[dreg:$0xb] =	wrdreg s21  }
.Ltmp0:
0x15: {  	s5 =	simm.s32 $0xD400;
	[dreg:$0x5] =	wrdreg s25;
	(pc) =	sbr.rel .LBB2_1-.Ltmp0, $4  }
0x16: {  	[dreg:$0x6] =	wrdreg s8;
	s0 =	sadd.s32 $0x91A00, s0;
	s31 =	sadd.s32 s26, s6  }
0x17: {  	s25 =	simm.s32 $0x17;
	s6 =	simm.s32 $0xE;
	[dreg:$0x7] =	wrdreg s0  }
0x18: {  	s8 =	simm.s32 $0x0;
	[dreg:$0x9] =	wrdreg s31;
	s0 =	sadd.s32 s26, s7  }
0x19: {  	s7 =	simm.s32 $0xF400;
	[dreg:$0xa] =	wrdreg s0;
	s0 =	simm.s32 $0x7400  }
.LBB2_3:
0x1a: {  	_ =	swait.ge [sflag:s11], $0x2000  }
0x1b: {  	[sflag:s11] =	ssyncset.done $0x0  }
0x1c: {  	[sflag:s11] =	ssyncadd.s32 $0xFFFFE000  }
0x1d: {  	_ =	swait.ge [sflag:s12], $0x2000  }
0x1e: {  	[sflag:s12] =	ssyncset.done $0x0  }
0x1f: {  	[sflag:s12] =	ssyncadd.s32 $0xFFFFE000  }
0x20: {  	_ =	swait.ge [sflag:s3], $0x2000  }
0x21: {  	[sflag:s3] =	ssyncset.done $0x0  }
0x22: {  	[sflag:s3] =	ssyncadd.s32 $0xFFFFE000  }
0x23: {  	_ =	swait.ge [sflag:s6], $0x2000  }
0x24: {  	[sflag:s6] =	ssyncset.done $0x0  }
0x25: {  	[sflag:s6] =	ssyncadd.s32 $0xFFFFE000  }
0x26: {  	_ =	swait.ge [sflag:s13], $0x2000  }
0x27: {  	[sflag:s13] =	ssyncset.done $0x0  }
0x28: {  	[sflag:s13] =	ssyncadd.s32 $0xFFFFE000  }
0x29: {  	_ =	swait.ge [sflag:s14], $0x2000  }
0x2a: {  	[sflag:s14] =	ssyncset.done $0x0  }
0x2b: {  	[sflag:s14] =	ssyncadd.s32 $0xFFFFE000  }
0x2c: {  	_ =	swait.ge [sflag:s19], $0x2000  }
0x2d: {  	[sflag:s19] =	ssyncset.done $0x0  }
0x2e: {  	[sflag:s19] =	ssyncadd.s32 $0xFFFFE000  }
0x2f: {  	_ =	swait.ge [sflag:s20], $0x2000  }
0x30: {  	[sflag:s20] =	ssyncset.done $0x0  }
0x31: {  	[sflag:s20] =	ssyncadd.s32 $0xFFFFE000  }
0x32: {  	_ =	swait.ge [sflag:s22], $0x2000  }
0x33: {  	[sflag:s22] =	ssyncset.done $0x0  }
0x34: {  	s17 =	simm.s32 $0x1400;
	s28 =	simm.s32 $0x3400;
	[sflag:s22] =	ssyncadd.s32 $0xFFFFE000  }
0x35: {  	s30 =	simm.s32 $0x5400;
	s0 =	simm.s32 $0x7400;
	_ =	swait.ge [sflag:s24], $0x2000  }
0x36: {  	s15 =	simm.s32 $0x9400;
	s23 =	simm.s32 $0xB400;
	[sflag:s24] =	ssyncset.done $0x0  }
0x37: {  	s5 =	simm.s32 $0xD400;
	s7 =	simm.s32 $0xF400;
	[sflag:s24] =	ssyncadd.s32 $0xFFFFE000  }
.LBB2_5:
0x38: {  	[bflag:$0x0] =	sbarrier.arrive $0xFFFF  }
0x39: {  	s16 =	rddreg [dreg:$0x4]  }
0x3a: {  	s1 =	rddreg [dreg:$0x7]  }
0x3b: {  	s25 =	simm.s32 $0x17;
	s21 =	rddreg [dreg:$0xb]  }
0x3c: {  	[hbm:s1], [sflag:s16] =	dma.local [spmem:s21], $0x13C0  }
0x3d: {  	_ =	swait.ge [sflag:s25], $0x13C0  }
0x3e: {  	s8 =	rddreg [dreg:$0xc]  }
0x3f: {  	s31 =	rddreg [dreg:$0x8];
	s8 =	sadd.s32 $0x1, s8  }
0x40: {  	p0 =	sne.s32 s8, s31  }
.Ltmp1:
0x41: {  	_ = 	snop;
	(pc) =	sbr.rel @!p0 .LBB2_6-.Ltmp1, $3  }
0x42: {  	_ =	sdelay $0x1  }
0x43: {  	[sflag:s25] =	ssyncset.done $0x0  }
0x44: {  	[sflag:s25] =	ssyncadd.s32 $0xFFFFEC40  }
.LBB2_1:
0x45: {  	[dreg:$0xc] =	wrdreg s8  }
0x46: {  	s1 =	rddreg [dreg:$0x3]  }
0x47: {  	[spmem:s21], [sflag:s16] =	dma.local [hbm:s1], $0x13C0  }
0x48: {  	_ =	swait.ge [sflag:s25], $0x13C0  }
0x49: {  	[sflag:s25] =	ssyncset.done $0x0  }
0x4a: {  	[sflag:s25] =	ssyncadd.s32 $0xFFFFEC40  }
0x4b: {  	[bflag:$0x0] =	sbarrier.arrive $0xFFFF  }
0x4c: {  	s1 =	simm.s32 $0x0;
	s25 =	rddreg [dreg:$0x5]  }
0x4d: {  	[tilespmem:s1], [sflag:$0x15] =	stream.linear.gather [hbm4b:s25+s1], $0x500, $0x38;
	[tilespmem:$0x1F200] =	vst v63  }
0x4e: {  	s31 =	simm.s32 $0xA00;
	s8 =	simm.s32 $0x15;
	s26 =	rddreg [dreg:$0x6]  }
0x4f: {  	[tilespmem:s31], [sflag:$0x16] =	stream.linear.gather [hbm4b:s26+s1], $0x500, $0x38;
	[tilespmem:$0x1F200] =	vst v63  }
0x50: {  	_ =	swait.ge [sflag:s8], $0x500  }
0x51: {  	[sflag:s8] =	ssyncset.done $0x0  }
0x52: {  	s9 =	simm.s32 $0x16;
	[sflag:s8] =	ssyncadd.s32 $0xFFFFFB00  }
0x53: {  	_ =	swait.ge [sflag:s9], $0x500  }
0x54: {  	[sflag:s9] =	ssyncset.done $0x0  }
0x55: {  	[sflag:s9] =	ssyncadd.s32 $0xFFFFFB00  }
0x56: {  	[tilespmem:s17], [sflag:$0x1] =	stream.indirect.gather [hbm4b:s4+s18], $0x40, s1, s18, $0xb8;
	[tilespmem:$0x1F200] =	vst v63  }
0x57: {  	_ = 	snop  }
0x58: {  	[tilespmem:s28], [sflag:$0x2] =	stream.indirect.gather [hbm4b:s4+s18], $0x40, s18, s18, $0xb8;
	[tilespmem:$0x1F200] =	vst v63  }
0x59: {  	s16 =	simm.s32 $0x100  }
0x5a: {  	[tilespmem:s30], [sflag:$0x3] =	stream.indirect.gather [hbm4b:s4+s18], $0x40, s16, s18, $0xb8;
	[tilespmem:$0x1F200] =	vst v63  }
0x5b: {  	s17 =	simm.s32 $0x180  }
0x5c: {  	[tilespmem:s0], [sflag:$0x4] =	stream.indirect.gather [hbm4b:s4+s18], $0x40, s17, s18, $0xb8;
	[tilespmem:$0x1F200] =	vst v63  }
0x5d: {  	s21 =	simm.s32 $0x200  }
0x5e: {  	[tilespmem:s15], [sflag:$0x5] =	stream.indirect.gather [hbm4b:s4+s18], $0x40, s21, s18, $0xb8;
	[tilespmem:$0x1F200] =	vst v63  }
0x5f: {  	s25 =	simm.s32 $0x280  }
0x60: {  	[tilespmem:s23], [sflag:$0x6] =	stream.indirect.gather [hbm4b:s4+s18], $0x40, s25, s18, $0xb8;
	[tilespmem:$0x1F200] =	vst v63  }
0x61: {  	s26 =	simm.s32 $0x300  }
0x62: {  	[tilespmem:s5], [sflag:$0x7] =	stream.indirect.gather [hbm4b:s4+s18], $0x40, s26, s18, $0xb8;
	[tilespmem:$0x1F200] =	vst v63  }
0x63: {  	s31 =	simm.s32 $0x480;
	s28 =	simm.s32 $0x380  }
0x64: {  	[tilespmem:s7], [sflag:$0x8] =	stream.indirect.gather [hbm4b:s4+s18], $0x40, s28, s18, $0xb8;
	[tilespmem:$0x1F200] =	vst v63  }
0x65: {  	s8 =	simm.s32 $0x11400;
	s29 =	rddreg [dreg:$0x9];
	s30 =	simm.s32 $0x400  }
0x66: {  	[tilespmem:s8], [sflag:$0x9] =	stream.indirect.gather [hbm4b:s4+s18], $0x40, s30, s18, $0xb8;
	[tilespmem:$0x1F200] =	vst v63  }
0x67: {  	s9 =	simm.s32 $0x13400;
	s21 =	simm.s32 $0x0;
	s26 =	rddreg [dreg:$0xa]  }
0x68: {  	[tilespmem:s9], [sflag:$0xA] =	stream.indirect.gather [hbm4b:s4+s18], $0x40, s31, s18, $0xb8;
	[tilespmem:$0x1F200] =	vst v63  }
.LBB2_2:
0x69: {  	s31 =	smov.u32 s21;
	s21 =	sadd.s32 $0x1, s21  }
0x6a: {  	s1 =	sand.u32 $0x1, s21;
	p0 =	seq.s32 s31, $0x7  }
0x6b: {  	s25 =	smul.u32 @!p0 $0x500, s1  }
0x6c: {  	s16 =	simm.s32 @!p0 $0x0  }
0x6d: {  	[tilespmem:s25], [sflag:$0x15] =	stream.linear.gather @!p0 [hbm4b:s29+s16], $0x500, $0x38;
	[tilespmem:$0x1F200] =	vst v63  }
0x6e: {  	s25 =	sadd.s32 @!p0 $0xA00, s25  }
0x6f: {  	[tilespmem:s25], [sflag:$0x16] =	stream.linear.gather @!p0 [hbm4b:s26+s16], $0x500, $0x38;
	[tilespmem:$0x1F200] =	vst v63  }
0x70: {  	s16 =	sand.u32 $0x1, s31;
	s25 =	simm.s32 $0x1  }
0x71: {  	_ =	swait.ge [sflag:s25], $0x2000;
	p0 =	seq.s32 s16, $0x1;
	s16 =	simm.s32 $0x500  }
0x72: {  	[sflag:s25] =	ssyncset.done $0x0;
	s16 =	simm.s32 @!p0 $0x0  }
0x73: {  	s17 =	simm.s32 $0x1400;
	[sflag:s25] =	ssyncadd.s32 $0xFFFFE000;
	s25 =	sor.u32 $0xA00, s16  }
0x74: {  	[spmem:s2] =	stream.indirect.scatter.add.f32 [tilespmem:s17], [sflag:$0xB], $0x40, s25, s18, $0xb8;
	[tilespmem:$0x1F200] =	vst v63  }
0x75: {  	s25 =	simm.s32 $0x2  }
0x76: {  	_ =	swait.ge [sflag:s25], $0x2000  }
0x77: {  	[sflag:s25] =	ssyncset.done $0x0  }
0x78: {  	s28 =	simm.s32 $0x3400;
	[sflag:s25] =	ssyncadd.s32 $0xFFFFE000;
	s25 =	sor.u32 $0xA80, s16  }
0x79: {  	[spmem:s2] =	stream.indirect.scatter.add.f32 [tilespmem:s28], [sflag:$0xC], $0x40, s25, s18, $0xb8;
	[tilespmem:$0x1F200] =	vst v63  }
0x7a: {  	s25 =	simm.s32 $0x3  }
0x7b: {  	_ =	swait.ge [sflag:s25], $0x2000  }
0x7c: {  	[sflag:s25] =	ssyncset.done $0x0  }
0x7d: {  	s30 =	simm.s32 $0x5400;
	[sflag:s25] =	ssyncadd.s32 $0xFFFFE000;
	s25 =	sadd.s32 $0xB00, s16  }
0x7e: {  	[spmem:s2] =	stream.indirect.scatter.add.f32 [tilespmem:s30], [sflag:$0xD], $0x40, s25, s18, $0xb8;
	[tilespmem:$0x1F200] =	vst v63  }
0x7f: {  	s25 =	simm.s32 $0x4  }
0x80: {  	_ =	swait.ge [sflag:s25], $0x2000  }
0x81: {  	[sflag:s25] =	ssyncset.done $0x0  }
0x82: {  	s0 =	simm.s32 $0x7400;
	[sflag:s25] =	ssyncadd.s32 $0xFFFFE000;
	s25 =	sadd.s32 $0xB80, s16  }
0x83: {  	[spmem:s2] =	stream.indirect.scatter.add.f32 [tilespmem:s0], [sflag:$0xE], $0x40, s25, s18, $0xb8;
	[tilespmem:$0x1F200] =	vst v63  }
0x84: {  	s25 =	simm.s32 $0x5  }
0x85: {  	_ =	swait.ge [sflag:s25], $0x2000  }
0x86: {  	[sflag:s25] =	ssyncset.done $0x0  }
0x87: {  	s15 =	simm.s32 $0x9400;
	[sflag:s25] =	ssyncadd.s32 $0xFFFFE000;
	s25 =	sadd.s32 $0xC00, s16  }
0x88: {  	[spmem:s2] =	stream.indirect.scatter.add.f32 [tilespmem:s15], [sflag:$0xF], $0x40, s25, s18, $0xb8;
	[tilespmem:$0x1F200] =	vst v63  }
0x89: {  	s25 =	simm.s32 $0x6  }
0x8a: {  	_ =	swait.ge [sflag:s25], $0x2000  }
0x8b: {  	[sflag:s25] =	ssyncset.done $0x0  }
0x8c: {  	s23 =	simm.s32 $0xB400;
	[sflag:s25] =	ssyncadd.s32 $0xFFFFE000;
	s25 =	sadd.s32 $0xC80, s16  }
0x8d: {  	[spmem:s2] =	stream.indirect.scatter.add.f32 [tilespmem:s23], [sflag:$0x10], $0x40, s25, s18, $0xb8;
	[tilespmem:$0x1F200] =	vst v63  }
0x8e: {  	s25 =	simm.s32 $0x7  }
0x8f: {  	_ =	swait.ge [sflag:s25], $0x2000  }
0x90: {  	[sflag:s25] =	ssyncset.done $0x0  }
0x91: {  	s5 =	simm.s32 $0xD400;
	[sflag:s25] =	ssyncadd.s32 $0xFFFFE000;
	s25 =	sadd.s32 $0xD00, s16  }
0x92: {  	[spmem:s2] =	stream.indirect.scatter.add.f32 [tilespmem:s5], [sflag:$0x11], $0x40, s25, s18, $0xb8;
	[tilespmem:$0x1F200] =	vst v63  }
0x93: {  	s25 =	simm.s32 $0x8  }
0x94: {  	_ =	swait.ge [sflag:s25], $0x2000  }
0x95: {  	[sflag:s25] =	ssyncset.done $0x0  }
0x96: {  	s7 =	simm.s32 $0xF400;
	[sflag:s25] =	ssyncadd.s32 $0xFFFFE000;
	s25 =	sadd.s32 $0xD80, s16  }
0x97: {  	[spmem:s2] =	stream.indirect.scatter.add.f32 [tilespmem:s7], [sflag:$0x12], $0x40, s25, s18, $0xb8;
	[tilespmem:$0x1F200] =	vst v63  }
0x98: {  	s25 =	simm.s32 $0x9  }
0x99: {  	_ =	swait.ge [sflag:s25], $0x2000  }
0x9a: {  	[sflag:s25] =	ssyncset.done $0x0  }
0x9b: {  	p0 =	sne.s32 s31, $0x7;
	[sflag:s25] =	ssyncadd.s32 $0xFFFFE000;
	s25 =	sadd.s32 $0xE00, s16  }
0x9c: {  	[spmem:s2] =	stream.indirect.scatter.add.f32 [tilespmem:s8], [sflag:$0x13], $0x40, s25, s18, $0xb8;
	[tilespmem:$0x1F200] =	vst v63  }
.Ltmp2:
0x9d: {  	_ =	swait.ge [sflag:s10], $0x2000;
	(pc) =	sbr.rel @!p0 .LBB2_3-.Ltmp2, $4  }
0x9e: {  	[sflag:s10] =	ssyncset.done $0x0  }
0x9f: {  	s16 =	sadd.s32 $0xE80, s16;
	[sflag:s10] =	ssyncadd.s32 $0xFFFFE000  }
0xa0: {  	[spmem:s2] =	stream.indirect.scatter.add.f32 [tilespmem:s9], [sflag:$0x14], $0x40, s16, s18, $0xb8;
	[tilespmem:$0x1F200] =	vst v63  }
0xa1: {  	s8 =	simm.s32 $0x11400;
	s9 =	simm.s32 $0x13400  }
0xa2: {  	s16 =	simm.s32 $0x15  }
0xa3: {  	_ =	swait.ge [sflag:s16], $0x500  }
0xa4: {  	[sflag:s16] =	ssyncset.done $0x0  }
0xa5: {  	s31 =	simm.s32 $0x16;
	[sflag:s16] =	ssyncadd.s32 $0xFFFFFB00  }
0xa6: {  	_ =	swait.ge [sflag:s31], $0x500  }
0xa7: {  	[sflag:s31] =	ssyncset.done $0x0  }
0xa8: {  	[sflag:s31] =	ssyncadd.s32 $0xFFFFFB00  }
0xa9: {  	s1 =	smul.u32 $0x1400, s1;
	_ =	swait.ge [sflag:s11], $0x2000  }
0xaa: {  	[sflag:s11] =	ssyncset.done $0x0  }
0xab: {  	s1 =	sshrl.u32 s1, $0x2;
	[sflag:s11] =	ssyncadd.s32 $0xFFFFE000  }
0xac: {  	[tilespmem:s17], [sflag:$0x1] =	stream.indirect.gather [hbm4b:s4+s18], $0x40, s1, s18, $0xb8;
	[tilespmem:$0x1F200] =	vst v63  }
0xad: {  	_ =	swait.ge [sflag:s12], $0x2000  }
0xae: {  	[sflag:s12] =	ssyncset.done $0x0  }
0xaf: {  	s17 =	sor.u32 $0x80, s1;
	[sflag:s12] =	ssyncadd.s32 $0xFFFFE000  }
0xb0: {  	[tilespmem:s28], [sflag:$0x2] =	stream.indirect.gather [hbm4b:s4+s18], $0x40, s17, s18, $0xb8;
	[tilespmem:$0x1F200] =	vst v63  }
0xb1: {  	_ =	swait.ge [sflag:s3], $0x2000  }
0xb2: {  	[sflag:s3] =	ssyncset.done $0x0  }
0xb3: {  	s25 =	sadd.s32 $0x100, s1;
	[sflag:s3] =	ssyncadd.s32 $0xFFFFE000  }
0xb4: {  	[tilespmem:s30], [sflag:$0x3] =	stream.indirect.gather [hbm4b:s4+s18], $0x40, s25, s18, $0xb8;
	[tilespmem:$0x1F200] =	vst v63  }
0xb5: {  	_ =	swait.ge [sflag:s6], $0x2000  }
0xb6: {  	[sflag:s6] =	ssyncset.done $0x0  }
0xb7: {  	s31 =	sadd.s32 $0x180, s1;
	[sflag:s6] =	ssyncadd.s32 $0xFFFFE000  }
0xb8: {  	[tilespmem:s0], [sflag:$0x4] =	stream.indirect.gather [hbm4b:s4+s18], $0x40, s31, s18, $0xb8;
	[tilespmem:$0x1F200] =	vst v63  }
0xb9: {  	_ =	swait.ge [sflag:s13], $0x2000  }
0xba: {  	[sflag:s13] =	ssyncset.done $0x0  }
0xbb: {  	s0 =	sadd.s32 $0x200, s1;
	[sflag:s13] =	ssyncadd.s32 $0xFFFFE000  }
0xbc: {  	[tilespmem:s15], [sflag:$0x5] =	stream.indirect.gather [hbm4b:s4+s18], $0x40, s0, s18, $0xb8;
	[tilespmem:$0x1F200] =	vst v63  }
0xbd: {  	_ =	swait.ge [sflag:s14], $0x2000  }
0xbe: {  	[sflag:s14] =	ssyncset.done $0x0  }
0xbf: {  	s17 =	sadd.s32 $0x280, s1;
	[sflag:s14] =	ssyncadd.s32 $0xFFFFE000  }
0xc0: {  	[tilespmem:s23], [sflag:$0x6] =	stream.indirect.gather [hbm4b:s4+s18], $0x40, s17, s18, $0xb8;
	[tilespmem:$0x1F200] =	vst v63  }
0xc1: {  	_ =	swait.ge [sflag:s19], $0x2000  }
0xc2: {  	[sflag:s19] =	ssyncset.done $0x0  }
0xc3: {  	s23 =	sadd.s32 $0x300, s1;
	[sflag:s19] =	ssyncadd.s32 $0xFFFFE000  }
0xc4: {  	[tilespmem:s5], [sflag:$0x7] =	stream.indirect.gather [hbm4b:s4+s18], $0x40, s23, s18, $0xb8;
	[tilespmem:$0x1F200] =	vst v63  }
0xc5: {  	_ =	swait.ge [sflag:s20], $0x2000  }
0xc6: {  	p0 =	sne.s32 s21, $0x8;
	[sflag:s20] =	ssyncset.done $0x0  }
0xc7: {  	s29 =	sadd.s32 $0xA0, s29;
	s25 =	sadd.s32 $0x380, s1;
	[sflag:s20] =	ssyncadd.s32 $0xFFFFE000  }
0xc8: {  	[tilespmem:s7], [sflag:$0x8] =	stream.indirect.gather [hbm4b:s4+s18], $0x40, s25, s18, $0xb8;
	[tilespmem:$0x1F200] =	vst v63  }
0xc9: {  	s26 =	sadd.s32 $0xA0, s26;
	s28 =	simm.s32 $0x3400;
	_ =	swait.ge [sflag:s22], $0x2000  }
0xca: {  	s30 =	simm.s32 $0x5400;
	s31 =	sadd.s32 $0x400, s1;
	[sflag:s22] =	ssyncset.done $0x0  }
0xcb: {  	s0 =	simm.s32 $0x7400;
	s15 =	simm.s32 $0x9400;
	[sflag:s22] =	ssyncadd.s32 $0xFFFFE000  }
0xcc: {  	[tilespmem:s8], [sflag:$0x9] =	stream.indirect.gather [hbm4b:s4+s18], $0x40, s31, s18, $0xb8;
	[tilespmem:$0x1F200] =	vst v63  }
.Ltmp3:
0xcd: {  	s1 =	sadd.s32 $0x480, s1;
	_ =	swait.ge [sflag:s24], $0x2000;
	(pc) =	sbr.rel @p0 .LBB2_2-.Ltmp3, $4  }
.Ltmp4:
0xce: {  	s17 =	simm.s32 $0x1400;
	[sflag:s24] =	ssyncset.done $0x0;
	(pc) =	sbr.rel @!p0 .LBB2_5-.Ltmp4, $4  }
0xcf: {  	s23 =	simm.s32 $0xB400;
	s5 =	simm.s32 $0xD400;
	[sflag:s24] =	ssyncadd.s32 $0xFFFFE000  }
0xd0: {  	[tilespmem:s9], [sflag:$0xA] =	stream.indirect.gather [hbm4b:s4+s18], $0x40, s1, s18, $0xb8;
	[tilespmem:$0x1F200] =	vst v63  }
0xd1: {  	s7 =	simm.s32 $0xF400;
	s8 =	simm.s32 $0x11400;
	s9 =	simm.s32 $0x13400  }
0xd2: {  	_ = 	snop  }
.LBB2_6:
0xd3: {  	_ =	sfence.sel $0x180000  }
0xd4: {  	[bflag:$0x0] =	sbarrier.arrive $0xFFFF  }
0xd5: {  	_ =	strace $0x9000004D  }
0xd6: {  	s0 =	stileid.u32;
	[bflag:$0x2] =	sbarrier.arrive $0xFFFF  }
0xd7: {  	p0 =	sne.s32 s0, $0x0;
	s0 =	rddreg [dreg:$0x2]  }
0xd8: {  	s0 =	sadd.s32 @!p0 $0x100000, s0  }
0xd9: {  	[sflag:s0] =	ssyncadd.tile.s32 @!p0 $0x1;
	_ =	shalt  }
.Lfunc_end2:
_tile_overlayer_lowered:
.L_overlay_start_2:
0xda: {  	(tag) =	ssettag $0x2  }
0xdb: {  	s0 =	rddreg [dreg:$0x0];
	s2 =	stileid.u32  }
0xdc: {  	s1 =	rddreg [dreg:$0x1];
	p0 =	sne.s32 s2, $0x0  }
0xdd: {  	s3 =	rddreg [dreg:$0x2];
	[bflag:$0x3] =	sbarrier.arrive $0xFFFF;
	s2 =	simm.s32 @!p0 $0x1C17  }
0xde: {  	[timem:s3], [sflag:s2] =	dma.local @!p0 [hbm:s0], s1  }
0xdf: {  	s0 =	simm.s32 @!p0 $0x17  }
0xe0: {  	_ =	swait.ge @!p0 [sflag:s0], s1  }
0xe1: {  	s1 =	ssub.s32 @!p0 $0x0, s1;
	[sflag:s0] =	ssyncset.done @!p0 $0x0  }
0xe2: {  	[sflag:s0] =	ssyncadd.s32 @!p0 s1  }
0xe3: {  	[bflag:$0x3] =	sbarrier.arrive $0xFFFF  }
0xe4: {  	_ =	shalt  }

// kernel: kernel.9.cloned.1.call-start
scs
__scs_entry_jumppad:
0x0: {  	(pc) =	sbr.rel $0x88, $3  }
0x1: {  	(tag) =	ssettag $0x0;
	lr =	simm.s32 $0x1  }
0x2: {  	[smem:$0x3F99] =	sst lr;
	_ =	strace $0xD0000000  }
0x3: {  	_ = 	snop  }
0x4: {  	_ = 	snop  }
0x5: {  	_ = 	snop  }
0x6: {  	_ = 	snop  }
0x7: {  	_ = 	snop  }
__scs_overlays_trampoline_lowered:
0x8: {  	[smem:$0x3FA8] =	sst s0  }
0x9: {  	[smem:$0x3FA9] =	sst s1  }
0xa: {  	[smem:$0x3FAA] =	sst s2  }
0xb: {  	[smem:$0x3FAB] =	sst s3  }
0xc: {  	[smem:$0x3FAC] =	sst s4  }
0xd: {  	[smem:$0x3FAD] =	sst s5  }
0xe: {  	[smem:$0x3FAE] =	sst s6  }
0xf: {  	[smem:$0x3FAF] =	sst s7  }
0x10: {  	[smem:$0x3FB0] =	sst s8  }
0x11: {  	[smem:$0x3FB1] =	sst s9;
	s0 =	simm.s32 @!p0 $0x0  }
0x12: {  	s1 =	sld [smem:$0x3F97];
	s0 =	simm.s32 @p0 $0x1  }
0x13: {  	[smem:$0x3FB2] =	sst s0;
	s0 =	simm.s32 @!p1 $0x0  }
0x14: {  	s2 =	sld [smem:$0x3F96];
	s0 =	simm.s32 @p1 $0x1  }
0x15: {  	[smem:$0x3FB3] =	sst s0;
	s0 =	simm.s32 @!p2 $0x0  }
0x16: {  	s3 =	sld [smem:$0x3FDB];
	s0 =	simm.s32 @p2 $0x1  }
0x17: {  	s4 =	simm.s32 $0x1BF5;
	[smem:$0x3FB5] =	sst s0  }
0x18: {  	s0 =	sld [smem:$0x3F98];
	_ =	swait.ge [sflag:s4], $0x0  }
0x19: {  	s7 =	sld [smem:$0x3F99]  }
0x1a: {  	s8 =	sadd.s32 $0xFFFFE003, lr  }
0x1b: {  	s9 =	sadd.s32 $0xFFFFFEF7, lr;
	s5 =	simm.s32 $0xFFFFFFFF;
	p2 =	slt.u32 s8, $0xFFFFF086  }
0x1c: {  	p1 =	slt.u32 s9, $0xF7A;
	s5 =	simm.s32 @!p2 $0x0  }
0x1d: {  	s5 =	simm.s32 @p1 $0x1;
	p0 =	seq.s32 s7, s2  }
0x1e: {  	s7 =	smul.u32 @!p0 $0xF7A, s2;
	p2 =	seq.s32 @!p0 s5, $0x0  }
0x1f: {  	s9 =	smul.u32 $0xF7A, s1;
	s8 =	simm.s32 @!p0 $0x1BF5;
	p2 =	por !p2, p0  }
0x20: {  	[sflag:s8] =	ssyncset.s32 @!p0 $0xFFFFF086;
	s6 =	sadd.s32 @!p0 s3, s7;
	s7 =	simm.s32 @!p0 $0x108  }
0x21: {  	s3 =	sadd.s32 s3, s9;
	s6 =	sadd.s32 @!p0 $0x88, s6;
	s7 =	simm.s32 @p2 $0x1082  }
0x22: {  	[simem:s7], [sflag:s8] =	dma.local @!p0 [hbm:s6], $0xF7A  }
0x23: {  	s9 =	sor.u32 $0xD0000000, s2;
	s6 =	simm.s32 $0x108;
	_ =	swait.ge @!p0 [sflag:s8], $0x0  }
0x24: {  	s3 =	sadd.s32 $0x88, s3;
	s6 =	simm.s32 @!p1 $0x1082;
	[sflag:s4] =	ssyncset.s32 $0xFFFFF086  }
0x25: {  	[simem:s6], [sflag:s4] =	dma.local [hbm:s3], $0xF7A  }
0x26: {  	[smem:$0x3F99] =	sst s1;
	(tag) =	ssettag s2;
	_ =	strace s9  }
0x27: {  	s1 =	sld [smem:$0x3FA9]  }
0x28: {  	s2 =	sld [smem:$0x3FAA]  }
0x29: {  	s4 =	sld [smem:$0x3FAC]  }
0x2a: {  	p0 =	seq.s32 s5, $0x0;
	s5 =	sld [smem:$0x3FAD]  }
0x2b: {  	s6 =	sld [smem:$0x3FAE]  }
0x2c: {  	s7 =	sld [smem:$0x3FAF]  }
0x2d: {  	s3 =	simm.s32 $0x108;
	s8 =	sld [smem:$0x3FB0]  }
0x2e: {  	s3 =	simm.s32 @!p0 $0x1082;
	s9 =	sld [smem:$0x3FB1]  }
0x2f: {  	lr =	sadd.s32 s0, s3;
	s0 =	sld [smem:$0x3FA8]  }
0x30: {  	s3 =	sld [smem:$0x3FAB]  }
0x31: {  	[smem:$0x3FB4] =	sst s10  }
0x32: {  	s10 =	sld [smem:$0x3FB2];
	_ =	sdelay $0x3  }
0x33: {  	p0 =	seq.s32 s10, $0x1;
	s10 =	sld [smem:$0x3FB4];
	_ =	sdelay $0x3  }
0x34: {  	[smem:$0x3FB4] =	sst s10  }
0x35: {  	s10 =	sld [smem:$0x3FB3];
	_ =	sdelay $0x3  }
0x36: {  	p1 =	seq.s32 s10, $0x1;
	s10 =	sld [smem:$0x3FB4];
	_ =	sdelay $0x3  }
0x37: {  	[smem:$0x3FB4] =	sst s10  }
0x38: {  	s10 =	sld [smem:$0x3FB5]  }
0x39: {  	_ = 	snop;
	(pc) =	sbr.ind lr, $3  }
0x3a: {  	_ = 	snop  }
0x3b: {  	_ = 	snop  }
0x3c: {  	p2 =	seq.s32 s10, $0x1;
	s10 =	sld [smem:$0x3FB4]  }
0x3d: {  	_ =	shalt  }
0x3e: {  	_ =	shalt  }
0x3f: {  	_ =	shalt  }
0x40: {  	_ =	shalt  }
0x41: {  	_ =	shalt  }
0x42: {  	_ =	shalt  }
0x43: {  	_ =	shalt  }
0x44: {  	_ =	shalt  }
0x45: {  	_ =	shalt  }
0x46: {  	_ =	shalt  }
0x47: {  	_ =	shalt  }
0x48: {  	_ =	shalt  }
0x49: {  	_ =	shalt  }
0x4a: {  	_ =	shalt  }
0x4b: {  	_ =	shalt  }
0x4c: {  	_ =	shalt  }
0x4d: {  	_ =	shalt  }
0x4e: {  	_ =	shalt  }
0x4f: {  	_ =	shalt  }
0x50: {  	_ =	shalt  }
0x51: {  	_ =	shalt  }
0x52: {  	_ =	shalt  }
0x53: {  	_ =	shalt  }
0x54: {  	_ =	shalt  }
0x55: {  	_ =	shalt  }
0x56: {  	_ =	shalt  }
0x57: {  	_ =	shalt  }
0x58: {  	_ =	shalt  }
0x59: {  	_ =	shalt  }
0x5a: {  	_ =	shalt  }
0x5b: {  	_ =	shalt  }
0x5c: {  	_ =	shalt  }
0x5d: {  	_ =	shalt  }
0x5e: {  	_ =	shalt  }
0x5f: {  	_ =	shalt  }
0x60: {  	_ =	shalt  }
0x61: {  	_ =	shalt  }
0x62: {  	_ =	shalt  }
0x63: {  	_ =	shalt  }
0x64: {  	_ =	shalt  }
0x65: {  	_ =	shalt  }
0x66: {  	_ =	shalt  }
0x67: {  	_ =	shalt  }
0x68: {  	_ =	shalt  }
0x69: {  	_ =	shalt  }
0x6a: {  	_ =	shalt  }
0x6b: {  	_ =	shalt  }
0x6c: {  	_ =	shalt  }
0x6d: {  	_ =	shalt  }
0x6e: {  	_ =	shalt  }
0x6f: {  	_ =	shalt  }
0x70: {  	_ =	shalt  }
0x71: {  	_ =	shalt  }
0x72: {  	_ =	shalt  }
0x73: {  	_ =	shalt  }
0x74: {  	_ =	shalt  }
0x75: {  	_ =	shalt  }
0x76: {  	_ =	shalt  }
0x77: {  	_ =	shalt  }
0x78: {  	_ =	shalt  }
0x79: {  	_ =	shalt  }
0x7a: {  	_ =	shalt  }
0x7b: {  	_ =	shalt  }
0x7c: {  	_ =	shalt  }
0x7d: {  	_ =	shalt  }
0x7e: {  	_ =	shalt  }
0x7f: {  	_ =	shalt  }
0x80: {  	_ =	shalt  }
0x81: {  	_ =	shalt  }
0x82: {  	_ =	shalt  }
0x83: {  	_ =	shalt  }
0x84: {  	_ =	shalt  }
0x85: {  	_ =	shalt  }
0x86: {  	_ =	shalt  }
0x87: {  	_ =	shalt  }
.Lfunc_end0:
.L_simem_size_0:
called_computation_lowered:
.L_overlay_start_0:
0x88: {  	s2 =	sld [smem:$0x3FD9]  }
0x89: {  	s3 =	sld [smem:$0x3FFE];
	_ =	sdelay $0x1  }
0x8a: {  	s1 =	srdreg.scid  }
0x8b: {  	s0 =	sand.u32 $0x1, s1  }
0x8c: {  	s17 =	sshll.u32 s0, $0xA;
	s2 =	sadd.s32 s3, s2  }
0x8d: {  	s2 =	sadd.s32 s2, s17  }
0x8e: {  	[smem:$0x3FC0] =	sst s2  }
0x8f: {  	_ = 	snop  }
0x90: {  	s2 =	sld [smem:$0x3FD0];
	(tm) =	ssettm $0x1  }
0x91: {  	s18 =	sld [smem:$0x3FFB];
	_ =	sdelay $0x3  }
0x92: {  	_ =	strace s18  }
0x93: {  	s3 =	sld [smem:$0x3FFC];
	_ =	sdelay $0x3  }
0x94: {  	_ =	strace s3  }
0x95: {  	s3 =	sld [smem:$0x3FFD];
	_ =	sdelay $0x3  }
0x96: {  	_ =	strace s3  }
0x97: {  	_ =	strace $0x8FFFFFFF  }
0x98: {  	s19 =	sld [smem:$0x3FDB];
	_ =	sdelay $0x1  }
0x99: {  	s4 =	simm.s32 $_scs_section_size  }
0x9a: {  	s5 =	simm.s32 $_size__tile_overlayer_lowered;
	s6 =	simm.s32 $_tile_overlayer_lowered  }
0x9b: {  	s22 =	simm.s32 $0x1BFF;
	s21 =	sshll.u32 s6, $0x1;
	s3 =	sadd.s32 s4, s19  }
0x9c: {  	s7 =	simm.s32 $0x0;
	s20 =	sshll.u32 s5, $0x1;
	s5 =	sadd.s32 s21, s3  }
0x9d: {  	[timem:s7], [sflag:s22] =	dma.local [hbm:s5], s20  }
0x9e: {  	_ =	swait.ge [sflag:s22], s20  }
0x9f: {  	s4 =	ssub.s32 $0x0, s20;
	[sflag:s22] =	ssyncset.done $0x0  }
0xa0: {  	[sflag:s22] =	ssyncadd.s32 s4;
	_ =	sdelay $0x1  }
0xa1: {  	s23 =	simm.s32 $0x1B8B  }
0xa2: {  	_ =	swait.ge [sflag:s23], $0x1  }
0xa3: {  	[sflag:s23] =	ssyncset.done $0x0  }
0xa4: {  	s25 =	simm.s32 $0x1B8E;
	s24 =	sld [smem:$0x3FFE];
	[sflag:s23] =	ssyncadd.s32 $0xFFFFFFFF  }
0xa5: {  	s26 =	simm.s32 $execute0_lowered;
	[smem:$0x3FD2] =	sst s25  }
0xa6: {  	s5 =	sshll.u32 s26, $0x1;
	_ =	strace $0x80000046;
	[dreg:$0x1] =	wrdreg $0xFFFFFFFF  }
0xa7: {  	s28 =	simm.s32 $_size_execute0_lowered;
	s3 =	sadd.s32 s3, s5;
	[dreg:$0x0] =	wrdreg $0x0  }
0xa8: {  	s5 =	sshll.u32 s28, $0x1;
	[dreg:$0x2] =	wrdreg s3  }
0xa9: {  	[dreg:$0x3] =	wrdreg s5  }
0xaa: {  	[dreg:$0x4] =	wrdreg $0xC0  }
0xab: {  	_ =	task [dreg:s7], $0x5FFFF  }
0xac: {  	[dreg:$0x1] =	wrdreg $0xFFFFFFFF  }
0xad: {  	[dreg:$0x0] =	wrdreg $0x60  }
0xae: {  	[dreg:$0x2] =	wrdreg s24  }
0xaf: {  	[dreg:$0x3] =	wrdreg s2  }
0xb0: {  	[dreg:$0x4] =	wrdreg $0x2C000  }
0xb1: {  	[dreg:$0x5] =	wrdreg $0x9  }
0xb2: {  	_ =	task.clear_ibuf [dreg:s7], $0x6FFFF;
	_ =	strace $0x90000046  }
0xb3: {  	s29 =	simm.s32 $0x9;
	_ =	strace $0x80000048  }
0xb4: {  	_ =	swait.ge [sflag:s29], $0x1  }
0xb5: {  	[sflag:s29] =	ssyncadd.s32 $0xFFFFFFFF  }
0xb6: {  	_ =	strace $0x90000048  }
0xb7: {  	_ =	sfence  }
0xb8: {  	s30 =	sld [smem:$0x0];
	_ =	sdelay $0x2  }
0xb9: {  	s31 =	sshll.u32 s1, $0xD;
	s1 =	sshrl.u32 s1, $0x2  }
0xba: {  	s3 =	sand.u32 $0x4000, s31;
	s1 =	sadd.s32 s1, s30  }
0xbb: {  	s0 =	sor.u32 s3, s0;
	s1 =	sshll.u32 s1, $0x11  }
0xbc: {  	s0 =	sor.u32 s1, s0  }
0xbd: {  	s0 =	sadd.s32 $0x8F2B, s0  }
0xbe: {  	[sflag:s0] =	ssyncadd.remote.s32 $0x1  }
0xbf: {  	_ =	sfence.sel $0xFFFF  }
0xc0: {  	[dreg:$0x0] =	wrdreg $0xFFFFFFFF;
	(pc) =	sbr.abs _section_cstart, $3  }
0xc1: {  	[dreg:$0x1] =	wrdreg $0xFFFFFFFF  }
0xc2: {  	_ =	task.clear_ibuf [dreg:s7], $0x2FFFF;
	_ =	strace $0x9FFFFFFF  }
0xc3: {  	(tm) =	ssettm $0x7FFFFFFF  }
tec
execute0_lowered:
.L_overlay_start_1:
0x0: {  	(tag) =	ssettag $0x1  }
0x1: {  	s6 =	rddreg [dreg:$0x0]  }
0x2: {  	s2 =	rddreg [dreg:$0x1]  }
0x3: {  	s0 =	srdreg.scid;
	s3 =	rddreg [dreg:$0x2]  }
0x4: {  	s1 =	stileid.u32;
	s4 =	simm.s32 $0x0;
	s12 =	simm.s32 $0x2800  }
0x5: {  	s13 =	simm.s32 $0x80;
	s5 =	sand.u32 $0x1, s0;
	s0 =	rddreg [dreg:$0x3]  }
0x6: {  	s14 =	simm.s32 $0x0;
	s8 =	smul.u32 $0x13C0, s1;
	[smem:$0x7FF] =	sst s4  }
0x7: {  	s31 =	sshll.u32 s1, $0x6;
	s7 =	sshll.u32 s5, $0x4;
	s9 =	smul.u32 $0x13C00, s5  }
0x8: {  	_ =	strace $0x80000047;
	s10 =	ssub.s32 $0x2, s5;
	s7 =	sor.u32 s1, s7  }
0x9: {  	s5 =	sadd.s32 $0x16600, s6;
	s7 =	smul.u32 $0x500, s7;
	s9 =	sadd.s32 s8, s9  }
0xa: {  	s30 =	sshrl.u32 s10, $0x1;
	s11 =	sadd.s32 s8, s3;
	s9 =	sshrl.u32 s9, $0x3  }
0xb: {  	s10 =	ssub.s32 s10, s30;
	s7 =	sadd.s32 s7, s6;
	s9 =	sadd.s32 s9, s6  }
0xc: {  	s6 =	sor.u32 $0x1C01, s31;
	s7 =	sadd.s32 $0x2600, s7;
	s8 =	sadd.s32 $0x16800, s9  }
0xd: {  	s9 =	smax.u32 s10, $0x1;
	s10 =	sshrl.u32 s11, $0x3;
	s11 =	simm.s32 $0x1  }
.LBB2_1:
0xe: {  	[spmem:s10], [sflag:s6] =	dma.local [hbm:s2], $0x278  }
0xf: {  	_ =	swait.ge [sflag:s11], $0x278  }
0x10: {  	[sflag:s11] =	ssyncset.done $0x0  }
0x11: {  	[sflag:s11] =	ssyncadd.s32 $0xFFFFFD88  }
0x12: {  	[tilespmem:s4], [sflag:$0x1] =	stream.linear.gather [hbm4b:s7+s4], $0x2800, $0x38;
	[tilespmem:$0x3FC0] =	vst v63  }
0x13: {  	_ =	swait.ge [sflag:s11], $0x2800  }
0x14: {  	[sflag:s11] =	ssyncset.done $0x0  }
0x15: {  	[sflag:s11] =	ssyncadd.s32 $0xFFFFD800  }
0x16: {  	[tilespmem:s12], [sflag:$0x1] =	stream.linear.gather [hbm4b:s5+s4], $0x400, $0x38;
	[tilespmem:$0x3FC0] =	vst v63  }
0x17: {  	_ =	swait.ge [sflag:s11], $0x400  }
0x18: {  	[sflag:s11] =	ssyncset.done $0x0  }
0x19: {  	[sflag:s11] =	ssyncadd.s32 $0xFFFFFC00  }
0x1a: {  	s15 =	simm.s32 $0x0;
	[bflag:$0x0] =	sbarrier.arrive $0xFFFF  }
0x1b: {  	[spmem:s3] =	stream.indirect.scatter.add.f32 [tilespmem:s12], [sflag:$0x1], $0x8, s15, s13, $0xb8;
	[tilespmem:$0x3FC0] =	vst v63  }
0x1c: {  	_ =	swait.ge [sflag:s11], $0x400  }
0x1d: {  	s15 =	simm.s32 $0x200;
	[sflag:s11] =	ssyncset.done $0x0  }
.LBB2_2:
0x1e: {  	s16 =	sshra.s32 s15, $0x2;
	[sflag:s11] =	ssyncadd.s32 $0xFFFFFC00;
	p0 =	sne.s32 s15, $0x9E00  }
0x1f: {  	[spmem:s3] =	stream.indirect.scatter.add.f32 [tilespmem:s12], [sflag:$0x1], $0x8, s16, s13, $0xb8;
	[tilespmem:$0x3FC0] =	vst v63  }
.Ltmp0:
0x20: {  	_ = 	snop;
	(pc) =	sbr.rel @p0 .LBB2_2-.Ltmp0, $4  }
0x21: {  	_ = 	snop  }
0x22: {  	s15 =	sadd.s32 $0x200, s15  }
0x23: {  	_ =	swait.ge [sflag:s11], $0x400  }
0x24: {  	[sflag:s11] =	ssyncset.done $0x0  }
0x25: {  	s14 =	sadd.s32 $0x1, s14  }
0x26: {  	[sflag:s11] =	ssyncadd.s32 $0xFFFFFC00;
	p0 =	sne.s32 s14, s9  }
.Ltmp1:
0x27: {  	[bflag:$0x0] =	sbarrier.arrive $0xFFFF;
	(pc) =	sbr.rel @p0 .LBB2_1-.Ltmp1, $4  }
0x28: {  	[hbm:s8], [sflag:s6] =	dma.local [spmem:s10], $0x278  }
0x29: {  	_ =	swait.ge [sflag:s11], $0x278  }
0x2a: {  	[sflag:s11] =	ssyncset.done $0x0  }
0x2b: {  	[sflag:s11] =	ssyncadd.s32 $0xFFFFFD88  }
0x2c: {  	_ =	sfence.sel $0x180000  }
0x2d: {  	[bflag:$0x0] =	sbarrier.arrive $0xFFFF  }
0x2e: {  	p0 =	sne.s32 s1, $0x0;
	_ =	strace $0x90000047  }
0x2f: {  	s0 =	sadd.s32 @!p0 $0x100000, s0;
	[bflag:$0x2] =	sbarrier.arrive $0xFFFF  }
0x30: {  	[sflag:s0] =	ssyncadd.tile.s32 @!p0 $0x1;
	_ =	shalt  }
.Lfunc_end2:
_tile_overlayer_lowered:
.L_overlay_start_2:
0x31: {  	(tag) =	ssettag $0x2  }
0x32: {  	s0 =	rddreg [dreg:$0x0];
	s2 =	stileid.u32  }
0x33: {  	s1 =	rddreg [dreg:$0x1];
	p0 =	sne.s32 s2, $0x0  }
0x34: {  	s3 =	rddreg [dreg:$0x2];
	[bflag:$0x3] =	sbarrier.arrive $0xFFFF;
	s2 =	simm.s32 @!p0 $0x1C01  }
0x35: {  	[timem:s3], [sflag:s2] =	dma.local @!p0 [hbm:s0], s1  }
0x36: {  	s0 =	simm.s32 @!p0 $0x1  }
0x37: {  	_ =	swait.ge @!p0 [sflag:s0], s1  }
0x38: {  	s1 =	ssub.s32 @!p0 $0x0, s1;
	[sflag:s0] =	ssyncset.done @!p0 $0x0  }
0x39: {  	[sflag:s0] =	ssyncadd.s32 @!p0 s1  }
0x3a: {  	[bflag:$0x3] =	sbarrier.arrive $0xFFFF  }
0x3b: {  	_ =	shalt  }

</sc_bundles>
